<compile_context>
chip_gen: v7x
topology: tpu7x:2x2x1
jax: 0.10.2.dev20260603
libtpu: 0.0.44.dev20260713+nightly
codegen_flags: <defaults>
</compile_context>

<pallas_src>
import functools

import jax
import jax.numpy as jnp
from jax import lax
from jax.experimental import pallas as pl
from jax.experimental.pallas import tpu as pltpu
from jax.experimental.pallas import tpu_sc as plsc

N_SNPS = 100000
N_GENES = 9000
N_NODES = 90000
N_FILTERS = 8
BATCH = 16

NC = 2
NS = 16
NW = NC * NS

CW = 128
NODES_PAD = 90112
CHUNKS = NODES_PAD // (NW * CW)
NODES_PER_W = CHUNKS * CW

SNP_PAD = 100352
COLS_PER_TILE = SNP_PAD // NW
COL_CHUNK = 784
COL_CHUNKS = COLS_PER_TILE // COL_CHUNK
CGRPS = COL_CHUNK // 16
CFLAT = COL_CHUNK * BATCH

G_PAD = 9088
ROWS_PER_TILE = G_PAD // NS

_sc_mesh = plsc.VectorSubcoreMesh(core_axis_name="c", subcore_axis_name="s")
_sc_params = pltpu.CompilerParams(
    use_tc_tiling_on_sc=False, needs_layout_passes=False)

def _fbar_body(filt_ref, out_ref):
    out_ref[...] = jnp.zeros((1, SNP_PAD), jnp.float32)
    out_ref[:, pl.ds(0, N_SNPS)] = jnp.sum(
        filt_ref[...], axis=0, keepdims=True) * (1.0 / N_FILTERS)


def _fbar(filters):
    return pl.pallas_call(
        _fbar_body,
        out_shape=jax.ShapeDtypeStruct((1, SNP_PAD), jnp.float32),
    )(filters)


@functools.partial(
    pl.kernel,
    mesh=_sc_mesh,
    compiler_params=_sc_params,
    out_type=jax.ShapeDtypeStruct((SNP_PAD * BATCH,), jnp.float32),
    scratch_types=[
        pltpu.VMEM((2, BATCH, COL_CHUNK), jnp.float32),
        pltpu.VMEM((2, COL_CHUNK), jnp.float32),
        pltpu.VMEM((2, CFLAT), jnp.float32),
        pltpu.SemaphoreType.DMA,
        pltpu.SemaphoreType.DMA,
    ],
)
def _build_table(snp_hbm, fbar_hbm, a_hbm, snp_v, fb_v, trans_v,
                 sem_in, sem_out):
    c = lax.axis_index("c")
    s = lax.axis_index("s")
    wid = c * NS + s
    base = wid * COLS_PER_TILE
    lanes = lax.iota(jnp.int32, 16)

    def _load(k, buf):
        return (
            pltpu.async_copy(
                snp_hbm.at[:, pl.ds(base + k * COL_CHUNK, COL_CHUNK)],
                snp_v.at[buf], sem_in),
            pltpu.async_copy(
                fbar_hbm.at[0, pl.ds(base + k * COL_CHUNK, COL_CHUNK)],
                fb_v.at[buf], sem_in),
        )

    loads = {0: _load(0, 0)}
    writes = {}
    for k in range(COL_CHUNKS):
        buf = k % 2
        for cp in loads.pop(k):
            cp.wait()
        if k + 1 < COL_CHUNKS:
            loads[k + 1] = _load(k + 1, 1 - buf)
        if k >= 2:
            writes.pop(k - 2).wait()

        def _grp(gi, carry):
            n = gi * 16
            fb = fb_v[buf, pl.ds(n, 16)]
            flat = (lanes + n) * BATCH
            for b in range(BATCH):
                v = snp_v[buf, b, pl.ds(n, 16)] * fb
                plsc.store_scatter(trans_v.at[buf], [flat + b], v)
            return carry
        lax.fori_loop(0, CGRPS, _grp, 0)
        writes[k] = pltpu.async_copy(
            trans_v.at[buf],
            a_hbm.at[pl.ds((base + k * COL_CHUNK) * BATCH, CFLAT)], sem_out)
    for cp in writes.values():
        cp.wait()


@functools.partial(
    pl.kernel,
    mesh=_sc_mesh,
    compiler_params=_sc_params,
    out_type=jax.ShapeDtypeStruct((NC, G_PAD, BATCH), jnp.float32),
    scratch_types=[
        pltpu.VMEM((CHUNKS, CW), jnp.int32),
        pltpu.VMEM((CHUNKS, CW), jnp.int32),
        pltpu.VMEM((NODES_PER_W, BATCH), jnp.float32),
        pltpu.VMEM((ROWS_PER_TILE, BATCH), jnp.float32),
        pltpu.VMEM_SHARED((G_PAD, BATCH), jnp.float32),
        pltpu.SemaphoreType.DMA,
        pltpu.SemaphoreType.DMA,
    ],
)
def _gather_segsum(a_hbm, idx_hbm, g_hbm, out_hbm,
                   idx_v, g_v, rows_v, zero_v, acc, sem, sem2):
    c = lax.axis_index("c")
    s = lax.axis_index("s")
    wid = c * NS + s

    pltpu.sync_copy(idx_hbm.at[wid], idx_v)
    gathers = []
    for j in range(CHUNKS):
        gathers.append(
            pltpu.async_copy(
                a_hbm.at[idx_v.at[j]], rows_v.at[pl.ds(j * CW, CW)], sem))
    pltpu.sync_copy(g_hbm.at[wid], g_v)

    def _z(i, carry):
        zero_v[i, :] = jnp.zeros((BATCH,), jnp.float32)
        return carry
    lax.fori_loop(0, ROWS_PER_TILE, _z, 0)
    pltpu.sync_copy(zero_v, acc.at[pl.ds(s * ROWS_PER_TILE, ROWS_PER_TILE)])
    plsc.subcore_barrier()

    scatters = []
    for j in range(CHUNKS):
        gathers[j].wait()
        scatters.append(
            pltpu.async_copy(
                rows_v.at[pl.ds(j * CW, CW)], acc.at[g_v.at[j]], sem2,
                add=True))
    for cp in scatters:
        cp.wait()
    plsc.subcore_barrier()

    pltpu.sync_copy(
        acc.at[pl.ds(s * ROWS_PER_TILE, ROWS_PER_TILE)],
        out_hbm.at[c, pl.ds(s * ROWS_PER_TILE, ROWS_PER_TILE)])


def _mlp_body(p_ref, w1_ref, pk_ref, out_ref):
    inv = float(1.0 / (1.0 + 1e-5) ** 0.5)
    pk = pk_ref[...]
    p2 = p_ref[0] + p_ref[1]
    h = None
    for j in range(8):
        hj = jnp.dot(w1_ref[:, j, :], p2, preferred_element_type=jnp.float32)
        part = hj[:, 16 * j:16 * (j + 1)]
        h = part if h is None else h + part
    h = h + pk[:, 0:1]
    h = jnp.maximum(h * (pk[:, 1:2] * inv) + pk[:, 2:3], 0.0)
    h = (jnp.dot(pk[0:16, 3:67], h, preferred_element_type=jnp.float32)
         + pk[0:16, 67:68])
    h = jnp.maximum(h * (pk[0:16, 68:69] * inv) + pk[0:16, 69:70], 0.0)
    h = (jnp.dot(pk[0:8, 70:86], h, preferred_element_type=jnp.float32)
         + pk[0:8, 86:87])
    h = jnp.maximum(h * (pk[0:8, 87:88] * inv) + pk[0:8, 88:89], 0.0)
    out_ref[...] = (
        jnp.dot(pk[0:8, 89:93], h[0:4, :], preferred_element_type=jnp.float32)
        + pk[0:8, 93:94])


def _pack_params(params):
    def col(v):
        return jnp.pad(v[:, None], ((0, 64 - v.shape[0]), (0, 0)))

    def blk(m):
        return jnp.pad(m, ((0, 64 - m.shape[0]), (0, 0)))

    return jnp.concatenate([
        col(params['b1']), col(params['g1']), col(params['be1']),
        blk(params['W2']),
        col(params['b2']), col(params['g2']), col(params['be2']),
        blk(params['W3']),
        col(params['b3']), col(params['g3']), col(params['be3']),
        blk(params['W4']),
        col(params['b4']),
    ], axis=1)


def _mlp(p, params):
    p2 = p.reshape(NC, G_PAD // 8, 128)
    w1r = jnp.pad(params['W1'], ((0, 0), (0, G_PAD - N_GENES)))
    w1r = w1r.reshape(64, G_PAD // 8, 8).transpose(0, 2, 1)
    out = pl.pallas_call(
        _mlp_body,
        out_shape=jax.ShapeDtypeStruct((8, BATCH), jnp.float32),
    )(p2, w1r, _pack_params(params))
    return out[0:1, :].T


def kernel(snp, snp_ids, g, filters, params):
    snp_p = jnp.pad(snp, ((0, 0), (0, SNP_PAD - N_SNPS)))
    a = _build_table(snp_p, _fbar(filters)).reshape(SNP_PAD, BATCH)
    pad = NODES_PAD - N_NODES
    idx3 = jnp.pad(snp_ids.astype(jnp.int32), (0, pad)).reshape(NW, CHUNKS, CW)
    g3 = jnp.pad(g.astype(jnp.int32), (0, pad),
                 constant_values=G_PAD - 1).reshape(NW, CHUNKS, CW)
    partials = _gather_segsum(a, idx3, g3)
    return _mlp(partials, params)

# --- scband reference (transcript-rebuilt; emitter-appended) ---
"""Pipeline reference for scband-age-ugp-v1-30030411334317 (READ-ONLY COPY).

The authoritative reference and input builder live on the scoring server;
editing this copy changes nothing except your own understanding.
"""

import jax, jax.numpy as jnp
import numpy as np

N_SNPS = 100000
N_GENES = 9000
N_NODES = 90000
N_FILTERS = 8
BATCH = 16

def _bn_eval(x, gamma, beta):
    # eval-mode BatchNorm1d with freshly-initialized running stats (mean=0, var=1)
    return (x - 0.0) / jnp.sqrt(1.0 + 1e-5) * gamma + beta

def setup_inputs(seed: int = 0) -> dict:
    key = jax.random.key(seed)
    ks = jax.random.split(key, 16)
    snp = jax.random.uniform(ks[0], (BATCH, N_SNPS), dtype=jnp.float32)
    snp_ids = jax.random.randint(ks[1], (N_NODES,), 0, N_SNPS, dtype=jnp.int64 if jax.config.jax_enable_x64 else jnp.int32)
    g = jnp.sort(jax.random.randint(ks[2], (N_NODES,), 0, N_GENES, dtype=jnp.int64 if jax.config.jax_enable_x64 else jnp.int32))
    # learned params
    filters = jax.random.normal(ks[3], (N_FILTERS, N_SNPS), dtype=jnp.float32) * 0.001
    params = {
        'W1': jax.random.normal(ks[4], (64, N_GENES), dtype=jnp.float32) * 0.02,
        'b1': jnp.zeros((64,), dtype=jnp.float32),
        'g1': 1.0 + 0.02 * jax.random.normal(ks[5], (64,), dtype=jnp.float32),
        'be1': jnp.zeros((64,), dtype=jnp.float32),
        'W2': jax.random.normal(ks[6], (16, 64), dtype=jnp.float32) * 0.02,
        'b2': jnp.zeros((16,), dtype=jnp.float32),
        'g2': 1.0 + 0.02 * jax.random.normal(ks[7], (16,), dtype=jnp.float32),
        'be2': jnp.zeros((16,), dtype=jnp.float32),
        'W3': jax.random.normal(ks[8], (4, 16), dtype=jnp.float32) * 0.02,
        'b3': jnp.zeros((4,), dtype=jnp.float32),
        'g3': 1.0 + 0.02 * jax.random.normal(ks[9], (4,), dtype=jnp.float32),
        'be3': jnp.zeros((4,), dtype=jnp.float32),
        'W4': jax.random.normal(ks[10], (1, 4), dtype=jnp.float32) * 0.02,
        'b4': jnp.zeros((1,), dtype=jnp.float32),
    }
    return {'snp': snp, 'snp_ids': snp_ids, 'g': g, 'filters': filters, 'params': params}

def reference(snp, snp_ids, g, filters, params):
    # snp_h[b, n, i] = snp[b, n] * filter_i[n]  (dropout is identity in eval)
    snp_h = snp[:, :, None] * filters.T[None, :, :]            # [B, n_snps, n_filters]
    # per-sample index_select of node features, vectorized over batch
    gathered = jnp.take(snp_h, snp_ids, axis=1)                # [B, n_nodes, n_filters]
    # dgl.readout_nodes(g, 'h', op='sum') == segment_sum over graph-membership ids
    data = jnp.transpose(gathered, (1, 0, 2))                  # [n_nodes, B, n_filters]
    summed = jax.ops.segment_sum(data, g, num_segments=N_GENES)  # [n_genes, B, n_filters]
    sample_h = jnp.mean(summed, axis=-1).T                     # [B, n_genes]
    # predictor[:-5]: Linear -> BN -> ReLU -> Linear -> BN -> ReLU (dropouts identity)
    h = sample_h @ params['W1'].T + params['b1']
    h = jax.nn.relu(_bn_eval(h, params['g1'], params['be1']))
    h = h @ params['W2'].T + params['b2']
    features = jax.nn.relu(_bn_eval(h, params['g2'], params['be2']))
    # predictor[-5:]: Linear -> BN -> ReLU -> Dropout -> Linear
    h = features @ params['W3'].T + params['b3']
    h = jax.nn.relu(_bn_eval(h, params['g3'], params['be3']))
    original_logits = h @ params['W4'].T + params['b4']        # [B, 1]
    return original_logits

if __name__ == "__main__":
    import jax
    _d = setup_inputs()
    print(jax.jit(kernel)(*tuple(_d.values())))

</pallas_src>

<mosaic_0001>
#map = affine_map<(d0, d1) -> (0, 0)>
#map1 = affine_map<(d0, d1) -> (0, 0, 0)>
module attributes {stable_mosaic.version = 14 : i64} {
  func.func @_gather_segsum(%arg0: i32, %arg1: i32, %arg2: memref<100352x16xf32, #tpu.memory_space<hbm>>, %arg3: memref<32x22x128xi32, #tpu.memory_space<hbm>>, %arg4: memref<32x22x128xi32, #tpu.memory_space<hbm>>, %arg5: memref<2x9088x16xf32, #tpu.memory_space<hbm>>, %arg6: memref<22x128xi32, #tpu.memory_space<vmem>>, %arg7: memref<22x128xi32, #tpu.memory_space<vmem>>, %arg8: memref<2816x16xf32, #tpu.memory_space<vmem>>, %arg9: memref<568x16xf32, #tpu.memory_space<vmem>>, %arg10: memref<9088x16xf32, #tpu.memory_space<vmem_shared>>, %arg11: memref<!tpu.dma_semaphore, #tpu.memory_space<semaphore_mem>>, %arg12: memref<!tpu.dma_semaphore, #tpu.memory_space<semaphore_mem>>) attributes {dimension_semantics = [#tpu.dimension_semantics<core_parallel>, #tpu.dimension_semantics<subcore_parallel>], iteration_bounds = array<i64: 2, 16>, scalar_prefetch = 0 : i64, scratch_operands = 7 : i64, tpu.core_type = #tpu.core_type<sc_vector_subcore>, window_params = [{transform_indices = #map}, {transform_indices = #map1}, {transform_indices = #map1}, {transform_indices = #map1}]} {
    %mul3A = arith.constant 16 : i32
    %mul3A_0 = arith.muli %arg0, %mul3A : i32
    %add3A = arith.addi %mul3A_0, %arg1 : i32
    "tpu.region"() ({
      %run_scoped3A = tpu.sem_alloc : memref<!tpu.dma_semaphore, #tpu.memory_space<semaphore_mem>>
      %dma_start3A_891 = arith.constant 0 : i32
      %dma_start3A_892 = arith.constant 0 : i32
      %dma_start3A_893 = tpu.memref_slice %arg3[%add3A, %dma_start3A_891, %dma_start3A_892] : memref<32x22x128xi32, #tpu.memory_space<hbm>> -> memref<1x22x128xi32, #tpu.memory_space<hbm>>
      %dma_start3A_894 = tpu.memref_squeeze %dma_start3A_893 : memref<1x22x128xi32, #tpu.memory_space<hbm>> -> memref<22x128xi32, #tpu.memory_space<hbm>>
      %dma_start3A_895 = arith.constant 0 : i32
      %dma_start3A_896 = arith.constant 0 : i32
      %dma_start3A_897 = tpu.memref_slice %arg3[%add3A, %dma_start3A_895, %dma_start3A_896] : memref<32x22x128xi32, #tpu.memory_space<hbm>> -> memref<1x22x128xi32, #tpu.memory_space<hbm>>
      %dma_start3A_898 = tpu.memref_squeeze %dma_start3A_897 : memref<1x22x128xi32, #tpu.memory_space<hbm>> -> memref<22x128xi32, #tpu.memory_space<hbm>>
      tpu.enqueue_dma source(%dma_start3A_898 : memref<22x128xi32, #tpu.memory_space<hbm>>) target(%arg6 : memref<22x128xi32, #tpu.memory_space<vmem>>) target_semaphore(%run_scoped3A : memref<!tpu.dma_semaphore, #tpu.memory_space<semaphore_mem>>)
      %dma_wait3A_899 = arith.constant 0 : i32
      %dma_wait3A_900 = arith.constant 0 : i32
      %dma_wait3A_901 = tpu.memref_slice %arg3[%add3A, %dma_wait3A_899, %dma_wait3A_900] : memref<32x22x128xi32, #tpu.memory_space<hbm>> -> memref<1x22x128xi32, #tpu.memory_space<hbm>>
      %dma_wait3A_902 = tpu.memref_squeeze %dma_wait3A_901 : memref<1x22x128xi32, #tpu.memory_space<hbm>> -> memref<22x128xi32, #tpu.memory_space<hbm>>
      %dma_wait3A_903 = arith.constant 0 : i32
      %dma_wait3A_904 = arith.constant 0 : i32
      %dma_wait3A_905 = tpu.memref_slice %arg3[%add3A, %dma_wait3A_903, %dma_wait3A_904] : memref<32x22x128xi32, #tpu.memory_space<hbm>> -> memref<1x22x128xi32, #tpu.memory_space<hbm>>
      %dma_wait3A_906 = tpu.memref_squeeze %dma_wait3A_905 : memref<1x22x128xi32, #tpu.memory_space<hbm>> -> memref<22x128xi32, #tpu.memory_space<hbm>>
      tpu.wait_dma2 semaphore(%run_scoped3A : memref<!tpu.dma_semaphore, #tpu.memory_space<semaphore_mem>>) src(%dma_wait3A_906 : memref<22x128xi32, #tpu.memory_space<hbm>>) dst(%arg6 : memref<22x128xi32, #tpu.memory_space<vmem>>)
      tpu.yield
    }) : () -> ()
    %dma_start3A = arith.constant 0 : i32
    %dma_start3A_1 = arith.constant 0 : i32
    %dma_start3A_2 = arith.constant 0 : i32
    %dma_start3A_3 = tpu.memref_slice %arg8[%dma_start3A_1, %dma_start3A_2] : memref<2816x16xf32, #tpu.memory_space<vmem>> -> memref<128x16xf32, #tpu.memory_space<vmem>>
    %dma_start3A_4 = arith.constant 0 : i32
    %dma_start3A_5 = tpu.memref_slice %arg6[%dma_start3A, %dma_start3A_4] : memref<22x128xi32, #tpu.memory_space<vmem>> -> memref<1x128xi32, #tpu.memory_space<vmem>>
    %dma_start3A_6 = tpu.memref_squeeze %dma_start3A_5 : memref<1x128xi32, #tpu.memory_space<vmem>> -> memref<128xi32, #tpu.memory_space<vmem>>
    %dma_start3A_7 = arith.constant 0 : i32
    %dma_start3A_8 = arith.constant 0 : i32
    %dma_start3A_9 = tpu.memref_slice %arg2[%dma_start3A_7, %dma_start3A_8] : memref<100352x16xf32, #tpu.memory_space<hbm>> -> memref<100352x16xf32, #tpu.memory_space<hbm>>
    tpu.enqueue_indirect_dma source(%dma_start3A_9 : memref<100352x16xf32, #tpu.memory_space<hbm>>) target(%dma_start3A_3 : memref<128x16xf32, #tpu.memory_space<vmem>>) offsets(%dma_start3A_6 : memref<128xi32, #tpu.memory_space<vmem>>) semaphore(%arg11 : memref<!tpu.dma_semaphore, #tpu.memory_space<semaphore_mem>>)
    %dma_start3A_10 = arith.constant 1 : i32
    %dma_start3A_11 = arith.constant 128 : i32
    %dma_start3A_12 = arith.constant 0 : i32
    %dma_start3A_13 = tpu.memref_slice %arg8[%dma_start3A_11, %dma_start3A_12] : memref<2816x16xf32, #tpu.memory_space<vmem>> -> memref<128x16xf32, #tpu.memory_space<vmem>>
    %dma_start3A_14 = arith.constant 0 : i32
    %dma_start3A_15 = tpu.memref_slice %arg6[%dma_start3A_10, %dma_start3A_14] : memref<22x128xi32, #tpu.memory_space<vmem>> -> memref<1x128xi32, #tpu.memory_space<vmem>>
    %dma_start3A_16 = tpu.memref_squeeze %dma_start3A_15 : memref<1x128xi32, #tpu.memory_space<vmem>> -> memref<128xi32, #tpu.memory_space<vmem>>
    %dma_start3A_17 = arith.constant 0 : i32
    %dma_start3A_18 = arith.constant 0 : i32
    %dma_start3A_19 = tpu.memref_slice %arg2[%dma_start3A_17, %dma_start3A_18] : memref<100352x16xf32, #tpu.memory_space<hbm>> -> memref<100352x16xf32, #tpu.memory_space<hbm>>
    tpu.enqueue_indirect_dma source(%dma_start3A_19 : memref<100352x16xf32, #tpu.memory_space<hbm>>) target(%dma_start3A_13 : memref<128x16xf32, #tpu.memory_space<vmem>>) offsets(%dma_start3A_16 : memref<128xi32, #tpu.memory_space<vmem>>) semaphore(%arg11 : memref<!tpu.dma_semaphore, #tpu.memory_space<semaphore_mem>>)
    %dma_start3A_20 = arith.constant 2 : i32
    %dma_start3A_21 = arith.constant 256 : i32
    %dma_start3A_22 = arith.constant 0 : i32
    %dma_start3A_23 = tpu.memref_slice %arg8[%dma_start3A_21, %dma_start3A_22] : memref<2816x16xf32, #tpu.memory_space<vmem>> -> memref<128x16xf32, #tpu.memory_space<vmem>>
    %dma_start3A_24 = arith.constant 0 : i32
    %dma_start3A_25 = tpu.memref_slice %arg6[%dma_start3A_20, %dma_start3A_24] : memref<22x128xi32, #tpu.memory_space<vmem>> -> memref<1x128xi32, #tpu.memory_space<vmem>>
    %dma_start3A_26 = tpu.memref_squeeze %dma_start3A_25 : memref<1x128xi32, #tpu.memory_space<vmem>> -> memref<128xi32, #tpu.memory_space<vmem>>
    %dma_start3A_27 = arith.constant 0 : i32
    %dma_start3A_28 = arith.constant 0 : i32
    %dma_start3A_29 = tpu.memref_slice %arg2[%dma_start3A_27, %dma_start3A_28] : memref<100352x16xf32, #tpu.memory_space<hbm>> -> memref<100352x16xf32, #tpu.memory_space<hbm>>
    tpu.enqueue_indirect_dma source(%dma_start3A_29 : memref<100352x16xf32, #tpu.memory_space<hbm>>) target(%dma_start3A_23 : memref<128x16xf32, #tpu.memory_space<vmem>>) offsets(%dma_start3A_26 : memref<128xi32, #tpu.memory_space<vmem>>) semaphore(%arg11 : memref<!tpu.dma_semaphore, #tpu.memory_space<semaphore_mem>>)
    %dma_start3A_30 = arith.constant 3 : i32
    %dma_start3A_31 = arith.constant 384 : i32
    %dma_start3A_32 = arith.constant 0 : i32
    %dma_start3A_33 = tpu.memref_slice %arg8[%dma_start3A_31, %dma_start3A_32] : memref<2816x16xf32, #tpu.memory_space<vmem>> -> memref<128x16xf32, #tpu.memory_space<vmem>>
    %dma_start3A_34 = arith.constant 0 : i32
    %dma_start3A_35 = tpu.memref_slice %arg6[%dma_start3A_30, %dma_start3A_34] : memref<22x128xi32, #tpu.memory_space<vmem>> -> memref<1x128xi32, #tpu.memory_space<vmem>>
    %dma_start3A_36 = tpu.memref_squeeze %dma_start3A_35 : memref<1x128xi32, #tpu.memory_space<vmem>> -> memref<128xi32, #tpu.memory_space<vmem>>
    %dma_start3A_37 = arith.constant 0 : i32
    %dma_start3A_38 = arith.constant 0 : i32
    %dma_start3A_39 = tpu.memref_slice %arg2[%dma_start3A_37, %dma_start3A_38] : memref<100352x16xf32, #tpu.memory_space<hbm>> -> memref<100352x16xf32, #tpu.memory_space<hbm>>
    tpu.enqueue_indirect_dma source(%dma_start3A_39 : memref<100352x16xf32, #tpu.memory_space<hbm>>) target(%dma_start3A_33 : memref<128x16xf32, #tpu.memory_space<vmem>>) offsets(%dma_start3A_36 : memref<128xi32, #tpu.memory_space<vmem>>) semaphore(%arg11 : memref<!tpu.dma_semaphore, #tpu.memory_space<semaphore_mem>>)
    %dma_start3A_40 = arith.constant 4 : i32
    %dma_start3A_41 = arith.constant 512 : i32
    %dma_start3A_42 = arith.constant 0 : i32
    %dma_start3A_43 = tpu.memref_slice %arg8[%dma_start3A_41, %dma_start3A_42] : memref<2816x16xf32, #tpu.memory_space<vmem>> -> memref<128x16xf32, #tpu.memory_space<vmem>>
    %dma_start3A_44 = arith.constant 0 : i32
    %dma_start3A_45 = tpu.memref_slice %arg6[%dma_start3A_40, %dma_start3A_44] : memref<22x128xi32, #tpu.memory_space<vmem>> -> memref<1x128xi32, #tpu.memory_space<vmem>>
    %dma_start3A_46 = tpu.memref_squeeze %dma_start3A_45 : memref<1x128xi32, #tpu.memory_space<vmem>> -> memref<128xi32, #tpu.memory_space<vmem>>
    %dma_start3A_47 = arith.constant 0 : i32
    %dma_start3A_48 = arith.constant 0 : i32
    %dma_start3A_49 = tpu.memref_slice %arg2[%dma_start3A_47, %dma_start3A_48] : memref<100352x16xf32, #tpu.memory_space<hbm>> -> memref<100352x16xf32, #tpu.memory_space<hbm>>
    tpu.enqueue_indirect_dma source(%dma_start3A_49 : memref<100352x16xf32, #tpu.memory_space<hbm>>) target(%dma_start3A_43 : memref<128x16xf32, #tpu.memory_space<vmem>>) offsets(%dma_start3A_46 : memref<128xi32, #tpu.memory_space<vmem>>) semaphore(%arg11 : memref<!tpu.dma_semaphore, #tpu.memory_space<semaphore_mem>>)
    %dma_start3A_50 = arith.constant 5 : i32
    %dma_start3A_51 = arith.constant 640 : i32
    %dma_start3A_52 = arith.constant 0 : i32
    %dma_start3A_53 = tpu.memref_slice %arg8[%dma_start3A_51, %dma_start3A_52] : memref<2816x16xf32, #tpu.memory_space<vmem>> -> memref<128x16xf32, #tpu.memory_space<vmem>>
    %dma_start3A_54 = arith.constant 0 : i32
    %dma_start3A_55 = tpu.memref_slice %arg6[%dma_start3A_50, %dma_start3A_54] : memref<22x128xi32, #tpu.memory_space<vmem>> -> memref<1x128xi32, #tpu.memory_space<vmem>>
    %dma_start3A_56 = tpu.memref_squeeze %dma_start3A_55 : memref<1x128xi32, #tpu.memory_space<vmem>> -> memref<128xi32, #tpu.memory_space<vmem>>
    %dma_start3A_57 = arith.constant 0 : i32
    %dma_start3A_58 = arith.constant 0 : i32
    %dma_start3A_59 = tpu.memref_slice %arg2[%dma_start3A_57, %dma_start3A_58] : memref<100352x16xf32, #tpu.memory_space<hbm>> -> memref<100352x16xf32, #tpu.memory_space<hbm>>
    tpu.enqueue_indirect_dma source(%dma_start3A_59 : memref<100352x16xf32, #tpu.memory_space<hbm>>) target(%dma_start3A_53 : memref<128x16xf32, #tpu.memory_space<vmem>>) offsets(%dma_start3A_56 : memref<128xi32, #tpu.memory_space<vmem>>) semaphore(%arg11 : memref<!tpu.dma_semaphore, #tpu.memory_space<semaphore_mem>>)
    %dma_start3A_60 = arith.constant 6 : i32
    %dma_start3A_61 = arith.constant 768 : i32
    %dma_start3A_62 = arith.constant 0 : i32
    %dma_start3A_63 = tpu.memref_slice %arg8[%dma_start3A_61, %dma_start3A_62] : memref<2816x16xf32, #tpu.memory_space<vmem>> -> memref<128x16xf32, #tpu.memory_space<vmem>>
    %dma_start3A_64 = arith.constant 0 : i32
    %dma_start3A_65 = tpu.memref_slice %arg6[%dma_start3A_60, %dma_start3A_64] : memref<22x128xi32, #tpu.memory_space<vmem>> -> memref<1x128xi32, #tpu.memory_space<vmem>>
    %dma_start3A_66 = tpu.memref_squeeze %dma_start3A_65 : memref<1x128xi32, #tpu.memory_space<vmem>> -> memref<128xi32, #tpu.memory_space<vmem>>
    %dma_start3A_67 = arith.constant 0 : i32
    %dma_start3A_68 = arith.constant 0 : i32
    %dma_start3A_69 = tpu.memref_slice %arg2[%dma_start3A_67, %dma_start3A_68] : memref<100352x16xf32, #tpu.memory_space<hbm>> -> memref<100352x16xf32, #tpu.memory_space<hbm>>
    tpu.enqueue_indirect_dma source(%dma_start3A_69 : memref<100352x16xf32, #tpu.memory_space<hbm>>) target(%dma_start3A_63 : memref<128x16xf32, #tpu.memory_space<vmem>>) offsets(%dma_start3A_66 : memref<128xi32, #tpu.memory_space<vmem>>) semaphore(%arg11 : memref<!tpu.dma_semaphore, #tpu.memory_space<semaphore_mem>>)
    %dma_start3A_70 = arith.constant 7 : i32
    %dma_start3A_71 = arith.constant 896 : i32
    %dma_start3A_72 = arith.constant 0 : i32
    %dma_start3A_73 = tpu.memref_slice %arg8[%dma_start3A_71, %dma_start3A_72] : memref<2816x16xf32, #tpu.memory_space<vmem>> -> memref<128x16xf32, #tpu.memory_space<vmem>>
    %dma_start3A_74 = arith.constant 0 : i32
    %dma_start3A_75 = tpu.memref_slice %arg6[%dma_start3A_70, %dma_start3A_74] : memref<22x128xi32, #tpu.memory_space<vmem>> -> memref<1x128xi32, #tpu.memory_space<vmem>>
    %dma_start3A_76 = tpu.memref_squeeze %dma_start3A_75 : memref<1x128xi32, #tpu.memory_space<vmem>> -> memref<128xi32, #tpu.memory_space<vmem>>
    %dma_start3A_77 = arith.constant 0 : i32
    %dma_start3A_78 = arith.constant 0 : i32
    %dma_start3A_79 = tpu.memref_slice %arg2[%dma_start3A_77, %dma_start3A_78] : memref<100352x16xf32, #tpu.memory_space<hbm>> -> memref<100352x16xf32, #tpu.memory_space<hbm>>
    tpu.enqueue_indirect_dma source(%dma_start3A_79 : memref<100352x16xf32, #tpu.memory_space<hbm>>) target(%dma_start3A_73 : memref<128x16xf32, #tpu.memory_space<vmem>>) offsets(%dma_start3A_76 : memref<128xi32, #tpu.memory_space<vmem>>) semaphore(%arg11 : memref<!tpu.dma_semaphore, #tpu.memory_space<semaphore_mem>>)
    %dma_start3A_80 = arith.constant 8 : i32
    %dma_start3A_81 = arith.constant 1024 : i32
    %dma_start3A_82 = arith.constant 0 : i32
    %dma_start3A_83 = tpu.memref_slice %arg8[%dma_start3A_81, %dma_start3A_82] : memref<2816x16xf32, #tpu.memory_space<vmem>> -> memref<128x16xf32, #tpu.memory_space<vmem>>
    %dma_start3A_84 = arith.constant 0 : i32
    %dma_start3A_85 = tpu.memref_slice %arg6[%dma_start3A_80, %dma_start3A_84] : memref<22x128xi32, #tpu.memory_space<vmem>> -> memref<1x128xi32, #tpu.memory_space<vmem>>
    %dma_start3A_86 = tpu.memref_squeeze %dma_start3A_85 : memref<1x128xi32, #tpu.memory_space<vmem>> -> memref<128xi32, #tpu.memory_space<vmem>>
    %dma_start3A_87 = arith.constant 0 : i32
    %dma_start3A_88 = arith.constant 0 : i32
    %dma_start3A_89 = tpu.memref_slice %arg2[%dma_start3A_87, %dma_start3A_88] : memref<100352x16xf32, #tpu.memory_space<hbm>> -> memref<100352x16xf32, #tpu.memory_space<hbm>>
    tpu.enqueue_indirect_dma source(%dma_start3A_89 : memref<100352x16xf32, #tpu.memory_space<hbm>>) target(%dma_start3A_83 : memref<128x16xf32, #tpu.memory_space<vmem>>) offsets(%dma_start3A_86 : memref<128xi32, #tpu.memory_space<vmem>>) semaphore(%arg11 : memref<!tpu.dma_semaphore, #tpu.memory_space<semaphore_mem>>)
    %dma_start3A_90 = arith.constant 9 : i32
    %dma_start3A_91 = arith.constant 1152 : i32
    %dma_start3A_92 = arith.constant 0 : i32
    %dma_start3A_93 = tpu.memref_slice %arg8[%dma_start3A_91, %dma_start3A_92] : memref<2816x16xf32, #tpu.memory_space<vmem>> -> memref<128x16xf32, #tpu.memory_space<vmem>>
    %dma_start3A_94 = arith.constant 0 : i32
    %dma_start3A_95 = tpu.memref_slice %arg6[%dma_start3A_90, %dma_start3A_94] : memref<22x128xi32, #tpu.memory_space<vmem>> -> memref<1x128xi32, #tpu.memory_space<vmem>>
    %dma_start3A_96 = tpu.memref_squeeze %dma_start3A_95 : memref<1x128xi32, #tpu.memory_space<vmem>> -> memref<128xi32, #tpu.memory_space<vmem>>
    %dma_start3A_97 = arith.constant 0 : i32
    %dma_start3A_98 = arith.constant 0 : i32
    %dma_start3A_99 = tpu.memref_slice %arg2[%dma_start3A_97, %dma_start3A_98] : memref<100352x16xf32, #tpu.memory_space<hbm>> -> memref<100352x16xf32, #tpu.memory_space<hbm>>
    tpu.enqueue_indirect_dma source(%dma_start3A_99 : memref<100352x16xf32, #tpu.memory_space<hbm>>) target(%dma_start3A_93 : memref<128x16xf32, #tpu.memory_space<vmem>>) offsets(%dma_start3A_96 : memref<128xi32, #tpu.memory_space<vmem>>) semaphore(%arg11 : memref<!tpu.dma_semaphore, #tpu.memory_space<semaphore_mem>>)
    %dma_start3A_100 = arith.constant 10 : i32
    %dma_start3A_101 = arith.constant 1280 : i32
    %dma_start3A_102 = arith.constant 0 : i32
    %dma_start3A_103 = tpu.memref_slice %arg8[%dma_start3A_101, %dma_start3A_102] : memref<2816x16xf32, #tpu.memory_space<vmem>> -> memref<128x16xf32, #tpu.memory_space<vmem>>
    %dma_start3A_104 = arith.constant 0 : i32
    %dma_start3A_105 = tpu.memref_slice %arg6[%dma_start3A_100, %dma_start3A_104] : memref<22x128xi32, #tpu.memory_space<vmem>> -> memref<1x128xi32, #tpu.memory_space<vmem>>
    %dma_start3A_106 = tpu.memref_squeeze %dma_start3A_105 : memref<1x128xi32, #tpu.memory_space<vmem>> -> memref<128xi32, #tpu.memory_space<vmem>>
    %dma_start3A_107 = arith.constant 0 : i32
    %dma_start3A_108 = arith.constant 0 : i32
    %dma_start3A_109 = tpu.memref_slice %arg2[%dma_start3A_107, %dma_start3A_108] : memref<100352x16xf32, #tpu.memory_space<hbm>> -> memref<100352x16xf32, #tpu.memory_space<hbm>>
    tpu.enqueue_indirect_dma source(%dma_start3A_109 : memref<100352x16xf32, #tpu.memory_space<hbm>>) target(%dma_start3A_103 : memref<128x16xf32, #tpu.memory_space<vmem>>) offsets(%dma_start3A_106 : memref<128xi32, #tpu.memory_space<vmem>>) semaphore(%arg11 : memref<!tpu.dma_semaphore, #tpu.memory_space<semaphore_mem>>)
    %dma_start3A_110 = arith.constant 11 : i32
    %dma_start3A_111 = arith.constant 1408 : i32
    %dma_start3A_112 = arith.constant 0 : i32
    %dma_start3A_113 = tpu.memref_slice %arg8[%dma_start3A_111, %dma_start3A_112] : memref<2816x16xf32, #tpu.memory_space<vmem>> -> memref<128x16xf32, #tpu.memory_space<vmem>>
    %dma_start3A_114 = arith.constant 0 : i32
    %dma_start3A_115 = tpu.memref_slice %arg6[%dma_start3A_110, %dma_start3A_114] : memref<22x128xi32, #tpu.memory_space<vmem>> -> memref<1x128xi32, #tpu.memory_space<vmem>>
    %dma_start3A_116 = tpu.memref_squeeze %dma_start3A_115 : memref<1x128xi32, #tpu.memory_space<vmem>> -> memref<128xi32, #tpu.memory_space<vmem>>
    %dma_start3A_117 = arith.constant 0 : i32
    %dma_start3A_118 = arith.constant 0 : i32
    %dma_start3A_119 = tpu.memref_slice %arg2[%dma_start3A_117, %dma_start3A_118] : memref<100352x16xf32, #tpu.memory_space<hbm>> -> memref<100352x16xf32, #tpu.memory_space<hbm>>
    tpu.enqueue_indirect_dma source(%dma_start3A_119 : memref<100352x16xf32, #tpu.memory_space<hbm>>) target(%dma_start3A_113 : memref<128x16xf32, #tpu.memory_space<vmem>>) offsets(%dma_start3A_116 : memref<128xi32, #tpu.memory_space<vmem>>) semaphore(%arg11 : memref<!tpu.dma_semaphore, #tpu.memory_space<semaphore_mem>>)
    %dma_start3A_120 = arith.constant 12 : i32
    %dma_start3A_121 = arith.constant 1536 : i32
    %dma_start3A_122 = arith.constant 0 : i32
    %dma_start3A_123 = tpu.memref_slice %arg8[%dma_start3A_121, %dma_start3A_122] : memref<2816x16xf32, #tpu.memory_space<vmem>> -> memref<128x16xf32, #tpu.memory_space<vmem>>
    %dma_start3A_124 = arith.constant 0 : i32
    %dma_start3A_125 = tpu.memref_slice %arg6[%dma_start3A_120, %dma_start3A_124] : memref<22x128xi32, #tpu.memory_space<vmem>> -> memref<1x128xi32, #tpu.memory_space<vmem>>
    %dma_start3A_126 = tpu.memref_squeeze %dma_start3A_125 : memref<1x128xi32, #tpu.memory_space<vmem>> -> memref<128xi32, #tpu.memory_space<vmem>>
    %dma_start3A_127 = arith.constant 0 : i32
    %dma_start3A_128 = arith.constant 0 : i32
    %dma_start3A_129 = tpu.memref_slice %arg2[%dma_start3A_127, %dma_start3A_128] : memref<100352x16xf32, #tpu.memory_space<hbm>> -> memref<100352x16xf32, #tpu.memory_space<hbm>>
    tpu.enqueue_indirect_dma source(%dma_start3A_129 : memref<100352x16xf32, #tpu.memory_space<hbm>>) target(%dma_start3A_123 : memref<128x16xf32, #tpu.memory_space<vmem>>) offsets(%dma_start3A_126 : memref<128xi32, #tpu.memory_space<vmem>>) semaphore(%arg11 : memref<!tpu.dma_semaphore, #tpu.memory_space<semaphore_mem>>)
    %dma_start3A_130 = arith.constant 13 : i32
    %dma_start3A_131 = arith.constant 1664 : i32
    %dma_start3A_132 = arith.constant 0 : i32
    %dma_start3A_133 = tpu.memref_slice %arg8[%dma_start3A_131, %dma_start3A_132] : memref<2816x16xf32, #tpu.memory_space<vmem>> -> memref<128x16xf32, #tpu.memory_space<vmem>>
    %dma_start3A_134 = arith.constant 0 : i32
    %dma_start3A_135 = tpu.memref_slice %arg6[%dma_start3A_130, %dma_start3A_134] : memref<22x128xi32, #tpu.memory_space<vmem>> -> memref<1x128xi32, #tpu.memory_space<vmem>>
    %dma_start3A_136 = tpu.memref_squeeze %dma_start3A_135 : memref<1x128xi32, #tpu.memory_space<vmem>> -> memref<128xi32, #tpu.memory_space<vmem>>
    %dma_start3A_137 = arith.constant 0 : i32
    %dma_start3A_138 = arith.constant 0 : i32
    %dma_start3A_139 = tpu.memref_slice %arg2[%dma_start3A_137, %dma_start3A_138] : memref<100352x16xf32, #tpu.memory_space<hbm>> -> memref<100352x16xf32, #tpu.memory_space<hbm>>
    tpu.enqueue_indirect_dma source(%dma_start3A_139 : memref<100352x16xf32, #tpu.memory_space<hbm>>) target(%dma_start3A_133 : memref<128x16xf32, #tpu.memory_space<vmem>>) offsets(%dma_start3A_136 : memref<128xi32, #tpu.memory_space<vmem>>) semaphore(%arg11 : memref<!tpu.dma_semaphore, #tpu.memory_space<semaphore_mem>>)
    %dma_start3A_140 = arith.constant 14 : i32
    %dma_start3A_141 = arith.constant 1792 : i32
    %dma_start3A_142 = arith.constant 0 : i32
    %dma_start3A_143 = tpu.memref_slice %arg8[%dma_start3A_141, %dma_start3A_142] : memref<2816x16xf32, #tpu.memory_space<vmem>> -> memref<128x16xf32, #tpu.memory_space<vmem>>
    %dma_start3A_144 = arith.constant 0 : i32
    %dma_start3A_145 = tpu.memref_slice %arg6[%dma_start3A_140, %dma_start3A_144] : memref<22x128xi32, #tpu.memory_space<vmem>> -> memref<1x128xi32, #tpu.memory_space<vmem>>
    %dma_start3A_146 = tpu.memref_squeeze %dma_start3A_145 : memref<1x128xi32, #tpu.memory_space<vmem>> -> memref<128xi32, #tpu.memory_space<vmem>>
    %dma_start3A_147 = arith.constant 0 : i32
    %dma_start3A_148 = arith.constant 0 : i32
    %dma_start3A_149 = tpu.memref_slice %arg2[%dma_start3A_147, %dma_start3A_148] : memref<100352x16xf32, #tpu.memory_space<hbm>> -> memref<100352x16xf32, #tpu.memory_space<hbm>>
    tpu.enqueue_indirect_dma source(%dma_start3A_149 : memref<100352x16xf32, #tpu.memory_space<hbm>>) target(%dma_start3A_143 : memref<128x16xf32, #tpu.memory_space<vmem>>) offsets(%dma_start3A_146 : memref<128xi32, #tpu.memory_space<vmem>>) semaphore(%arg11 : memref<!tpu.dma_semaphore, #tpu.memory_space<semaphore_mem>>)
    %dma_start3A_150 = arith.constant 15 : i32
    %dma_start3A_151 = arith.constant 1920 : i32
    %dma_start3A_152 = arith.constant 0 : i32
    %dma_start3A_153 = tpu.memref_slice %arg8[%dma_start3A_151, %dma_start3A_152] : memref<2816x16xf32, #tpu.memory_space<vmem>> -> memref<128x16xf32, #tpu.memory_space<vmem>>
    %dma_start3A_154 = arith.constant 0 : i32
    %dma_start3A_155 = tpu.memref_slice %arg6[%dma_start3A_150, %dma_start3A_154] : memref<22x128xi32, #tpu.memory_space<vmem>> -> memref<1x128xi32, #tpu.memory_space<vmem>>
    %dma_start3A_156 = tpu.memref_squeeze %dma_start3A_155 : memref<1x128xi32, #tpu.memory_space<vmem>> -> memref<128xi32, #tpu.memory_space<vmem>>
    %dma_start3A_157 = arith.constant 0 : i32
    %dma_start3A_158 = arith.constant 0 : i32
    %dma_start3A_159 = tpu.memref_slice %arg2[%dma_start3A_157, %dma_start3A_158] : memref<100352x16xf32, #tpu.memory_space<hbm>> -> memref<100352x16xf32, #tpu.memory_space<hbm>>
    tpu.enqueue_indirect_dma source(%dma_start3A_159 : memref<100352x16xf32, #tpu.memory_space<hbm>>) target(%dma_start3A_153 : memref<128x16xf32, #tpu.memory_space<vmem>>) offsets(%dma_start3A_156 : memref<128xi32, #tpu.memory_space<vmem>>) semaphore(%arg11 : memref<!tpu.dma_semaphore, #tpu.memory_space<semaphore_mem>>)
    %dma_start3A_160 = arith.constant 16 : i32
    %dma_start3A_161 = arith.constant 2048 : i32
    %dma_start3A_162 = arith.constant 0 : i32
    %dma_start3A_163 = tpu.memref_slice %arg8[%dma_start3A_161, %dma_start3A_162] : memref<2816x16xf32, #tpu.memory_space<vmem>> -> memref<128x16xf32, #tpu.memory_space<vmem>>
    %dma_start3A_164 = arith.constant 0 : i32
    %dma_start3A_165 = tpu.memref_slice %arg6[%dma_start3A_160, %dma_start3A_164] : memref<22x128xi32, #tpu.memory_space<vmem>> -> memref<1x128xi32, #tpu.memory_space<vmem>>
    %dma_start3A_166 = tpu.memref_squeeze %dma_start3A_165 : memref<1x128xi32, #tpu.memory_space<vmem>> -> memref<128xi32, #tpu.memory_space<vmem>>
    %dma_start3A_167 = arith.constant 0 : i32
    %dma_start3A_168 = arith.constant 0 : i32
    %dma_start3A_169 = tpu.memref_slice %arg2[%dma_start3A_167, %dma_start3A_168] : memref<100352x16xf32, #tpu.memory_space<hbm>> -> memref<100352x16xf32, #tpu.memory_space<hbm>>
    tpu.enqueue_indirect_dma source(%dma_start3A_169 : memref<100352x16xf32, #tpu.memory_space<hbm>>) target(%dma_start3A_163 : memref<128x16xf32, #tpu.memory_space<vmem>>) offsets(%dma_start3A_166 : memref<128xi32, #tpu.memory_space<vmem>>) semaphore(%arg11 : memref<!tpu.dma_semaphore, #tpu.memory_space<semaphore_mem>>)
    %dma_start3A_170 = arith.constant 17 : i32
    %dma_start3A_171 = arith.constant 2176 : i32
    %dma_start3A_172 = arith.constant 0 : i32
    %dma_start3A_173 = tpu.memref_slice %arg8[%dma_start3A_171, %dma_start3A_172] : memref<2816x16xf32, #tpu.memory_space<vmem>> -> memref<128x16xf32, #tpu.memory_space<vmem>>
    %dma_start3A_174 = arith.constant 0 : i32
    %dma_start3A_175 = tpu.memref_slice %arg6[%dma_start3A_170, %dma_start3A_174] : memref<22x128xi32, #tpu.memory_space<vmem>> -> memref<1x128xi32, #tpu.memory_space<vmem>>
    %dma_start3A_176 = tpu.memref_squeeze %dma_start3A_175 : memref<1x128xi32, #tpu.memory_space<vmem>> -> memref<128xi32, #tpu.memory_space<vmem>>
    %dma_start3A_177 = arith.constant 0 : i32
    %dma_start3A_178 = arith.constant 0 : i32
    %dma_start3A_179 = tpu.memref_slice %arg2[%dma_start3A_177, %dma_start3A_178] : memref<100352x16xf32, #tpu.memory_space<hbm>> -> memref<100352x16xf32, #tpu.memory_space<hbm>>
    tpu.enqueue_indirect_dma source(%dma_start3A_179 : memref<100352x16xf32, #tpu.memory_space<hbm>>) target(%dma_start3A_173 : memref<128x16xf32, #tpu.memory_space<vmem>>) offsets(%dma_start3A_176 : memref<128xi32, #tpu.memory_space<vmem>>) semaphore(%arg11 : memref<!tpu.dma_semaphore, #tpu.memory_space<semaphore_mem>>)
    %dma_start3A_180 = arith.constant 18 : i32
    %dma_start3A_181 = arith.constant 2304 : i32
    %dma_start3A_182 = arith.constant 0 : i32
    %dma_start3A_183 = tpu.memref_slice %arg8[%dma_start3A_181, %dma_start3A_182] : memref<2816x16xf32, #tpu.memory_space<vmem>> -> memref<128x16xf32, #tpu.memory_space<vmem>>
    %dma_start3A_184 = arith.constant 0 : i32
    %dma_start3A_185 = tpu.memref_slice %arg6[%dma_start3A_180, %dma_start3A_184] : memref<22x128xi32, #tpu.memory_space<vmem>> -> memref<1x128xi32, #tpu.memory_space<vmem>>
    %dma_start3A_186 = tpu.memref_squeeze %dma_start3A_185 : memref<1x128xi32, #tpu.memory_space<vmem>> -> memref<128xi32, #tpu.memory_space<vmem>>
    %dma_start3A_187 = arith.constant 0 : i32
    %dma_start3A_188 = arith.constant 0 : i32
    %dma_start3A_189 = tpu.memref_slice %arg2[%dma_start3A_187, %dma_start3A_188] : memref<100352x16xf32, #tpu.memory_space<hbm>> -> memref<100352x16xf32, #tpu.memory_space<hbm>>
    tpu.enqueue_indirect_dma source(%dma_start3A_189 : memref<100352x16xf32, #tpu.memory_space<hbm>>) target(%dma_start3A_183 : memref<128x16xf32, #tpu.memory_space<vmem>>) offsets(%dma_start3A_186 : memref<128xi32, #tpu.memory_space<vmem>>) semaphore(%arg11 : memref<!tpu.dma_semaphore, #tpu.memory_space<semaphore_mem>>)
    %dma_start3A_190 = arith.constant 19 : i32
    %dma_start3A_191 = arith.constant 2432 : i32
    %dma_start3A_192 = arith.constant 0 : i32
    %dma_start3A_193 = tpu.memref_slice %arg8[%dma_start3A_191, %dma_start3A_192] : memref<2816x16xf32, #tpu.memory_space<vmem>> -> memref<128x16xf32, #tpu.memory_space<vmem>>
    %dma_start3A_194 = arith.constant 0 : i32
    %dma_start3A_195 = tpu.memref_slice %arg6[%dma_start3A_190, %dma_start3A_194] : memref<22x128xi32, #tpu.memory_space<vmem>> -> memref<1x128xi32, #tpu.memory_space<vmem>>
    %dma_start3A_196 = tpu.memref_squeeze %dma_start3A_195 : memref<1x128xi32, #tpu.memory_space<vmem>> -> memref<128xi32, #tpu.memory_space<vmem>>
    %dma_start3A_197 = arith.constant 0 : i32
    %dma_start3A_198 = arith.constant 0 : i32
    %dma_start3A_199 = tpu.memref_slice %arg2[%dma_start3A_197, %dma_start3A_198] : memref<100352x16xf32, #tpu.memory_space<hbm>> -> memref<100352x16xf32, #tpu.memory_space<hbm>>
    tpu.enqueue_indirect_dma source(%dma_start3A_199 : memref<100352x16xf32, #tpu.memory_space<hbm>>) target(%dma_start3A_193 : memref<128x16xf32, #tpu.memory_space<vmem>>) offsets(%dma_start3A_196 : memref<128xi32, #tpu.memory_space<vmem>>) semaphore(%arg11 : memref<!tpu.dma_semaphore, #tpu.memory_space<semaphore_mem>>)
    %dma_start3A_200 = arith.constant 20 : i32
    %dma_start3A_201 = arith.constant 2560 : i32
    %dma_start3A_202 = arith.constant 0 : i32
    %dma_start3A_203 = tpu.memref_slice %arg8[%dma_start3A_201, %dma_start3A_202] : memref<2816x16xf32, #tpu.memory_space<vmem>> -> memref<128x16xf32, #tpu.memory_space<vmem>>
    %dma_start3A_204 = arith.constant 0 : i32
    %dma_start3A_205 = tpu.memref_slice %arg6[%dma_start3A_200, %dma_start3A_204] : memref<22x128xi32, #tpu.memory_space<vmem>> -> memref<1x128xi32, #tpu.memory_space<vmem>>
    %dma_start3A_206 = tpu.memref_squeeze %dma_start3A_205 : memref<1x128xi32, #tpu.memory_space<vmem>> -> memref<128xi32, #tpu.memory_space<vmem>>
    %dma_start3A_207 = arith.constant 0 : i32
    %dma_start3A_208 = arith.constant 0 : i32
    %dma_start3A_209 = tpu.memref_slice %arg2[%dma_start3A_207, %dma_start3A_208] : memref<100352x16xf32, #tpu.memory_space<hbm>> -> memref<100352x16xf32, #tpu.memory_space<hbm>>
    tpu.enqueue_indirect_dma source(%dma_start3A_209 : memref<100352x16xf32, #tpu.memory_space<hbm>>) target(%dma_start3A_203 : memref<128x16xf32, #tpu.memory_space<vmem>>) offsets(%dma_start3A_206 : memref<128xi32, #tpu.memory_space<vmem>>) semaphore(%arg11 : memref<!tpu.dma_semaphore, #tpu.memory_space<semaphore_mem>>)
    %dma_start3A_210 = arith.constant 21 : i32
    %dma_start3A_211 = arith.constant 2688 : i32
    %dma_start3A_212 = arith.constant 0 : i32
    %dma_start3A_213 = tpu.memref_slice %arg8[%dma_start3A_211, %dma_start3A_212] : memref<2816x16xf32, #tpu.memory_space<vmem>> -> memref<128x16xf32, #tpu.memory_space<vmem>>
    %dma_start3A_214 = arith.constant 0 : i32
    %dma_start3A_215 = tpu.memref_slice %arg6[%dma_start3A_210, %dma_start3A_214] : memref<22x128xi32, #tpu.memory_space<vmem>> -> memref<1x128xi32, #tpu.memory_space<vmem>>
    %dma_start3A_216 = tpu.memref_squeeze %dma_start3A_215 : memref<1x128xi32, #tpu.memory_space<vmem>> -> memref<128xi32, #tpu.memory_space<vmem>>
    %dma_start3A_217 = arith.constant 0 : i32
    %dma_start3A_218 = arith.constant 0 : i32
    %dma_start3A_219 = tpu.memref_slice %arg2[%dma_start3A_217, %dma_start3A_218] : memref<100352x16xf32, #tpu.memory_space<hbm>> -> memref<100352x16xf32, #tpu.memory_space<hbm>>
    tpu.enqueue_indirect_dma source(%dma_start3A_219 : memref<100352x16xf32, #tpu.memory_space<hbm>>) target(%dma_start3A_213 : memref<128x16xf32, #tpu.memory_space<vmem>>) offsets(%dma_start3A_216 : memref<128xi32, #tpu.memory_space<vmem>>) semaphore(%arg11 : memref<!tpu.dma_semaphore, #tpu.memory_space<semaphore_mem>>)
    "tpu.region"() ({
      %run_scoped3A = tpu.sem_alloc : memref<!tpu.dma_semaphore, #tpu.memory_space<semaphore_mem>>
      %dma_start3A_891 = arith.constant 0 : i32
      %dma_start3A_892 = arith.constant 0 : i32
      %dma_start3A_893 = tpu.memref_slice %arg4[%add3A, %dma_start3A_891, %dma_start3A_892] : memref<32x22x128xi32, #tpu.memory_space<hbm>> -> memref<1x22x128xi32, #tpu.memory_space<hbm>>
      %dma_start3A_894 = tpu.memref_squeeze %dma_start3A_893 : memref<1x22x128xi32, #tpu.memory_space<hbm>> -> memref<22x128xi32, #tpu.memory_space<hbm>>
      %dma_start3A_895 = arith.constant 0 : i32
      %dma_start3A_896 = arith.constant 0 : i32
      %dma_start3A_897 = tpu.memref_slice %arg4[%add3A, %dma_start3A_895, %dma_start3A_896] : memref<32x22x128xi32, #tpu.memory_space<hbm>> -> memref<1x22x128xi32, #tpu.memory_space<hbm>>
      %dma_start3A_898 = tpu.memref_squeeze %dma_start3A_897 : memref<1x22x128xi32, #tpu.memory_space<hbm>> -> memref<22x128xi32, #tpu.memory_space<hbm>>
      tpu.enqueue_dma source(%dma_start3A_898 : memref<22x128xi32, #tpu.memory_space<hbm>>) target(%arg7 : memref<22x128xi32, #tpu.memory_space<vmem>>) target_semaphore(%run_scoped3A : memref<!tpu.dma_semaphore, #tpu.memory_space<semaphore_mem>>)
      %dma_wait3A_899 = arith.constant 0 : i32
      %dma_wait3A_900 = arith.constant 0 : i32
      %dma_wait3A_901 = tpu.memref_slice %arg4[%add3A, %dma_wait3A_899, %dma_wait3A_900] : memref<32x22x128xi32, #tpu.memory_space<hbm>> -> memref<1x22x128xi32, #tpu.memory_space<hbm>>
      %dma_wait3A_902 = tpu.memref_squeeze %dma_wait3A_901 : memref<1x22x128xi32, #tpu.memory_space<hbm>> -> memref<22x128xi32, #tpu.memory_space<hbm>>
      %dma_wait3A_903 = arith.constant 0 : i32
      %dma_wait3A_904 = arith.constant 0 : i32
      %dma_wait3A_905 = tpu.memref_slice %arg4[%add3A, %dma_wait3A_903, %dma_wait3A_904] : memref<32x22x128xi32, #tpu.memory_space<hbm>> -> memref<1x22x128xi32, #tpu.memory_space<hbm>>
      %dma_wait3A_906 = tpu.memref_squeeze %dma_wait3A_905 : memref<1x22x128xi32, #tpu.memory_space<hbm>> -> memref<22x128xi32, #tpu.memory_space<hbm>>
      tpu.wait_dma2 semaphore(%run_scoped3A : memref<!tpu.dma_semaphore, #tpu.memory_space<semaphore_mem>>) src(%dma_wait3A_906 : memref<22x128xi32, #tpu.memory_space<hbm>>) dst(%arg7 : memref<22x128xi32, #tpu.memory_space<vmem>>)
      tpu.yield
    }) : () -> ()
    %scan3A = arith.constant 0 : i32
    %scan3A_220 = arith.constant 0 : i32
    %scan3A_221 = arith.constant 568 : i32
    %scan3A_222 = arith.addi %scan3A_220, %scan3A_221 : i32
    %scan3A_223 = arith.constant 1 : i32
    scf.for %scan3A_891 = %scan3A_220 to %scan3A_222 step %scan3A_223  : i32 {
      %broadcast_in_dim3A = arith.constant 0.000000e+00 : f32
      %broadcast_in_dim3A_892 = vector.broadcast %broadcast_in_dim3A : f32 to vector<16xf32>
      %swap3A = arith.index_cast %scan3A_891 : i32 to index
      %swap3A_893 = arith.constant 0 : index
      %swap3A_894 = tpu.vector_load %arg9[%swap3A, %swap3A_893] {strides = array<i32>} : memref<568x16xf32, #tpu.memory_space<vmem>>, vector<16xf32>,
      tpu.vector_store %arg9[%swap3A, %swap3A_893], %broadcast_in_dim3A_892 {strides = array<i32>} : memref<568x16xf32, #tpu.memory_space<vmem>>, vector<16xf32>,
    }
    %scan3A_224 = arith.constant 568 : i32
    %mul3A_225 = arith.constant 568 : i32
    %mul3A_226 = arith.muli %arg1, %mul3A_225 : i32
    "tpu.region"() ({
      %run_scoped3A = tpu.sem_alloc : memref<!tpu.dma_semaphore, #tpu.memory_space<semaphore_mem>>
      %dma_start3A_891 = arith.constant 0 : i32
      %dma_start3A_892 = tpu.memref_slice %arg10[%mul3A_226, %dma_start3A_891] : memref<9088x16xf32, #tpu.memory_space<vmem_shared>> -> memref<568x16xf32, #tpu.memory_space<vmem_shared>>
      %dma_start3A_893 = arith.constant 0 : i32
      %dma_start3A_894 = tpu.memref_slice %arg10[%mul3A_226, %dma_start3A_893] : memref<9088x16xf32, #tpu.memory_space<vmem_shared>> -> memref<568x16xf32, #tpu.memory_space<vmem_shared>>
      tpu.enqueue_dma source(%arg9 : memref<568x16xf32, #tpu.memory_space<vmem>>) target(%dma_start3A_894 : memref<568x16xf32, #tpu.memory_space<vmem_shared>>) target_semaphore(%run_scoped3A : memref<!tpu.dma_semaphore, #tpu.memory_space<semaphore_mem>>)
      %dma_wait3A_895 = arith.constant 0 : i32
      %dma_wait3A_896 = tpu.memref_slice %arg10[%mul3A_226, %dma_wait3A_895] : memref<9088x16xf32, #tpu.memory_space<vmem_shared>> -> memref<568x16xf32, #tpu.memory_space<vmem_shared>>
      %dma_wait3A_897 = arith.constant 0 : i32
      %dma_wait3A_898 = tpu.memref_slice %arg10[%mul3A_226, %dma_wait3A_897] : memref<9088x16xf32, #tpu.memory_space<vmem_shared>> -> memref<568x16xf32, #tpu.memory_space<vmem_shared>>
      tpu.wait_dma2 semaphore(%run_scoped3A : memref<!tpu.dma_semaphore, #tpu.memory_space<semaphore_mem>>) src(%arg9 : memref<568x16xf32, #tpu.memory_space<vmem>>) dst(%dma_wait3A_898 : memref<568x16xf32, #tpu.memory_space<vmem_shared>>)
      tpu.yield
    }) : () -> ()
    %barrier3A = arith.constant 0 : index
    tpu.barrier barrier_id(%barrier3A)
    %dma_wait3A = arith.constant 0 : i32
    %dma_wait3A_227 = arith.constant 0 : i32
    %dma_wait3A_228 = arith.constant 0 : i32
    %dma_wait3A_229 = tpu.memref_slice %arg8[%dma_wait3A_227, %dma_wait3A_228] : memref<2816x16xf32, #tpu.memory_space<vmem>> -> memref<128x16xf32, #tpu.memory_space<vmem>>
    %dma_wait3A_230 = arith.constant 0 : i32
    %dma_wait3A_231 = tpu.memref_slice %arg6[%dma_wait3A, %dma_wait3A_230] : memref<22x128xi32, #tpu.memory_space<vmem>> -> memref<1x128xi32, #tpu.memory_space<vmem>>
    %dma_wait3A_232 = tpu.memref_squeeze %dma_wait3A_231 : memref<1x128xi32, #tpu.memory_space<vmem>> -> memref<128xi32, #tpu.memory_space<vmem>>
    %dma_wait3A_233 = arith.constant 0 : i32
    %dma_wait3A_234 = arith.constant 0 : i32
    %dma_wait3A_235 = tpu.memref_slice %arg2[%dma_wait3A_233, %dma_wait3A_234] : memref<100352x16xf32, #tpu.memory_space<hbm>> -> memref<100352x16xf32, #tpu.memory_space<hbm>>
    tpu.wait_indirect_dma semaphore(%arg11 : memref<!tpu.dma_semaphore, #tpu.memory_space<semaphore_mem>>) src(%dma_wait3A_235 : memref<100352x16xf32, #tpu.memory_space<hbm>>) dst(%dma_wait3A_229 : memref<128x16xf32, #tpu.memory_space<vmem>>)
    %dma_start3A_236 = arith.constant 0 : i32
    %dma_start3A_237 = arith.constant 0 : i32
    %dma_start3A_238 = arith.constant 0 : i32
    %dma_start3A_239 = tpu.memref_slice %arg8[%dma_start3A_237, %dma_start3A_238] : memref<2816x16xf32, #tpu.memory_space<vmem>> -> memref<128x16xf32, #tpu.memory_space<vmem>>
    %dma_start3A_240 = arith.constant 0 : i32
    %dma_start3A_241 = tpu.memref_slice %arg7[%dma_start3A_236, %dma_start3A_240] : memref<22x128xi32, #tpu.memory_space<vmem>> -> memref<1x128xi32, #tpu.memory_space<vmem>>
    %dma_start3A_242 = tpu.memref_squeeze %dma_start3A_241 : memref<1x128xi32, #tpu.memory_space<vmem>> -> memref<128xi32, #tpu.memory_space<vmem>>
    %dma_start3A_243 = arith.constant 0 : i32
    %dma_start3A_244 = arith.constant 0 : i32
    %dma_start3A_245 = tpu.memref_slice %arg10[%dma_start3A_243, %dma_start3A_244] : memref<9088x16xf32, #tpu.memory_space<vmem_shared>> -> memref<9088x16xf32, #tpu.memory_space<vmem_shared>>
    tpu.enqueue_indirect_dma source(%dma_start3A_239 : memref<128x16xf32, #tpu.memory_space<vmem>>) target(%dma_start3A_245 : memref<9088x16xf32, #tpu.memory_space<vmem_shared>>) offsets(%dma_start3A_242 : memref<128xi32, #tpu.memory_space<vmem>>) semaphore(%arg12 : memref<!tpu.dma_semaphore, #tpu.memory_space<semaphore_mem>>) {add = true}
    %dma_wait3A_246 = arith.constant 1 : i32
    %dma_wait3A_247 = arith.constant 128 : i32
    %dma_wait3A_248 = arith.constant 0 : i32
    %dma_wait3A_249 = tpu.memref_slice %arg8[%dma_wait3A_247, %dma_wait3A_248] : memref<2816x16xf32, #tpu.memory_space<vmem>> -> memref<128x16xf32, #tpu.memory_space<vmem>>
    %dma_wait3A_250 = arith.constant 0 : i32
    %dma_wait3A_251 = tpu.memref_slice %arg6[%dma_wait3A_246, %dma_wait3A_250] : memref<22x128xi32, #tpu.memory_space<vmem>> -> memref<1x128xi32, #tpu.memory_space<vmem>>
    %dma_wait3A_252 = tpu.memref_squeeze %dma_wait3A_251 : memref<1x128xi32, #tpu.memory_space<vmem>> -> memref<128xi32, #tpu.memory_space<vmem>>
    %dma_wait3A_253 = arith.constant 0 : i32
    %dma_wait3A_254 = arith.constant 0 : i32
    %dma_wait3A_255 = tpu.memref_slice %arg2[%dma_wait3A_253, %dma_wait3A_254] : memref<100352x16xf32, #tpu.memory_space<hbm>> -> memref<100352x16xf32, #tpu.memory_space<hbm>>
    tpu.wait_indirect_dma semaphore(%arg11 : memref<!tpu.dma_semaphore, #tpu.memory_space<semaphore_mem>>) src(%dma_wait3A_255 : memref<100352x16xf32, #tpu.memory_space<hbm>>) dst(%dma_wait3A_249 : memref<128x16xf32, #tpu.memory_space<vmem>>)
    %dma_start3A_256 = arith.constant 1 : i32
    %dma_start3A_257 = arith.constant 128 : i32
    %dma_start3A_258 = arith.constant 0 : i32
    %dma_start3A_259 = tpu.memref_slice %arg8[%dma_start3A_257, %dma_start3A_258] : memref<2816x16xf32, #tpu.memory_space<vmem>> -> memref<128x16xf32, #tpu.memory_space<vmem>>
    %dma_start3A_260 = arith.constant 0 : i32
    %dma_start3A_261 = tpu.memref_slice %arg7[%dma_start3A_256, %dma_start3A_260] : memref<22x128xi32, #tpu.memory_space<vmem>> -> memref<1x128xi32, #tpu.memory_space<vmem>>
    %dma_start3A_262 = tpu.memref_squeeze %dma_start3A_261 : memref<1x128xi32, #tpu.memory_space<vmem>> -> memref<128xi32, #tpu.memory_space<vmem>>
    %dma_start3A_263 = arith.constant 0 : i32
    %dma_start3A_264 = arith.constant 0 : i32
    %dma_start3A_265 = tpu.memref_slice %arg10[%dma_start3A_263, %dma_start3A_264] : memref<9088x16xf32, #tpu.memory_space<vmem_shared>> -> memref<9088x16xf32, #tpu.memory_space<vmem_shared>>
    tpu.enqueue_indirect_dma source(%dma_start3A_259 : memref<128x16xf32, #tpu.memory_space<vmem>>) target(%dma_start3A_265 : memref<9088x16xf32, #tpu.memory_space<vmem_shared>>) offsets(%dma_start3A_262 : memref<128xi32, #tpu.memory_space<vmem>>) semaphore(%arg12 : memref<!tpu.dma_semaphore, #tpu.memory_space<semaphore_mem>>) {add = true}
    %dma_wait3A_266 = arith.constant 2 : i32
    %dma_wait3A_267 = arith.constant 256 : i32
    %dma_wait3A_268 = arith.constant 0 : i32
    %dma_wait3A_269 = tpu.memref_slice %arg8[%dma_wait3A_267, %dma_wait3A_268] : memref<2816x16xf32, #tpu.memory_space<vmem>> -> memref<128x16xf32, #tpu.memory_space<vmem>>
    %dma_wait3A_270 = arith.constant 0 : i32
    %dma_wait3A_271 = tpu.memref_slice %arg6[%dma_wait3A_266, %dma_wait3A_270] : memref<22x128xi32, #tpu.memory_space<vmem>> -> memref<1x128xi32, #tpu.memory_space<vmem>>
    %dma_wait3A_272 = tpu.memref_squeeze %dma_wait3A_271 : memref<1x128xi32, #tpu.memory_space<vmem>> -> memref<128xi32, #tpu.memory_space<vmem>>
    %dma_wait3A_273 = arith.constant 0 : i32
    %dma_wait3A_274 = arith.constant 0 : i32
    %dma_wait3A_275 = tpu.memref_slice %arg2[%dma_wait3A_273, %dma_wait3A_274] : memref<100352x16xf32, #tpu.memory_space<hbm>> -> memref<100352x16xf32, #tpu.memory_space<hbm>>
    tpu.wait_indirect_dma semaphore(%arg11 : memref<!tpu.dma_semaphore, #tpu.memory_space<semaphore_mem>>) src(%dma_wait3A_275 : memref<100352x16xf32, #tpu.memory_space<hbm>>) dst(%dma_wait3A_269 : memref<128x16xf32, #tpu.memory_space<vmem>>)
    %dma_start3A_276 = arith.constant 2 : i32
    %dma_start3A_277 = arith.constant 256 : i32
    %dma_start3A_278 = arith.constant 0 : i32
    %dma_start3A_279 = tpu.memref_slice %arg8[%dma_start3A_277, %dma_start3A_278] : memref<2816x16xf32, #tpu.memory_space<vmem>> -> memref<128x16xf32, #tpu.memory_space<vmem>>
    %dma_start3A_280 = arith.constant 0 : i32
    %dma_start3A_281 = tpu.memref_slice %arg7[%dma_start3A_276, %dma_start3A_280] : memref<22x128xi32, #tpu.memory_space<vmem>> -> memref<1x128xi32, #tpu.memory_space<vmem>>
    %dma_start3A_282 = tpu.memref_squeeze %dma_start3A_281 : memref<1x128xi32, #tpu.memory_space<vmem>> -> memref<128xi32, #tpu.memory_space<vmem>>
    %dma_start3A_283 = arith.constant 0 : i32
    %dma_start3A_284 = arith.constant 0 : i32
    %dma_start3A_285 = tpu.memref_slice %arg10[%dma_start3A_283, %dma_start3A_284] : memref<9088x16xf32, #tpu.memory_space<vmem_shared>> -> memref<9088x16xf32, #tpu.memory_space<vmem_shared>>
    tpu.enqueue_indirect_dma source(%dma_start3A_279 : memref<128x16xf32, #tpu.memory_space<vmem>>) target(%dma_start3A_285 : memref<9088x16xf32, #tpu.memory_space<vmem_shared>>) offsets(%dma_start3A_282 : memref<128xi32, #tpu.memory_space<vmem>>) semaphore(%arg12 : memref<!tpu.dma_semaphore, #tpu.memory_space<semaphore_mem>>) {add = true}
    %dma_wait3A_286 = arith.constant 3 : i32
    %dma_wait3A_287 = arith.constant 384 : i32
    %dma_wait3A_288 = arith.constant 0 : i32
    %dma_wait3A_289 = tpu.memref_slice %arg8[%dma_wait3A_287, %dma_wait3A_288] : memref<2816x16xf32, #tpu.memory_space<vmem>> -> memref<128x16xf32, #tpu.memory_space<vmem>>
    %dma_wait3A_290 = arith.constant 0 : i32
    %dma_wait3A_291 = tpu.memref_slice %arg6[%dma_wait3A_286, %dma_wait3A_290] : memref<22x128xi32, #tpu.memory_space<vmem>> -> memref<1x128xi32, #tpu.memory_space<vmem>>
    %dma_wait3A_292 = tpu.memref_squeeze %dma_wait3A_291 : memref<1x128xi32, #tpu.memory_space<vmem>> -> memref<128xi32, #tpu.memory_space<vmem>>
    %dma_wait3A_293 = arith.constant 0 : i32
    %dma_wait3A_294 = arith.constant 0 : i32
    %dma_wait3A_295 = tpu.memref_slice %arg2[%dma_wait3A_293, %dma_wait3A_294] : memref<100352x16xf32, #tpu.memory_space<hbm>> -> memref<100352x16xf32, #tpu.memory_space<hbm>>
    tpu.wait_indirect_dma semaphore(%arg11 : memref<!tpu.dma_semaphore, #tpu.memory_space<semaphore_mem>>) src(%dma_wait3A_295 : memref<100352x16xf32, #tpu.memory_space<hbm>>) dst(%dma_wait3A_289 : memref<128x16xf32, #tpu.memory_space<vmem>>)
    %dma_start3A_296 = arith.constant 3 : i32
    %dma_start3A_297 = arith.constant 384 : i32
    %dma_start3A_298 = arith.constant 0 : i32
    %dma_start3A_299 = tpu.memref_slice %arg8[%dma_start3A_297, %dma_start3A_298] : memref<2816x16xf32, #tpu.memory_space<vmem>> -> memref<128x16xf32, #tpu.memory_space<vmem>>
    %dma_start3A_300 = arith.constant 0 : i32
    %dma_start3A_301 = tpu.memref_slice %arg7[%dma_start3A_296, %dma_start3A_300] : memref<22x128xi32, #tpu.memory_space<vmem>> -> memref<1x128xi32, #tpu.memory_space<vmem>>
    %dma_start3A_302 = tpu.memref_squeeze %dma_start3A_301 : memref<1x128xi32, #tpu.memory_space<vmem>> -> memref<128xi32, #tpu.memory_space<vmem>>
    %dma_start3A_303 = arith.constant 0 : i32
    %dma_start3A_304 = arith.constant 0 : i32
    %dma_start3A_305 = tpu.memref_slice %arg10[%dma_start3A_303, %dma_start3A_304] : memref<9088x16xf32, #tpu.memory_space<vmem_shared>> -> memref<9088x16xf32, #tpu.memory_space<vmem_shared>>
    tpu.enqueue_indirect_dma source(%dma_start3A_299 : memref<128x16xf32, #tpu.memory_space<vmem>>) target(%dma_start3A_305 : memref<9088x16xf32, #tpu.memory_space<vmem_shared>>) offsets(%dma_start3A_302 : memref<128xi32, #tpu.memory_space<vmem>>) semaphore(%arg12 : memref<!tpu.dma_semaphore, #tpu.memory_space<semaphore_mem>>) {add = true}
    %dma_wait3A_306 = arith.constant 4 : i32
    %dma_wait3A_307 = arith.constant 512 : i32
    %dma_wait3A_308 = arith.constant 0 : i32
    %dma_wait3A_309 = tpu.memref_slice %arg8[%dma_wait3A_307, %dma_wait3A_308] : memref<2816x16xf32, #tpu.memory_space<vmem>> -> memref<128x16xf32, #tpu.memory_space<vmem>>
    %dma_wait3A_310 = arith.constant 0 : i32
    %dma_wait3A_311 = tpu.memref_slice %arg6[%dma_wait3A_306, %dma_wait3A_310] : memref<22x128xi32, #tpu.memory_space<vmem>> -> memref<1x128xi32, #tpu.memory_space<vmem>>
    %dma_wait3A_312 = tpu.memref_squeeze %dma_wait3A_311 : memref<1x128xi32, #tpu.memory_space<vmem>> -> memref<128xi32, #tpu.memory_space<vmem>>
    %dma_wait3A_313 = arith.constant 0 : i32
    %dma_wait3A_314 = arith.constant 0 : i32
    %dma_wait3A_315 = tpu.memref_slice %arg2[%dma_wait3A_313, %dma_wait3A_314] : memref<100352x16xf32, #tpu.memory_space<hbm>> -> memref<100352x16xf32, #tpu.memory_space<hbm>>
    tpu.wait_indirect_dma semaphore(%arg11 : memref<!tpu.dma_semaphore, #tpu.memory_space<semaphore_mem>>) src(%dma_wait3A_315 : memref<100352x16xf32, #tpu.memory_space<hbm>>) dst(%dma_wait3A_309 : memref<128x16xf32, #tpu.memory_space<vmem>>)
    %dma_start3A_316 = arith.constant 4 : i32
    %dma_start3A_317 = arith.constant 512 : i32
    %dma_start3A_318 = arith.constant 0 : i32
    %dma_start3A_319 = tpu.memref_slice %arg8[%dma_start3A_317, %dma_start3A_318] : memref<2816x16xf32, #tpu.memory_space<vmem>> -> memref<128x16xf32, #tpu.memory_space<vmem>>
    %dma_start3A_320 = arith.constant 0 : i32
    %dma_start3A_321 = tpu.memref_slice %arg7[%dma_start3A_316, %dma_start3A_320] : memref<22x128xi32, #tpu.memory_space<vmem>> -> memref<1x128xi32, #tpu.memory_space<vmem>>
    %dma_start3A_322 = tpu.memref_squeeze %dma_start3A_321 : memref<1x128xi32, #tpu.memory_space<vmem>> -> memref<128xi32, #tpu.memory_space<vmem>>
    %dma_start3A_323 = arith.constant 0 : i32
    %dma_start3A_324 = arith.constant 0 : i32
    %dma_start3A_325 = tpu.memref_slice %arg10[%dma_start3A_323, %dma_start3A_324] : memref<9088x16xf32, #tpu.memory_space<vmem_shared>> -> memref<9088x16xf32, #tpu.memory_space<vmem_shared>>
    tpu.enqueue_indirect_dma source(%dma_start3A_319 : memref<128x16xf32, #tpu.memory_space<vmem>>) target(%dma_start3A_325 : memref<9088x16xf32, #tpu.memory_space<vmem_shared>>) offsets(%dma_start3A_322 : memref<128xi32, #tpu.memory_space<vmem>>) semaphore(%arg12 : memref<!tpu.dma_semaphore, #tpu.memory_space<semaphore_mem>>) {add = true}
    %dma_wait3A_326 = arith.constant 5 : i32
    %dma_wait3A_327 = arith.constant 640 : i32
    %dma_wait3A_328 = arith.constant 0 : i32
    %dma_wait3A_329 = tpu.memref_slice %arg8[%dma_wait3A_327, %dma_wait3A_328] : memref<2816x16xf32, #tpu.memory_space<vmem>> -> memref<128x16xf32, #tpu.memory_space<vmem>>
    %dma_wait3A_330 = arith.constant 0 : i32
    %dma_wait3A_331 = tpu.memref_slice %arg6[%dma_wait3A_326, %dma_wait3A_330] : memref<22x128xi32, #tpu.memory_space<vmem>> -> memref<1x128xi32, #tpu.memory_space<vmem>>
    %dma_wait3A_332 = tpu.memref_squeeze %dma_wait3A_331 : memref<1x128xi32, #tpu.memory_space<vmem>> -> memref<128xi32, #tpu.memory_space<vmem>>
    %dma_wait3A_333 = arith.constant 0 : i32
    %dma_wait3A_334 = arith.constant 0 : i32
    %dma_wait3A_335 = tpu.memref_slice %arg2[%dma_wait3A_333, %dma_wait3A_334] : memref<100352x16xf32, #tpu.memory_space<hbm>> -> memref<100352x16xf32, #tpu.memory_space<hbm>>
    tpu.wait_indirect_dma semaphore(%arg11 : memref<!tpu.dma_semaphore, #tpu.memory_space<semaphore_mem>>) src(%dma_wait3A_335 : memref<100352x16xf32, #tpu.memory_space<hbm>>) dst(%dma_wait3A_329 : memref<128x16xf32, #tpu.memory_space<vmem>>)
    %dma_start3A_336 = arith.constant 5 : i32
    %dma_start3A_337 = arith.constant 640 : i32
    %dma_start3A_338 = arith.constant 0 : i32
    %dma_start3A_339 = tpu.memref_slice %arg8[%dma_start3A_337, %dma_start3A_338] : memref<2816x16xf32, #tpu.memory_space<vmem>> -> memref<128x16xf32, #tpu.memory_space<vmem>>
    %dma_start3A_340 = arith.constant 0 : i32
    %dma_start3A_341 = tpu.memref_slice %arg7[%dma_start3A_336, %dma_start3A_340] : memref<22x128xi32, #tpu.memory_space<vmem>> -> memref<1x128xi32, #tpu.memory_space<vmem>>
    %dma_start3A_342 = tpu.memref_squeeze %dma_start3A_341 : memref<1x128xi32, #tpu.memory_space<vmem>> -> memref<128xi32, #tpu.memory_space<vmem>>
    %dma_start3A_343 = arith.constant 0 : i32
    %dma_start3A_344 = arith.constant 0 : i32
    %dma_start3A_345 = tpu.memref_slice %arg10[%dma_start3A_343, %dma_start3A_344] : memref<9088x16xf32, #tpu.memory_space<vmem_shared>> -> memref<9088x16xf32, #tpu.memory_space<vmem_shared>>
    tpu.enqueue_indirect_dma source(%dma_start3A_339 : memref<128x16xf32, #tpu.memory_space<vmem>>) target(%dma_start3A_345 : memref<9088x16xf32, #tpu.memory_space<vmem_shared>>) offsets(%dma_start3A_342 : memref<128xi32, #tpu.memory_space<vmem>>) semaphore(%arg12 : memref<!tpu.dma_semaphore, #tpu.memory_space<semaphore_mem>>) {add = true}
    %dma_wait3A_346 = arith.constant 6 : i32
    %dma_wait3A_347 = arith.constant 768 : i32
    %dma_wait3A_348 = arith.constant 0 : i32
    %dma_wait3A_349 = tpu.memref_slice %arg8[%dma_wait3A_347, %dma_wait3A_348] : memref<2816x16xf32, #tpu.memory_space<vmem>> -> memref<128x16xf32, #tpu.memory_space<vmem>>
    %dma_wait3A_350 = arith.constant 0 : i32
    %dma_wait3A_351 = tpu.memref_slice %arg6[%dma_wait3A_346, %dma_wait3A_350] : memref<22x128xi32, #tpu.memory_space<vmem>> -> memref<1x128xi32, #tpu.memory_space<vmem>>
    %dma_wait3A_352 = tpu.memref_squeeze %dma_wait3A_351 : memref<1x128xi32, #tpu.memory_space<vmem>> -> memref<128xi32, #tpu.memory_space<vmem>>
    %dma_wait3A_353 = arith.constant 0 : i32
    %dma_wait3A_354 = arith.constant 0 : i32
    %dma_wait3A_355 = tpu.memref_slice %arg2[%dma_wait3A_353, %dma_wait3A_354] : memref<100352x16xf32, #tpu.memory_space<hbm>> -> memref<100352x16xf32, #tpu.memory_space<hbm>>
    tpu.wait_indirect_dma semaphore(%arg11 : memref<!tpu.dma_semaphore, #tpu.memory_space<semaphore_mem>>) src(%dma_wait3A_355 : memref<100352x16xf32, #tpu.memory_space<hbm>>) dst(%dma_wait3A_349 : memref<128x16xf32, #tpu.memory_space<vmem>>)
    %dma_start3A_356 = arith.constant 6 : i32
    %dma_start3A_357 = arith.constant 768 : i32
    %dma_start3A_358 = arith.constant 0 : i32
    %dma_start3A_359 = tpu.memref_slice %arg8[%dma_start3A_357, %dma_start3A_358] : memref<2816x16xf32, #tpu.memory_space<vmem>> -> memref<128x16xf32, #tpu.memory_space<vmem>>
    %dma_start3A_360 = arith.constant 0 : i32
    %dma_start3A_361 = tpu.memref_slice %arg7[%dma_start3A_356, %dma_start3A_360] : memref<22x128xi32, #tpu.memory_space<vmem>> -> memref<1x128xi32, #tpu.memory_space<vmem>>
    %dma_start3A_362 = tpu.memref_squeeze %dma_start3A_361 : memref<1x128xi32, #tpu.memory_space<vmem>> -> memref<128xi32, #tpu.memory_space<vmem>>
    %dma_start3A_363 = arith.constant 0 : i32
    %dma_start3A_364 = arith.constant 0 : i32
    %dma_start3A_365 = tpu.memref_slice %arg10[%dma_start3A_363, %dma_start3A_364] : memref<9088x16xf32, #tpu.memory_space<vmem_shared>> -> memref<9088x16xf32, #tpu.memory_space<vmem_shared>>
    tpu.enqueue_indirect_dma source(%dma_start3A_359 : memref<128x16xf32, #tpu.memory_space<vmem>>) target(%dma_start3A_365 : memref<9088x16xf32, #tpu.memory_space<vmem_shared>>) offsets(%dma_start3A_362 : memref<128xi32, #tpu.memory_space<vmem>>) semaphore(%arg12 : memref<!tpu.dma_semaphore, #tpu.memory_space<semaphore_mem>>) {add = true}
    %dma_wait3A_366 = arith.constant 7 : i32
    %dma_wait3A_367 = arith.constant 896 : i32
    %dma_wait3A_368 = arith.constant 0 : i32
    %dma_wait3A_369 = tpu.memref_slice %arg8[%dma_wait3A_367, %dma_wait3A_368] : memref<2816x16xf32, #tpu.memory_space<vmem>> -> memref<128x16xf32, #tpu.memory_space<vmem>>
    %dma_wait3A_370 = arith.constant 0 : i32
    %dma_wait3A_371 = tpu.memref_slice %arg6[%dma_wait3A_366, %dma_wait3A_370] : memref<22x128xi32, #tpu.memory_space<vmem>> -> memref<1x128xi32, #tpu.memory_space<vmem>>
    %dma_wait3A_372 = tpu.memref_squeeze %dma_wait3A_371 : memref<1x128xi32, #tpu.memory_space<vmem>> -> memref<128xi32, #tpu.memory_space<vmem>>
    %dma_wait3A_373 = arith.constant 0 : i32
    %dma_wait3A_374 = arith.constant 0 : i32
    %dma_wait3A_375 = tpu.memref_slice %arg2[%dma_wait3A_373, %dma_wait3A_374] : memref<100352x16xf32, #tpu.memory_space<hbm>> -> memref<100352x16xf32, #tpu.memory_space<hbm>>
    tpu.wait_indirect_dma semaphore(%arg11 : memref<!tpu.dma_semaphore, #tpu.memory_space<semaphore_mem>>) src(%dma_wait3A_375 : memref<100352x16xf32, #tpu.memory_space<hbm>>) dst(%dma_wait3A_369 : memref<128x16xf32, #tpu.memory_space<vmem>>)
    %dma_start3A_376 = arith.constant 7 : i32
    %dma_start3A_377 = arith.constant 896 : i32
    %dma_start3A_378 = arith.constant 0 : i32
    %dma_start3A_379 = tpu.memref_slice %arg8[%dma_start3A_377, %dma_start3A_378] : memref<2816x16xf32, #tpu.memory_space<vmem>> -> memref<128x16xf32, #tpu.memory_space<vmem>>
    %dma_start3A_380 = arith.constant 0 : i32
    %dma_start3A_381 = tpu.memref_slice %arg7[%dma_start3A_376, %dma_start3A_380] : memref<22x128xi32, #tpu.memory_space<vmem>> -> memref<1x128xi32, #tpu.memory_space<vmem>>
    %dma_start3A_382 = tpu.memref_squeeze %dma_start3A_381 : memref<1x128xi32, #tpu.memory_space<vmem>> -> memref<128xi32, #tpu.memory_space<vmem>>
    %dma_start3A_383 = arith.constant 0 : i32
    %dma_start3A_384 = arith.constant 0 : i32
    %dma_start3A_385 = tpu.memref_slice %arg10[%dma_start3A_383, %dma_start3A_384] : memref<9088x16xf32, #tpu.memory_space<vmem_shared>> -> memref<9088x16xf32, #tpu.memory_space<vmem_shared>>
    tpu.enqueue_indirect_dma source(%dma_start3A_379 : memref<128x16xf32, #tpu.memory_space<vmem>>) target(%dma_start3A_385 : memref<9088x16xf32, #tpu.memory_space<vmem_shared>>) offsets(%dma_start3A_382 : memref<128xi32, #tpu.memory_space<vmem>>) semaphore(%arg12 : memref<!tpu.dma_semaphore, #tpu.memory_space<semaphore_mem>>) {add = true}
    %dma_wait3A_386 = arith.constant 8 : i32
    %dma_wait3A_387 = arith.constant 1024 : i32
    %dma_wait3A_388 = arith.constant 0 : i32
    %dma_wait3A_389 = tpu.memref_slice %arg8[%dma_wait3A_387, %dma_wait3A_388] : memref<2816x16xf32, #tpu.memory_space<vmem>> -> memref<128x16xf32, #tpu.memory_space<vmem>>
    %dma_wait3A_390 = arith.constant 0 : i32
    %dma_wait3A_391 = tpu.memref_slice %arg6[%dma_wait3A_386, %dma_wait3A_390] : memref<22x128xi32, #tpu.memory_space<vmem>> -> memref<1x128xi32, #tpu.memory_space<vmem>>
    %dma_wait3A_392 = tpu.memref_squeeze %dma_wait3A_391 : memref<1x128xi32, #tpu.memory_space<vmem>> -> memref<128xi32, #tpu.memory_space<vmem>>
    %dma_wait3A_393 = arith.constant 0 : i32
    %dma_wait3A_394 = arith.constant 0 : i32
    %dma_wait3A_395 = tpu.memref_slice %arg2[%dma_wait3A_393, %dma_wait3A_394] : memref<100352x16xf32, #tpu.memory_space<hbm>> -> memref<100352x16xf32, #tpu.memory_space<hbm>>
    tpu.wait_indirect_dma semaphore(%arg11 : memref<!tpu.dma_semaphore, #tpu.memory_space<semaphore_mem>>) src(%dma_wait3A_395 : memref<100352x16xf32, #tpu.memory_space<hbm>>) dst(%dma_wait3A_389 : memref<128x16xf32, #tpu.memory_space<vmem>>)
    %dma_start3A_396 = arith.constant 8 : i32
    %dma_start3A_397 = arith.constant 1024 : i32
    %dma_start3A_398 = arith.constant 0 : i32
    %dma_start3A_399 = tpu.memref_slice %arg8[%dma_start3A_397, %dma_start3A_398] : memref<2816x16xf32, #tpu.memory_space<vmem>> -> memref<128x16xf32, #tpu.memory_space<vmem>>
    %dma_start3A_400 = arith.constant 0 : i32
    %dma_start3A_401 = tpu.memref_slice %arg7[%dma_start3A_396, %dma_start3A_400] : memref<22x128xi32, #tpu.memory_space<vmem>> -> memref<1x128xi32, #tpu.memory_space<vmem>>
    %dma_start3A_402 = tpu.memref_squeeze %dma_start3A_401 : memref<1x128xi32, #tpu.memory_space<vmem>> -> memref<128xi32, #tpu.memory_space<vmem>>
    %dma_start3A_403 = arith.constant 0 : i32
    %dma_start3A_404 = arith.constant 0 : i32
    %dma_start3A_405 = tpu.memref_slice %arg10[%dma_start3A_403, %dma_start3A_404] : memref<9088x16xf32, #tpu.memory_space<vmem_shared>> -> memref<9088x16xf32, #tpu.memory_space<vmem_shared>>
    tpu.enqueue_indirect_dma source(%dma_start3A_399 : memref<128x16xf32, #tpu.memory_space<vmem>>) target(%dma_start3A_405 : memref<9088x16xf32, #tpu.memory_space<vmem_shared>>) offsets(%dma_start3A_402 : memref<128xi32, #tpu.memory_space<vmem>>) semaphore(%arg12 : memref<!tpu.dma_semaphore, #tpu.memory_space<semaphore_mem>>) {add = true}
    %dma_wait3A_406 = arith.constant 9 : i32
    %dma_wait3A_407 = arith.constant 1152 : i32
    %dma_wait3A_408 = arith.constant 0 : i32
    %dma_wait3A_409 = tpu.memref_slice %arg8[%dma_wait3A_407, %dma_wait3A_408] : memref<2816x16xf32, #tpu.memory_space<vmem>> -> memref<128x16xf32, #tpu.memory_space<vmem>>
    %dma_wait3A_410 = arith.constant 0 : i32
    %dma_wait3A_411 = tpu.memref_slice %arg6[%dma_wait3A_406, %dma_wait3A_410] : memref<22x128xi32, #tpu.memory_space<vmem>> -> memref<1x128xi32, #tpu.memory_space<vmem>>
    %dma_wait3A_412 = tpu.memref_squeeze %dma_wait3A_411 : memref<1x128xi32, #tpu.memory_space<vmem>> -> memref<128xi32, #tpu.memory_space<vmem>>
    %dma_wait3A_413 = arith.constant 0 : i32
    %dma_wait3A_414 = arith.constant 0 : i32
    %dma_wait3A_415 = tpu.memref_slice %arg2[%dma_wait3A_413, %dma_wait3A_414] : memref<100352x16xf32, #tpu.memory_space<hbm>> -> memref<100352x16xf32, #tpu.memory_space<hbm>>
    tpu.wait_indirect_dma semaphore(%arg11 : memref<!tpu.dma_semaphore, #tpu.memory_space<semaphore_mem>>) src(%dma_wait3A_415 : memref<100352x16xf32, #tpu.memory_space<hbm>>) dst(%dma_wait3A_409 : memref<128x16xf32, #tpu.memory_space<vmem>>)
    %dma_start3A_416 = arith.constant 9 : i32
    %dma_start3A_417 = arith.constant 1152 : i32
    %dma_start3A_418 = arith.constant 0 : i32
    %dma_start3A_419 = tpu.memref_slice %arg8[%dma_start3A_417, %dma_start3A_418] : memref<2816x16xf32, #tpu.memory_space<vmem>> -> memref<128x16xf32, #tpu.memory_space<vmem>>
    %dma_start3A_420 = arith.constant 0 : i32
    %dma_start3A_421 = tpu.memref_slice %arg7[%dma_start3A_416, %dma_start3A_420] : memref<22x128xi32, #tpu.memory_space<vmem>> -> memref<1x128xi32, #tpu.memory_space<vmem>>
    %dma_start3A_422 = tpu.memref_squeeze %dma_start3A_421 : memref<1x128xi32, #tpu.memory_space<vmem>> -> memref<128xi32, #tpu.memory_space<vmem>>
    %dma_start3A_423 = arith.constant 0 : i32
    %dma_start3A_424 = arith.constant 0 : i32
    %dma_start3A_425 = tpu.memref_slice %arg10[%dma_start3A_423, %dma_start3A_424] : memref<9088x16xf32, #tpu.memory_space<vmem_shared>> -> memref<9088x16xf32, #tpu.memory_space<vmem_shared>>
    tpu.enqueue_indirect_dma source(%dma_start3A_419 : memref<128x16xf32, #tpu.memory_space<vmem>>) target(%dma_start3A_425 : memref<9088x16xf32, #tpu.memory_space<vmem_shared>>) offsets(%dma_start3A_422 : memref<128xi32, #tpu.memory_space<vmem>>) semaphore(%arg12 : memref<!tpu.dma_semaphore, #tpu.memory_space<semaphore_mem>>) {add = true}
    %dma_wait3A_426 = arith.constant 10 : i32
    %dma_wait3A_427 = arith.constant 1280 : i32
    %dma_wait3A_428 = arith.constant 0 : i32
    %dma_wait3A_429 = tpu.memref_slice %arg8[%dma_wait3A_427, %dma_wait3A_428] : memref<2816x16xf32, #tpu.memory_space<vmem>> -> memref<128x16xf32, #tpu.memory_space<vmem>>
    %dma_wait3A_430 = arith.constant 0 : i32
    %dma_wait3A_431 = tpu.memref_slice %arg6[%dma_wait3A_426, %dma_wait3A_430] : memref<22x128xi32, #tpu.memory_space<vmem>> -> memref<1x128xi32, #tpu.memory_space<vmem>>
    %dma_wait3A_432 = tpu.memref_squeeze %dma_wait3A_431 : memref<1x128xi32, #tpu.memory_space<vmem>> -> memref<128xi32, #tpu.memory_space<vmem>>
    %dma_wait3A_433 = arith.constant 0 : i32
    %dma_wait3A_434 = arith.constant 0 : i32
    %dma_wait3A_435 = tpu.memref_slice %arg2[%dma_wait3A_433, %dma_wait3A_434] : memref<100352x16xf32, #tpu.memory_space<hbm>> -> memref<100352x16xf32, #tpu.memory_space<hbm>>
    tpu.wait_indirect_dma semaphore(%arg11 : memref<!tpu.dma_semaphore, #tpu.memory_space<semaphore_mem>>) src(%dma_wait3A_435 : memref<100352x16xf32, #tpu.memory_space<hbm>>) dst(%dma_wait3A_429 : memref<128x16xf32, #tpu.memory_space<vmem>>)
    %dma_start3A_436 = arith.constant 10 : i32
    %dma_start3A_437 = arith.constant 1280 : i32
    %dma_start3A_438 = arith.constant 0 : i32
    %dma_start3A_439 = tpu.memref_slice %arg8[%dma_start3A_437, %dma_start3A_438] : memref<2816x16xf32, #tpu.memory_space<vmem>> -> memref<128x16xf32, #tpu.memory_space<vmem>>
    %dma_start3A_440 = arith.constant 0 : i32
    %dma_start3A_441 = tpu.memref_slice %arg7[%dma_start3A_436, %dma_start3A_440] : memref<22x128xi32, #tpu.memory_space<vmem>> -> memref<1x128xi32, #tpu.memory_space<vmem>>
    %dma_start3A_442 = tpu.memref_squeeze %dma_start3A_441 : memref<1x128xi32, #tpu.memory_space<vmem>> -> memref<128xi32, #tpu.memory_space<vmem>>
    %dma_start3A_443 = arith.constant 0 : i32
    %dma_start3A_444 = arith.constant 0 : i32
    %dma_start3A_445 = tpu.memref_slice %arg10[%dma_start3A_443, %dma_start3A_444] : memref<9088x16xf32, #tpu.memory_space<vmem_shared>> -> memref<9088x16xf32, #tpu.memory_space<vmem_shared>>
    tpu.enqueue_indirect_dma source(%dma_start3A_439 : memref<128x16xf32, #tpu.memory_space<vmem>>) target(%dma_start3A_445 : memref<9088x16xf32, #tpu.memory_space<vmem_shared>>) offsets(%dma_start3A_442 : memref<128xi32, #tpu.memory_space<vmem>>) semaphore(%arg12 : memref<!tpu.dma_semaphore, #tpu.memory_space<semaphore_mem>>) {add = true}
    %dma_wait3A_446 = arith.constant 11 : i32
    %dma_wait3A_447 = arith.constant 1408 : i32
    %dma_wait3A_448 = arith.constant 0 : i32
    %dma_wait3A_449 = tpu.memref_slice %arg8[%dma_wait3A_447, %dma_wait3A_448] : memref<2816x16xf32, #tpu.memory_space<vmem>> -> memref<128x16xf32, #tpu.memory_space<vmem>>
    %dma_wait3A_450 = arith.constant 0 : i32
    %dma_wait3A_451 = tpu.memref_slice %arg6[%dma_wait3A_446, %dma_wait3A_450] : memref<22x128xi32, #tpu.memory_space<vmem>> -> memref<1x128xi32, #tpu.memory_space<vmem>>
    %dma_wait3A_452 = tpu.memref_squeeze %dma_wait3A_451 : memref<1x128xi32, #tpu.memory_space<vmem>> -> memref<128xi32, #tpu.memory_space<vmem>>
    %dma_wait3A_453 = arith.constant 0 : i32
    %dma_wait3A_454 = arith.constant 0 : i32
    %dma_wait3A_455 = tpu.memref_slice %arg2[%dma_wait3A_453, %dma_wait3A_454] : memref<100352x16xf32, #tpu.memory_space<hbm>> -> memref<100352x16xf32, #tpu.memory_space<hbm>>
    tpu.wait_indirect_dma semaphore(%arg11 : memref<!tpu.dma_semaphore, #tpu.memory_space<semaphore_mem>>) src(%dma_wait3A_455 : memref<100352x16xf32, #tpu.memory_space<hbm>>) dst(%dma_wait3A_449 : memref<128x16xf32, #tpu.memory_space<vmem>>)
    %dma_start3A_456 = arith.constant 11 : i32
    %dma_start3A_457 = arith.constant 1408 : i32
    %dma_start3A_458 = arith.constant 0 : i32
    %dma_start3A_459 = tpu.memref_slice %arg8[%dma_start3A_457, %dma_start3A_458] : memref<2816x16xf32, #tpu.memory_space<vmem>> -> memref<128x16xf32, #tpu.memory_space<vmem>>
    %dma_start3A_460 = arith.constant 0 : i32
    %dma_start3A_461 = tpu.memref_slice %arg7[%dma_start3A_456, %dma_start3A_460] : memref<22x128xi32, #tpu.memory_space<vmem>> -> memref<1x128xi32, #tpu.memory_space<vmem>>
    %dma_start3A_462 = tpu.memref_squeeze %dma_start3A_461 : memref<1x128xi32, #tpu.memory_space<vmem>> -> memref<128xi32, #tpu.memory_space<vmem>>
    %dma_start3A_463 = arith.constant 0 : i32
    %dma_start3A_464 = arith.constant 0 : i32
    %dma_start3A_465 = tpu.memref_slice %arg10[%dma_start3A_463, %dma_start3A_464] : memref<9088x16xf32, #tpu.memory_space<vmem_shared>> -> memref<9088x16xf32, #tpu.memory_space<vmem_shared>>
    tpu.enqueue_indirect_dma source(%dma_start3A_459 : memref<128x16xf32, #tpu.memory_space<vmem>>) target(%dma_start3A_465 : memref<9088x16xf32, #tpu.memory_space<vmem_shared>>) offsets(%dma_start3A_462 : memref<128xi32, #tpu.memory_space<vmem>>) semaphore(%arg12 : memref<!tpu.dma_semaphore, #tpu.memory_space<semaphore_mem>>) {add = true}
    %dma_wait3A_466 = arith.constant 12 : i32
    %dma_wait3A_467 = arith.constant 1536 : i32
    %dma_wait3A_468 = arith.constant 0 : i32
    %dma_wait3A_469 = tpu.memref_slice %arg8[%dma_wait3A_467, %dma_wait3A_468] : memref<2816x16xf32, #tpu.memory_space<vmem>> -> memref<128x16xf32, #tpu.memory_space<vmem>>
    %dma_wait3A_470 = arith.constant 0 : i32
    %dma_wait3A_471 = tpu.memref_slice %arg6[%dma_wait3A_466, %dma_wait3A_470] : memref<22x128xi32, #tpu.memory_space<vmem>> -> memref<1x128xi32, #tpu.memory_space<vmem>>
    %dma_wait3A_472 = tpu.memref_squeeze %dma_wait3A_471 : memref<1x128xi32, #tpu.memory_space<vmem>> -> memref<128xi32, #tpu.memory_space<vmem>>
    %dma_wait3A_473 = arith.constant 0 : i32
    %dma_wait3A_474 = arith.constant 0 : i32
    %dma_wait3A_475 = tpu.memref_slice %arg2[%dma_wait3A_473, %dma_wait3A_474] : memref<100352x16xf32, #tpu.memory_space<hbm>> -> memref<100352x16xf32, #tpu.memory_space<hbm>>
    tpu.wait_indirect_dma semaphore(%arg11 : memref<!tpu.dma_semaphore, #tpu.memory_space<semaphore_mem>>) src(%dma_wait3A_475 : memref<100352x16xf32, #tpu.memory_space<hbm>>) dst(%dma_wait3A_469 : memref<128x16xf32, #tpu.memory_space<vmem>>)
    %dma_start3A_476 = arith.constant 12 : i32
    %dma_start3A_477 = arith.constant 1536 : i32
    %dma_start3A_478 = arith.constant 0 : i32
    %dma_start3A_479 = tpu.memref_slice %arg8[%dma_start3A_477, %dma_start3A_478] : memref<2816x16xf32, #tpu.memory_space<vmem>> -> memref<128x16xf32, #tpu.memory_space<vmem>>
    %dma_start3A_480 = arith.constant 0 : i32
    %dma_start3A_481 = tpu.memref_slice %arg7[%dma_start3A_476, %dma_start3A_480] : memref<22x128xi32, #tpu.memory_space<vmem>> -> memref<1x128xi32, #tpu.memory_space<vmem>>
    %dma_start3A_482 = tpu.memref_squeeze %dma_start3A_481 : memref<1x128xi32, #tpu.memory_space<vmem>> -> memref<128xi32, #tpu.memory_space<vmem>>
    %dma_start3A_483 = arith.constant 0 : i32
    %dma_start3A_484 = arith.constant 0 : i32
    %dma_start3A_485 = tpu.memref_slice %arg10[%dma_start3A_483, %dma_start3A_484] : memref<9088x16xf32, #tpu.memory_space<vmem_shared>> -> memref<9088x16xf32, #tpu.memory_space<vmem_shared>>
    tpu.enqueue_indirect_dma source(%dma_start3A_479 : memref<128x16xf32, #tpu.memory_space<vmem>>) target(%dma_start3A_485 : memref<9088x16xf32, #tpu.memory_space<vmem_shared>>) offsets(%dma_start3A_482 : memref<128xi32, #tpu.memory_space<vmem>>) semaphore(%arg12 : memref<!tpu.dma_semaphore, #tpu.memory_space<semaphore_mem>>) {add = true}
    %dma_wait3A_486 = arith.constant 13 : i32
    %dma_wait3A_487 = arith.constant 1664 : i32
    %dma_wait3A_488 = arith.constant 0 : i32
    %dma_wait3A_489 = tpu.memref_slice %arg8[%dma_wait3A_487, %dma_wait3A_488] : memref<2816x16xf32, #tpu.memory_space<vmem>> -> memref<128x16xf32, #tpu.memory_space<vmem>>
    %dma_wait3A_490 = arith.constant 0 : i32
    %dma_wait3A_491 = tpu.memref_slice %arg6[%dma_wait3A_486, %dma_wait3A_490] : memref<22x128xi32, #tpu.memory_space<vmem>> -> memref<1x128xi32, #tpu.memory_space<vmem>>
    %dma_wait3A_492 = tpu.memref_squeeze %dma_wait3A_491 : memref<1x128xi32, #tpu.memory_space<vmem>> -> memref<128xi32, #tpu.memory_space<vmem>>
    %dma_wait3A_493 = arith.constant 0 : i32
    %dma_wait3A_494 = arith.constant 0 : i32
    %dma_wait3A_495 = tpu.memref_slice %arg2[%dma_wait3A_493, %dma_wait3A_494] : memref<100352x16xf32, #tpu.memory_space<hbm>> -> memref<100352x16xf32, #tpu.memory_space<hbm>>
    tpu.wait_indirect_dma semaphore(%arg11 : memref<!tpu.dma_semaphore, #tpu.memory_space<semaphore_mem>>) src(%dma_wait3A_495 : memref<100352x16xf32, #tpu.memory_space<hbm>>) dst(%dma_wait3A_489 : memref<128x16xf32, #tpu.memory_space<vmem>>)
    %dma_start3A_496 = arith.constant 13 : i32
    %dma_start3A_497 = arith.constant 1664 : i32
    %dma_start3A_498 = arith.constant 0 : i32
    %dma_start3A_499 = tpu.memref_slice %arg8[%dma_start3A_497, %dma_start3A_498] : memref<2816x16xf32, #tpu.memory_space<vmem>> -> memref<128x16xf32, #tpu.memory_space<vmem>>
    %dma_start3A_500 = arith.constant 0 : i32
    %dma_start3A_501 = tpu.memref_slice %arg7[%dma_start3A_496, %dma_start3A_500] : memref<22x128xi32, #tpu.memory_space<vmem>> -> memref<1x128xi32, #tpu.memory_space<vmem>>
    %dma_start3A_502 = tpu.memref_squeeze %dma_start3A_501 : memref<1x128xi32, #tpu.memory_space<vmem>> -> memref<128xi32, #tpu.memory_space<vmem>>
    %dma_start3A_503 = arith.constant 0 : i32
    %dma_start3A_504 = arith.constant 0 : i32
    %dma_start3A_505 = tpu.memref_slice %arg10[%dma_start3A_503, %dma_start3A_504] : memref<9088x16xf32, #tpu.memory_space<vmem_shared>> -> memref<9088x16xf32, #tpu.memory_space<vmem_shared>>
    tpu.enqueue_indirect_dma source(%dma_start3A_499 : memref<128x16xf32, #tpu.memory_space<vmem>>) target(%dma_start3A_505 : memref<9088x16xf32, #tpu.memory_space<vmem_shared>>) offsets(%dma_start3A_502 : memref<128xi32, #tpu.memory_space<vmem>>) semaphore(%arg12 : memref<!tpu.dma_semaphore, #tpu.memory_space<semaphore_mem>>) {add = true}
    %dma_wait3A_506 = arith.constant 14 : i32
    %dma_wait3A_507 = arith.constant 1792 : i32
    %dma_wait3A_508 = arith.constant 0 : i32
    %dma_wait3A_509 = tpu.memref_slice %arg8[%dma_wait3A_507, %dma_wait3A_508] : memref<2816x16xf32, #tpu.memory_space<vmem>> -> memref<128x16xf32, #tpu.memory_space<vmem>>
    %dma_wait3A_510 = arith.constant 0 : i32
    %dma_wait3A_511 = tpu.memref_slice %arg6[%dma_wait3A_506, %dma_wait3A_510] : memref<22x128xi32, #tpu.memory_space<vmem>> -> memref<1x128xi32, #tpu.memory_space<vmem>>
    %dma_wait3A_512 = tpu.memref_squeeze %dma_wait3A_511 : memref<1x128xi32, #tpu.memory_space<vmem>> -> memref<128xi32, #tpu.memory_space<vmem>>
    %dma_wait3A_513 = arith.constant 0 : i32
    %dma_wait3A_514 = arith.constant 0 : i32
    %dma_wait3A_515 = tpu.memref_slice %arg2[%dma_wait3A_513, %dma_wait3A_514] : memref<100352x16xf32, #tpu.memory_space<hbm>> -> memref<100352x16xf32, #tpu.memory_space<hbm>>
    tpu.wait_indirect_dma semaphore(%arg11 : memref<!tpu.dma_semaphore, #tpu.memory_space<semaphore_mem>>) src(%dma_wait3A_515 : memref<100352x16xf32, #tpu.memory_space<hbm>>) dst(%dma_wait3A_509 : memref<128x16xf32, #tpu.memory_space<vmem>>)
    %dma_start3A_516 = arith.constant 14 : i32
    %dma_start3A_517 = arith.constant 1792 : i32
    %dma_start3A_518 = arith.constant 0 : i32
    %dma_start3A_519 = tpu.memref_slice %arg8[%dma_start3A_517, %dma_start3A_518] : memref<2816x16xf32, #tpu.memory_space<vmem>> -> memref<128x16xf32, #tpu.memory_space<vmem>>
    %dma_start3A_520 = arith.constant 0 : i32
    %dma_start3A_521 = tpu.memref_slice %arg7[%dma_start3A_516, %dma_start3A_520] : memref<22x128xi32, #tpu.memory_space<vmem>> -> memref<1x128xi32, #tpu.memory_space<vmem>>
    %dma_start3A_522 = tpu.memref_squeeze %dma_start3A_521 : memref<1x128xi32, #tpu.memory_space<vmem>> -> memref<128xi32, #tpu.memory_space<vmem>>
    %dma_start3A_523 = arith.constant 0 : i32
    %dma_start3A_524 = arith.constant 0 : i32
    %dma_start3A_525 = tpu.memref_slice %arg10[%dma_start3A_523, %dma_start3A_524] : memref<9088x16xf32, #tpu.memory_space<vmem_shared>> -> memref<9088x16xf32, #tpu.memory_space<vmem_shared>>
    tpu.enqueue_indirect_dma source(%dma_start3A_519 : memref<128x16xf32, #tpu.memory_space<vmem>>) target(%dma_start3A_525 : memref<9088x16xf32, #tpu.memory_space<vmem_shared>>) offsets(%dma_start3A_522 : memref<128xi32, #tpu.memory_space<vmem>>) semaphore(%arg12 : memref<!tpu.dma_semaphore, #tpu.memory_space<semaphore_mem>>) {add = true}
    %dma_wait3A_526 = arith.constant 15 : i32
    %dma_wait3A_527 = arith.constant 1920 : i32
    %dma_wait3A_528 = arith.constant 0 : i32
    %dma_wait3A_529 = tpu.memref_slice %arg8[%dma_wait3A_527, %dma_wait3A_528] : memref<2816x16xf32, #tpu.memory_space<vmem>> -> memref<128x16xf32, #tpu.memory_space<vmem>>
    %dma_wait3A_530 = arith.constant 0 : i32
    %dma_wait3A_531 = tpu.memref_slice %arg6[%dma_wait3A_526, %dma_wait3A_530] : memref<22x128xi32, #tpu.memory_space<vmem>> -> memref<1x128xi32, #tpu.memory_space<vmem>>
    %dma_wait3A_532 = tpu.memref_squeeze %dma_wait3A_531 : memref<1x128xi32, #tpu.memory_space<vmem>> -> memref<128xi32, #tpu.memory_space<vmem>>
    %dma_wait3A_533 = arith.constant 0 : i32
    %dma_wait3A_534 = arith.constant 0 : i32
    %dma_wait3A_535 = tpu.memref_slice %arg2[%dma_wait3A_533, %dma_wait3A_534] : memref<100352x16xf32, #tpu.memory_space<hbm>> -> memref<100352x16xf32, #tpu.memory_space<hbm>>
    tpu.wait_indirect_dma semaphore(%arg11 : memref<!tpu.dma_semaphore, #tpu.memory_space<semaphore_mem>>) src(%dma_wait3A_535 : memref<100352x16xf32, #tpu.memory_space<hbm>>) dst(%dma_wait3A_529 : memref<128x16xf32, #tpu.memory_space<vmem>>)
    %dma_start3A_536 = arith.constant 15 : i32
    %dma_start3A_537 = arith.constant 1920 : i32
    %dma_start3A_538 = arith.constant 0 : i32
    %dma_start3A_539 = tpu.memref_slice %arg8[%dma_start3A_537, %dma_start3A_538] : memref<2816x16xf32, #tpu.memory_space<vmem>> -> memref<128x16xf32, #tpu.memory_space<vmem>>
    %dma_start3A_540 = arith.constant 0 : i32
    %dma_start3A_541 = tpu.memref_slice %arg7[%dma_start3A_536, %dma_start3A_540] : memref<22x128xi32, #tpu.memory_space<vmem>> -> memref<1x128xi32, #tpu.memory_space<vmem>>
    %dma_start3A_542 = tpu.memref_squeeze %dma_start3A_541 : memref<1x128xi32, #tpu.memory_space<vmem>> -> memref<128xi32, #tpu.memory_space<vmem>>
    %dma_start3A_543 = arith.constant 0 : i32
    %dma_start3A_544 = arith.constant 0 : i32
    %dma_start3A_545 = tpu.memref_slice %arg10[%dma_start3A_543, %dma_start3A_544] : memref<9088x16xf32, #tpu.memory_space<vmem_shared>> -> memref<9088x16xf32, #tpu.memory_space<vmem_shared>>
    tpu.enqueue_indirect_dma source(%dma_start3A_539 : memref<128x16xf32, #tpu.memory_space<vmem>>) target(%dma_start3A_545 : memref<9088x16xf32, #tpu.memory_space<vmem_shared>>) offsets(%dma_start3A_542 : memref<128xi32, #tpu.memory_space<vmem>>) semaphore(%arg12 : memref<!tpu.dma_semaphore, #tpu.memory_space<semaphore_mem>>) {add = true}
    %dma_wait3A_546 = arith.constant 16 : i32
    %dma_wait3A_547 = arith.constant 2048 : i32
    %dma_wait3A_548 = arith.constant 0 : i32
    %dma_wait3A_549 = tpu.memref_slice %arg8[%dma_wait3A_547, %dma_wait3A_548] : memref<2816x16xf32, #tpu.memory_space<vmem>> -> memref<128x16xf32, #tpu.memory_space<vmem>>
    %dma_wait3A_550 = arith.constant 0 : i32
    %dma_wait3A_551 = tpu.memref_slice %arg6[%dma_wait3A_546, %dma_wait3A_550] : memref<22x128xi32, #tpu.memory_space<vmem>> -> memref<1x128xi32, #tpu.memory_space<vmem>>
    %dma_wait3A_552 = tpu.memref_squeeze %dma_wait3A_551 : memref<1x128xi32, #tpu.memory_space<vmem>> -> memref<128xi32, #tpu.memory_space<vmem>>
    %dma_wait3A_553 = arith.constant 0 : i32
    %dma_wait3A_554 = arith.constant 0 : i32
    %dma_wait3A_555 = tpu.memref_slice %arg2[%dma_wait3A_553, %dma_wait3A_554] : memref<100352x16xf32, #tpu.memory_space<hbm>> -> memref<100352x16xf32, #tpu.memory_space<hbm>>
    tpu.wait_indirect_dma semaphore(%arg11 : memref<!tpu.dma_semaphore, #tpu.memory_space<semaphore_mem>>) src(%dma_wait3A_555 : memref<100352x16xf32, #tpu.memory_space<hbm>>) dst(%dma_wait3A_549 : memref<128x16xf32, #tpu.memory_space<vmem>>)
    %dma_start3A_556 = arith.constant 16 : i32
    %dma_start3A_557 = arith.constant 2048 : i32
    %dma_start3A_558 = arith.constant 0 : i32
    %dma_start3A_559 = tpu.memref_slice %arg8[%dma_start3A_557, %dma_start3A_558] : memref<2816x16xf32, #tpu.memory_space<vmem>> -> memref<128x16xf32, #tpu.memory_space<vmem>>
    %dma_start3A_560 = arith.constant 0 : i32
    %dma_start3A_561 = tpu.memref_slice %arg7[%dma_start3A_556, %dma_start3A_560] : memref<22x128xi32, #tpu.memory_space<vmem>> -> memref<1x128xi32, #tpu.memory_space<vmem>>
    %dma_start3A_562 = tpu.memref_squeeze %dma_start3A_561 : memref<1x128xi32, #tpu.memory_space<vmem>> -> memref<128xi32, #tpu.memory_space<vmem>>
    %dma_start3A_563 = arith.constant 0 : i32
    %dma_start3A_564 = arith.constant 0 : i32
    %dma_start3A_565 = tpu.memref_slice %arg10[%dma_start3A_563, %dma_start3A_564] : memref<9088x16xf32, #tpu.memory_space<vmem_shared>> -> memref<9088x16xf32, #tpu.memory_space<vmem_shared>>
    tpu.enqueue_indirect_dma source(%dma_start3A_559 : memref<128x16xf32, #tpu.memory_space<vmem>>) target(%dma_start3A_565 : memref<9088x16xf32, #tpu.memory_space<vmem_shared>>) offsets(%dma_start3A_562 : memref<128xi32, #tpu.memory_space<vmem>>) semaphore(%arg12 : memref<!tpu.dma_semaphore, #tpu.memory_space<semaphore_mem>>) {add = true}
    %dma_wait3A_566 = arith.constant 17 : i32
    %dma_wait3A_567 = arith.constant 2176 : i32
    %dma_wait3A_568 = arith.constant 0 : i32
    %dma_wait3A_569 = tpu.memref_slice %arg8[%dma_wait3A_567, %dma_wait3A_568] : memref<2816x16xf32, #tpu.memory_space<vmem>> -> memref<128x16xf32, #tpu.memory_space<vmem>>
    %dma_wait3A_570 = arith.constant 0 : i32
    %dma_wait3A_571 = tpu.memref_slice %arg6[%dma_wait3A_566, %dma_wait3A_570] : memref<22x128xi32, #tpu.memory_space<vmem>> -> memref<1x128xi32, #tpu.memory_space<vmem>>
    %dma_wait3A_572 = tpu.memref_squeeze %dma_wait3A_571 : memref<1x128xi32, #tpu.memory_space<vmem>> -> memref<128xi32, #tpu.memory_space<vmem>>
    %dma_wait3A_573 = arith.constant 0 : i32
    %dma_wait3A_574 = arith.constant 0 : i32
    %dma_wait3A_575 = tpu.memref_slice %arg2[%dma_wait3A_573, %dma_wait3A_574] : memref<100352x16xf32, #tpu.memory_space<hbm>> -> memref<100352x16xf32, #tpu.memory_space<hbm>>
    tpu.wait_indirect_dma semaphore(%arg11 : memref<!tpu.dma_semaphore, #tpu.memory_space<semaphore_mem>>) src(%dma_wait3A_575 : memref<100352x16xf32, #tpu.memory_space<hbm>>) dst(%dma_wait3A_569 : memref<128x16xf32, #tpu.memory_space<vmem>>)
    %dma_start3A_576 = arith.constant 17 : i32
    %dma_start3A_577 = arith.constant 2176 : i32
    %dma_start3A_578 = arith.constant 0 : i32
    %dma_start3A_579 = tpu.memref_slice %arg8[%dma_start3A_577, %dma_start3A_578] : memref<2816x16xf32, #tpu.memory_space<vmem>> -> memref<128x16xf32, #tpu.memory_space<vmem>>
    %dma_start3A_580 = arith.constant 0 : i32
    %dma_start3A_581 = tpu.memref_slice %arg7[%dma_start3A_576, %dma_start3A_580] : memref<22x128xi32, #tpu.memory_space<vmem>> -> memref<1x128xi32, #tpu.memory_space<vmem>>
    %dma_start3A_582 = tpu.memref_squeeze %dma_start3A_581 : memref<1x128xi32, #tpu.memory_space<vmem>> -> memref<128xi32, #tpu.memory_space<vmem>>
    %dma_start3A_583 = arith.constant 0 : i32
    %dma_start3A_584 = arith.constant 0 : i32
    %dma_start3A_585 = tpu.memref_slice %arg10[%dma_start3A_583, %dma_start3A_584] : memref<9088x16xf32, #tpu.memory_space<vmem_shared>> -> memref<9088x16xf32, #tpu.memory_space<vmem_shared>>
    tpu.enqueue_indirect_dma source(%dma_start3A_579 : memref<128x16xf32, #tpu.memory_space<vmem>>) target(%dma_start3A_585 : memref<9088x16xf32, #tpu.memory_space<vmem_shared>>) offsets(%dma_start3A_582 : memref<128xi32, #tpu.memory_space<vmem>>) semaphore(%arg12 : memref<!tpu.dma_semaphore, #tpu.memory_space<semaphore_mem>>) {add = true}
    %dma_wait3A_586 = arith.constant 18 : i32
    %dma_wait3A_587 = arith.constant 2304 : i32
    %dma_wait3A_588 = arith.constant 0 : i32
    %dma_wait3A_589 = tpu.memref_slice %arg8[%dma_wait3A_587, %dma_wait3A_588] : memref<2816x16xf32, #tpu.memory_space<vmem>> -> memref<128x16xf32, #tpu.memory_space<vmem>>
    %dma_wait3A_590 = arith.constant 0 : i32
    %dma_wait3A_591 = tpu.memref_slice %arg6[%dma_wait3A_586, %dma_wait3A_590] : memref<22x128xi32, #tpu.memory_space<vmem>> -> memref<1x128xi32, #tpu.memory_space<vmem>>
    %dma_wait3A_592 = tpu.memref_squeeze %dma_wait3A_591 : memref<1x128xi32, #tpu.memory_space<vmem>> -> memref<128xi32, #tpu.memory_space<vmem>>
    %dma_wait3A_593 = arith.constant 0 : i32
    %dma_wait3A_594 = arith.constant 0 : i32
    %dma_wait3A_595 = tpu.memref_slice %arg2[%dma_wait3A_593, %dma_wait3A_594] : memref<100352x16xf32, #tpu.memory_space<hbm>> -> memref<100352x16xf32, #tpu.memory_space<hbm>>
    tpu.wait_indirect_dma semaphore(%arg11 : memref<!tpu.dma_semaphore, #tpu.memory_space<semaphore_mem>>) src(%dma_wait3A_595 : memref<100352x16xf32, #tpu.memory_space<hbm>>) dst(%dma_wait3A_589 : memref<128x16xf32, #tpu.memory_space<vmem>>)
    %dma_start3A_596 = arith.constant 18 : i32
    %dma_start3A_597 = arith.constant 2304 : i32
    %dma_start3A_598 = arith.constant 0 : i32
    %dma_start3A_599 = tpu.memref_slice %arg8[%dma_start3A_597, %dma_start3A_598] : memref<2816x16xf32, #tpu.memory_space<vmem>> -> memref<128x16xf32, #tpu.memory_space<vmem>>
    %dma_start3A_600 = arith.constant 0 : i32
    %dma_start3A_601 = tpu.memref_slice %arg7[%dma_start3A_596, %dma_start3A_600] : memref<22x128xi32, #tpu.memory_space<vmem>> -> memref<1x128xi32, #tpu.memory_space<vmem>>
    %dma_start3A_602 = tpu.memref_squeeze %dma_start3A_601 : memref<1x128xi32, #tpu.memory_space<vmem>> -> memref<128xi32, #tpu.memory_space<vmem>>
    %dma_start3A_603 = arith.constant 0 : i32
    %dma_start3A_604 = arith.constant 0 : i32
    %dma_start3A_605 = tpu.memref_slice %arg10[%dma_start3A_603, %dma_start3A_604] : memref<9088x16xf32, #tpu.memory_space<vmem_shared>> -> memref<9088x16xf32, #tpu.memory_space<vmem_shared>>
    tpu.enqueue_indirect_dma source(%dma_start3A_599 : memref<128x16xf32, #tpu.memory_space<vmem>>) target(%dma_start3A_605 : memref<9088x16xf32, #tpu.memory_space<vmem_shared>>) offsets(%dma_start3A_602 : memref<128xi32, #tpu.memory_space<vmem>>) semaphore(%arg12 : memref<!tpu.dma_semaphore, #tpu.memory_space<semaphore_mem>>) {add = true}
    %dma_wait3A_606 = arith.constant 19 : i32
    %dma_wait3A_607 = arith.constant 2432 : i32
    %dma_wait3A_608 = arith.constant 0 : i32
    %dma_wait3A_609 = tpu.memref_slice %arg8[%dma_wait3A_607, %dma_wait3A_608] : memref<2816x16xf32, #tpu.memory_space<vmem>> -> memref<128x16xf32, #tpu.memory_space<vmem>>
    %dma_wait3A_610 = arith.constant 0 : i32
    %dma_wait3A_611 = tpu.memref_slice %arg6[%dma_wait3A_606, %dma_wait3A_610] : memref<22x128xi32, #tpu.memory_space<vmem>> -> memref<1x128xi32, #tpu.memory_space<vmem>>
    %dma_wait3A_612 = tpu.memref_squeeze %dma_wait3A_611 : memref<1x128xi32, #tpu.memory_space<vmem>> -> memref<128xi32, #tpu.memory_space<vmem>>
    %dma_wait3A_613 = arith.constant 0 : i32
    %dma_wait3A_614 = arith.constant 0 : i32
    %dma_wait3A_615 = tpu.memref_slice %arg2[%dma_wait3A_613, %dma_wait3A_614] : memref<100352x16xf32, #tpu.memory_space<hbm>> -> memref<100352x16xf32, #tpu.memory_space<hbm>>
    tpu.wait_indirect_dma semaphore(%arg11 : memref<!tpu.dma_semaphore, #tpu.memory_space<semaphore_mem>>) src(%dma_wait3A_615 : memref<100352x16xf32, #tpu.memory_space<hbm>>) dst(%dma_wait3A_609 : memref<128x16xf32, #tpu.memory_space<vmem>>)
    %dma_start3A_616 = arith.constant 19 : i32
    %dma_start3A_617 = arith.constant 2432 : i32
    %dma_start3A_618 = arith.constant 0 : i32
    %dma_start3A_619 = tpu.memref_slice %arg8[%dma_start3A_617, %dma_start3A_618] : memref<2816x16xf32, #tpu.memory_space<vmem>> -> memref<128x16xf32, #tpu.memory_space<vmem>>
    %dma_start3A_620 = arith.constant 0 : i32
    %dma_start3A_621 = tpu.memref_slice %arg7[%dma_start3A_616, %dma_start3A_620] : memref<22x128xi32, #tpu.memory_space<vmem>> -> memref<1x128xi32, #tpu.memory_space<vmem>>
    %dma_start3A_622 = tpu.memref_squeeze %dma_start3A_621 : memref<1x128xi32, #tpu.memory_space<vmem>> -> memref<128xi32, #tpu.memory_space<vmem>>
    %dma_start3A_623 = arith.constant 0 : i32
    %dma_start3A_624 = arith.constant 0 : i32
    %dma_start3A_625 = tpu.memref_slice %arg10[%dma_start3A_623, %dma_start3A_624] : memref<9088x16xf32, #tpu.memory_space<vmem_shared>> -> memref<9088x16xf32, #tpu.memory_space<vmem_shared>>
    tpu.enqueue_indirect_dma source(%dma_start3A_619 : memref<128x16xf32, #tpu.memory_space<vmem>>) target(%dma_start3A_625 : memref<9088x16xf32, #tpu.memory_space<vmem_shared>>) offsets(%dma_start3A_622 : memref<128xi32, #tpu.memory_space<vmem>>) semaphore(%arg12 : memref<!tpu.dma_semaphore, #tpu.memory_space<semaphore_mem>>) {add = true}
    %dma_wait3A_626 = arith.constant 20 : i32
    %dma_wait3A_627 = arith.constant 2560 : i32
    %dma_wait3A_628 = arith.constant 0 : i32
    %dma_wait3A_629 = tpu.memref_slice %arg8[%dma_wait3A_627, %dma_wait3A_628] : memref<2816x16xf32, #tpu.memory_space<vmem>> -> memref<128x16xf32, #tpu.memory_space<vmem>>
    %dma_wait3A_630 = arith.constant 0 : i32
    %dma_wait3A_631 = tpu.memref_slice %arg6[%dma_wait3A_626, %dma_wait3A_630] : memref<22x128xi32, #tpu.memory_space<vmem>> -> memref<1x128xi32, #tpu.memory_space<vmem>>
    %dma_wait3A_632 = tpu.memref_squeeze %dma_wait3A_631 : memref<1x128xi32, #tpu.memory_space<vmem>> -> memref<128xi32, #tpu.memory_space<vmem>>
    %dma_wait3A_633 = arith.constant 0 : i32
    %dma_wait3A_634 = arith.constant 0 : i32
    %dma_wait3A_635 = tpu.memref_slice %arg2[%dma_wait3A_633, %dma_wait3A_634] : memref<100352x16xf32, #tpu.memory_space<hbm>> -> memref<100352x16xf32, #tpu.memory_space<hbm>>
    tpu.wait_indirect_dma semaphore(%arg11 : memref<!tpu.dma_semaphore, #tpu.memory_space<semaphore_mem>>) src(%dma_wait3A_635 : memref<100352x16xf32, #tpu.memory_space<hbm>>) dst(%dma_wait3A_629 : memref<128x16xf32, #tpu.memory_space<vmem>>)
    %dma_start3A_636 = arith.constant 20 : i32
    %dma_start3A_637 = arith.constant 2560 : i32
    %dma_start3A_638 = arith.constant 0 : i32
    %dma_start3A_639 = tpu.memref_slice %arg8[%dma_start3A_637, %dma_start3A_638] : memref<2816x16xf32, #tpu.memory_space<vmem>> -> memref<128x16xf32, #tpu.memory_space<vmem>>
    %dma_start3A_640 = arith.constant 0 : i32
    %dma_start3A_641 = tpu.memref_slice %arg7[%dma_start3A_636, %dma_start3A_640] : memref<22x128xi32, #tpu.memory_space<vmem>> -> memref<1x128xi32, #tpu.memory_space<vmem>>
    %dma_start3A_642 = tpu.memref_squeeze %dma_start3A_641 : memref<1x128xi32, #tpu.memory_space<vmem>> -> memref<128xi32, #tpu.memory_space<vmem>>
    %dma_start3A_643 = arith.constant 0 : i32
    %dma_start3A_644 = arith.constant 0 : i32
    %dma_start3A_645 = tpu.memref_slice %arg10[%dma_start3A_643, %dma_start3A_644] : memref<9088x16xf32, #tpu.memory_space<vmem_shared>> -> memref<9088x16xf32, #tpu.memory_space<vmem_shared>>
    tpu.enqueue_indirect_dma source(%dma_start3A_639 : memref<128x16xf32, #tpu.memory_space<vmem>>) target(%dma_start3A_645 : memref<9088x16xf32, #tpu.memory_space<vmem_shared>>) offsets(%dma_start3A_642 : memref<128xi32, #tpu.memory_space<vmem>>) semaphore(%arg12 : memref<!tpu.dma_semaphore, #tpu.memory_space<semaphore_mem>>) {add = true}
    %dma_wait3A_646 = arith.constant 21 : i32
    %dma_wait3A_647 = arith.constant 2688 : i32
    %dma_wait3A_648 = arith.constant 0 : i32
    %dma_wait3A_649 = tpu.memref_slice %arg8[%dma_wait3A_647, %dma_wait3A_648] : memref<2816x16xf32, #tpu.memory_space<vmem>> -> memref<128x16xf32, #tpu.memory_space<vmem>>
    %dma_wait3A_650 = arith.constant 0 : i32
    %dma_wait3A_651 = tpu.memref_slice %arg6[%dma_wait3A_646, %dma_wait3A_650] : memref<22x128xi32, #tpu.memory_space<vmem>> -> memref<1x128xi32, #tpu.memory_space<vmem>>
    %dma_wait3A_652 = tpu.memref_squeeze %dma_wait3A_651 : memref<1x128xi32, #tpu.memory_space<vmem>> -> memref<128xi32, #tpu.memory_space<vmem>>
    %dma_wait3A_653 = arith.constant 0 : i32
    %dma_wait3A_654 = arith.constant 0 : i32
    %dma_wait3A_655 = tpu.memref_slice %arg2[%dma_wait3A_653, %dma_wait3A_654] : memref<100352x16xf32, #tpu.memory_space<hbm>> -> memref<100352x16xf32, #tpu.memory_space<hbm>>
    tpu.wait_indirect_dma semaphore(%arg11 : memref<!tpu.dma_semaphore, #tpu.memory_space<semaphore_mem>>) src(%dma_wait3A_655 : memref<100352x16xf32, #tpu.memory_space<hbm>>) dst(%dma_wait3A_649 : memref<128x16xf32, #tpu.memory_space<vmem>>)
    %dma_start3A_656 = arith.constant 21 : i32
    %dma_start3A_657 = arith.constant 2688 : i32
    %dma_start3A_658 = arith.constant 0 : i32
    %dma_start3A_659 = tpu.memref_slice %arg8[%dma_start3A_657, %dma_start3A_658] : memref<2816x16xf32, #tpu.memory_space<vmem>> -> memref<128x16xf32, #tpu.memory_space<vmem>>
    %dma_start3A_660 = arith.constant 0 : i32
    %dma_start3A_661 = tpu.memref_slice %arg7[%dma_start3A_656, %dma_start3A_660] : memref<22x128xi32, #tpu.memory_space<vmem>> -> memref<1x128xi32, #tpu.memory_space<vmem>>
    %dma_start3A_662 = tpu.memref_squeeze %dma_start3A_661 : memref<1x128xi32, #tpu.memory_space<vmem>> -> memref<128xi32, #tpu.memory_space<vmem>>
    %dma_start3A_663 = arith.constant 0 : i32
    %dma_start3A_664 = arith.constant 0 : i32
    %dma_start3A_665 = tpu.memref_slice %arg10[%dma_start3A_663, %dma_start3A_664] : memref<9088x16xf32, #tpu.memory_space<vmem_shared>> -> memref<9088x16xf32, #tpu.memory_space<vmem_shared>>
    tpu.enqueue_indirect_dma source(%dma_start3A_659 : memref<128x16xf32, #tpu.memory_space<vmem>>) target(%dma_start3A_665 : memref<9088x16xf32, #tpu.memory_space<vmem_shared>>) offsets(%dma_start3A_662 : memref<128xi32, #tpu.memory_space<vmem>>) semaphore(%arg12 : memref<!tpu.dma_semaphore, #tpu.memory_space<semaphore_mem>>) {add = true}
    %dma_wait3A_666 = arith.constant 0 : i32
    %dma_wait3A_667 = arith.constant 0 : i32
    %dma_wait3A_668 = arith.constant 0 : i32
    %dma_wait3A_669 = tpu.memref_slice %arg8[%dma_wait3A_667, %dma_wait3A_668] : memref<2816x16xf32, #tpu.memory_space<vmem>> -> memref<128x16xf32, #tpu.memory_space<vmem>>
    %dma_wait3A_670 = arith.constant 0 : i32
    %dma_wait3A_671 = tpu.memref_slice %arg7[%dma_wait3A_666, %dma_wait3A_670] : memref<22x128xi32, #tpu.memory_space<vmem>> -> memref<1x128xi32, #tpu.memory_space<vmem>>
    %dma_wait3A_672 = tpu.memref_squeeze %dma_wait3A_671 : memref<1x128xi32, #tpu.memory_space<vmem>> -> memref<128xi32, #tpu.memory_space<vmem>>
    %dma_wait3A_673 = arith.constant 0 : i32
    %dma_wait3A_674 = arith.constant 0 : i32
    %dma_wait3A_675 = tpu.memref_slice %arg10[%dma_wait3A_673, %dma_wait3A_674] : memref<9088x16xf32, #tpu.memory_space<vmem_shared>> -> memref<9088x16xf32, #tpu.memory_space<vmem_shared>>
    tpu.wait_indirect_dma semaphore(%arg12 : memref<!tpu.dma_semaphore, #tpu.memory_space<semaphore_mem>>) src(%dma_wait3A_669 : memref<128x16xf32, #tpu.memory_space<vmem>>) dst(%dma_wait3A_675 : memref<9088x16xf32, #tpu.memory_space<vmem_shared>>)
    %dma_wait3A_676 = arith.constant 1 : i32
    %dma_wait3A_677 = arith.constant 128 : i32
    %dma_wait3A_678 = arith.constant 0 : i32
    %dma_wait3A_679 = tpu.memref_slice %arg8[%dma_wait3A_677, %dma_wait3A_678] : memref<2816x16xf32, #tpu.memory_space<vmem>> -> memref<128x16xf32, #tpu.memory_space<vmem>>
    %dma_wait3A_680 = arith.constant 0 : i32
    %dma_wait3A_681 = tpu.memref_slice %arg7[%dma_wait3A_676, %dma_wait3A_680] : memref<22x128xi32, #tpu.memory_space<vmem>> -> memref<1x128xi32, #tpu.memory_space<vmem>>
    %dma_wait3A_682 = tpu.memref_squeeze %dma_wait3A_681 : memref<1x128xi32, #tpu.memory_space<vmem>> -> memref<128xi32, #tpu.memory_space<vmem>>
    %dma_wait3A_683 = arith.constant 0 : i32
    %dma_wait3A_684 = arith.constant 0 : i32
    %dma_wait3A_685 = tpu.memref_slice %arg10[%dma_wait3A_683, %dma_wait3A_684] : memref<9088x16xf32, #tpu.memory_space<vmem_shared>> -> memref<9088x16xf32, #tpu.memory_space<vmem_shared>>
    tpu.wait_indirect_dma semaphore(%arg12 : memref<!tpu.dma_semaphore, #tpu.memory_space<semaphore_mem>>) src(%dma_wait3A_679 : memref<128x16xf32, #tpu.memory_space<vmem>>) dst(%dma_wait3A_685 : memref<9088x16xf32, #tpu.memory_space<vmem_shared>>)
    %dma_wait3A_686 = arith.constant 2 : i32
    %dma_wait3A_687 = arith.constant 256 : i32
    %dma_wait3A_688 = arith.constant 0 : i32
    %dma_wait3A_689 = tpu.memref_slice %arg8[%dma_wait3A_687, %dma_wait3A_688] : memref<2816x16xf32, #tpu.memory_space<vmem>> -> memref<128x16xf32, #tpu.memory_space<vmem>>
    %dma_wait3A_690 = arith.constant 0 : i32
    %dma_wait3A_691 = tpu.memref_slice %arg7[%dma_wait3A_686, %dma_wait3A_690] : memref<22x128xi32, #tpu.memory_space<vmem>> -> memref<1x128xi32, #tpu.memory_space<vmem>>
    %dma_wait3A_692 = tpu.memref_squeeze %dma_wait3A_691 : memref<1x128xi32, #tpu.memory_space<vmem>> -> memref<128xi32, #tpu.memory_space<vmem>>
    %dma_wait3A_693 = arith.constant 0 : i32
    %dma_wait3A_694 = arith.constant 0 : i32
    %dma_wait3A_695 = tpu.memref_slice %arg10[%dma_wait3A_693, %dma_wait3A_694] : memref<9088x16xf32, #tpu.memory_space<vmem_shared>> -> memref<9088x16xf32, #tpu.memory_space<vmem_shared>>
    tpu.wait_indirect_dma semaphore(%arg12 : memref<!tpu.dma_semaphore, #tpu.memory_space<semaphore_mem>>) src(%dma_wait3A_689 : memref<128x16xf32, #tpu.memory_space<vmem>>) dst(%dma_wait3A_695 : memref<9088x16xf32, #tpu.memory_space<vmem_shared>>)
    %dma_wait3A_696 = arith.constant 3 : i32
    %dma_wait3A_697 = arith.constant 384 : i32
    %dma_wait3A_698 = arith.constant 0 : i32
    %dma_wait3A_699 = tpu.memref_slice %arg8[%dma_wait3A_697, %dma_wait3A_698] : memref<2816x16xf32, #tpu.memory_space<vmem>> -> memref<128x16xf32, #tpu.memory_space<vmem>>
    %dma_wait3A_700 = arith.constant 0 : i32
    %dma_wait3A_701 = tpu.memref_slice %arg7[%dma_wait3A_696, %dma_wait3A_700] : memref<22x128xi32, #tpu.memory_space<vmem>> -> memref<1x128xi32, #tpu.memory_space<vmem>>
    %dma_wait3A_702 = tpu.memref_squeeze %dma_wait3A_701 : memref<1x128xi32, #tpu.memory_space<vmem>> -> memref<128xi32, #tpu.memory_space<vmem>>
    %dma_wait3A_703 = arith.constant 0 : i32
    %dma_wait3A_704 = arith.constant 0 : i32
    %dma_wait3A_705 = tpu.memref_slice %arg10[%dma_wait3A_703, %dma_wait3A_704] : memref<9088x16xf32, #tpu.memory_space<vmem_shared>> -> memref<9088x16xf32, #tpu.memory_space<vmem_shared>>
    tpu.wait_indirect_dma semaphore(%arg12 : memref<!tpu.dma_semaphore, #tpu.memory_space<semaphore_mem>>) src(%dma_wait3A_699 : memref<128x16xf32, #tpu.memory_space<vmem>>) dst(%dma_wait3A_705 : memref<9088x16xf32, #tpu.memory_space<vmem_shared>>)
    %dma_wait3A_706 = arith.constant 4 : i32
    %dma_wait3A_707 = arith.constant 512 : i32
    %dma_wait3A_708 = arith.constant 0 : i32
    %dma_wait3A_709 = tpu.memref_slice %arg8[%dma_wait3A_707, %dma_wait3A_708] : memref<2816x16xf32, #tpu.memory_space<vmem>> -> memref<128x16xf32, #tpu.memory_space<vmem>>
    %dma_wait3A_710 = arith.constant 0 : i32
    %dma_wait3A_711 = tpu.memref_slice %arg7[%dma_wait3A_706, %dma_wait3A_710] : memref<22x128xi32, #tpu.memory_space<vmem>> -> memref<1x128xi32, #tpu.memory_space<vmem>>
    %dma_wait3A_712 = tpu.memref_squeeze %dma_wait3A_711 : memref<1x128xi32, #tpu.memory_space<vmem>> -> memref<128xi32, #tpu.memory_space<vmem>>
    %dma_wait3A_713 = arith.constant 0 : i32
    %dma_wait3A_714 = arith.constant 0 : i32
    %dma_wait3A_715 = tpu.memref_slice %arg10[%dma_wait3A_713, %dma_wait3A_714] : memref<9088x16xf32, #tpu.memory_space<vmem_shared>> -> memref<9088x16xf32, #tpu.memory_space<vmem_shared>>
    tpu.wait_indirect_dma semaphore(%arg12 : memref<!tpu.dma_semaphore, #tpu.memory_space<semaphore_mem>>) src(%dma_wait3A_709 : memref<128x16xf32, #tpu.memory_space<vmem>>) dst(%dma_wait3A_715 : memref<9088x16xf32, #tpu.memory_space<vmem_shared>>)
    %dma_wait3A_716 = arith.constant 5 : i32
    %dma_wait3A_717 = arith.constant 640 : i32
    %dma_wait3A_718 = arith.constant 0 : i32
    %dma_wait3A_719 = tpu.memref_slice %arg8[%dma_wait3A_717, %dma_wait3A_718] : memref<2816x16xf32, #tpu.memory_space<vmem>> -> memref<128x16xf32, #tpu.memory_space<vmem>>
    %dma_wait3A_720 = arith.constant 0 : i32
    %dma_wait3A_721 = tpu.memref_slice %arg7[%dma_wait3A_716, %dma_wait3A_720] : memref<22x128xi32, #tpu.memory_space<vmem>> -> memref<1x128xi32, #tpu.memory_space<vmem>>
    %dma_wait3A_722 = tpu.memref_squeeze %dma_wait3A_721 : memref<1x128xi32, #tpu.memory_space<vmem>> -> memref<128xi32, #tpu.memory_space<vmem>>
    %dma_wait3A_723 = arith.constant 0 : i32
    %dma_wait3A_724 = arith.constant 0 : i32
    %dma_wait3A_725 = tpu.memref_slice %arg10[%dma_wait3A_723, %dma_wait3A_724] : memref<9088x16xf32, #tpu.memory_space<vmem_shared>> -> memref<9088x16xf32, #tpu.memory_space<vmem_shared>>
    tpu.wait_indirect_dma semaphore(%arg12 : memref<!tpu.dma_semaphore, #tpu.memory_space<semaphore_mem>>) src(%dma_wait3A_719 : memref<128x16xf32, #tpu.memory_space<vmem>>) dst(%dma_wait3A_725 : memref<9088x16xf32, #tpu.memory_space<vmem_shared>>)
    %dma_wait3A_726 = arith.constant 6 : i32
    %dma_wait3A_727 = arith.constant 768 : i32
    %dma_wait3A_728 = arith.constant 0 : i32
    %dma_wait3A_729 = tpu.memref_slice %arg8[%dma_wait3A_727, %dma_wait3A_728] : memref<2816x16xf32, #tpu.memory_space<vmem>> -> memref<128x16xf32, #tpu.memory_space<vmem>>
    %dma_wait3A_730 = arith.constant 0 : i32
    %dma_wait3A_731 = tpu.memref_slice %arg7[%dma_wait3A_726, %dma_wait3A_730] : memref<22x128xi32, #tpu.memory_space<vmem>> -> memref<1x128xi32, #tpu.memory_space<vmem>>
    %dma_wait3A_732 = tpu.memref_squeeze %dma_wait3A_731 : memref<1x128xi32, #tpu.memory_space<vmem>> -> memref<128xi32, #tpu.memory_space<vmem>>
    %dma_wait3A_733 = arith.constant 0 : i32
    %dma_wait3A_734 = arith.constant 0 : i32
    %dma_wait3A_735 = tpu.memref_slice %arg10[%dma_wait3A_733, %dma_wait3A_734] : memref<9088x16xf32, #tpu.memory_space<vmem_shared>> -> memref<9088x16xf32, #tpu.memory_space<vmem_shared>>
    tpu.wait_indirect_dma semaphore(%arg12 : memref<!tpu.dma_semaphore, #tpu.memory_space<semaphore_mem>>) src(%dma_wait3A_729 : memref<128x16xf32, #tpu.memory_space<vmem>>) dst(%dma_wait3A_735 : memref<9088x16xf32, #tpu.memory_space<vmem_shared>>)
    %dma_wait3A_736 = arith.constant 7 : i32
    %dma_wait3A_737 = arith.constant 896 : i32
    %dma_wait3A_738 = arith.constant 0 : i32
    %dma_wait3A_739 = tpu.memref_slice %arg8[%dma_wait3A_737, %dma_wait3A_738] : memref<2816x16xf32, #tpu.memory_space<vmem>> -> memref<128x16xf32, #tpu.memory_space<vmem>>
    %dma_wait3A_740 = arith.constant 0 : i32
    %dma_wait3A_741 = tpu.memref_slice %arg7[%dma_wait3A_736, %dma_wait3A_740] : memref<22x128xi32, #tpu.memory_space<vmem>> -> memref<1x128xi32, #tpu.memory_space<vmem>>
    %dma_wait3A_742 = tpu.memref_squeeze %dma_wait3A_741 : memref<1x128xi32, #tpu.memory_space<vmem>> -> memref<128xi32, #tpu.memory_space<vmem>>
    %dma_wait3A_743 = arith.constant 0 : i32
    %dma_wait3A_744 = arith.constant 0 : i32
    %dma_wait3A_745 = tpu.memref_slice %arg10[%dma_wait3A_743, %dma_wait3A_744] : memref<9088x16xf32, #tpu.memory_space<vmem_shared>> -> memref<9088x16xf32, #tpu.memory_space<vmem_shared>>
    tpu.wait_indirect_dma semaphore(%arg12 : memref<!tpu.dma_semaphore, #tpu.memory_space<semaphore_mem>>) src(%dma_wait3A_739 : memref<128x16xf32, #tpu.memory_space<vmem>>) dst(%dma_wait3A_745 : memref<9088x16xf32, #tpu.memory_space<vmem_shared>>)
    %dma_wait3A_746 = arith.constant 8 : i32
    %dma_wait3A_747 = arith.constant 1024 : i32
    %dma_wait3A_748 = arith.constant 0 : i32
    %dma_wait3A_749 = tpu.memref_slice %arg8[%dma_wait3A_747, %dma_wait3A_748] : memref<2816x16xf32, #tpu.memory_space<vmem>> -> memref<128x16xf32, #tpu.memory_space<vmem>>
    %dma_wait3A_750 = arith.constant 0 : i32
    %dma_wait3A_751 = tpu.memref_slice %arg7[%dma_wait3A_746, %dma_wait3A_750] : memref<22x128xi32, #tpu.memory_space<vmem>> -> memref<1x128xi32, #tpu.memory_space<vmem>>
    %dma_wait3A_752 = tpu.memref_squeeze %dma_wait3A_751 : memref<1x128xi32, #tpu.memory_space<vmem>> -> memref<128xi32, #tpu.memory_space<vmem>>
    %dma_wait3A_753 = arith.constant 0 : i32
    %dma_wait3A_754 = arith.constant 0 : i32
    %dma_wait3A_755 = tpu.memref_slice %arg10[%dma_wait3A_753, %dma_wait3A_754] : memref<9088x16xf32, #tpu.memory_space<vmem_shared>> -> memref<9088x16xf32, #tpu.memory_space<vmem_shared>>
    tpu.wait_indirect_dma semaphore(%arg12 : memref<!tpu.dma_semaphore, #tpu.memory_space<semaphore_mem>>) src(%dma_wait3A_749 : memref<128x16xf32, #tpu.memory_space<vmem>>) dst(%dma_wait3A_755 : memref<9088x16xf32, #tpu.memory_space<vmem_shared>>)
    %dma_wait3A_756 = arith.constant 9 : i32
    %dma_wait3A_757 = arith.constant 1152 : i32
    %dma_wait3A_758 = arith.constant 0 : i32
    %dma_wait3A_759 = tpu.memref_slice %arg8[%dma_wait3A_757, %dma_wait3A_758] : memref<2816x16xf32, #tpu.memory_space<vmem>> -> memref<128x16xf32, #tpu.memory_space<vmem>>
    %dma_wait3A_760 = arith.constant 0 : i32
    %dma_wait3A_761 = tpu.memref_slice %arg7[%dma_wait3A_756, %dma_wait3A_760] : memref<22x128xi32, #tpu.memory_space<vmem>> -> memref<1x128xi32, #tpu.memory_space<vmem>>
    %dma_wait3A_762 = tpu.memref_squeeze %dma_wait3A_761 : memref<1x128xi32, #tpu.memory_space<vmem>> -> memref<128xi32, #tpu.memory_space<vmem>>
    %dma_wait3A_763 = arith.constant 0 : i32
    %dma_wait3A_764 = arith.constant 0 : i32
    %dma_wait3A_765 = tpu.memref_slice %arg10[%dma_wait3A_763, %dma_wait3A_764] : memref<9088x16xf32, #tpu.memory_space<vmem_shared>> -> memref<9088x16xf32, #tpu.memory_space<vmem_shared>>
    tpu.wait_indirect_dma semaphore(%arg12 : memref<!tpu.dma_semaphore, #tpu.memory_space<semaphore_mem>>) src(%dma_wait3A_759 : memref<128x16xf32, #tpu.memory_space<vmem>>) dst(%dma_wait3A_765 : memref<9088x16xf32, #tpu.memory_space<vmem_shared>>)
    %dma_wait3A_766 = arith.constant 10 : i32
    %dma_wait3A_767 = arith.constant 1280 : i32
    %dma_wait3A_768 = arith.constant 0 : i32
    %dma_wait3A_769 = tpu.memref_slice %arg8[%dma_wait3A_767, %dma_wait3A_768] : memref<2816x16xf32, #tpu.memory_space<vmem>> -> memref<128x16xf32, #tpu.memory_space<vmem>>
    %dma_wait3A_770 = arith.constant 0 : i32
    %dma_wait3A_771 = tpu.memref_slice %arg7[%dma_wait3A_766, %dma_wait3A_770] : memref<22x128xi32, #tpu.memory_space<vmem>> -> memref<1x128xi32, #tpu.memory_space<vmem>>
    %dma_wait3A_772 = tpu.memref_squeeze %dma_wait3A_771 : memref<1x128xi32, #tpu.memory_space<vmem>> -> memref<128xi32, #tpu.memory_space<vmem>>
    %dma_wait3A_773 = arith.constant 0 : i32
    %dma_wait3A_774 = arith.constant 0 : i32
    %dma_wait3A_775 = tpu.memref_slice %arg10[%dma_wait3A_773, %dma_wait3A_774] : memref<9088x16xf32, #tpu.memory_space<vmem_shared>> -> memref<9088x16xf32, #tpu.memory_space<vmem_shared>>
    tpu.wait_indirect_dma semaphore(%arg12 : memref<!tpu.dma_semaphore, #tpu.memory_space<semaphore_mem>>) src(%dma_wait3A_769 : memref<128x16xf32, #tpu.memory_space<vmem>>) dst(%dma_wait3A_775 : memref<9088x16xf32, #tpu.memory_space<vmem_shared>>)
    %dma_wait3A_776 = arith.constant 11 : i32
    %dma_wait3A_777 = arith.constant 1408 : i32
    %dma_wait3A_778 = arith.constant 0 : i32
    %dma_wait3A_779 = tpu.memref_slice %arg8[%dma_wait3A_777, %dma_wait3A_778] : memref<2816x16xf32, #tpu.memory_space<vmem>> -> memref<128x16xf32, #tpu.memory_space<vmem>>
    %dma_wait3A_780 = arith.constant 0 : i32
    %dma_wait3A_781 = tpu.memref_slice %arg7[%dma_wait3A_776, %dma_wait3A_780] : memref<22x128xi32, #tpu.memory_space<vmem>> -> memref<1x128xi32, #tpu.memory_space<vmem>>
    %dma_wait3A_782 = tpu.memref_squeeze %dma_wait3A_781 : memref<1x128xi32, #tpu.memory_space<vmem>> -> memref<128xi32, #tpu.memory_space<vmem>>
    %dma_wait3A_783 = arith.constant 0 : i32
    %dma_wait3A_784 = arith.constant 0 : i32
    %dma_wait3A_785 = tpu.memref_slice %arg10[%dma_wait3A_783, %dma_wait3A_784] : memref<9088x16xf32, #tpu.memory_space<vmem_shared>> -> memref<9088x16xf32, #tpu.memory_space<vmem_shared>>
    tpu.wait_indirect_dma semaphore(%arg12 : memref<!tpu.dma_semaphore, #tpu.memory_space<semaphore_mem>>) src(%dma_wait3A_779 : memref<128x16xf32, #tpu.memory_space<vmem>>) dst(%dma_wait3A_785 : memref<9088x16xf32, #tpu.memory_space<vmem_shared>>)
    %dma_wait3A_786 = arith.constant 12 : i32
    %dma_wait3A_787 = arith.constant 1536 : i32
    %dma_wait3A_788 = arith.constant 0 : i32
    %dma_wait3A_789 = tpu.memref_slice %arg8[%dma_wait3A_787, %dma_wait3A_788] : memref<2816x16xf32, #tpu.memory_space<vmem>> -> memref<128x16xf32, #tpu.memory_space<vmem>>
    %dma_wait3A_790 = arith.constant 0 : i32
    %dma_wait3A_791 = tpu.memref_slice %arg7[%dma_wait3A_786, %dma_wait3A_790] : memref<22x128xi32, #tpu.memory_space<vmem>> -> memref<1x128xi32, #tpu.memory_space<vmem>>
    %dma_wait3A_792 = tpu.memref_squeeze %dma_wait3A_791 : memref<1x128xi32, #tpu.memory_space<vmem>> -> memref<128xi32, #tpu.memory_space<vmem>>
    %dma_wait3A_793 = arith.constant 0 : i32
    %dma_wait3A_794 = arith.constant 0 : i32
    %dma_wait3A_795 = tpu.memref_slice %arg10[%dma_wait3A_793, %dma_wait3A_794] : memref<9088x16xf32, #tpu.memory_space<vmem_shared>> -> memref<9088x16xf32, #tpu.memory_space<vmem_shared>>
    tpu.wait_indirect_dma semaphore(%arg12 : memref<!tpu.dma_semaphore, #tpu.memory_space<semaphore_mem>>) src(%dma_wait3A_789 : memref<128x16xf32, #tpu.memory_space<vmem>>) dst(%dma_wait3A_795 : memref<9088x16xf32, #tpu.memory_space<vmem_shared>>)
    %dma_wait3A_796 = arith.constant 13 : i32
    %dma_wait3A_797 = arith.constant 1664 : i32
    %dma_wait3A_798 = arith.constant 0 : i32
    %dma_wait3A_799 = tpu.memref_slice %arg8[%dma_wait3A_797, %dma_wait3A_798] : memref<2816x16xf32, #tpu.memory_space<vmem>> -> memref<128x16xf32, #tpu.memory_space<vmem>>
    %dma_wait3A_800 = arith.constant 0 : i32
    %dma_wait3A_801 = tpu.memref_slice %arg7[%dma_wait3A_796, %dma_wait3A_800] : memref<22x128xi32, #tpu.memory_space<vmem>> -> memref<1x128xi32, #tpu.memory_space<vmem>>
    %dma_wait3A_802 = tpu.memref_squeeze %dma_wait3A_801 : memref<1x128xi32, #tpu.memory_space<vmem>> -> memref<128xi32, #tpu.memory_space<vmem>>
    %dma_wait3A_803 = arith.constant 0 : i32
    %dma_wait3A_804 = arith.constant 0 : i32
    %dma_wait3A_805 = tpu.memref_slice %arg10[%dma_wait3A_803, %dma_wait3A_804] : memref<9088x16xf32, #tpu.memory_space<vmem_shared>> -> memref<9088x16xf32, #tpu.memory_space<vmem_shared>>
    tpu.wait_indirect_dma semaphore(%arg12 : memref<!tpu.dma_semaphore, #tpu.memory_space<semaphore_mem>>) src(%dma_wait3A_799 : memref<128x16xf32, #tpu.memory_space<vmem>>) dst(%dma_wait3A_805 : memref<9088x16xf32, #tpu.memory_space<vmem_shared>>)
    %dma_wait3A_806 = arith.constant 14 : i32
    %dma_wait3A_807 = arith.constant 1792 : i32
    %dma_wait3A_808 = arith.constant 0 : i32
    %dma_wait3A_809 = tpu.memref_slice %arg8[%dma_wait3A_807, %dma_wait3A_808] : memref<2816x16xf32, #tpu.memory_space<vmem>> -> memref<128x16xf32, #tpu.memory_space<vmem>>
    %dma_wait3A_810 = arith.constant 0 : i32
    %dma_wait3A_811 = tpu.memref_slice %arg7[%dma_wait3A_806, %dma_wait3A_810] : memref<22x128xi32, #tpu.memory_space<vmem>> -> memref<1x128xi32, #tpu.memory_space<vmem>>
    %dma_wait3A_812 = tpu.memref_squeeze %dma_wait3A_811 : memref<1x128xi32, #tpu.memory_space<vmem>> -> memref<128xi32, #tpu.memory_space<vmem>>
    %dma_wait3A_813 = arith.constant 0 : i32
    %dma_wait3A_814 = arith.constant 0 : i32
    %dma_wait3A_815 = tpu.memref_slice %arg10[%dma_wait3A_813, %dma_wait3A_814] : memref<9088x16xf32, #tpu.memory_space<vmem_shared>> -> memref<9088x16xf32, #tpu.memory_space<vmem_shared>>
    tpu.wait_indirect_dma semaphore(%arg12 : memref<!tpu.dma_semaphore, #tpu.memory_space<semaphore_mem>>) src(%dma_wait3A_809 : memref<128x16xf32, #tpu.memory_space<vmem>>) dst(%dma_wait3A_815 : memref<9088x16xf32, #tpu.memory_space<vmem_shared>>)
    %dma_wait3A_816 = arith.constant 15 : i32
    %dma_wait3A_817 = arith.constant 1920 : i32
    %dma_wait3A_818 = arith.constant 0 : i32
    %dma_wait3A_819 = tpu.memref_slice %arg8[%dma_wait3A_817, %dma_wait3A_818] : memref<2816x16xf32, #tpu.memory_space<vmem>> -> memref<128x16xf32, #tpu.memory_space<vmem>>
    %dma_wait3A_820 = arith.constant 0 : i32
    %dma_wait3A_821 = tpu.memref_slice %arg7[%dma_wait3A_816, %dma_wait3A_820] : memref<22x128xi32, #tpu.memory_space<vmem>> -> memref<1x128xi32, #tpu.memory_space<vmem>>
    %dma_wait3A_822 = tpu.memref_squeeze %dma_wait3A_821 : memref<1x128xi32, #tpu.memory_space<vmem>> -> memref<128xi32, #tpu.memory_space<vmem>>
    %dma_wait3A_823 = arith.constant 0 : i32
    %dma_wait3A_824 = arith.constant 0 : i32
    %dma_wait3A_825 = tpu.memref_slice %arg10[%dma_wait3A_823, %dma_wait3A_824] : memref<9088x16xf32, #tpu.memory_space<vmem_shared>> -> memref<9088x16xf32, #tpu.memory_space<vmem_shared>>
    tpu.wait_indirect_dma semaphore(%arg12 : memref<!tpu.dma_semaphore, #tpu.memory_space<semaphore_mem>>) src(%dma_wait3A_819 : memref<128x16xf32, #tpu.memory_space<vmem>>) dst(%dma_wait3A_825 : memref<9088x16xf32, #tpu.memory_space<vmem_shared>>)
    %dma_wait3A_826 = arith.constant 16 : i32
    %dma_wait3A_827 = arith.constant 2048 : i32
    %dma_wait3A_828 = arith.constant 0 : i32
    %dma_wait3A_829 = tpu.memref_slice %arg8[%dma_wait3A_827, %dma_wait3A_828] : memref<2816x16xf32, #tpu.memory_space<vmem>> -> memref<128x16xf32, #tpu.memory_space<vmem>>
    %dma_wait3A_830 = arith.constant 0 : i32
    %dma_wait3A_831 = tpu.memref_slice %arg7[%dma_wait3A_826, %dma_wait3A_830] : memref<22x128xi32, #tpu.memory_space<vmem>> -> memref<1x128xi32, #tpu.memory_space<vmem>>
    %dma_wait3A_832 = tpu.memref_squeeze %dma_wait3A_831 : memref<1x128xi32, #tpu.memory_space<vmem>> -> memref<128xi32, #tpu.memory_space<vmem>>
    %dma_wait3A_833 = arith.constant 0 : i32
    %dma_wait3A_834 = arith.constant 0 : i32
    %dma_wait3A_835 = tpu.memref_slice %arg10[%dma_wait3A_833, %dma_wait3A_834] : memref<9088x16xf32, #tpu.memory_space<vmem_shared>> -> memref<9088x16xf32, #tpu.memory_space<vmem_shared>>
    tpu.wait_indirect_dma semaphore(%arg12 : memref<!tpu.dma_semaphore, #tpu.memory_space<semaphore_mem>>) src(%dma_wait3A_829 : memref<128x16xf32, #tpu.memory_space<vmem>>) dst(%dma_wait3A_835 : memref<9088x16xf32, #tpu.memory_space<vmem_shared>>)
    %dma_wait3A_836 = arith.constant 17 : i32
    %dma_wait3A_837 = arith.constant 2176 : i32
    %dma_wait3A_838 = arith.constant 0 : i32
    %dma_wait3A_839 = tpu.memref_slice %arg8[%dma_wait3A_837, %dma_wait3A_838] : memref<2816x16xf32, #tpu.memory_space<vmem>> -> memref<128x16xf32, #tpu.memory_space<vmem>>
    %dma_wait3A_840 = arith.constant 0 : i32
    %dma_wait3A_841 = tpu.memref_slice %arg7[%dma_wait3A_836, %dma_wait3A_840] : memref<22x128xi32, #tpu.memory_space<vmem>> -> memref<1x128xi32, #tpu.memory_space<vmem>>
    %dma_wait3A_842 = tpu.memref_squeeze %dma_wait3A_841 : memref<1x128xi32, #tpu.memory_space<vmem>> -> memref<128xi32, #tpu.memory_space<vmem>>
    %dma_wait3A_843 = arith.constant 0 : i32
    %dma_wait3A_844 = arith.constant 0 : i32
    %dma_wait3A_845 = tpu.memref_slice %arg10[%dma_wait3A_843, %dma_wait3A_844] : memref<9088x16xf32, #tpu.memory_space<vmem_shared>> -> memref<9088x16xf32, #tpu.memory_space<vmem_shared>>
    tpu.wait_indirect_dma semaphore(%arg12 : memref<!tpu.dma_semaphore, #tpu.memory_space<semaphore_mem>>) src(%dma_wait3A_839 : memref<128x16xf32, #tpu.memory_space<vmem>>) dst(%dma_wait3A_845 : memref<9088x16xf32, #tpu.memory_space<vmem_shared>>)
    %dma_wait3A_846 = arith.constant 18 : i32
    %dma_wait3A_847 = arith.constant 2304 : i32
    %dma_wait3A_848 = arith.constant 0 : i32
    %dma_wait3A_849 = tpu.memref_slice %arg8[%dma_wait3A_847, %dma_wait3A_848] : memref<2816x16xf32, #tpu.memory_space<vmem>> -> memref<128x16xf32, #tpu.memory_space<vmem>>
    %dma_wait3A_850 = arith.constant 0 : i32
    %dma_wait3A_851 = tpu.memref_slice %arg7[%dma_wait3A_846, %dma_wait3A_850] : memref<22x128xi32, #tpu.memory_space<vmem>> -> memref<1x128xi32, #tpu.memory_space<vmem>>
    %dma_wait3A_852 = tpu.memref_squeeze %dma_wait3A_851 : memref<1x128xi32, #tpu.memory_space<vmem>> -> memref<128xi32, #tpu.memory_space<vmem>>
    %dma_wait3A_853 = arith.constant 0 : i32
    %dma_wait3A_854 = arith.constant 0 : i32
    %dma_wait3A_855 = tpu.memref_slice %arg10[%dma_wait3A_853, %dma_wait3A_854] : memref<9088x16xf32, #tpu.memory_space<vmem_shared>> -> memref<9088x16xf32, #tpu.memory_space<vmem_shared>>
    tpu.wait_indirect_dma semaphore(%arg12 : memref<!tpu.dma_semaphore, #tpu.memory_space<semaphore_mem>>) src(%dma_wait3A_849 : memref<128x16xf32, #tpu.memory_space<vmem>>) dst(%dma_wait3A_855 : memref<9088x16xf32, #tpu.memory_space<vmem_shared>>)
    %dma_wait3A_856 = arith.constant 19 : i32
    %dma_wait3A_857 = arith.constant 2432 : i32
    %dma_wait3A_858 = arith.constant 0 : i32
    %dma_wait3A_859 = tpu.memref_slice %arg8[%dma_wait3A_857, %dma_wait3A_858] : memref<2816x16xf32, #tpu.memory_space<vmem>> -> memref<128x16xf32, #tpu.memory_space<vmem>>
    %dma_wait3A_860 = arith.constant 0 : i32
    %dma_wait3A_861 = tpu.memref_slice %arg7[%dma_wait3A_856, %dma_wait3A_860] : memref<22x128xi32, #tpu.memory_space<vmem>> -> memref<1x128xi32, #tpu.memory_space<vmem>>
    %dma_wait3A_862 = tpu.memref_squeeze %dma_wait3A_861 : memref<1x128xi32, #tpu.memory_space<vmem>> -> memref<128xi32, #tpu.memory_space<vmem>>
    %dma_wait3A_863 = arith.constant 0 : i32
    %dma_wait3A_864 = arith.constant 0 : i32
    %dma_wait3A_865 = tpu.memref_slice %arg10[%dma_wait3A_863, %dma_wait3A_864] : memref<9088x16xf32, #tpu.memory_space<vmem_shared>> -> memref<9088x16xf32, #tpu.memory_space<vmem_shared>>
    tpu.wait_indirect_dma semaphore(%arg12 : memref<!tpu.dma_semaphore, #tpu.memory_space<semaphore_mem>>) src(%dma_wait3A_859 : memref<128x16xf32, #tpu.memory_space<vmem>>) dst(%dma_wait3A_865 : memref<9088x16xf32, #tpu.memory_space<vmem_shared>>)
    %dma_wait3A_866 = arith.constant 20 : i32
    %dma_wait3A_867 = arith.constant 2560 : i32
    %dma_wait3A_868 = arith.constant 0 : i32
    %dma_wait3A_869 = tpu.memref_slice %arg8[%dma_wait3A_867, %dma_wait3A_868] : memref<2816x16xf32, #tpu.memory_space<vmem>> -> memref<128x16xf32, #tpu.memory_space<vmem>>
    %dma_wait3A_870 = arith.constant 0 : i32
    %dma_wait3A_871 = tpu.memref_slice %arg7[%dma_wait3A_866, %dma_wait3A_870] : memref<22x128xi32, #tpu.memory_space<vmem>> -> memref<1x128xi32, #tpu.memory_space<vmem>>
    %dma_wait3A_872 = tpu.memref_squeeze %dma_wait3A_871 : memref<1x128xi32, #tpu.memory_space<vmem>> -> memref<128xi32, #tpu.memory_space<vmem>>
    %dma_wait3A_873 = arith.constant 0 : i32
    %dma_wait3A_874 = arith.constant 0 : i32
    %dma_wait3A_875 = tpu.memref_slice %arg10[%dma_wait3A_873, %dma_wait3A_874] : memref<9088x16xf32, #tpu.memory_space<vmem_shared>> -> memref<9088x16xf32, #tpu.memory_space<vmem_shared>>
    tpu.wait_indirect_dma semaphore(%arg12 : memref<!tpu.dma_semaphore, #tpu.memory_space<semaphore_mem>>) src(%dma_wait3A_869 : memref<128x16xf32, #tpu.memory_space<vmem>>) dst(%dma_wait3A_875 : memref<9088x16xf32, #tpu.memory_space<vmem_shared>>)
    %dma_wait3A_876 = arith.constant 21 : i32
    %dma_wait3A_877 = arith.constant 2688 : i32
    %dma_wait3A_878 = arith.constant 0 : i32
    %dma_wait3A_879 = tpu.memref_slice %arg8[%dma_wait3A_877, %dma_wait3A_878] : memref<2816x16xf32, #tpu.memory_space<vmem>> -> memref<128x16xf32, #tpu.memory_space<vmem>>
    %dma_wait3A_880 = arith.constant 0 : i32
    %dma_wait3A_881 = tpu.memref_slice %arg7[%dma_wait3A_876, %dma_wait3A_880] : memref<22x128xi32, #tpu.memory_space<vmem>> -> memref<1x128xi32, #tpu.memory_space<vmem>>
    %dma_wait3A_882 = tpu.memref_squeeze %dma_wait3A_881 : memref<1x128xi32, #tpu.memory_space<vmem>> -> memref<128xi32, #tpu.memory_space<vmem>>
    %dma_wait3A_883 = arith.constant 0 : i32
    %dma_wait3A_884 = arith.constant 0 : i32
    %dma_wait3A_885 = tpu.memref_slice %arg10[%dma_wait3A_883, %dma_wait3A_884] : memref<9088x16xf32, #tpu.memory_space<vmem_shared>> -> memref<9088x16xf32, #tpu.memory_space<vmem_shared>>
    tpu.wait_indirect_dma semaphore(%arg12 : memref<!tpu.dma_semaphore, #tpu.memory_space<semaphore_mem>>) src(%dma_wait3A_879 : memref<128x16xf32, #tpu.memory_space<vmem>>) dst(%dma_wait3A_885 : memref<9088x16xf32, #tpu.memory_space<vmem_shared>>)
    %barrier3A_886 = arith.constant 0 : index
    tpu.barrier barrier_id(%barrier3A_886)
    %mul3A_887 = arith.constant 568 : i32
    %mul3A_888 = arith.muli %arg1, %mul3A_887 : i32
    %mul3A_889 = arith.constant 568 : i32
    %mul3A_890 = arith.muli %arg1, %mul3A_889 : i32
    "tpu.region"() ({
      %run_scoped3A = tpu.sem_alloc : memref<!tpu.dma_semaphore, #tpu.memory_space<semaphore_mem>>
      %dma_start3A_891 = arith.constant 0 : i32
      %dma_start3A_892 = tpu.memref_slice %arg5[%arg0, %mul3A_890, %dma_start3A_891] : memref<2x9088x16xf32, #tpu.memory_space<hbm>> -> memref<1x568x16xf32, #tpu.memory_space<hbm>>
      %dma_start3A_893 = tpu.memref_squeeze %dma_start3A_892 : memref<1x568x16xf32, #tpu.memory_space<hbm>> -> memref<568x16xf32, #tpu.memory_space<hbm>>
      %dma_start3A_894 = arith.constant 0 : i32
      %dma_start3A_895 = tpu.memref_slice %arg10[%mul3A_888, %dma_start3A_894] : memref<9088x16xf32, #tpu.memory_space<vmem_shared>> -> memref<568x16xf32, #tpu.memory_space<vmem_shared>>
      tpu.enqueue_dma source(%dma_start3A_895 : memref<568x16xf32, #tpu.memory_space<vmem_shared>>) target(%dma_start3A_893 : memref<568x16xf32, #tpu.memory_space<hbm>>) target_semaphore(%run_scoped3A : memref<!tpu.dma_semaphore, #tpu.memory_space<semaphore_mem>>)
      %dma_wait3A_896 = arith.constant 0 : i32
      %dma_wait3A_897 = tpu.memref_slice %arg5[%arg0, %mul3A_890, %dma_wait3A_896] : memref<2x9088x16xf32, #tpu.memory_space<hbm>> -> memref<1x568x16xf32, #tpu.memory_space<hbm>>
      %dma_wait3A_898 = tpu.memref_squeeze %dma_wait3A_897 : memref<1x568x16xf32, #tpu.memory_space<hbm>> -> memref<568x16xf32, #tpu.memory_space<hbm>>
      %dma_wait3A_899 = arith.constant 0 : i32
      %dma_wait3A_900 = tpu.memref_slice %arg10[%mul3A_888, %dma_wait3A_899] : memref<9088x16xf32, #tpu.memory_space<vmem_shared>> -> memref<568x16xf32, #tpu.memory_space<vmem_shared>>
      tpu.wait_dma2 semaphore(%run_scoped3A : memref<!tpu.dma_semaphore, #tpu.memory_space<semaphore_mem>>) src(%dma_wait3A_900 : memref<568x16xf32, #tpu.memory_space<vmem_shared>>) dst(%dma_wait3A_898 : memref<568x16xf32, #tpu.memory_space<hbm>>)
      tpu.yield
    }) : () -> ()
    return
  }
}

#map = affine_map<(d0, d1) -> (0, 0)>
#map1 = affine_map<(d0, d1) -> (0)>
module attributes {stable_mosaic.version = 14 : i64} {
  func.func @_build_table(%arg0: i32, %arg1: i32, %arg2: memref<16x100352xf32, #tpu.memory_space<hbm>>, %arg3: memref<1x100352xf32, #tpu.memory_space<hbm>>, %arg4: memref<1605632xf32, #tpu.memory_space<hbm>>, %arg5: memref<2x16x784xf32, #tpu.memory_space<vmem>>, %arg6: memref<2x784xf32, #tpu.memory_space<vmem>>, %arg7: memref<2x12544xf32, #tpu.memory_space<vmem>>, %arg8: memref<!tpu.dma_semaphore, #tpu.memory_space<semaphore_mem>>, %arg9: memref<!tpu.dma_semaphore, #tpu.memory_space<semaphore_mem>>) attributes {dimension_semantics = [#tpu.dimension_semantics<core_parallel>, #tpu.dimension_semantics<subcore_parallel>], iteration_bounds = array<i64: 2, 16>, scalar_prefetch = 0 : i64, scratch_operands = 5 : i64, tpu.core_type = #tpu.core_type<sc_vector_subcore>, window_params = [{transform_indices = #map}, {transform_indices = #map}, {transform_indices = #map1}]} {
    %mul3A = arith.constant 16 : i32
    %mul3A_0 = arith.muli %arg0, %mul3A : i32
    %add3A = arith.addi %mul3A_0, %arg1 : i32
    %mul3A_1 = arith.constant 3136 : i32
    %mul3A_2 = arith.muli %add3A, %mul3A_1 : i32
    %iota3A = tpu.iota {dimensions = array<i32: 0>} : vector<16xi32>
    %add3A_3 = arith.constant 0 : i32
    %add3A_4 = arith.addi %mul3A_2, %add3A_3 : i32
    %dma_start3A = arith.constant 0 : i32
    %dma_start3A_5 = arith.constant 0 : i32
    %dma_start3A_6 = arith.constant 0 : i32
    %dma_start3A_7 = tpu.memref_slice %arg5[%dma_start3A, %dma_start3A_5, %dma_start3A_6] : memref<2x16x784xf32, #tpu.memory_space<vmem>> -> memref<1x16x784xf32, #tpu.memory_space<vmem>>
    %dma_start3A_8 = tpu.memref_squeeze %dma_start3A_7 : memref<1x16x784xf32, #tpu.memory_space<vmem>> -> memref<16x784xf32, #tpu.memory_space<vmem>>
    %dma_start3A_9 = arith.constant 0 : i32
    %dma_start3A_10 = tpu.memref_slice %arg2[%dma_start3A_9, %add3A_4] : memref<16x100352xf32, #tpu.memory_space<hbm>> -> memref<16x784xf32, #tpu.memory_space<hbm>>
    %dma_start3A_11 = arith.constant 0 : i32
    %dma_start3A_12 = arith.constant 0 : i32
    %dma_start3A_13 = tpu.memref_slice %arg5[%dma_start3A, %dma_start3A_11, %dma_start3A_12] : memref<2x16x784xf32, #tpu.memory_space<vmem>> -> memref<1x16x784xf32, #tpu.memory_space<vmem>>
    %dma_start3A_14 = tpu.memref_squeeze %dma_start3A_13 : memref<1x16x784xf32, #tpu.memory_space<vmem>> -> memref<16x784xf32, #tpu.memory_space<vmem>>
    %dma_start3A_15 = arith.constant 0 : i32
    %dma_start3A_16 = tpu.memref_slice %arg2[%dma_start3A_15, %add3A_4] : memref<16x100352xf32, #tpu.memory_space<hbm>> -> memref<16x784xf32, #tpu.memory_space<hbm>>
    tpu.enqueue_dma source(%dma_start3A_16 : memref<16x784xf32, #tpu.memory_space<hbm>>) target(%dma_start3A_14 : memref<16x784xf32, #tpu.memory_space<vmem>>) target_semaphore(%arg8 : memref<!tpu.dma_semaphore, #tpu.memory_space<semaphore_mem>>)
    %add3A_17 = arith.constant 0 : i32
    %add3A_18 = arith.addi %mul3A_2, %add3A_17 : i32
    %dma_start3A_19 = arith.constant 0 : i32
    %dma_start3A_20 = arith.constant 0 : i32
    %dma_start3A_21 = arith.constant 0 : i32
    %dma_start3A_22 = tpu.memref_slice %arg6[%dma_start3A_20, %dma_start3A_21] : memref<2x784xf32, #tpu.memory_space<vmem>> -> memref<1x784xf32, #tpu.memory_space<vmem>>
    %dma_start3A_23 = tpu.memref_squeeze %dma_start3A_22 : memref<1x784xf32, #tpu.memory_space<vmem>> -> memref<784xf32, #tpu.memory_space<vmem>>
    %dma_start3A_24 = tpu.memref_slice %arg3[%dma_start3A_19, %add3A_18] : memref<1x100352xf32, #tpu.memory_space<hbm>> -> memref<1x784xf32, #tpu.memory_space<hbm>>
    %dma_start3A_25 = tpu.memref_squeeze %dma_start3A_24 : memref<1x784xf32, #tpu.memory_space<hbm>> -> memref<784xf32, #tpu.memory_space<hbm>>
    %dma_start3A_26 = arith.constant 0 : i32
    %dma_start3A_27 = tpu.memref_slice %arg6[%dma_start3A_20, %dma_start3A_26] : memref<2x784xf32, #tpu.memory_space<vmem>> -> memref<1x784xf32, #tpu.memory_space<vmem>>
    %dma_start3A_28 = tpu.memref_squeeze %dma_start3A_27 : memref<1x784xf32, #tpu.memory_space<vmem>> -> memref<784xf32, #tpu.memory_space<vmem>>
    %dma_start3A_29 = tpu.memref_slice %arg3[%dma_start3A_19, %add3A_18] : memref<1x100352xf32, #tpu.memory_space<hbm>> -> memref<1x784xf32, #tpu.memory_space<hbm>>
    %dma_start3A_30 = tpu.memref_squeeze %dma_start3A_29 : memref<1x784xf32, #tpu.memory_space<hbm>> -> memref<784xf32, #tpu.memory_space<hbm>>
    tpu.enqueue_dma source(%dma_start3A_30 : memref<784xf32, #tpu.memory_space<hbm>>) target(%dma_start3A_28 : memref<784xf32, #tpu.memory_space<vmem>>) target_semaphore(%arg8 : memref<!tpu.dma_semaphore, #tpu.memory_space<semaphore_mem>>)
    %dma_wait3A = arith.constant 0 : i32
    %dma_wait3A_31 = arith.constant 0 : i32
    %dma_wait3A_32 = arith.constant 0 : i32
    %dma_wait3A_33 = tpu.memref_slice %arg5[%dma_wait3A, %dma_wait3A_31, %dma_wait3A_32] : memref<2x16x784xf32, #tpu.memory_space<vmem>> -> memref<1x16x784xf32, #tpu.memory_space<vmem>>
    %dma_wait3A_34 = tpu.memref_squeeze %dma_wait3A_33 : memref<1x16x784xf32, #tpu.memory_space<vmem>> -> memref<16x784xf32, #tpu.memory_space<vmem>>
    %dma_wait3A_35 = arith.constant 0 : i32
    %dma_wait3A_36 = tpu.memref_slice %arg2[%dma_wait3A_35, %add3A_4] : memref<16x100352xf32, #tpu.memory_space<hbm>> -> memref<16x784xf32, #tpu.memory_space<hbm>>
    %dma_wait3A_37 = arith.constant 0 : i32
    %dma_wait3A_38 = arith.constant 0 : i32
    %dma_wait3A_39 = tpu.memref_slice %arg5[%dma_wait3A, %dma_wait3A_37, %dma_wait3A_38] : memref<2x16x784xf32, #tpu.memory_space<vmem>> -> memref<1x16x784xf32, #tpu.memory_space<vmem>>
    %dma_wait3A_40 = tpu.memref_squeeze %dma_wait3A_39 : memref<1x16x784xf32, #tpu.memory_space<vmem>> -> memref<16x784xf32, #tpu.memory_space<vmem>>
    %dma_wait3A_41 = arith.constant 0 : i32
    %dma_wait3A_42 = tpu.memref_slice %arg2[%dma_wait3A_41, %add3A_4] : memref<16x100352xf32, #tpu.memory_space<hbm>> -> memref<16x784xf32, #tpu.memory_space<hbm>>
    tpu.wait_dma2 semaphore(%arg8 : memref<!tpu.dma_semaphore, #tpu.memory_space<semaphore_mem>>) src(%dma_wait3A_42 : memref<16x784xf32, #tpu.memory_space<hbm>>) dst(%dma_wait3A_40 : memref<16x784xf32, #tpu.memory_space<vmem>>)
    %dma_wait3A_43 = arith.constant 0 : i32
    %dma_wait3A_44 = arith.constant 0 : i32
    %dma_wait3A_45 = arith.constant 0 : i32
    %dma_wait3A_46 = tpu.memref_slice %arg6[%dma_wait3A_44, %dma_wait3A_45] : memref<2x784xf32, #tpu.memory_space<vmem>> -> memref<1x784xf32, #tpu.memory_space<vmem>>
    %dma_wait3A_47 = tpu.memref_squeeze %dma_wait3A_46 : memref<1x784xf32, #tpu.memory_space<vmem>> -> memref<784xf32, #tpu.memory_space<vmem>>
    %dma_wait3A_48 = tpu.memref_slice %arg3[%dma_wait3A_43, %add3A_18] : memref<1x100352xf32, #tpu.memory_space<hbm>> -> memref<1x784xf32, #tpu.memory_space<hbm>>
    %dma_wait3A_49 = tpu.memref_squeeze %dma_wait3A_48 : memref<1x784xf32, #tpu.memory_space<hbm>> -> memref<784xf32, #tpu.memory_space<hbm>>
    %dma_wait3A_50 = arith.constant 0 : i32
    %dma_wait3A_51 = tpu.memref_slice %arg6[%dma_wait3A_44, %dma_wait3A_50] : memref<2x784xf32, #tpu.memory_space<vmem>> -> memref<1x784xf32, #tpu.memory_space<vmem>>
    %dma_wait3A_52 = tpu.memref_squeeze %dma_wait3A_51 : memref<1x784xf32, #tpu.memory_space<vmem>> -> memref<784xf32, #tpu.memory_space<vmem>>
    %dma_wait3A_53 = tpu.memref_slice %arg3[%dma_wait3A_43, %add3A_18] : memref<1x100352xf32, #tpu.memory_space<hbm>> -> memref<1x784xf32, #tpu.memory_space<hbm>>
    %dma_wait3A_54 = tpu.memref_squeeze %dma_wait3A_53 : memref<1x784xf32, #tpu.memory_space<hbm>> -> memref<784xf32, #tpu.memory_space<hbm>>
    tpu.wait_dma2 semaphore(%arg8 : memref<!tpu.dma_semaphore, #tpu.memory_space<semaphore_mem>>) src(%dma_wait3A_54 : memref<784xf32, #tpu.memory_space<hbm>>) dst(%dma_wait3A_52 : memref<784xf32, #tpu.memory_space<vmem>>)
    %add3A_55 = arith.constant 784 : i32
    %add3A_56 = arith.addi %mul3A_2, %add3A_55 : i32
    %dma_start3A_57 = arith.constant 1 : i32
    %dma_start3A_58 = arith.constant 0 : i32
    %dma_start3A_59 = arith.constant 0 : i32
    %dma_start3A_60 = tpu.memref_slice %arg5[%dma_start3A_57, %dma_start3A_58, %dma_start3A_59] : memref<2x16x784xf32, #tpu.memory_space<vmem>> -> memref<1x16x784xf32, #tpu.memory_space<vmem>>
    %dma_start3A_61 = tpu.memref_squeeze %dma_start3A_60 : memref<1x16x784xf32, #tpu.memory_space<vmem>> -> memref<16x784xf32, #tpu.memory_space<vmem>>
    %dma_start3A_62 = arith.constant 0 : i32
    %dma_start3A_63 = tpu.memref_slice %arg2[%dma_start3A_62, %add3A_56] : memref<16x100352xf32, #tpu.memory_space<hbm>> -> memref<16x784xf32, #tpu.memory_space<hbm>>
    %dma_start3A_64 = arith.constant 0 : i32
    %dma_start3A_65 = arith.constant 0 : i32
    %dma_start3A_66 = tpu.memref_slice %arg5[%dma_start3A_57, %dma_start3A_64, %dma_start3A_65] : memref<2x16x784xf32, #tpu.memory_space<vmem>> -> memref<1x16x784xf32, #tpu.memory_space<vmem>>
    %dma_start3A_67 = tpu.memref_squeeze %dma_start3A_66 : memref<1x16x784xf32, #tpu.memory_space<vmem>> -> memref<16x784xf32, #tpu.memory_space<vmem>>
    %dma_start3A_68 = arith.constant 0 : i32
    %dma_start3A_69 = tpu.memref_slice %arg2[%dma_start3A_68, %add3A_56] : memref<16x100352xf32, #tpu.memory_space<hbm>> -> memref<16x784xf32, #tpu.memory_space<hbm>>
    tpu.enqueue_dma source(%dma_start3A_69 : memref<16x784xf32, #tpu.memory_space<hbm>>) target(%dma_start3A_67 : memref<16x784xf32, #tpu.memory_space<vmem>>) target_semaphore(%arg8 : memref<!tpu.dma_semaphore, #tpu.memory_space<semaphore_mem>>)
    %add3A_70 = arith.constant 784 : i32
    %add3A_71 = arith.addi %mul3A_2, %add3A_70 : i32
    %dma_start3A_72 = arith.constant 0 : i32
    %dma_start3A_73 = arith.constant 1 : i32
    %dma_start3A_74 = arith.constant 0 : i32
    %dma_start3A_75 = tpu.memref_slice %arg6[%dma_start3A_73, %dma_start3A_74] : memref<2x784xf32, #tpu.memory_space<vmem>> -> memref<1x784xf32, #tpu.memory_space<vmem>>
    %dma_start3A_76 = tpu.memref_squeeze %dma_start3A_75 : memref<1x784xf32, #tpu.memory_space<vmem>> -> memref<784xf32, #tpu.memory_space<vmem>>
    %dma_start3A_77 = tpu.memref_slice %arg3[%dma_start3A_72, %add3A_71] : memref<1x100352xf32, #tpu.memory_space<hbm>> -> memref<1x784xf32, #tpu.memory_space<hbm>>
    %dma_start3A_78 = tpu.memref_squeeze %dma_start3A_77 : memref<1x784xf32, #tpu.memory_space<hbm>> -> memref<784xf32, #tpu.memory_space<hbm>>
    %dma_start3A_79 = arith.constant 0 : i32
    %dma_start3A_80 = tpu.memref_slice %arg6[%dma_start3A_73, %dma_start3A_79] : memref<2x784xf32, #tpu.memory_space<vmem>> -> memref<1x784xf32, #tpu.memory_space<vmem>>
    %dma_start3A_81 = tpu.memref_squeeze %dma_start3A_80 : memref<1x784xf32, #tpu.memory_space<vmem>> -> memref<784xf32, #tpu.memory_space<vmem>>
    %dma_start3A_82 = tpu.memref_slice %arg3[%dma_start3A_72, %add3A_71] : memref<1x100352xf32, #tpu.memory_space<hbm>> -> memref<1x784xf32, #tpu.memory_space<hbm>>
    %dma_start3A_83 = tpu.memref_squeeze %dma_start3A_82 : memref<1x784xf32, #tpu.memory_space<hbm>> -> memref<784xf32, #tpu.memory_space<hbm>>
    tpu.enqueue_dma source(%dma_start3A_83 : memref<784xf32, #tpu.memory_space<hbm>>) target(%dma_start3A_81 : memref<784xf32, #tpu.memory_space<vmem>>) target_semaphore(%arg8 : memref<!tpu.dma_semaphore, #tpu.memory_space<semaphore_mem>>)
    %scan3A = arith.constant 0 : i32
    %scan3A_84 = arith.constant 0 : i32
    %scan3A_85 = arith.constant 49 : i32
    %scan3A_86 = arith.addi %scan3A_84, %scan3A_85 : i32
    %scan3A_87 = arith.constant 1 : i32
    scf.for %scan3A_328 = %scan3A_84 to %scan3A_86 step %scan3A_87  : i32 {
      %mul3A_329 = arith.constant 16 : i32
      %mul3A_330 = arith.muli %scan3A_328, %mul3A_329 : i32
      %get3A = arith.constant 0 : i32
      %get3A_331 = arith.index_cast %get3A : i32 to index
      %get3A_332 = arith.index_cast %mul3A_330 : i32 to index
      %get3A_333 = tpu.vector_load %arg6[%get3A_331, %get3A_332] {strides = array<i32>} : memref<2x784xf32, #tpu.memory_space<vmem>>, vector<16xf32>,
      %add3A_334 = vector.broadcast %mul3A_330 : i32 to vector<16xi32>
      %add3A_335 = arith.addi %iota3A, %add3A_334 : vector<16xi32>
      %mul3A_336 = arith.constant 16 : i32
      %mul3A_337 = vector.broadcast %mul3A_336 : i32 to vector<16xi32>
      %mul3A_338 = arith.muli %add3A_335, %mul3A_337 : vector<16xi32>
      %get3A_339 = arith.constant 0 : i32
      %get3A_340 = arith.constant 0 : i32
      %get3A_341 = arith.index_cast %get3A_339 : i32 to index
      %get3A_342 = arith.index_cast %get3A_340 : i32 to index
      %get3A_343 = arith.index_cast %mul3A_330 : i32 to index
      %get3A_344 = tpu.vector_load %arg5[%get3A_341, %get3A_342, %get3A_343] {strides = array<i32>} : memref<2x16x784xf32, #tpu.memory_space<vmem>>, vector<16xf32>,
      %mul3A_345 = arith.mulf %get3A_344, %get3A_333 : vector<16xf32>
      %add3A_346 = arith.constant 0 : i32
      %add3A_347 = vector.broadcast %add3A_346 : i32 to vector<16xi32>
      %add3A_348 = arith.addi %mul3A_338, %add3A_347 : vector<16xi32>
      %scatter3A = arith.constant 0 : i32
      %scatter3A_349 = arith.constant 0 : i32
      %scatter3A_350 = tpu.memref_slice %arg7[%scatter3A, %scatter3A_349] : memref<2x12544xf32, #tpu.memory_space<vmem>> -> memref<1x12544xf32, #tpu.memory_space<vmem>>
      %scatter3A_351 = tpu.memref_squeeze %scatter3A_350 : memref<1x12544xf32, #tpu.memory_space<vmem>> -> memref<12544xf32, #tpu.memory_space<vmem>>
      tpu.vector_store_idx %scatter3A_351[%add3A_348], %mul3A_345 : memref<12544xf32, #tpu.memory_space<vmem>>[vector<16xi32>], vector<16xf32>,
      %get3A_352 = arith.constant 0 : i32
      %get3A_353 = arith.constant 1 : i32
      %get3A_354 = arith.index_cast %get3A_352 : i32 to index
      %get3A_355 = arith.index_cast %get3A_353 : i32 to index
      %get3A_356 = arith.index_cast %mul3A_330 : i32 to index
      %get3A_357 = tpu.vector_load %arg5[%get3A_354, %get3A_355, %get3A_356] {strides = array<i32>} : memref<2x16x784xf32, #tpu.memory_space<vmem>>, vector<16xf32>,
      %mul3A_358 = arith.mulf %get3A_357, %get3A_333 : vector<16xf32>
      %add3A_359 = arith.constant 1 : i32
      %add3A_360 = vector.broadcast %add3A_359 : i32 to vector<16xi32>
      %add3A_361 = arith.addi %mul3A_338, %add3A_360 : vector<16xi32>
      %scatter3A_362 = arith.constant 0 : i32
      %scatter3A_363 = arith.constant 0 : i32
      %scatter3A_364 = tpu.memref_slice %arg7[%scatter3A_362, %scatter3A_363] : memref<2x12544xf32, #tpu.memory_space<vmem>> -> memref<1x12544xf32, #tpu.memory_space<vmem>>
      %scatter3A_365 = tpu.memref_squeeze %scatter3A_364 : memref<1x12544xf32, #tpu.memory_space<vmem>> -> memref<12544xf32, #tpu.memory_space<vmem>>
      tpu.vector_store_idx %scatter3A_365[%add3A_361], %mul3A_358 : memref<12544xf32, #tpu.memory_space<vmem>>[vector<16xi32>], vector<16xf32>,
      %get3A_366 = arith.constant 0 : i32
      %get3A_367 = arith.constant 2 : i32
      %get3A_368 = arith.index_cast %get3A_366 : i32 to index
      %get3A_369 = arith.index_cast %get3A_367 : i32 to index
      %get3A_370 = arith.index_cast %mul3A_330 : i32 to index
      %get3A_371 = tpu.vector_load %arg5[%get3A_368, %get3A_369, %get3A_370] {strides = array<i32>} : memref<2x16x784xf32, #tpu.memory_space<vmem>>, vector<16xf32>,
      %mul3A_372 = arith.mulf %get3A_371, %get3A_333 : vector<16xf32>
      %add3A_373 = arith.constant 2 : i32
      %add3A_374 = vector.broadcast %add3A_373 : i32 to vector<16xi32>
      %add3A_375 = arith.addi %mul3A_338, %add3A_374 : vector<16xi32>
      %scatter3A_376 = arith.constant 0 : i32
      %scatter3A_377 = arith.constant 0 : i32
      %scatter3A_378 = tpu.memref_slice %arg7[%scatter3A_376, %scatter3A_377] : memref<2x12544xf32, #tpu.memory_space<vmem>> -> memref<1x12544xf32, #tpu.memory_space<vmem>>
      %scatter3A_379 = tpu.memref_squeeze %scatter3A_378 : memref<1x12544xf32, #tpu.memory_space<vmem>> -> memref<12544xf32, #tpu.memory_space<vmem>>
      tpu.vector_store_idx %scatter3A_379[%add3A_375], %mul3A_372 : memref<12544xf32, #tpu.memory_space<vmem>>[vector<16xi32>], vector<16xf32>,
      %get3A_380 = arith.constant 0 : i32
      %get3A_381 = arith.constant 3 : i32
      %get3A_382 = arith.index_cast %get3A_380 : i32 to index
      %get3A_383 = arith.index_cast %get3A_381 : i32 to index
      %get3A_384 = arith.index_cast %mul3A_330 : i32 to index
      %get3A_385 = tpu.vector_load %arg5[%get3A_382, %get3A_383, %get3A_384] {strides = array<i32>} : memref<2x16x784xf32, #tpu.memory_space<vmem>>, vector<16xf32>,
      %mul3A_386 = arith.mulf %get3A_385, %get3A_333 : vector<16xf32>
      %add3A_387 = arith.constant 3 : i32
      %add3A_388 = vector.broadcast %add3A_387 : i32 to vector<16xi32>
      %add3A_389 = arith.addi %mul3A_338, %add3A_388 : vector<16xi32>
      %scatter3A_390 = arith.constant 0 : i32
      %scatter3A_391 = arith.constant 0 : i32
      %scatter3A_392 = tpu.memref_slice %arg7[%scatter3A_390, %scatter3A_391] : memref<2x12544xf32, #tpu.memory_space<vmem>> -> memref<1x12544xf32, #tpu.memory_space<vmem>>
      %scatter3A_393 = tpu.memref_squeeze %scatter3A_392 : memref<1x12544xf32, #tpu.memory_space<vmem>> -> memref<12544xf32, #tpu.memory_space<vmem>>
      tpu.vector_store_idx %scatter3A_393[%add3A_389], %mul3A_386 : memref<12544xf32, #tpu.memory_space<vmem>>[vector<16xi32>], vector<16xf32>,
      %get3A_394 = arith.constant 0 : i32
      %get3A_395 = arith.constant 4 : i32
      %get3A_396 = arith.index_cast %get3A_394 : i32 to index
      %get3A_397 = arith.index_cast %get3A_395 : i32 to index
      %get3A_398 = arith.index_cast %mul3A_330 : i32 to index
      %get3A_399 = tpu.vector_load %arg5[%get3A_396, %get3A_397, %get3A_398] {strides = array<i32>} : memref<2x16x784xf32, #tpu.memory_space<vmem>>, vector<16xf32>,
      %mul3A_400 = arith.mulf %get3A_399, %get3A_333 : vector<16xf32>
      %add3A_401 = arith.constant 4 : i32
      %add3A_402 = vector.broadcast %add3A_401 : i32 to vector<16xi32>
      %add3A_403 = arith.addi %mul3A_338, %add3A_402 : vector<16xi32>
      %scatter3A_404 = arith.constant 0 : i32
      %scatter3A_405 = arith.constant 0 : i32
      %scatter3A_406 = tpu.memref_slice %arg7[%scatter3A_404, %scatter3A_405] : memref<2x12544xf32, #tpu.memory_space<vmem>> -> memref<1x12544xf32, #tpu.memory_space<vmem>>
      %scatter3A_407 = tpu.memref_squeeze %scatter3A_406 : memref<1x12544xf32, #tpu.memory_space<vmem>> -> memref<12544xf32, #tpu.memory_space<vmem>>
      tpu.vector_store_idx %scatter3A_407[%add3A_403], %mul3A_400 : memref<12544xf32, #tpu.memory_space<vmem>>[vector<16xi32>], vector<16xf32>,
      %get3A_408 = arith.constant 0 : i32
      %get3A_409 = arith.constant 5 : i32
      %get3A_410 = arith.index_cast %get3A_408 : i32 to index
      %get3A_411 = arith.index_cast %get3A_409 : i32 to index
      %get3A_412 = arith.index_cast %mul3A_330 : i32 to index
      %get3A_413 = tpu.vector_load %arg5[%get3A_410, %get3A_411, %get3A_412] {strides = array<i32>} : memref<2x16x784xf32, #tpu.memory_space<vmem>>, vector<16xf32>,
      %mul3A_414 = arith.mulf %get3A_413, %get3A_333 : vector<16xf32>
      %add3A_415 = arith.constant 5 : i32
      %add3A_416 = vector.broadcast %add3A_415 : i32 to vector<16xi32>
      %add3A_417 = arith.addi %mul3A_338, %add3A_416 : vector<16xi32>
      %scatter3A_418 = arith.constant 0 : i32
      %scatter3A_419 = arith.constant 0 : i32
      %scatter3A_420 = tpu.memref_slice %arg7[%scatter3A_418, %scatter3A_419] : memref<2x12544xf32, #tpu.memory_space<vmem>> -> memref<1x12544xf32, #tpu.memory_space<vmem>>
      %scatter3A_421 = tpu.memref_squeeze %scatter3A_420 : memref<1x12544xf32, #tpu.memory_space<vmem>> -> memref<12544xf32, #tpu.memory_space<vmem>>
      tpu.vector_store_idx %scatter3A_421[%add3A_417], %mul3A_414 : memref<12544xf32, #tpu.memory_space<vmem>>[vector<16xi32>], vector<16xf32>,
      %get3A_422 = arith.constant 0 : i32
      %get3A_423 = arith.constant 6 : i32
      %get3A_424 = arith.index_cast %get3A_422 : i32 to index
      %get3A_425 = arith.index_cast %get3A_423 : i32 to index
      %get3A_426 = arith.index_cast %mul3A_330 : i32 to index
      %get3A_427 = tpu.vector_load %arg5[%get3A_424, %get3A_425, %get3A_426] {strides = array<i32>} : memref<2x16x784xf32, #tpu.memory_space<vmem>>, vector<16xf32>,
      %mul3A_428 = arith.mulf %get3A_427, %get3A_333 : vector<16xf32>
      %add3A_429 = arith.constant 6 : i32
      %add3A_430 = vector.broadcast %add3A_429 : i32 to vector<16xi32>
      %add3A_431 = arith.addi %mul3A_338, %add3A_430 : vector<16xi32>
      %scatter3A_432 = arith.constant 0 : i32
      %scatter3A_433 = arith.constant 0 : i32
      %scatter3A_434 = tpu.memref_slice %arg7[%scatter3A_432, %scatter3A_433] : memref<2x12544xf32, #tpu.memory_space<vmem>> -> memref<1x12544xf32, #tpu.memory_space<vmem>>
      %scatter3A_435 = tpu.memref_squeeze %scatter3A_434 : memref<1x12544xf32, #tpu.memory_space<vmem>> -> memref<12544xf32, #tpu.memory_space<vmem>>
      tpu.vector_store_idx %scatter3A_435[%add3A_431], %mul3A_428 : memref<12544xf32, #tpu.memory_space<vmem>>[vector<16xi32>], vector<16xf32>,
      %get3A_436 = arith.constant 0 : i32
      %get3A_437 = arith.constant 7 : i32
      %get3A_438 = arith.index_cast %get3A_436 : i32 to index
      %get3A_439 = arith.index_cast %get3A_437 : i32 to index
      %get3A_440 = arith.index_cast %mul3A_330 : i32 to index
      %get3A_441 = tpu.vector_load %arg5[%get3A_438, %get3A_439, %get3A_440] {strides = array<i32>} : memref<2x16x784xf32, #tpu.memory_space<vmem>>, vector<16xf32>,
      %mul3A_442 = arith.mulf %get3A_441, %get3A_333 : vector<16xf32>
      %add3A_443 = arith.constant 7 : i32
      %add3A_444 = vector.broadcast %add3A_443 : i32 to vector<16xi32>
      %add3A_445 = arith.addi %mul3A_338, %add3A_444 : vector<16xi32>
      %scatter3A_446 = arith.constant 0 : i32
      %scatter3A_447 = arith.constant 0 : i32
      %scatter3A_448 = tpu.memref_slice %arg7[%scatter3A_446, %scatter3A_447] : memref<2x12544xf32, #tpu.memory_space<vmem>> -> memref<1x12544xf32, #tpu.memory_space<vmem>>
      %scatter3A_449 = tpu.memref_squeeze %scatter3A_448 : memref<1x12544xf32, #tpu.memory_space<vmem>> -> memref<12544xf32, #tpu.memory_space<vmem>>
      tpu.vector_store_idx %scatter3A_449[%add3A_445], %mul3A_442 : memref<12544xf32, #tpu.memory_space<vmem>>[vector<16xi32>], vector<16xf32>,
      %get3A_450 = arith.constant 0 : i32
      %get3A_451 = arith.constant 8 : i32
      %get3A_452 = arith.index_cast %get3A_450 : i32 to index
      %get3A_453 = arith.index_cast %get3A_451 : i32 to index
      %get3A_454 = arith.index_cast %mul3A_330 : i32 to index
      %get3A_455 = tpu.vector_load %arg5[%get3A_452, %get3A_453, %get3A_454] {strides = array<i32>} : memref<2x16x784xf32, #tpu.memory_space<vmem>>, vector<16xf32>,
      %mul3A_456 = arith.mulf %get3A_455, %get3A_333 : vector<16xf32>
      %add3A_457 = arith.constant 8 : i32
      %add3A_458 = vector.broadcast %add3A_457 : i32 to vector<16xi32>
      %add3A_459 = arith.addi %mul3A_338, %add3A_458 : vector<16xi32>
      %scatter3A_460 = arith.constant 0 : i32
      %scatter3A_461 = arith.constant 0 : i32
      %scatter3A_462 = tpu.memref_slice %arg7[%scatter3A_460, %scatter3A_461] : memref<2x12544xf32, #tpu.memory_space<vmem>> -> memref<1x12544xf32, #tpu.memory_space<vmem>>
      %scatter3A_463 = tpu.memref_squeeze %scatter3A_462 : memref<1x12544xf32, #tpu.memory_space<vmem>> -> memref<12544xf32, #tpu.memory_space<vmem>>
      tpu.vector_store_idx %scatter3A_463[%add3A_459], %mul3A_456 : memref<12544xf32, #tpu.memory_space<vmem>>[vector<16xi32>], vector<16xf32>,
      %get3A_464 = arith.constant 0 : i32
      %get3A_465 = arith.constant 9 : i32
      %get3A_466 = arith.index_cast %get3A_464 : i32 to index
      %get3A_467 = arith.index_cast %get3A_465 : i32 to index
      %get3A_468 = arith.index_cast %mul3A_330 : i32 to index
      %get3A_469 = tpu.vector_load %arg5[%get3A_466, %get3A_467, %get3A_468] {strides = array<i32>} : memref<2x16x784xf32, #tpu.memory_space<vmem>>, vector<16xf32>,
      %mul3A_470 = arith.mulf %get3A_469, %get3A_333 : vector<16xf32>
      %add3A_471 = arith.constant 9 : i32
      %add3A_472 = vector.broadcast %add3A_471 : i32 to vector<16xi32>
      %add3A_473 = arith.addi %mul3A_338, %add3A_472 : vector<16xi32>
      %scatter3A_474 = arith.constant 0 : i32
      %scatter3A_475 = arith.constant 0 : i32
      %scatter3A_476 = tpu.memref_slice %arg7[%scatter3A_474, %scatter3A_475] : memref<2x12544xf32, #tpu.memory_space<vmem>> -> memref<1x12544xf32, #tpu.memory_space<vmem>>
      %scatter3A_477 = tpu.memref_squeeze %scatter3A_476 : memref<1x12544xf32, #tpu.memory_space<vmem>> -> memref<12544xf32, #tpu.memory_space<vmem>>
      tpu.vector_store_idx %scatter3A_477[%add3A_473], %mul3A_470 : memref<12544xf32, #tpu.memory_space<vmem>>[vector<16xi32>], vector<16xf32>,
      %get3A_478 = arith.constant 0 : i32
      %get3A_479 = arith.constant 10 : i32
      %get3A_480 = arith.index_cast %get3A_478 : i32 to index
      %get3A_481 = arith.index_cast %get3A_479 : i32 to index
      %get3A_482 = arith.index_cast %mul3A_330 : i32 to index
      %get3A_483 = tpu.vector_load %arg5[%get3A_480, %get3A_481, %get3A_482] {strides = array<i32>} : memref<2x16x784xf32, #tpu.memory_space<vmem>>, vector<16xf32>,
      %mul3A_484 = arith.mulf %get3A_483, %get3A_333 : vector<16xf32>
      %add3A_485 = arith.constant 10 : i32
      %add3A_486 = vector.broadcast %add3A_485 : i32 to vector<16xi32>
      %add3A_487 = arith.addi %mul3A_338, %add3A_486 : vector<16xi32>
      %scatter3A_488 = arith.constant 0 : i32
      %scatter3A_489 = arith.constant 0 : i32
      %scatter3A_490 = tpu.memref_slice %arg7[%scatter3A_488, %scatter3A_489] : memref<2x12544xf32, #tpu.memory_space<vmem>> -> memref<1x12544xf32, #tpu.memory_space<vmem>>
      %scatter3A_491 = tpu.memref_squeeze %scatter3A_490 : memref<1x12544xf32, #tpu.memory_space<vmem>> -> memref<12544xf32, #tpu.memory_space<vmem>>
      tpu.vector_store_idx %scatter3A_491[%add3A_487], %mul3A_484 : memref<12544xf32, #tpu.memory_space<vmem>>[vector<16xi32>], vector<16xf32>,
      %get3A_492 = arith.constant 0 : i32
      %get3A_493 = arith.constant 11 : i32
      %get3A_494 = arith.index_cast %get3A_492 : i32 to index
      %get3A_495 = arith.index_cast %get3A_493 : i32 to index
      %get3A_496 = arith.index_cast %mul3A_330 : i32 to index
      %get3A_497 = tpu.vector_load %arg5[%get3A_494, %get3A_495, %get3A_496] {strides = array<i32>} : memref<2x16x784xf32, #tpu.memory_space<vmem>>, vector<16xf32>,
      %mul3A_498 = arith.mulf %get3A_497, %get3A_333 : vector<16xf32>
      %add3A_499 = arith.constant 11 : i32
      %add3A_500 = vector.broadcast %add3A_499 : i32 to vector<16xi32>
      %add3A_501 = arith.addi %mul3A_338, %add3A_500 : vector<16xi32>
      %scatter3A_502 = arith.constant 0 : i32
      %scatter3A_503 = arith.constant 0 : i32
      %scatter3A_504 = tpu.memref_slice %arg7[%scatter3A_502, %scatter3A_503] : memref<2x12544xf32, #tpu.memory_space<vmem>> -> memref<1x12544xf32, #tpu.memory_space<vmem>>
      %scatter3A_505 = tpu.memref_squeeze %scatter3A_504 : memref<1x12544xf32, #tpu.memory_space<vmem>> -> memref<12544xf32, #tpu.memory_space<vmem>>
      tpu.vector_store_idx %scatter3A_505[%add3A_501], %mul3A_498 : memref<12544xf32, #tpu.memory_space<vmem>>[vector<16xi32>], vector<16xf32>,
      %get3A_506 = arith.constant 0 : i32
      %get3A_507 = arith.constant 12 : i32
      %get3A_508 = arith.index_cast %get3A_506 : i32 to index
      %get3A_509 = arith.index_cast %get3A_507 : i32 to index
      %get3A_510 = arith.index_cast %mul3A_330 : i32 to index
      %get3A_511 = tpu.vector_load %arg5[%get3A_508, %get3A_509, %get3A_510] {strides = array<i32>} : memref<2x16x784xf32, #tpu.memory_space<vmem>>, vector<16xf32>,
      %mul3A_512 = arith.mulf %get3A_511, %get3A_333 : vector<16xf32>
      %add3A_513 = arith.constant 12 : i32
      %add3A_514 = vector.broadcast %add3A_513 : i32 to vector<16xi32>
      %add3A_515 = arith.addi %mul3A_338, %add3A_514 : vector<16xi32>
      %scatter3A_516 = arith.constant 0 : i32
      %scatter3A_517 = arith.constant 0 : i32
      %scatter3A_518 = tpu.memref_slice %arg7[%scatter3A_516, %scatter3A_517] : memref<2x12544xf32, #tpu.memory_space<vmem>> -> memref<1x12544xf32, #tpu.memory_space<vmem>>
      %scatter3A_519 = tpu.memref_squeeze %scatter3A_518 : memref<1x12544xf32, #tpu.memory_space<vmem>> -> memref<12544xf32, #tpu.memory_space<vmem>>
      tpu.vector_store_idx %scatter3A_519[%add3A_515], %mul3A_512 : memref<12544xf32, #tpu.memory_space<vmem>>[vector<16xi32>], vector<16xf32>,
      %get3A_520 = arith.constant 0 : i32
      %get3A_521 = arith.constant 13 : i32
      %get3A_522 = arith.index_cast %get3A_520 : i32 to index
      %get3A_523 = arith.index_cast %get3A_521 : i32 to index
      %get3A_524 = arith.index_cast %mul3A_330 : i32 to index
      %get3A_525 = tpu.vector_load %arg5[%get3A_522, %get3A_523, %get3A_524] {strides = array<i32>} : memref<2x16x784xf32, #tpu.memory_space<vmem>>, vector<16xf32>,
      %mul3A_526 = arith.mulf %get3A_525, %get3A_333 : vector<16xf32>
      %add3A_527 = arith.constant 13 : i32
      %add3A_528 = vector.broadcast %add3A_527 : i32 to vector<16xi32>
      %add3A_529 = arith.addi %mul3A_338, %add3A_528 : vector<16xi32>
      %scatter3A_530 = arith.constant 0 : i32
      %scatter3A_531 = arith.constant 0 : i32
      %scatter3A_532 = tpu.memref_slice %arg7[%scatter3A_530, %scatter3A_531] : memref<2x12544xf32, #tpu.memory_space<vmem>> -> memref<1x12544xf32, #tpu.memory_space<vmem>>
      %scatter3A_533 = tpu.memref_squeeze %scatter3A_532 : memref<1x12544xf32, #tpu.memory_space<vmem>> -> memref<12544xf32, #tpu.memory_space<vmem>>
      tpu.vector_store_idx %scatter3A_533[%add3A_529], %mul3A_526 : memref<12544xf32, #tpu.memory_space<vmem>>[vector<16xi32>], vector<16xf32>,
      %get3A_534 = arith.constant 0 : i32
      %get3A_535 = arith.constant 14 : i32
      %get3A_536 = arith.index_cast %get3A_534 : i32 to index
      %get3A_537 = arith.index_cast %get3A_535 : i32 to index
      %get3A_538 = arith.index_cast %mul3A_330 : i32 to index
      %get3A_539 = tpu.vector_load %arg5[%get3A_536, %get3A_537, %get3A_538] {strides = array<i32>} : memref<2x16x784xf32, #tpu.memory_space<vmem>>, vector<16xf32>,
      %mul3A_540 = arith.mulf %get3A_539, %get3A_333 : vector<16xf32>
      %add3A_541 = arith.constant 14 : i32
      %add3A_542 = vector.broadcast %add3A_541 : i32 to vector<16xi32>
      %add3A_543 = arith.addi %mul3A_338, %add3A_542 : vector<16xi32>
      %scatter3A_544 = arith.constant 0 : i32
      %scatter3A_545 = arith.constant 0 : i32
      %scatter3A_546 = tpu.memref_slice %arg7[%scatter3A_544, %scatter3A_545] : memref<2x12544xf32, #tpu.memory_space<vmem>> -> memref<1x12544xf32, #tpu.memory_space<vmem>>
      %scatter3A_547 = tpu.memref_squeeze %scatter3A_546 : memref<1x12544xf32, #tpu.memory_space<vmem>> -> memref<12544xf32, #tpu.memory_space<vmem>>
      tpu.vector_store_idx %scatter3A_547[%add3A_543], %mul3A_540 : memref<12544xf32, #tpu.memory_space<vmem>>[vector<16xi32>], vector<16xf32>,
      %get3A_548 = arith.constant 0 : i32
      %get3A_549 = arith.constant 15 : i32
      %get3A_550 = arith.index_cast %get3A_548 : i32 to index
      %get3A_551 = arith.index_cast %get3A_549 : i32 to index
      %get3A_552 = arith.index_cast %mul3A_330 : i32 to index
      %get3A_553 = tpu.vector_load %arg5[%get3A_550, %get3A_551, %get3A_552] {strides = array<i32>} : memref<2x16x784xf32, #tpu.memory_space<vmem>>, vector<16xf32>,
      %mul3A_554 = arith.mulf %get3A_553, %get3A_333 : vector<16xf32>
      %add3A_555 = arith.constant 15 : i32
      %add3A_556 = vector.broadcast %add3A_555 : i32 to vector<16xi32>
      %add3A_557 = arith.addi %mul3A_338, %add3A_556 : vector<16xi32>
      %scatter3A_558 = arith.constant 0 : i32
      %scatter3A_559 = arith.constant 0 : i32
      %scatter3A_560 = tpu.memref_slice %arg7[%scatter3A_558, %scatter3A_559] : memref<2x12544xf32, #tpu.memory_space<vmem>> -> memref<1x12544xf32, #tpu.memory_space<vmem>>
      %scatter3A_561 = tpu.memref_squeeze %scatter3A_560 : memref<1x12544xf32, #tpu.memory_space<vmem>> -> memref<12544xf32, #tpu.memory_space<vmem>>
      tpu.vector_store_idx %scatter3A_561[%add3A_557], %mul3A_554 : memref<12544xf32, #tpu.memory_space<vmem>>[vector<16xi32>], vector<16xf32>,
    }
    %scan3A_88 = arith.constant 49 : i32
    %add3A_89 = arith.constant 0 : i32
    %add3A_90 = arith.addi %mul3A_2, %add3A_89 : i32
    %mul3A_91 = arith.constant 16 : i32
    %mul3A_92 = arith.muli %add3A_90, %mul3A_91 : i32
    %dma_start3A_93 = arith.constant 0 : i32
    %dma_start3A_94 = arith.constant 0 : i32
    %dma_start3A_95 = tpu.memref_slice %arg7[%dma_start3A_93, %dma_start3A_94] : memref<2x12544xf32, #tpu.memory_space<vmem>> -> memref<1x12544xf32, #tpu.memory_space<vmem>>
    %dma_start3A_96 = tpu.memref_squeeze %dma_start3A_95 : memref<1x12544xf32, #tpu.memory_space<vmem>> -> memref<12544xf32, #tpu.memory_space<vmem>>
    %dma_start3A_97 = tpu.memref_slice %arg4[%mul3A_92] : memref<1605632xf32, #tpu.memory_space<hbm>> -> memref<12544xf32, #tpu.memory_space<hbm>>
    %dma_start3A_98 = tpu.memref_slice %arg4[%mul3A_92] : memref<1605632xf32, #tpu.memory_space<hbm>> -> memref<12544xf32, #tpu.memory_space<hbm>>
    %dma_start3A_99 = arith.constant 0 : i32
    %dma_start3A_100 = tpu.memref_slice %arg7[%dma_start3A_93, %dma_start3A_99] : memref<2x12544xf32, #tpu.memory_space<vmem>> -> memref<1x12544xf32, #tpu.memory_space<vmem>>
    %dma_start3A_101 = tpu.memref_squeeze %dma_start3A_100 : memref<1x12544xf32, #tpu.memory_space<vmem>> -> memref<12544xf32, #tpu.memory_space<vmem>>
    tpu.enqueue_dma source(%dma_start3A_101 : memref<12544xf32, #tpu.memory_space<vmem>>) target(%dma_start3A_98 : memref<12544xf32, #tpu.memory_space<hbm>>) target_semaphore(%arg9 : memref<!tpu.dma_semaphore, #tpu.memory_space<semaphore_mem>>)
    %dma_wait3A_102 = arith.constant 1 : i32
    %dma_wait3A_103 = arith.constant 0 : i32
    %dma_wait3A_104 = arith.constant 0 : i32
    %dma_wait3A_105 = tpu.memref_slice %arg5[%dma_wait3A_102, %dma_wait3A_103, %dma_wait3A_104] : memref<2x16x784xf32, #tpu.memory_space<vmem>> -> memref<1x16x784xf32, #tpu.memory_space<vmem>>
    %dma_wait3A_106 = tpu.memref_squeeze %dma_wait3A_105 : memref<1x16x784xf32, #tpu.memory_space<vmem>> -> memref<16x784xf32, #tpu.memory_space<vmem>>
    %dma_wait3A_107 = arith.constant 0 : i32
    %dma_wait3A_108 = tpu.memref_slice %arg2[%dma_wait3A_107, %add3A_56] : memref<16x100352xf32, #tpu.memory_space<hbm>> -> memref<16x784xf32, #tpu.memory_space<hbm>>
    %dma_wait3A_109 = arith.constant 0 : i32
    %dma_wait3A_110 = arith.constant 0 : i32
    %dma_wait3A_111 = tpu.memref_slice %arg5[%dma_wait3A_102, %dma_wait3A_109, %dma_wait3A_110] : memref<2x16x784xf32, #tpu.memory_space<vmem>> -> memref<1x16x784xf32, #tpu.memory_space<vmem>>
    %dma_wait3A_112 = tpu.memref_squeeze %dma_wait3A_111 : memref<1x16x784xf32, #tpu.memory_space<vmem>> -> memref<16x784xf32, #tpu.memory_space<vmem>>
    %dma_wait3A_113 = arith.constant 0 : i32
    %dma_wait3A_114 = tpu.memref_slice %arg2[%dma_wait3A_113, %add3A_56] : memref<16x100352xf32, #tpu.memory_space<hbm>> -> memref<16x784xf32, #tpu.memory_space<hbm>>
    tpu.wait_dma2 semaphore(%arg8 : memref<!tpu.dma_semaphore, #tpu.memory_space<semaphore_mem>>) src(%dma_wait3A_114 : memref<16x784xf32, #tpu.memory_space<hbm>>) dst(%dma_wait3A_112 : memref<16x784xf32, #tpu.memory_space<vmem>>)
    %dma_wait3A_115 = arith.constant 0 : i32
    %dma_wait3A_116 = arith.constant 1 : i32
    %dma_wait3A_117 = arith.constant 0 : i32
    %dma_wait3A_118 = tpu.memref_slice %arg6[%dma_wait3A_116, %dma_wait3A_117] : memref<2x784xf32, #tpu.memory_space<vmem>> -> memref<1x784xf32, #tpu.memory_space<vmem>>
    %dma_wait3A_119 = tpu.memref_squeeze %dma_wait3A_118 : memref<1x784xf32, #tpu.memory_space<vmem>> -> memref<784xf32, #tpu.memory_space<vmem>>
    %dma_wait3A_120 = tpu.memref_slice %arg3[%dma_wait3A_115, %add3A_71] : memref<1x100352xf32, #tpu.memory_space<hbm>> -> memref<1x784xf32, #tpu.memory_space<hbm>>
    %dma_wait3A_121 = tpu.memref_squeeze %dma_wait3A_120 : memref<1x784xf32, #tpu.memory_space<hbm>> -> memref<784xf32, #tpu.memory_space<hbm>>
    %dma_wait3A_122 = arith.constant 0 : i32
    %dma_wait3A_123 = tpu.memref_slice %arg6[%dma_wait3A_116, %dma_wait3A_122] : memref<2x784xf32, #tpu.memory_space<vmem>> -> memref<1x784xf32, #tpu.memory_space<vmem>>
    %dma_wait3A_124 = tpu.memref_squeeze %dma_wait3A_123 : memref<1x784xf32, #tpu.memory_space<vmem>> -> memref<784xf32, #tpu.memory_space<vmem>>
    %dma_wait3A_125 = tpu.memref_slice %arg3[%dma_wait3A_115, %add3A_71] : memref<1x100352xf32, #tpu.memory_space<hbm>> -> memref<1x784xf32, #tpu.memory_space<hbm>>
    %dma_wait3A_126 = tpu.memref_squeeze %dma_wait3A_125 : memref<1x784xf32, #tpu.memory_space<hbm>> -> memref<784xf32, #tpu.memory_space<hbm>>
    tpu.wait_dma2 semaphore(%arg8 : memref<!tpu.dma_semaphore, #tpu.memory_space<semaphore_mem>>) src(%dma_wait3A_126 : memref<784xf32, #tpu.memory_space<hbm>>) dst(%dma_wait3A_124 : memref<784xf32, #tpu.memory_space<vmem>>)
    %add3A_127 = arith.constant 1568 : i32
    %add3A_128 = arith.addi %mul3A_2, %add3A_127 : i32
    %dma_start3A_129 = arith.constant 0 : i32
    %dma_start3A_130 = arith.constant 0 : i32
    %dma_start3A_131 = arith.constant 0 : i32
    %dma_start3A_132 = tpu.memref_slice %arg5[%dma_start3A_129, %dma_start3A_130, %dma_start3A_131] : memref<2x16x784xf32, #tpu.memory_space<vmem>> -> memref<1x16x784xf32, #tpu.memory_space<vmem>>
    %dma_start3A_133 = tpu.memref_squeeze %dma_start3A_132 : memref<1x16x784xf32, #tpu.memory_space<vmem>> -> memref<16x784xf32, #tpu.memory_space<vmem>>
    %dma_start3A_134 = arith.constant 0 : i32
    %dma_start3A_135 = tpu.memref_slice %arg2[%dma_start3A_134, %add3A_128] : memref<16x100352xf32, #tpu.memory_space<hbm>> -> memref<16x784xf32, #tpu.memory_space<hbm>>
    %dma_start3A_136 = arith.constant 0 : i32
    %dma_start3A_137 = arith.constant 0 : i32
    %dma_start3A_138 = tpu.memref_slice %arg5[%dma_start3A_129, %dma_start3A_136, %dma_start3A_137] : memref<2x16x784xf32, #tpu.memory_space<vmem>> -> memref<1x16x784xf32, #tpu.memory_space<vmem>>
    %dma_start3A_139 = tpu.memref_squeeze %dma_start3A_138 : memref<1x16x784xf32, #tpu.memory_space<vmem>> -> memref<16x784xf32, #tpu.memory_space<vmem>>
    %dma_start3A_140 = arith.constant 0 : i32
    %dma_start3A_141 = tpu.memref_slice %arg2[%dma_start3A_140, %add3A_128] : memref<16x100352xf32, #tpu.memory_space<hbm>> -> memref<16x784xf32, #tpu.memory_space<hbm>>
    tpu.enqueue_dma source(%dma_start3A_141 : memref<16x784xf32, #tpu.memory_space<hbm>>) target(%dma_start3A_139 : memref<16x784xf32, #tpu.memory_space<vmem>>) target_semaphore(%arg8 : memref<!tpu.dma_semaphore, #tpu.memory_space<semaphore_mem>>)
    %add3A_142 = arith.constant 1568 : i32
    %add3A_143 = arith.addi %mul3A_2, %add3A_142 : i32
    %dma_start3A_144 = arith.constant 0 : i32
    %dma_start3A_145 = arith.constant 0 : i32
    %dma_start3A_146 = arith.constant 0 : i32
    %dma_start3A_147 = tpu.memref_slice %arg6[%dma_start3A_145, %dma_start3A_146] : memref<2x784xf32, #tpu.memory_space<vmem>> -> memref<1x784xf32, #tpu.memory_space<vmem>>
    %dma_start3A_148 = tpu.memref_squeeze %dma_start3A_147 : memref<1x784xf32, #tpu.memory_space<vmem>> -> memref<784xf32, #tpu.memory_space<vmem>>
    %dma_start3A_149 = tpu.memref_slice %arg3[%dma_start3A_144, %add3A_143] : memref<1x100352xf32, #tpu.memory_space<hbm>> -> memref<1x784xf32, #tpu.memory_space<hbm>>
    %dma_start3A_150 = tpu.memref_squeeze %dma_start3A_149 : memref<1x784xf32, #tpu.memory_space<hbm>> -> memref<784xf32, #tpu.memory_space<hbm>>
    %dma_start3A_151 = arith.constant 0 : i32
    %dma_start3A_152 = tpu.memref_slice %arg6[%dma_start3A_145, %dma_start3A_151] : memref<2x784xf32, #tpu.memory_space<vmem>> -> memref<1x784xf32, #tpu.memory_space<vmem>>
    %dma_start3A_153 = tpu.memref_squeeze %dma_start3A_152 : memref<1x784xf32, #tpu.memory_space<vmem>> -> memref<784xf32, #tpu.memory_space<vmem>>
    %dma_start3A_154 = tpu.memref_slice %arg3[%dma_start3A_144, %add3A_143] : memref<1x100352xf32, #tpu.memory_space<hbm>> -> memref<1x784xf32, #tpu.memory_space<hbm>>
    %dma_start3A_155 = tpu.memref_squeeze %dma_start3A_154 : memref<1x784xf32, #tpu.memory_space<hbm>> -> memref<784xf32, #tpu.memory_space<hbm>>
    tpu.enqueue_dma source(%dma_start3A_155 : memref<784xf32, #tpu.memory_space<hbm>>) target(%dma_start3A_153 : memref<784xf32, #tpu.memory_space<vmem>>) target_semaphore(%arg8 : memref<!tpu.dma_semaphore, #tpu.memory_space<semaphore_mem>>)
    %scan3A_156 = arith.constant 0 : i32
    %scan3A_157 = arith.constant 0 : i32
    %scan3A_158 = arith.constant 49 : i32
    %scan3A_159 = arith.addi %scan3A_157, %scan3A_158 : i32
    %scan3A_160 = arith.constant 1 : i32
    scf.for %scan3A_328 = %scan3A_157 to %scan3A_159 step %scan3A_160  : i32 {
      %mul3A_329 = arith.constant 16 : i32
      %mul3A_330 = arith.muli %scan3A_328, %mul3A_329 : i32
      %get3A = arith.constant 1 : i32
      %get3A_331 = arith.index_cast %get3A : i32 to index
      %get3A_332 = arith.index_cast %mul3A_330 : i32 to index
      %get3A_333 = tpu.vector_load %arg6[%get3A_331, %get3A_332] {strides = array<i32>} : memref<2x784xf32, #tpu.memory_space<vmem>>, vector<16xf32>,
      %add3A_334 = vector.broadcast %mul3A_330 : i32 to vector<16xi32>
      %add3A_335 = arith.addi %iota3A, %add3A_334 : vector<16xi32>
      %mul3A_336 = arith.constant 16 : i32
      %mul3A_337 = vector.broadcast %mul3A_336 : i32 to vector<16xi32>
      %mul3A_338 = arith.muli %add3A_335, %mul3A_337 : vector<16xi32>
      %get3A_339 = arith.constant 1 : i32
      %get3A_340 = arith.constant 0 : i32
      %get3A_341 = arith.index_cast %get3A_339 : i32 to index
      %get3A_342 = arith.index_cast %get3A_340 : i32 to index
      %get3A_343 = arith.index_cast %mul3A_330 : i32 to index
      %get3A_344 = tpu.vector_load %arg5[%get3A_341, %get3A_342, %get3A_343] {strides = array<i32>} : memref<2x16x784xf32, #tpu.memory_space<vmem>>, vector<16xf32>,
      %mul3A_345 = arith.mulf %get3A_344, %get3A_333 : vector<16xf32>
      %add3A_346 = arith.constant 0 : i32
      %add3A_347 = vector.broadcast %add3A_346 : i32 to vector<16xi32>
      %add3A_348 = arith.addi %mul3A_338, %add3A_347 : vector<16xi32>
      %scatter3A = arith.constant 1 : i32
      %scatter3A_349 = arith.constant 0 : i32
      %scatter3A_350 = tpu.memref_slice %arg7[%scatter3A, %scatter3A_349] : memref<2x12544xf32, #tpu.memory_space<vmem>> -> memref<1x12544xf32, #tpu.memory_space<vmem>>
      %scatter3A_351 = tpu.memref_squeeze %scatter3A_350 : memref<1x12544xf32, #tpu.memory_space<vmem>> -> memref<12544xf32, #tpu.memory_space<vmem>>
      tpu.vector_store_idx %scatter3A_351[%add3A_348], %mul3A_345 : memref<12544xf32, #tpu.memory_space<vmem>>[vector<16xi32>], vector<16xf32>,
      %get3A_352 = arith.constant 1 : i32
      %get3A_353 = arith.constant 1 : i32
      %get3A_354 = arith.index_cast %get3A_352 : i32 to index
      %get3A_355 = arith.index_cast %get3A_353 : i32 to index
      %get3A_356 = arith.index_cast %mul3A_330 : i32 to index
      %get3A_357 = tpu.vector_load %arg5[%get3A_354, %get3A_355, %get3A_356] {strides = array<i32>} : memref<2x16x784xf32, #tpu.memory_space<vmem>>, vector<16xf32>,
      %mul3A_358 = arith.mulf %get3A_357, %get3A_333 : vector<16xf32>
      %add3A_359 = arith.constant 1 : i32
      %add3A_360 = vector.broadcast %add3A_359 : i32 to vector<16xi32>
      %add3A_361 = arith.addi %mul3A_338, %add3A_360 : vector<16xi32>
      %scatter3A_362 = arith.constant 1 : i32
      %scatter3A_363 = arith.constant 0 : i32
      %scatter3A_364 = tpu.memref_slice %arg7[%scatter3A_362, %scatter3A_363] : memref<2x12544xf32, #tpu.memory_space<vmem>> -> memref<1x12544xf32, #tpu.memory_space<vmem>>
      %scatter3A_365 = tpu.memref_squeeze %scatter3A_364 : memref<1x12544xf32, #tpu.memory_space<vmem>> -> memref<12544xf32, #tpu.memory_space<vmem>>
      tpu.vector_store_idx %scatter3A_365[%add3A_361], %mul3A_358 : memref<12544xf32, #tpu.memory_space<vmem>>[vector<16xi32>], vector<16xf32>,
      %get3A_366 = arith.constant 1 : i32
      %get3A_367 = arith.constant 2 : i32
      %get3A_368 = arith.index_cast %get3A_366 : i32 to index
      %get3A_369 = arith.index_cast %get3A_367 : i32 to index
      %get3A_370 = arith.index_cast %mul3A_330 : i32 to index
      %get3A_371 = tpu.vector_load %arg5[%get3A_368, %get3A_369, %get3A_370] {strides = array<i32>} : memref<2x16x784xf32, #tpu.memory_space<vmem>>, vector<16xf32>,
      %mul3A_372 = arith.mulf %get3A_371, %get3A_333 : vector<16xf32>
      %add3A_373 = arith.constant 2 : i32
      %add3A_374 = vector.broadcast %add3A_373 : i32 to vector<16xi32>
      %add3A_375 = arith.addi %mul3A_338, %add3A_374 : vector<16xi32>
      %scatter3A_376 = arith.constant 1 : i32
      %scatter3A_377 = arith.constant 0 : i32
      %scatter3A_378 = tpu.memref_slice %arg7[%scatter3A_376, %scatter3A_377] : memref<2x12544xf32, #tpu.memory_space<vmem>> -> memref<1x12544xf32, #tpu.memory_space<vmem>>
      %scatter3A_379 = tpu.memref_squeeze %scatter3A_378 : memref<1x12544xf32, #tpu.memory_space<vmem>> -> memref<12544xf32, #tpu.memory_space<vmem>>
      tpu.vector_store_idx %scatter3A_379[%add3A_375], %mul3A_372 : memref<12544xf32, #tpu.memory_space<vmem>>[vector<16xi32>], vector<16xf32>,
      %get3A_380 = arith.constant 1 : i32
      %get3A_381 = arith.constant 3 : i32
      %get3A_382 = arith.index_cast %get3A_380 : i32 to index
      %get3A_383 = arith.index_cast %get3A_381 : i32 to index
      %get3A_384 = arith.index_cast %mul3A_330 : i32 to index
      %get3A_385 = tpu.vector_load %arg5[%get3A_382, %get3A_383, %get3A_384] {strides = array<i32>} : memref<2x16x784xf32, #tpu.memory_space<vmem>>, vector<16xf32>,
      %mul3A_386 = arith.mulf %get3A_385, %get3A_333 : vector<16xf32>
      %add3A_387 = arith.constant 3 : i32
      %add3A_388 = vector.broadcast %add3A_387 : i32 to vector<16xi32>
      %add3A_389 = arith.addi %mul3A_338, %add3A_388 : vector<16xi32>
      %scatter3A_390 = arith.constant 1 : i32
      %scatter3A_391 = arith.constant 0 : i32
      %scatter3A_392 = tpu.memref_slice %arg7[%scatter3A_390, %scatter3A_391] : memref<2x12544xf32, #tpu.memory_space<vmem>> -> memref<1x12544xf32, #tpu.memory_space<vmem>>
      %scatter3A_393 = tpu.memref_squeeze %scatter3A_392 : memref<1x12544xf32, #tpu.memory_space<vmem>> -> memref<12544xf32, #tpu.memory_space<vmem>>
      tpu.vector_store_idx %scatter3A_393[%add3A_389], %mul3A_386 : memref<12544xf32, #tpu.memory_space<vmem>>[vector<16xi32>], vector<16xf32>,
      %get3A_394 = arith.constant 1 : i32
      %get3A_395 = arith.constant 4 : i32
      %get3A_396 = arith.index_cast %get3A_394 : i32 to index
      %get3A_397 = arith.index_cast %get3A_395 : i32 to index
      %get3A_398 = arith.index_cast %mul3A_330 : i32 to index
      %get3A_399 = tpu.vector_load %arg5[%get3A_396, %get3A_397, %get3A_398] {strides = array<i32>} : memref<2x16x784xf32, #tpu.memory_space<vmem>>, vector<16xf32>,
      %mul3A_400 = arith.mulf %get3A_399, %get3A_333 : vector<16xf32>
      %add3A_401 = arith.constant 4 : i32
      %add3A_402 = vector.broadcast %add3A_401 : i32 to vector<16xi32>
      %add3A_403 = arith.addi %mul3A_338, %add3A_402 : vector<16xi32>
      %scatter3A_404 = arith.constant 1 : i32
      %scatter3A_405 = arith.constant 0 : i32
      %scatter3A_406 = tpu.memref_slice %arg7[%scatter3A_404, %scatter3A_405] : memref<2x12544xf32, #tpu.memory_space<vmem>> -> memref<1x12544xf32, #tpu.memory_space<vmem>>
      %scatter3A_407 = tpu.memref_squeeze %scatter3A_406 : memref<1x12544xf32, #tpu.memory_space<vmem>> -> memref<12544xf32, #tpu.memory_space<vmem>>
      tpu.vector_store_idx %scatter3A_407[%add3A_403], %mul3A_400 : memref<12544xf32, #tpu.memory_space<vmem>>[vector<16xi32>], vector<16xf32>,
      %get3A_408 = arith.constant 1 : i32
      %get3A_409 = arith.constant 5 : i32
      %get3A_410 = arith.index_cast %get3A_408 : i32 to index
      %get3A_411 = arith.index_cast %get3A_409 : i32 to index
      %get3A_412 = arith.index_cast %mul3A_330 : i32 to index
      %get3A_413 = tpu.vector_load %arg5[%get3A_410, %get3A_411, %get3A_412] {strides = array<i32>} : memref<2x16x784xf32, #tpu.memory_space<vmem>>, vector<16xf32>,
      %mul3A_414 = arith.mulf %get3A_413, %get3A_333 : vector<16xf32>
      %add3A_415 = arith.constant 5 : i32
      %add3A_416 = vector.broadcast %add3A_415 : i32 to vector<16xi32>
      %add3A_417 = arith.addi %mul3A_338, %add3A_416 : vector<16xi32>
      %scatter3A_418 = arith.constant 1 : i32
      %scatter3A_419 = arith.constant 0 : i32
      %scatter3A_420 = tpu.memref_slice %arg7[%scatter3A_418, %scatter3A_419] : memref<2x12544xf32, #tpu.memory_space<vmem>> -> memref<1x12544xf32, #tpu.memory_space<vmem>>
      %scatter3A_421 = tpu.memref_squeeze %scatter3A_420 : memref<1x12544xf32, #tpu.memory_space<vmem>> -> memref<12544xf32, #tpu.memory_space<vmem>>
      tpu.vector_store_idx %scatter3A_421[%add3A_417], %mul3A_414 : memref<12544xf32, #tpu.memory_space<vmem>>[vector<16xi32>], vector<16xf32>,
      %get3A_422 = arith.constant 1 : i32
      %get3A_423 = arith.constant 6 : i32
      %get3A_424 = arith.index_cast %get3A_422 : i32 to index
      %get3A_425 = arith.index_cast %get3A_423 : i32 to index
      %get3A_426 = arith.index_cast %mul3A_330 : i32 to index
      %get3A_427 = tpu.vector_load %arg5[%get3A_424, %get3A_425, %get3A_426] {strides = array<i32>} : memref<2x16x784xf32, #tpu.memory_space<vmem>>, vector<16xf32>,
      %mul3A_428 = arith.mulf %get3A_427, %get3A_333 : vector<16xf32>
      %add3A_429 = arith.constant 6 : i32
      %add3A_430 = vector.broadcast %add3A_429 : i32 to vector<16xi32>
      %add3A_431 = arith.addi %mul3A_338, %add3A_430 : vector<16xi32>
      %scatter3A_432 = arith.constant 1 : i32
      %scatter3A_433 = arith.constant 0 : i32
      %scatter3A_434 = tpu.memref_slice %arg7[%scatter3A_432, %scatter3A_433] : memref<2x12544xf32, #tpu.memory_space<vmem>> -> memref<1x12544xf32, #tpu.memory_space<vmem>>
      %scatter3A_435 = tpu.memref_squeeze %scatter3A_434 : memref<1x12544xf32, #tpu.memory_space<vmem>> -> memref<12544xf32, #tpu.memory_space<vmem>>
      tpu.vector_store_idx %scatter3A_435[%add3A_431], %mul3A_428 : memref<12544xf32, #tpu.memory_space<vmem>>[vector<16xi32>], vector<16xf32>,
      %get3A_436 = arith.constant 1 : i32
      %get3A_437 = arith.constant 7 : i32
      %get3A_438 = arith.index_cast %get3A_436 : i32 to index
      %get3A_439 = arith.index_cast %get3A_437 : i32 to index
      %get3A_440 = arith.index_cast %mul3A_330 : i32 to index
      %get3A_441 = tpu.vector_load %arg5[%get3A_438, %get3A_439, %get3A_440] {strides = array<i32>} : memref<2x16x784xf32, #tpu.memory_space<vmem>>, vector<16xf32>,
      %mul3A_442 = arith.mulf %get3A_441, %get3A_333 : vector<16xf32>
      %add3A_443 = arith.constant 7 : i32
      %add3A_444 = vector.broadcast %add3A_443 : i32 to vector<16xi32>
      %add3A_445 = arith.addi %mul3A_338, %add3A_444 : vector<16xi32>
      %scatter3A_446 = arith.constant 1 : i32
      %scatter3A_447 = arith.constant 0 : i32
      %scatter3A_448 = tpu.memref_slice %arg7[%scatter3A_446, %scatter3A_447] : memref<2x12544xf32, #tpu.memory_space<vmem>> -> memref<1x12544xf32, #tpu.memory_space<vmem>>
      %scatter3A_449 = tpu.memref_squeeze %scatter3A_448 : memref<1x12544xf32, #tpu.memory_space<vmem>> -> memref<12544xf32, #tpu.memory_space<vmem>>
      tpu.vector_store_idx %scatter3A_449[%add3A_445], %mul3A_442 : memref<12544xf32, #tpu.memory_space<vmem>>[vector<16xi32>], vector<16xf32>,
      %get3A_450 = arith.constant 1 : i32
      %get3A_451 = arith.constant 8 : i32
      %get3A_452 = arith.index_cast %get3A_450 : i32 to index
      %get3A_453 = arith.index_cast %get3A_451 : i32 to index
      %get3A_454 = arith.index_cast %mul3A_330 : i32 to index
      %get3A_455 = tpu.vector_load %arg5[%get3A_452, %get3A_453, %get3A_454] {strides = array<i32>} : memref<2x16x784xf32, #tpu.memory_space<vmem>>, vector<16xf32>,
      %mul3A_456 = arith.mulf %get3A_455, %get3A_333 : vector<16xf32>
      %add3A_457 = arith.constant 8 : i32
      %add3A_458 = vector.broadcast %add3A_457 : i32 to vector<16xi32>
      %add3A_459 = arith.addi %mul3A_338, %add3A_458 : vector<16xi32>
      %scatter3A_460 = arith.constant 1 : i32
      %scatter3A_461 = arith.constant 0 : i32
      %scatter3A_462 = tpu.memref_slice %arg7[%scatter3A_460, %scatter3A_461] : memref<2x12544xf32, #tpu.memory_space<vmem>> -> memref<1x12544xf32, #tpu.memory_space<vmem>>
      %scatter3A_463 = tpu.memref_squeeze %scatter3A_462 : memref<1x12544xf32, #tpu.memory_space<vmem>> -> memref<12544xf32, #tpu.memory_space<vmem>>
      tpu.vector_store_idx %scatter3A_463[%add3A_459], %mul3A_456 : memref<12544xf32, #tpu.memory_space<vmem>>[vector<16xi32>], vector<16xf32>,
      %get3A_464 = arith.constant 1 : i32
      %get3A_465 = arith.constant 9 : i32
      %get3A_466 = arith.index_cast %get3A_464 : i32 to index
      %get3A_467 = arith.index_cast %get3A_465 : i32 to index
      %get3A_468 = arith.index_cast %mul3A_330 : i32 to index
      %get3A_469 = tpu.vector_load %arg5[%get3A_466, %get3A_467, %get3A_468] {strides = array<i32>} : memref<2x16x784xf32, #tpu.memory_space<vmem>>, vector<16xf32>,
      %mul3A_470 = arith.mulf %get3A_469, %get3A_333 : vector<16xf32>
      %add3A_471 = arith.constant 9 : i32
      %add3A_472 = vector.broadcast %add3A_471 : i32 to vector<16xi32>
      %add3A_473 = arith.addi %mul3A_338, %add3A_472 : vector<16xi32>
      %scatter3A_474 = arith.constant 1 : i32
      %scatter3A_475 = arith.constant 0 : i32
      %scatter3A_476 = tpu.memref_slice %arg7[%scatter3A_474, %scatter3A_475] : memref<2x12544xf32, #tpu.memory_space<vmem>> -> memref<1x12544xf32, #tpu.memory_space<vmem>>
      %scatter3A_477 = tpu.memref_squeeze %scatter3A_476 : memref<1x12544xf32, #tpu.memory_space<vmem>> -> memref<12544xf32, #tpu.memory_space<vmem>>
      tpu.vector_store_idx %scatter3A_477[%add3A_473], %mul3A_470 : memref<12544xf32, #tpu.memory_space<vmem>>[vector<16xi32>], vector<16xf32>,
      %get3A_478 = arith.constant 1 : i32
      %get3A_479 = arith.constant 10 : i32
      %get3A_480 = arith.index_cast %get3A_478 : i32 to index
      %get3A_481 = arith.index_cast %get3A_479 : i32 to index
      %get3A_482 = arith.index_cast %mul3A_330 : i32 to index
      %get3A_483 = tpu.vector_load %arg5[%get3A_480, %get3A_481, %get3A_482] {strides = array<i32>} : memref<2x16x784xf32, #tpu.memory_space<vmem>>, vector<16xf32>,
      %mul3A_484 = arith.mulf %get3A_483, %get3A_333 : vector<16xf32>
      %add3A_485 = arith.constant 10 : i32
      %add3A_486 = vector.broadcast %add3A_485 : i32 to vector<16xi32>
      %add3A_487 = arith.addi %mul3A_338, %add3A_486 : vector<16xi32>
      %scatter3A_488 = arith.constant 1 : i32
      %scatter3A_489 = arith.constant 0 : i32
      %scatter3A_490 = tpu.memref_slice %arg7[%scatter3A_488, %scatter3A_489] : memref<2x12544xf32, #tpu.memory_space<vmem>> -> memref<1x12544xf32, #tpu.memory_space<vmem>>
      %scatter3A_491 = tpu.memref_squeeze %scatter3A_490 : memref<1x12544xf32, #tpu.memory_space<vmem>> -> memref<12544xf32, #tpu.memory_space<vmem>>
      tpu.vector_store_idx %scatter3A_491[%add3A_487], %mul3A_484 : memref<12544xf32, #tpu.memory_space<vmem>>[vector<16xi32>], vector<16xf32>,
      %get3A_492 = arith.constant 1 : i32
      %get3A_493 = arith.constant 11 : i32
      %get3A_494 = arith.index_cast %get3A_492 : i32 to index
      %get3A_495 = arith.index_cast %get3A_493 : i32 to index
      %get3A_496 = arith.index_cast %mul3A_330 : i32 to index
      %get3A_497 = tpu.vector_load %arg5[%get3A_494, %get3A_495, %get3A_496] {strides = array<i32>} : memref<2x16x784xf32, #tpu.memory_space<vmem>>, vector<16xf32>,
      %mul3A_498 = arith.mulf %get3A_497, %get3A_333 : vector<16xf32>
      %add3A_499 = arith.constant 11 : i32
      %add3A_500 = vector.broadcast %add3A_499 : i32 to vector<16xi32>
      %add3A_501 = arith.addi %mul3A_338, %add3A_500 : vector<16xi32>
      %scatter3A_502 = arith.constant 1 : i32
      %scatter3A_503 = arith.constant 0 : i32
      %scatter3A_504 = tpu.memref_slice %arg7[%scatter3A_502, %scatter3A_503] : memref<2x12544xf32, #tpu.memory_space<vmem>> -> memref<1x12544xf32, #tpu.memory_space<vmem>>
      %scatter3A_505 = tpu.memref_squeeze %scatter3A_504 : memref<1x12544xf32, #tpu.memory_space<vmem>> -> memref<12544xf32, #tpu.memory_space<vmem>>
      tpu.vector_store_idx %scatter3A_505[%add3A_501], %mul3A_498 : memref<12544xf32, #tpu.memory_space<vmem>>[vector<16xi32>], vector<16xf32>,
      %get3A_506 = arith.constant 1 : i32
      %get3A_507 = arith.constant 12 : i32
      %get3A_508 = arith.index_cast %get3A_506 : i32 to index
      %get3A_509 = arith.index_cast %get3A_507 : i32 to index
      %get3A_510 = arith.index_cast %mul3A_330 : i32 to index
      %get3A_511 = tpu.vector_load %arg5[%get3A_508, %get3A_509, %get3A_510] {strides = array<i32>} : memref<2x16x784xf32, #tpu.memory_space<vmem>>, vector<16xf32>,
      %mul3A_512 = arith.mulf %get3A_511, %get3A_333 : vector<16xf32>
      %add3A_513 = arith.constant 12 : i32
      %add3A_514 = vector.broadcast %add3A_513 : i32 to vector<16xi32>
      %add3A_515 = arith.addi %mul3A_338, %add3A_514 : vector<16xi32>
      %scatter3A_516 = arith.constant 1 : i32
      %scatter3A_517 = arith.constant 0 : i32
      %scatter3A_518 = tpu.memref_slice %arg7[%scatter3A_516, %scatter3A_517] : memref<2x12544xf32, #tpu.memory_space<vmem>> -> memref<1x12544xf32, #tpu.memory_space<vmem>>
      %scatter3A_519 = tpu.memref_squeeze %scatter3A_518 : memref<1x12544xf32, #tpu.memory_space<vmem>> -> memref<12544xf32, #tpu.memory_space<vmem>>
      tpu.vector_store_idx %scatter3A_519[%add3A_515], %mul3A_512 : memref<12544xf32, #tpu.memory_space<vmem>>[vector<16xi32>], vector<16xf32>,
      %get3A_520 = arith.constant 1 : i32
      %get3A_521 = arith.constant 13 : i32
      %get3A_522 = arith.index_cast %get3A_520 : i32 to index
      %get3A_523 = arith.index_cast %get3A_521 : i32 to index
      %get3A_524 = arith.index_cast %mul3A_330 : i32 to index
      %get3A_525 = tpu.vector_load %arg5[%get3A_522, %get3A_523, %get3A_524] {strides = array<i32>} : memref<2x16x784xf32, #tpu.memory_space<vmem>>, vector<16xf32>,
      %mul3A_526 = arith.mulf %get3A_525, %get3A_333 : vector<16xf32>
      %add3A_527 = arith.constant 13 : i32
      %add3A_528 = vector.broadcast %add3A_527 : i32 to vector<16xi32>
      %add3A_529 = arith.addi %mul3A_338, %add3A_528 : vector<16xi32>
      %scatter3A_530 = arith.constant 1 : i32
      %scatter3A_531 = arith.constant 0 : i32
      %scatter3A_532 = tpu.memref_slice %arg7[%scatter3A_530, %scatter3A_531] : memref<2x12544xf32, #tpu.memory_space<vmem>> -> memref<1x12544xf32, #tpu.memory_space<vmem>>
      %scatter3A_533 = tpu.memref_squeeze %scatter3A_532 : memref<1x12544xf32, #tpu.memory_space<vmem>> -> memref<12544xf32, #tpu.memory_space<vmem>>
      tpu.vector_store_idx %scatter3A_533[%add3A_529], %mul3A_526 : memref<12544xf32, #tpu.memory_space<vmem>>[vector<16xi32>], vector<16xf32>,
      %get3A_534 = arith.constant 1 : i32
      %get3A_535 = arith.constant 14 : i32
      %get3A_536 = arith.index_cast %get3A_534 : i32 to index
      %get3A_537 = arith.index_cast %get3A_535 : i32 to index
      %get3A_538 = arith.index_cast %mul3A_330 : i32 to index
      %get3A_539 = tpu.vector_load %arg5[%get3A_536, %get3A_537, %get3A_538] {strides = array<i32>} : memref<2x16x784xf32, #tpu.memory_space<vmem>>, vector<16xf32>,
      %mul3A_540 = arith.mulf %get3A_539, %get3A_333 : vector<16xf32>
      %add3A_541 = arith.constant 14 : i32
      %add3A_542 = vector.broadcast %add3A_541 : i32 to vector<16xi32>
      %add3A_543 = arith.addi %mul3A_338, %add3A_542 : vector<16xi32>
      %scatter3A_544 = arith.constant 1 : i32
      %scatter3A_545 = arith.constant 0 : i32
      %scatter3A_546 = tpu.memref_slice %arg7[%scatter3A_544, %scatter3A_545] : memref<2x12544xf32, #tpu.memory_space<vmem>> -> memref<1x12544xf32, #tpu.memory_space<vmem>>
      %scatter3A_547 = tpu.memref_squeeze %scatter3A_546 : memref<1x12544xf32, #tpu.memory_space<vmem>> -> memref<12544xf32, #tpu.memory_space<vmem>>
      tpu.vector_store_idx %scatter3A_547[%add3A_543], %mul3A_540 : memref<12544xf32, #tpu.memory_space<vmem>>[vector<16xi32>], vector<16xf32>,
      %get3A_548 = arith.constant 1 : i32
      %get3A_549 = arith.constant 15 : i32
      %get3A_550 = arith.index_cast %get3A_548 : i32 to index
      %get3A_551 = arith.index_cast %get3A_549 : i32 to index
      %get3A_552 = arith.index_cast %mul3A_330 : i32 to index
      %get3A_553 = tpu.vector_load %arg5[%get3A_550, %get3A_551, %get3A_552] {strides = array<i32>} : memref<2x16x784xf32, #tpu.memory_space<vmem>>, vector<16xf32>,
      %mul3A_554 = arith.mulf %get3A_553, %get3A_333 : vector<16xf32>
      %add3A_555 = arith.constant 15 : i32
      %add3A_556 = vector.broadcast %add3A_555 : i32 to vector<16xi32>
      %add3A_557 = arith.addi %mul3A_338, %add3A_556 : vector<16xi32>
      %scatter3A_558 = arith.constant 1 : i32
      %scatter3A_559 = arith.constant 0 : i32
      %scatter3A_560 = tpu.memref_slice %arg7[%scatter3A_558, %scatter3A_559] : memref<2x12544xf32, #tpu.memory_space<vmem>> -> memref<1x12544xf32, #tpu.memory_space<vmem>>
      %scatter3A_561 = tpu.memref_squeeze %scatter3A_560 : memref<1x12544xf32, #tpu.memory_space<vmem>> -> memref<12544xf32, #tpu.memory_space<vmem>>
      tpu.vector_store_idx %scatter3A_561[%add3A_557], %mul3A_554 : memref<12544xf32, #tpu.memory_space<vmem>>[vector<16xi32>], vector<16xf32>,
    }
    %scan3A_161 = arith.constant 49 : i32
    %add3A_162 = arith.constant 784 : i32
    %add3A_163 = arith.addi %mul3A_2, %add3A_162 : i32
    %mul3A_164 = arith.constant 16 : i32
    %mul3A_165 = arith.muli %add3A_163, %mul3A_164 : i32
    %dma_start3A_166 = arith.constant 1 : i32
    %dma_start3A_167 = arith.constant 0 : i32
    %dma_start3A_168 = tpu.memref_slice %arg7[%dma_start3A_166, %dma_start3A_167] : memref<2x12544xf32, #tpu.memory_space<vmem>> -> memref<1x12544xf32, #tpu.memory_space<vmem>>
    %dma_start3A_169 = tpu.memref_squeeze %dma_start3A_168 : memref<1x12544xf32, #tpu.memory_space<vmem>> -> memref<12544xf32, #tpu.memory_space<vmem>>
    %dma_start3A_170 = tpu.memref_slice %arg4[%mul3A_165] : memref<1605632xf32, #tpu.memory_space<hbm>> -> memref<12544xf32, #tpu.memory_space<hbm>>
    %dma_start3A_171 = tpu.memref_slice %arg4[%mul3A_165] : memref<1605632xf32, #tpu.memory_space<hbm>> -> memref<12544xf32, #tpu.memory_space<hbm>>
    %dma_start3A_172 = arith.constant 0 : i32
    %dma_start3A_173 = tpu.memref_slice %arg7[%dma_start3A_166, %dma_start3A_172] : memref<2x12544xf32, #tpu.memory_space<vmem>> -> memref<1x12544xf32, #tpu.memory_space<vmem>>
    %dma_start3A_174 = tpu.memref_squeeze %dma_start3A_173 : memref<1x12544xf32, #tpu.memory_space<vmem>> -> memref<12544xf32, #tpu.memory_space<vmem>>
    tpu.enqueue_dma source(%dma_start3A_174 : memref<12544xf32, #tpu.memory_space<vmem>>) target(%dma_start3A_171 : memref<12544xf32, #tpu.memory_space<hbm>>) target_semaphore(%arg9 : memref<!tpu.dma_semaphore, #tpu.memory_space<semaphore_mem>>)
    %dma_wait3A_175 = arith.constant 0 : i32
    %dma_wait3A_176 = arith.constant 0 : i32
    %dma_wait3A_177 = arith.constant 0 : i32
    %dma_wait3A_178 = tpu.memref_slice %arg5[%dma_wait3A_175, %dma_wait3A_176, %dma_wait3A_177] : memref<2x16x784xf32, #tpu.memory_space<vmem>> -> memref<1x16x784xf32, #tpu.memory_space<vmem>>
    %dma_wait3A_179 = tpu.memref_squeeze %dma_wait3A_178 : memref<1x16x784xf32, #tpu.memory_space<vmem>> -> memref<16x784xf32, #tpu.memory_space<vmem>>
    %dma_wait3A_180 = arith.constant 0 : i32
    %dma_wait3A_181 = tpu.memref_slice %arg2[%dma_wait3A_180, %add3A_128] : memref<16x100352xf32, #tpu.memory_space<hbm>> -> memref<16x784xf32, #tpu.memory_space<hbm>>
    %dma_wait3A_182 = arith.constant 0 : i32
    %dma_wait3A_183 = arith.constant 0 : i32
    %dma_wait3A_184 = tpu.memref_slice %arg5[%dma_wait3A_175, %dma_wait3A_182, %dma_wait3A_183] : memref<2x16x784xf32, #tpu.memory_space<vmem>> -> memref<1x16x784xf32, #tpu.memory_space<vmem>>
    %dma_wait3A_185 = tpu.memref_squeeze %dma_wait3A_184 : memref<1x16x784xf32, #tpu.memory_space<vmem>> -> memref<16x784xf32, #tpu.memory_space<vmem>>
    %dma_wait3A_186 = arith.constant 0 : i32
    %dma_wait3A_187 = tpu.memref_slice %arg2[%dma_wait3A_186, %add3A_128] : memref<16x100352xf32, #tpu.memory_space<hbm>> -> memref<16x784xf32, #tpu.memory_space<hbm>>
    tpu.wait_dma2 semaphore(%arg8 : memref<!tpu.dma_semaphore, #tpu.memory_space<semaphore_mem>>) src(%dma_wait3A_187 : memref<16x784xf32, #tpu.memory_space<hbm>>) dst(%dma_wait3A_185 : memref<16x784xf32, #tpu.memory_space<vmem>>)
    %dma_wait3A_188 = arith.constant 0 : i32
    %dma_wait3A_189 = arith.constant 0 : i32
    %dma_wait3A_190 = arith.constant 0 : i32
    %dma_wait3A_191 = tpu.memref_slice %arg6[%dma_wait3A_189, %dma_wait3A_190] : memref<2x784xf32, #tpu.memory_space<vmem>> -> memref<1x784xf32, #tpu.memory_space<vmem>>
    %dma_wait3A_192 = tpu.memref_squeeze %dma_wait3A_191 : memref<1x784xf32, #tpu.memory_space<vmem>> -> memref<784xf32, #tpu.memory_space<vmem>>
    %dma_wait3A_193 = tpu.memref_slice %arg3[%dma_wait3A_188, %add3A_143] : memref<1x100352xf32, #tpu.memory_space<hbm>> -> memref<1x784xf32, #tpu.memory_space<hbm>>
    %dma_wait3A_194 = tpu.memref_squeeze %dma_wait3A_193 : memref<1x784xf32, #tpu.memory_space<hbm>> -> memref<784xf32, #tpu.memory_space<hbm>>
    %dma_wait3A_195 = arith.constant 0 : i32
    %dma_wait3A_196 = tpu.memref_slice %arg6[%dma_wait3A_189, %dma_wait3A_195] : memref<2x784xf32, #tpu.memory_space<vmem>> -> memref<1x784xf32, #tpu.memory_space<vmem>>
    %dma_wait3A_197 = tpu.memref_squeeze %dma_wait3A_196 : memref<1x784xf32, #tpu.memory_space<vmem>> -> memref<784xf32, #tpu.memory_space<vmem>>
    %dma_wait3A_198 = tpu.memref_slice %arg3[%dma_wait3A_188, %add3A_143] : memref<1x100352xf32, #tpu.memory_space<hbm>> -> memref<1x784xf32, #tpu.memory_space<hbm>>
    %dma_wait3A_199 = tpu.memref_squeeze %dma_wait3A_198 : memref<1x784xf32, #tpu.memory_space<hbm>> -> memref<784xf32, #tpu.memory_space<hbm>>
    tpu.wait_dma2 semaphore(%arg8 : memref<!tpu.dma_semaphore, #tpu.memory_space<semaphore_mem>>) src(%dma_wait3A_199 : memref<784xf32, #tpu.memory_space<hbm>>) dst(%dma_wait3A_197 : memref<784xf32, #tpu.memory_space<vmem>>)
    %add3A_200 = arith.constant 2352 : i32
    %add3A_201 = arith.addi %mul3A_2, %add3A_200 : i32
    %dma_start3A_202 = arith.constant 1 : i32
    %dma_start3A_203 = arith.constant 0 : i32
    %dma_start3A_204 = arith.constant 0 : i32
    %dma_start3A_205 = tpu.memref_slice %arg5[%dma_start3A_202, %dma_start3A_203, %dma_start3A_204] : memref<2x16x784xf32, #tpu.memory_space<vmem>> -> memref<1x16x784xf32, #tpu.memory_space<vmem>>
    %dma_start3A_206 = tpu.memref_squeeze %dma_start3A_205 : memref<1x16x784xf32, #tpu.memory_space<vmem>> -> memref<16x784xf32, #tpu.memory_space<vmem>>
    %dma_start3A_207 = arith.constant 0 : i32
    %dma_start3A_208 = tpu.memref_slice %arg2[%dma_start3A_207, %add3A_201] : memref<16x100352xf32, #tpu.memory_space<hbm>> -> memref<16x784xf32, #tpu.memory_space<hbm>>
    %dma_start3A_209 = arith.constant 0 : i32
    %dma_start3A_210 = arith.constant 0 : i32
    %dma_start3A_211 = tpu.memref_slice %arg5[%dma_start3A_202, %dma_start3A_209, %dma_start3A_210] : memref<2x16x784xf32, #tpu.memory_space<vmem>> -> memref<1x16x784xf32, #tpu.memory_space<vmem>>
    %dma_start3A_212 = tpu.memref_squeeze %dma_start3A_211 : memref<1x16x784xf32, #tpu.memory_space<vmem>> -> memref<16x784xf32, #tpu.memory_space<vmem>>
    %dma_start3A_213 = arith.constant 0 : i32
    %dma_start3A_214 = tpu.memref_slice %arg2[%dma_start3A_213, %add3A_201] : memref<16x100352xf32, #tpu.memory_space<hbm>> -> memref<16x784xf32, #tpu.memory_space<hbm>>
    tpu.enqueue_dma source(%dma_start3A_214 : memref<16x784xf32, #tpu.memory_space<hbm>>) target(%dma_start3A_212 : memref<16x784xf32, #tpu.memory_space<vmem>>) target_semaphore(%arg8 : memref<!tpu.dma_semaphore, #tpu.memory_space<semaphore_mem>>)
    %add3A_215 = arith.constant 2352 : i32
    %add3A_216 = arith.addi %mul3A_2, %add3A_215 : i32
    %dma_start3A_217 = arith.constant 0 : i32
    %dma_start3A_218 = arith.constant 1 : i32
    %dma_start3A_219 = arith.constant 0 : i32
    %dma_start3A_220 = tpu.memref_slice %arg6[%dma_start3A_218, %dma_start3A_219] : memref<2x784xf32, #tpu.memory_space<vmem>> -> memref<1x784xf32, #tpu.memory_space<vmem>>
    %dma_start3A_221 = tpu.memref_squeeze %dma_start3A_220 : memref<1x784xf32, #tpu.memory_space<vmem>> -> memref<784xf32, #tpu.memory_space<vmem>>
    %dma_start3A_222 = tpu.memref_slice %arg3[%dma_start3A_217, %add3A_216] : memref<1x100352xf32, #tpu.memory_space<hbm>> -> memref<1x784xf32, #tpu.memory_space<hbm>>
    %dma_start3A_223 = tpu.memref_squeeze %dma_start3A_222 : memref<1x784xf32, #tpu.memory_space<hbm>> -> memref<784xf32, #tpu.memory_space<hbm>>
    %dma_start3A_224 = arith.constant 0 : i32
    %dma_start3A_225 = tpu.memref_slice %arg6[%dma_start3A_218, %dma_start3A_224] : memref<2x784xf32, #tpu.memory_space<vmem>> -> memref<1x784xf32, #tpu.memory_space<vmem>>
    %dma_start3A_226 = tpu.memref_squeeze %dma_start3A_225 : memref<1x784xf32, #tpu.memory_space<vmem>> -> memref<784xf32, #tpu.memory_space<vmem>>
    %dma_start3A_227 = tpu.memref_slice %arg3[%dma_start3A_217, %add3A_216] : memref<1x100352xf32, #tpu.memory_space<hbm>> -> memref<1x784xf32, #tpu.memory_space<hbm>>
    %dma_start3A_228 = tpu.memref_squeeze %dma_start3A_227 : memref<1x784xf32, #tpu.memory_space<hbm>> -> memref<784xf32, #tpu.memory_space<hbm>>
    tpu.enqueue_dma source(%dma_start3A_228 : memref<784xf32, #tpu.memory_space<hbm>>) target(%dma_start3A_226 : memref<784xf32, #tpu.memory_space<vmem>>) target_semaphore(%arg8 : memref<!tpu.dma_semaphore, #tpu.memory_space<semaphore_mem>>)
    %dma_wait3A_229 = arith.constant 0 : i32
    %dma_wait3A_230 = arith.constant 0 : i32
    %dma_wait3A_231 = tpu.memref_slice %arg7[%dma_wait3A_229, %dma_wait3A_230] : memref<2x12544xf32, #tpu.memory_space<vmem>> -> memref<1x12544xf32, #tpu.memory_space<vmem>>
    %dma_wait3A_232 = tpu.memref_squeeze %dma_wait3A_231 : memref<1x12544xf32, #tpu.memory_space<vmem>> -> memref<12544xf32, #tpu.memory_space<vmem>>
    %dma_wait3A_233 = tpu.memref_slice %arg4[%mul3A_92] : memref<1605632xf32, #tpu.memory_space<hbm>> -> memref<12544xf32, #tpu.memory_space<hbm>>
    %dma_wait3A_234 = tpu.memref_slice %arg4[%mul3A_92] : memref<1605632xf32, #tpu.memory_space<hbm>> -> memref<12544xf32, #tpu.memory_space<hbm>>
    %dma_wait3A_235 = arith.constant 0 : i32
    %dma_wait3A_236 = tpu.memref_slice %arg7[%dma_wait3A_229, %dma_wait3A_235] : memref<2x12544xf32, #tpu.memory_space<vmem>> -> memref<1x12544xf32, #tpu.memory_space<vmem>>
    %dma_wait3A_237 = tpu.memref_squeeze %dma_wait3A_236 : memref<1x12544xf32, #tpu.memory_space<vmem>> -> memref<12544xf32, #tpu.memory_space<vmem>>
    tpu.wait_dma2 semaphore(%arg9 : memref<!tpu.dma_semaphore, #tpu.memory_space<semaphore_mem>>) src(%dma_wait3A_237 : memref<12544xf32, #tpu.memory_space<vmem>>) dst(%dma_wait3A_234 : memref<12544xf32, #tpu.memory_space<hbm>>)
    %scan3A_238 = arith.constant 0 : i32
    %scan3A_239 = arith.constant 0 : i32
    %scan3A_240 = arith.constant 49 : i32
    %scan3A_241 = arith.addi %scan3A_239, %scan3A_240 : i32
    %scan3A_242 = arith.constant 1 : i32
    scf.for %scan3A_328 = %scan3A_239 to %scan3A_241 step %scan3A_242  : i32 {
      %mul3A_329 = arith.constant 16 : i32
      %mul3A_330 = arith.muli %scan3A_328, %mul3A_329 : i32
      %get3A = arith.constant 0 : i32
      %get3A_331 = arith.index_cast %get3A : i32 to index
      %get3A_332 = arith.index_cast %mul3A_330 : i32 to index
      %get3A_333 = tpu.vector_load %arg6[%get3A_331, %get3A_332] {strides = array<i32>} : memref<2x784xf32, #tpu.memory_space<vmem>>, vector<16xf32>,
      %add3A_334 = vector.broadcast %mul3A_330 : i32 to vector<16xi32>
      %add3A_335 = arith.addi %iota3A, %add3A_334 : vector<16xi32>
      %mul3A_336 = arith.constant 16 : i32
      %mul3A_337 = vector.broadcast %mul3A_336 : i32 to vector<16xi32>
      %mul3A_338 = arith.muli %add3A_335, %mul3A_337 : vector<16xi32>
      %get3A_339 = arith.constant 0 : i32
      %get3A_340 = arith.constant 0 : i32
      %get3A_341 = arith.index_cast %get3A_339 : i32 to index
      %get3A_342 = arith.index_cast %get3A_340 : i32 to index
      %get3A_343 = arith.index_cast %mul3A_330 : i32 to index
      %get3A_344 = tpu.vector_load %arg5[%get3A_341, %get3A_342, %get3A_343] {strides = array<i32>} : memref<2x16x784xf32, #tpu.memory_space<vmem>>, vector<16xf32>,
      %mul3A_345 = arith.mulf %get3A_344, %get3A_333 : vector<16xf32>
      %add3A_346 = arith.constant 0 : i32
      %add3A_347 = vector.broadcast %add3A_346 : i32 to vector<16xi32>
      %add3A_348 = arith.addi %mul3A_338, %add3A_347 : vector<16xi32>
      %scatter3A = arith.constant 0 : i32
      %scatter3A_349 = arith.constant 0 : i32
      %scatter3A_350 = tpu.memref_slice %arg7[%scatter3A, %scatter3A_349] : memref<2x12544xf32, #tpu.memory_space<vmem>> -> memref<1x12544xf32, #tpu.memory_space<vmem>>
      %scatter3A_351 = tpu.memref_squeeze %scatter3A_350 : memref<1x12544xf32, #tpu.memory_space<vmem>> -> memref<12544xf32, #tpu.memory_space<vmem>>
      tpu.vector_store_idx %scatter3A_351[%add3A_348], %mul3A_345 : memref<12544xf32, #tpu.memory_space<vmem>>[vector<16xi32>], vector<16xf32>,
      %get3A_352 = arith.constant 0 : i32
      %get3A_353 = arith.constant 1 : i32
      %get3A_354 = arith.index_cast %get3A_352 : i32 to index
      %get3A_355 = arith.index_cast %get3A_353 : i32 to index
      %get3A_356 = arith.index_cast %mul3A_330 : i32 to index
      %get3A_357 = tpu.vector_load %arg5[%get3A_354, %get3A_355, %get3A_356] {strides = array<i32>} : memref<2x16x784xf32, #tpu.memory_space<vmem>>, vector<16xf32>,
      %mul3A_358 = arith.mulf %get3A_357, %get3A_333 : vector<16xf32>
      %add3A_359 = arith.constant 1 : i32
      %add3A_360 = vector.broadcast %add3A_359 : i32 to vector<16xi32>
      %add3A_361 = arith.addi %mul3A_338, %add3A_360 : vector<16xi32>
      %scatter3A_362 = arith.constant 0 : i32
      %scatter3A_363 = arith.constant 0 : i32
      %scatter3A_364 = tpu.memref_slice %arg7[%scatter3A_362, %scatter3A_363] : memref<2x12544xf32, #tpu.memory_space<vmem>> -> memref<1x12544xf32, #tpu.memory_space<vmem>>
      %scatter3A_365 = tpu.memref_squeeze %scatter3A_364 : memref<1x12544xf32, #tpu.memory_space<vmem>> -> memref<12544xf32, #tpu.memory_space<vmem>>
      tpu.vector_store_idx %scatter3A_365[%add3A_361], %mul3A_358 : memref<12544xf32, #tpu.memory_space<vmem>>[vector<16xi32>], vector<16xf32>,
      %get3A_366 = arith.constant 0 : i32
      %get3A_367 = arith.constant 2 : i32
      %get3A_368 = arith.index_cast %get3A_366 : i32 to index
      %get3A_369 = arith.index_cast %get3A_367 : i32 to index
      %get3A_370 = arith.index_cast %mul3A_330 : i32 to index
      %get3A_371 = tpu.vector_load %arg5[%get3A_368, %get3A_369, %get3A_370] {strides = array<i32>} : memref<2x16x784xf32, #tpu.memory_space<vmem>>, vector<16xf32>,
      %mul3A_372 = arith.mulf %get3A_371, %get3A_333 : vector<16xf32>
      %add3A_373 = arith.constant 2 : i32
      %add3A_374 = vector.broadcast %add3A_373 : i32 to vector<16xi32>
      %add3A_375 = arith.addi %mul3A_338, %add3A_374 : vector<16xi32>
      %scatter3A_376 = arith.constant 0 : i32
      %scatter3A_377 = arith.constant 0 : i32
      %scatter3A_378 = tpu.memref_slice %arg7[%scatter3A_376, %scatter3A_377] : memref<2x12544xf32, #tpu.memory_space<vmem>> -> memref<1x12544xf32, #tpu.memory_space<vmem>>
      %scatter3A_379 = tpu.memref_squeeze %scatter3A_378 : memref<1x12544xf32, #tpu.memory_space<vmem>> -> memref<12544xf32, #tpu.memory_space<vmem>>
      tpu.vector_store_idx %scatter3A_379[%add3A_375], %mul3A_372 : memref<12544xf32, #tpu.memory_space<vmem>>[vector<16xi32>], vector<16xf32>,
      %get3A_380 = arith.constant 0 : i32
      %get3A_381 = arith.constant 3 : i32
      %get3A_382 = arith.index_cast %get3A_380 : i32 to index
      %get3A_383 = arith.index_cast %get3A_381 : i32 to index
      %get3A_384 = arith.index_cast %mul3A_330 : i32 to index
      %get3A_385 = tpu.vector_load %arg5[%get3A_382, %get3A_383, %get3A_384] {strides = array<i32>} : memref<2x16x784xf32, #tpu.memory_space<vmem>>, vector<16xf32>,
      %mul3A_386 = arith.mulf %get3A_385, %get3A_333 : vector<16xf32>
      %add3A_387 = arith.constant 3 : i32
      %add3A_388 = vector.broadcast %add3A_387 : i32 to vector<16xi32>
      %add3A_389 = arith.addi %mul3A_338, %add3A_388 : vector<16xi32>
      %scatter3A_390 = arith.constant 0 : i32
      %scatter3A_391 = arith.constant 0 : i32
      %scatter3A_392 = tpu.memref_slice %arg7[%scatter3A_390, %scatter3A_391] : memref<2x12544xf32, #tpu.memory_space<vmem>> -> memref<1x12544xf32, #tpu.memory_space<vmem>>
      %scatter3A_393 = tpu.memref_squeeze %scatter3A_392 : memref<1x12544xf32, #tpu.memory_space<vmem>> -> memref<12544xf32, #tpu.memory_space<vmem>>
      tpu.vector_store_idx %scatter3A_393[%add3A_389], %mul3A_386 : memref<12544xf32, #tpu.memory_space<vmem>>[vector<16xi32>], vector<16xf32>,
      %get3A_394 = arith.constant 0 : i32
      %get3A_395 = arith.constant 4 : i32
      %get3A_396 = arith.index_cast %get3A_394 : i32 to index
      %get3A_397 = arith.index_cast %get3A_395 : i32 to index
      %get3A_398 = arith.index_cast %mul3A_330 : i32 to index
      %get3A_399 = tpu.vector_load %arg5[%get3A_396, %get3A_397, %get3A_398] {strides = array<i32>} : memref<2x16x784xf32, #tpu.memory_space<vmem>>, vector<16xf32>,
      %mul3A_400 = arith.mulf %get3A_399, %get3A_333 : vector<16xf32>
      %add3A_401 = arith.constant 4 : i32
      %add3A_402 = vector.broadcast %add3A_401 : i32 to vector<16xi32>
      %add3A_403 = arith.addi %mul3A_338, %add3A_402 : vector<16xi32>
      %scatter3A_404 = arith.constant 0 : i32
      %scatter3A_405 = arith.constant 0 : i32
      %scatter3A_406 = tpu.memref_slice %arg7[%scatter3A_404, %scatter3A_405] : memref<2x12544xf32, #tpu.memory_space<vmem>> -> memref<1x12544xf32, #tpu.memory_space<vmem>>
      %scatter3A_407 = tpu.memref_squeeze %scatter3A_406 : memref<1x12544xf32, #tpu.memory_space<vmem>> -> memref<12544xf32, #tpu.memory_space<vmem>>
      tpu.vector_store_idx %scatter3A_407[%add3A_403], %mul3A_400 : memref<12544xf32, #tpu.memory_space<vmem>>[vector<16xi32>], vector<16xf32>,
      %get3A_408 = arith.constant 0 : i32
      %get3A_409 = arith.constant 5 : i32
      %get3A_410 = arith.index_cast %get3A_408 : i32 to index
      %get3A_411 = arith.index_cast %get3A_409 : i32 to index
      %get3A_412 = arith.index_cast %mul3A_330 : i32 to index
      %get3A_413 = tpu.vector_load %arg5[%get3A_410, %get3A_411, %get3A_412] {strides = array<i32>} : memref<2x16x784xf32, #tpu.memory_space<vmem>>, vector<16xf32>,
      %mul3A_414 = arith.mulf %get3A_413, %get3A_333 : vector<16xf32>
      %add3A_415 = arith.constant 5 : i32
      %add3A_416 = vector.broadcast %add3A_415 : i32 to vector<16xi32>
      %add3A_417 = arith.addi %mul3A_338, %add3A_416 : vector<16xi32>
      %scatter3A_418 = arith.constant 0 : i32
      %scatter3A_419 = arith.constant 0 : i32
      %scatter3A_420 = tpu.memref_slice %arg7[%scatter3A_418, %scatter3A_419] : memref<2x12544xf32, #tpu.memory_space<vmem>> -> memref<1x12544xf32, #tpu.memory_space<vmem>>
      %scatter3A_421 = tpu.memref_squeeze %scatter3A_420 : memref<1x12544xf32, #tpu.memory_space<vmem>> -> memref<12544xf32, #tpu.memory_space<vmem>>
      tpu.vector_store_idx %scatter3A_421[%add3A_417], %mul3A_414 : memref<12544xf32, #tpu.memory_space<vmem>>[vector<16xi32>], vector<16xf32>,
      %get3A_422 = arith.constant 0 : i32
      %get3A_423 = arith.constant 6 : i32
      %get3A_424 = arith.index_cast %get3A_422 : i32 to index
      %get3A_425 = arith.index_cast %get3A_423 : i32 to index
      %get3A_426 = arith.index_cast %mul3A_330 : i32 to index
      %get3A_427 = tpu.vector_load %arg5[%get3A_424, %get3A_425, %get3A_426] {strides = array<i32>} : memref<2x16x784xf32, #tpu.memory_space<vmem>>, vector<16xf32>,
      %mul3A_428 = arith.mulf %get3A_427, %get3A_333 : vector<16xf32>
      %add3A_429 = arith.constant 6 : i32
      %add3A_430 = vector.broadcast %add3A_429 : i32 to vector<16xi32>
      %add3A_431 = arith.addi %mul3A_338, %add3A_430 : vector<16xi32>
      %scatter3A_432 = arith.constant 0 : i32
      %scatter3A_433 = arith.constant 0 : i32
      %scatter3A_434 = tpu.memref_slice %arg7[%scatter3A_432, %scatter3A_433] : memref<2x12544xf32, #tpu.memory_space<vmem>> -> memref<1x12544xf32, #tpu.memory_space<vmem>>
      %scatter3A_435 = tpu.memref_squeeze %scatter3A_434 : memref<1x12544xf32, #tpu.memory_space<vmem>> -> memref<12544xf32, #tpu.memory_space<vmem>>
      tpu.vector_store_idx %scatter3A_435[%add3A_431], %mul3A_428 : memref<12544xf32, #tpu.memory_space<vmem>>[vector<16xi32>], vector<16xf32>,
      %get3A_436 = arith.constant 0 : i32
      %get3A_437 = arith.constant 7 : i32
      %get3A_438 = arith.index_cast %get3A_436 : i32 to index
      %get3A_439 = arith.index_cast %get3A_437 : i32 to index
      %get3A_440 = arith.index_cast %mul3A_330 : i32 to index
      %get3A_441 = tpu.vector_load %arg5[%get3A_438, %get3A_439, %get3A_440] {strides = array<i32>} : memref<2x16x784xf32, #tpu.memory_space<vmem>>, vector<16xf32>,
      %mul3A_442 = arith.mulf %get3A_441, %get3A_333 : vector<16xf32>
      %add3A_443 = arith.constant 7 : i32
      %add3A_444 = vector.broadcast %add3A_443 : i32 to vector<16xi32>
      %add3A_445 = arith.addi %mul3A_338, %add3A_444 : vector<16xi32>
      %scatter3A_446 = arith.constant 0 : i32
      %scatter3A_447 = arith.constant 0 : i32
      %scatter3A_448 = tpu.memref_slice %arg7[%scatter3A_446, %scatter3A_447] : memref<2x12544xf32, #tpu.memory_space<vmem>> -> memref<1x12544xf32, #tpu.memory_space<vmem>>
      %scatter3A_449 = tpu.memref_squeeze %scatter3A_448 : memref<1x12544xf32, #tpu.memory_space<vmem>> -> memref<12544xf32, #tpu.memory_space<vmem>>
      tpu.vector_store_idx %scatter3A_449[%add3A_445], %mul3A_442 : memref<12544xf32, #tpu.memory_space<vmem>>[vector<16xi32>], vector<16xf32>,
      %get3A_450 = arith.constant 0 : i32
      %get3A_451 = arith.constant 8 : i32
      %get3A_452 = arith.index_cast %get3A_450 : i32 to index
      %get3A_453 = arith.index_cast %get3A_451 : i32 to index
      %get3A_454 = arith.index_cast %mul3A_330 : i32 to index
      %get3A_455 = tpu.vector_load %arg5[%get3A_452, %get3A_453, %get3A_454] {strides = array<i32>} : memref<2x16x784xf32, #tpu.memory_space<vmem>>, vector<16xf32>,
      %mul3A_456 = arith.mulf %get3A_455, %get3A_333 : vector<16xf32>
      %add3A_457 = arith.constant 8 : i32
      %add3A_458 = vector.broadcast %add3A_457 : i32 to vector<16xi32>
      %add3A_459 = arith.addi %mul3A_338, %add3A_458 : vector<16xi32>
      %scatter3A_460 = arith.constant 0 : i32
      %scatter3A_461 = arith.constant 0 : i32
      %scatter3A_462 = tpu.memref_slice %arg7[%scatter3A_460, %scatter3A_461] : memref<2x12544xf32, #tpu.memory_space<vmem>> -> memref<1x12544xf32, #tpu.memory_space<vmem>>
      %scatter3A_463 = tpu.memref_squeeze %scatter3A_462 : memref<1x12544xf32, #tpu.memory_space<vmem>> -> memref<12544xf32, #tpu.memory_space<vmem>>
      tpu.vector_store_idx %scatter3A_463[%add3A_459], %mul3A_456 : memref<12544xf32, #tpu.memory_space<vmem>>[vector<16xi32>], vector<16xf32>,
      %get3A_464 = arith.constant 0 : i32
      %get3A_465 = arith.constant 9 : i32
      %get3A_466 = arith.index_cast %get3A_464 : i32 to index
      %get3A_467 = arith.index_cast %get3A_465 : i32 to index
      %get3A_468 = arith.index_cast %mul3A_330 : i32 to index
      %get3A_469 = tpu.vector_load %arg5[%get3A_466, %get3A_467, %get3A_468] {strides = array<i32>} : memref<2x16x784xf32, #tpu.memory_space<vmem>>, vector<16xf32>,
      %mul3A_470 = arith.mulf %get3A_469, %get3A_333 : vector<16xf32>
      %add3A_471 = arith.constant 9 : i32
      %add3A_472 = vector.broadcast %add3A_471 : i32 to vector<16xi32>
      %add3A_473 = arith.addi %mul3A_338, %add3A_472 : vector<16xi32>
      %scatter3A_474 = arith.constant 0 : i32
      %scatter3A_475 = arith.constant 0 : i32
      %scatter3A_476 = tpu.memref_slice %arg7[%scatter3A_474, %scatter3A_475] : memref<2x12544xf32, #tpu.memory_space<vmem>> -> memref<1x12544xf32, #tpu.memory_space<vmem>>
      %scatter3A_477 = tpu.memref_squeeze %scatter3A_476 : memref<1x12544xf32, #tpu.memory_space<vmem>> -> memref<12544xf32, #tpu.memory_space<vmem>>
      tpu.vector_store_idx %scatter3A_477[%add3A_473], %mul3A_470 : memref<12544xf32, #tpu.memory_space<vmem>>[vector<16xi32>], vector<16xf32>,
      %get3A_478 = arith.constant 0 : i32
      %get3A_479 = arith.constant 10 : i32
      %get3A_480 = arith.index_cast %get3A_478 : i32 to index
      %get3A_481 = arith.index_cast %get3A_479 : i32 to index
      %get3A_482 = arith.index_cast %mul3A_330 : i32 to index
      %get3A_483 = tpu.vector_load %arg5[%get3A_480, %get3A_481, %get3A_482] {strides = array<i32>} : memref<2x16x784xf32, #tpu.memory_space<vmem>>, vector<16xf32>,
      %mul3A_484 = arith.mulf %get3A_483, %get3A_333 : vector<16xf32>
      %add3A_485 = arith.constant 10 : i32
      %add3A_486 = vector.broadcast %add3A_485 : i32 to vector<16xi32>
      %add3A_487 = arith.addi %mul3A_338, %add3A_486 : vector<16xi32>
      %scatter3A_488 = arith.constant 0 : i32
      %scatter3A_489 = arith.constant 0 : i32
      %scatter3A_490 = tpu.memref_slice %arg7[%scatter3A_488, %scatter3A_489] : memref<2x12544xf32, #tpu.memory_space<vmem>> -> memref<1x12544xf32, #tpu.memory_space<vmem>>
      %scatter3A_491 = tpu.memref_squeeze %scatter3A_490 : memref<1x12544xf32, #tpu.memory_space<vmem>> -> memref<12544xf32, #tpu.memory_space<vmem>>
      tpu.vector_store_idx %scatter3A_491[%add3A_487], %mul3A_484 : memref<12544xf32, #tpu.memory_space<vmem>>[vector<16xi32>], vector<16xf32>,
      %get3A_492 = arith.constant 0 : i32
      %get3A_493 = arith.constant 11 : i32
      %get3A_494 = arith.index_cast %get3A_492 : i32 to index
      %get3A_495 = arith.index_cast %get3A_493 : i32 to index
      %get3A_496 = arith.index_cast %mul3A_330 : i32 to index
      %get3A_497 = tpu.vector_load %arg5[%get3A_494, %get3A_495, %get3A_496] {strides = array<i32>} : memref<2x16x784xf32, #tpu.memory_space<vmem>>, vector<16xf32>,
      %mul3A_498 = arith.mulf %get3A_497, %get3A_333 : vector<16xf32>
      %add3A_499 = arith.constant 11 : i32
      %add3A_500 = vector.broadcast %add3A_499 : i32 to vector<16xi32>
      %add3A_501 = arith.addi %mul3A_338, %add3A_500 : vector<16xi32>
      %scatter3A_502 = arith.constant 0 : i32
      %scatter3A_503 = arith.constant 0 : i32
      %scatter3A_504 = tpu.memref_slice %arg7[%scatter3A_502, %scatter3A_503] : memref<2x12544xf32, #tpu.memory_space<vmem>> -> memref<1x12544xf32, #tpu.memory_space<vmem>>
      %scatter3A_505 = tpu.memref_squeeze %scatter3A_504 : memref<1x12544xf32, #tpu.memory_space<vmem>> -> memref<12544xf32, #tpu.memory_space<vmem>>
      tpu.vector_store_idx %scatter3A_505[%add3A_501], %mul3A_498 : memref<12544xf32, #tpu.memory_space<vmem>>[vector<16xi32>], vector<16xf32>,
      %get3A_506 = arith.constant 0 : i32
      %get3A_507 = arith.constant 12 : i32
      %get3A_508 = arith.index_cast %get3A_506 : i32 to index
      %get3A_509 = arith.index_cast %get3A_507 : i32 to index
      %get3A_510 = arith.index_cast %mul3A_330 : i32 to index
      %get3A_511 = tpu.vector_load %arg5[%get3A_508, %get3A_509, %get3A_510] {strides = array<i32>} : memref<2x16x784xf32, #tpu.memory_space<vmem>>, vector<16xf32>,
      %mul3A_512 = arith.mulf %get3A_511, %get3A_333 : vector<16xf32>
      %add3A_513 = arith.constant 12 : i32
      %add3A_514 = vector.broadcast %add3A_513 : i32 to vector<16xi32>
      %add3A_515 = arith.addi %mul3A_338, %add3A_514 : vector<16xi32>
      %scatter3A_516 = arith.constant 0 : i32
      %scatter3A_517 = arith.constant 0 : i32
      %scatter3A_518 = tpu.memref_slice %arg7[%scatter3A_516, %scatter3A_517] : memref<2x12544xf32, #tpu.memory_space<vmem>> -> memref<1x12544xf32, #tpu.memory_space<vmem>>
      %scatter3A_519 = tpu.memref_squeeze %scatter3A_518 : memref<1x12544xf32, #tpu.memory_space<vmem>> -> memref<12544xf32, #tpu.memory_space<vmem>>
      tpu.vector_store_idx %scatter3A_519[%add3A_515], %mul3A_512 : memref<12544xf32, #tpu.memory_space<vmem>>[vector<16xi32>], vector<16xf32>,
      %get3A_520 = arith.constant 0 : i32
      %get3A_521 = arith.constant 13 : i32
      %get3A_522 = arith.index_cast %get3A_520 : i32 to index
      %get3A_523 = arith.index_cast %get3A_521 : i32 to index
      %get3A_524 = arith.index_cast %mul3A_330 : i32 to index
      %get3A_525 = tpu.vector_load %arg5[%get3A_522, %get3A_523, %get3A_524] {strides = array<i32>} : memref<2x16x784xf32, #tpu.memory_space<vmem>>, vector<16xf32>,
      %mul3A_526 = arith.mulf %get3A_525, %get3A_333 : vector<16xf32>
      %add3A_527 = arith.constant 13 : i32
      %add3A_528 = vector.broadcast %add3A_527 : i32 to vector<16xi32>
      %add3A_529 = arith.addi %mul3A_338, %add3A_528 : vector<16xi32>
      %scatter3A_530 = arith.constant 0 : i32
      %scatter3A_531 = arith.constant 0 : i32
      %scatter3A_532 = tpu.memref_slice %arg7[%scatter3A_530, %scatter3A_531] : memref<2x12544xf32, #tpu.memory_space<vmem>> -> memref<1x12544xf32, #tpu.memory_space<vmem>>
      %scatter3A_533 = tpu.memref_squeeze %scatter3A_532 : memref<1x12544xf32, #tpu.memory_space<vmem>> -> memref<12544xf32, #tpu.memory_space<vmem>>
      tpu.vector_store_idx %scatter3A_533[%add3A_529], %mul3A_526 : memref<12544xf32, #tpu.memory_space<vmem>>[vector<16xi32>], vector<16xf32>,
      %get3A_534 = arith.constant 0 : i32
      %get3A_535 = arith.constant 14 : i32
      %get3A_536 = arith.index_cast %get3A_534 : i32 to index
      %get3A_537 = arith.index_cast %get3A_535 : i32 to index
      %get3A_538 = arith.index_cast %mul3A_330 : i32 to index
      %get3A_539 = tpu.vector_load %arg5[%get3A_536, %get3A_537, %get3A_538] {strides = array<i32>} : memref<2x16x784xf32, #tpu.memory_space<vmem>>, vector<16xf32>,
      %mul3A_540 = arith.mulf %get3A_539, %get3A_333 : vector<16xf32>
      %add3A_541 = arith.constant 14 : i32
      %add3A_542 = vector.broadcast %add3A_541 : i32 to vector<16xi32>
      %add3A_543 = arith.addi %mul3A_338, %add3A_542 : vector<16xi32>
      %scatter3A_544 = arith.constant 0 : i32
      %scatter3A_545 = arith.constant 0 : i32
      %scatter3A_546 = tpu.memref_slice %arg7[%scatter3A_544, %scatter3A_545] : memref<2x12544xf32, #tpu.memory_space<vmem>> -> memref<1x12544xf32, #tpu.memory_space<vmem>>
      %scatter3A_547 = tpu.memref_squeeze %scatter3A_546 : memref<1x12544xf32, #tpu.memory_space<vmem>> -> memref<12544xf32, #tpu.memory_space<vmem>>
      tpu.vector_store_idx %scatter3A_547[%add3A_543], %mul3A_540 : memref<12544xf32, #tpu.memory_space<vmem>>[vector<16xi32>], vector<16xf32>,
      %get3A_548 = arith.constant 0 : i32
      %get3A_549 = arith.constant 15 : i32
      %get3A_550 = arith.index_cast %get3A_548 : i32 to index
      %get3A_551 = arith.index_cast %get3A_549 : i32 to index
      %get3A_552 = arith.index_cast %mul3A_330 : i32 to index
      %get3A_553 = tpu.vector_load %arg5[%get3A_550, %get3A_551, %get3A_552] {strides = array<i32>} : memref<2x16x784xf32, #tpu.memory_space<vmem>>, vector<16xf32>,
      %mul3A_554 = arith.mulf %get3A_553, %get3A_333 : vector<16xf32>
      %add3A_555 = arith.constant 15 : i32
      %add3A_556 = vector.broadcast %add3A_555 : i32 to vector<16xi32>
      %add3A_557 = arith.addi %mul3A_338, %add3A_556 : vector<16xi32>
      %scatter3A_558 = arith.constant 0 : i32
      %scatter3A_559 = arith.constant 0 : i32
      %scatter3A_560 = tpu.memref_slice %arg7[%scatter3A_558, %scatter3A_559] : memref<2x12544xf32, #tpu.memory_space<vmem>> -> memref<1x12544xf32, #tpu.memory_space<vmem>>
      %scatter3A_561 = tpu.memref_squeeze %scatter3A_560 : memref<1x12544xf32, #tpu.memory_space<vmem>> -> memref<12544xf32, #tpu.memory_space<vmem>>
      tpu.vector_store_idx %scatter3A_561[%add3A_557], %mul3A_554 : memref<12544xf32, #tpu.memory_space<vmem>>[vector<16xi32>], vector<16xf32>,
    }
    %scan3A_243 = arith.constant 49 : i32
    %add3A_244 = arith.constant 1568 : i32
    %add3A_245 = arith.addi %mul3A_2, %add3A_244 : i32
    %mul3A_246 = arith.constant 16 : i32
    %mul3A_247 = arith.muli %add3A_245, %mul3A_246 : i32
    %dma_start3A_248 = arith.constant 0 : i32
    %dma_start3A_249 = arith.constant 0 : i32
    %dma_start3A_250 = tpu.memref_slice %arg7[%dma_start3A_248, %dma_start3A_249] : memref<2x12544xf32, #tpu.memory_space<vmem>> -> memref<1x12544xf32, #tpu.memory_space<vmem>>
    %dma_start3A_251 = tpu.memref_squeeze %dma_start3A_250 : memref<1x12544xf32, #tpu.memory_space<vmem>> -> memref<12544xf32, #tpu.memory_space<vmem>>
    %dma_start3A_252 = tpu.memref_slice %arg4[%mul3A_247] : memref<1605632xf32, #tpu.memory_space<hbm>> -> memref<12544xf32, #tpu.memory_space<hbm>>
    %dma_start3A_253 = tpu.memref_slice %arg4[%mul3A_247] : memref<1605632xf32, #tpu.memory_space<hbm>> -> memref<12544xf32, #tpu.memory_space<hbm>>
    %dma_start3A_254 = arith.constant 0 : i32
    %dma_start3A_255 = tpu.memref_slice %arg7[%dma_start3A_248, %dma_start3A_254] : memref<2x12544xf32, #tpu.memory_space<vmem>> -> memref<1x12544xf32, #tpu.memory_space<vmem>>
    %dma_start3A_256 = tpu.memref_squeeze %dma_start3A_255 : memref<1x12544xf32, #tpu.memory_space<vmem>> -> memref<12544xf32, #tpu.memory_space<vmem>>
    tpu.enqueue_dma source(%dma_start3A_256 : memref<12544xf32, #tpu.memory_space<vmem>>) target(%dma_start3A_253 : memref<12544xf32, #tpu.memory_space<hbm>>) target_semaphore(%arg9 : memref<!tpu.dma_semaphore, #tpu.memory_space<semaphore_mem>>)
    %dma_wait3A_257 = arith.constant 1 : i32
    %dma_wait3A_258 = arith.constant 0 : i32
    %dma_wait3A_259 = arith.constant 0 : i32
    %dma_wait3A_260 = tpu.memref_slice %arg5[%dma_wait3A_257, %dma_wait3A_258, %dma_wait3A_259] : memref<2x16x784xf32, #tpu.memory_space<vmem>> -> memref<1x16x784xf32, #tpu.memory_space<vmem>>
    %dma_wait3A_261 = tpu.memref_squeeze %dma_wait3A_260 : memref<1x16x784xf32, #tpu.memory_space<vmem>> -> memref<16x784xf32, #tpu.memory_space<vmem>>
    %dma_wait3A_262 = arith.constant 0 : i32
    %dma_wait3A_263 = tpu.memref_slice %arg2[%dma_wait3A_262, %add3A_201] : memref<16x100352xf32, #tpu.memory_space<hbm>> -> memref<16x784xf32, #tpu.memory_space<hbm>>
    %dma_wait3A_264 = arith.constant 0 : i32
    %dma_wait3A_265 = arith.constant 0 : i32
    %dma_wait3A_266 = tpu.memref_slice %arg5[%dma_wait3A_257, %dma_wait3A_264, %dma_wait3A_265] : memref<2x16x784xf32, #tpu.memory_space<vmem>> -> memref<1x16x784xf32, #tpu.memory_space<vmem>>
    %dma_wait3A_267 = tpu.memref_squeeze %dma_wait3A_266 : memref<1x16x784xf32, #tpu.memory_space<vmem>> -> memref<16x784xf32, #tpu.memory_space<vmem>>
    %dma_wait3A_268 = arith.constant 0 : i32
    %dma_wait3A_269 = tpu.memref_slice %arg2[%dma_wait3A_268, %add3A_201] : memref<16x100352xf32, #tpu.memory_space<hbm>> -> memref<16x784xf32, #tpu.memory_space<hbm>>
    tpu.wait_dma2 semaphore(%arg8 : memref<!tpu.dma_semaphore, #tpu.memory_space<semaphore_mem>>) src(%dma_wait3A_269 : memref<16x784xf32, #tpu.memory_space<hbm>>) dst(%dma_wait3A_267 : memref<16x784xf32, #tpu.memory_space<vmem>>)
    %dma_wait3A_270 = arith.constant 0 : i32
    %dma_wait3A_271 = arith.constant 1 : i32
    %dma_wait3A_272 = arith.constant 0 : i32
    %dma_wait3A_273 = tpu.memref_slice %arg6[%dma_wait3A_271, %dma_wait3A_272] : memref<2x784xf32, #tpu.memory_space<vmem>> -> memref<1x784xf32, #tpu.memory_space<vmem>>
    %dma_wait3A_274 = tpu.memref_squeeze %dma_wait3A_273 : memref<1x784xf32, #tpu.memory_space<vmem>> -> memref<784xf32, #tpu.memory_space<vmem>>
    %dma_wait3A_275 = tpu.memref_slice %arg3[%dma_wait3A_270, %add3A_216] : memref<1x100352xf32, #tpu.memory_space<hbm>> -> memref<1x784xf32, #tpu.memory_space<hbm>>
    %dma_wait3A_276 = tpu.memref_squeeze %dma_wait3A_275 : memref<1x784xf32, #tpu.memory_space<hbm>> -> memref<784xf32, #tpu.memory_space<hbm>>
    %dma_wait3A_277 = arith.constant 0 : i32
    %dma_wait3A_278 = tpu.memref_slice %arg6[%dma_wait3A_271, %dma_wait3A_277] : memref<2x784xf32, #tpu.memory_space<vmem>> -> memref<1x784xf32, #tpu.memory_space<vmem>>
    %dma_wait3A_279 = tpu.memref_squeeze %dma_wait3A_278 : memref<1x784xf32, #tpu.memory_space<vmem>> -> memref<784xf32, #tpu.memory_space<vmem>>
    %dma_wait3A_280 = tpu.memref_slice %arg3[%dma_wait3A_270, %add3A_216] : memref<1x100352xf32, #tpu.memory_space<hbm>> -> memref<1x784xf32, #tpu.memory_space<hbm>>
    %dma_wait3A_281 = tpu.memref_squeeze %dma_wait3A_280 : memref<1x784xf32, #tpu.memory_space<hbm>> -> memref<784xf32, #tpu.memory_space<hbm>>
    tpu.wait_dma2 semaphore(%arg8 : memref<!tpu.dma_semaphore, #tpu.memory_space<semaphore_mem>>) src(%dma_wait3A_281 : memref<784xf32, #tpu.memory_space<hbm>>) dst(%dma_wait3A_279 : memref<784xf32, #tpu.memory_space<vmem>>)
    %dma_wait3A_282 = arith.constant 1 : i32
    %dma_wait3A_283 = arith.constant 0 : i32
    %dma_wait3A_284 = tpu.memref_slice %arg7[%dma_wait3A_282, %dma_wait3A_283] : memref<2x12544xf32, #tpu.memory_space<vmem>> -> memref<1x12544xf32, #tpu.memory_space<vmem>>
    %dma_wait3A_285 = tpu.memref_squeeze %dma_wait3A_284 : memref<1x12544xf32, #tpu.memory_space<vmem>> -> memref<12544xf32, #tpu.memory_space<vmem>>
    %dma_wait3A_286 = tpu.memref_slice %arg4[%mul3A_165] : memref<1605632xf32, #tpu.memory_space<hbm>> -> memref<12544xf32, #tpu.memory_space<hbm>>
    %dma_wait3A_287 = tpu.memref_slice %arg4[%mul3A_165] : memref<1605632xf32, #tpu.memory_space<hbm>> -> memref<12544xf32, #tpu.memory_space<hbm>>
    %dma_wait3A_288 = arith.constant 0 : i32
    %dma_wait3A_289 = tpu.memref_slice %arg7[%dma_wait3A_282, %dma_wait3A_288] : memref<2x12544xf32, #tpu.memory_space<vmem>> -> memref<1x12544xf32, #tpu.memory_space<vmem>>
    %dma_wait3A_290 = tpu.memref_squeeze %dma_wait3A_289 : memref<1x12544xf32, #tpu.memory_space<vmem>> -> memref<12544xf32, #tpu.memory_space<vmem>>
    tpu.wait_dma2 semaphore(%arg9 : memref<!tpu.dma_semaphore, #tpu.memory_space<semaphore_mem>>) src(%dma_wait3A_290 : memref<12544xf32, #tpu.memory_space<vmem>>) dst(%dma_wait3A_287 : memref<12544xf32, #tpu.memory_space<hbm>>)
    %scan3A_291 = arith.constant 0 : i32
    %scan3A_292 = arith.constant 0 : i32
    %scan3A_293 = arith.constant 49 : i32
    %scan3A_294 = arith.addi %scan3A_292, %scan3A_293 : i32
    %scan3A_295 = arith.constant 1 : i32
    scf.for %scan3A_328 = %scan3A_292 to %scan3A_294 step %scan3A_295  : i32 {
      %mul3A_329 = arith.constant 16 : i32
      %mul3A_330 = arith.muli %scan3A_328, %mul3A_329 : i32
      %get3A = arith.constant 1 : i32
      %get3A_331 = arith.index_cast %get3A : i32 to index
      %get3A_332 = arith.index_cast %mul3A_330 : i32 to index
      %get3A_333 = tpu.vector_load %arg6[%get3A_331, %get3A_332] {strides = array<i32>} : memref<2x784xf32, #tpu.memory_space<vmem>>, vector<16xf32>,
      %add3A_334 = vector.broadcast %mul3A_330 : i32 to vector<16xi32>
      %add3A_335 = arith.addi %iota3A, %add3A_334 : vector<16xi32>
      %mul3A_336 = arith.constant 16 : i32
      %mul3A_337 = vector.broadcast %mul3A_336 : i32 to vector<16xi32>
      %mul3A_338 = arith.muli %add3A_335, %mul3A_337 : vector<16xi32>
      %get3A_339 = arith.constant 1 : i32
      %get3A_340 = arith.constant 0 : i32
      %get3A_341 = arith.index_cast %get3A_339 : i32 to index
      %get3A_342 = arith.index_cast %get3A_340 : i32 to index
      %get3A_343 = arith.index_cast %mul3A_330 : i32 to index
      %get3A_344 = tpu.vector_load %arg5[%get3A_341, %get3A_342, %get3A_343] {strides = array<i32>} : memref<2x16x784xf32, #tpu.memory_space<vmem>>, vector<16xf32>,
      %mul3A_345 = arith.mulf %get3A_344, %get3A_333 : vector<16xf32>
      %add3A_346 = arith.constant 0 : i32
      %add3A_347 = vector.broadcast %add3A_346 : i32 to vector<16xi32>
      %add3A_348 = arith.addi %mul3A_338, %add3A_347 : vector<16xi32>
      %scatter3A = arith.constant 1 : i32
      %scatter3A_349 = arith.constant 0 : i32
      %scatter3A_350 = tpu.memref_slice %arg7[%scatter3A, %scatter3A_349] : memref<2x12544xf32, #tpu.memory_space<vmem>> -> memref<1x12544xf32, #tpu.memory_space<vmem>>
      %scatter3A_351 = tpu.memref_squeeze %scatter3A_350 : memref<1x12544xf32, #tpu.memory_space<vmem>> -> memref<12544xf32, #tpu.memory_space<vmem>>
      tpu.vector_store_idx %scatter3A_351[%add3A_348], %mul3A_345 : memref<12544xf32, #tpu.memory_space<vmem>>[vector<16xi32>], vector<16xf32>,
      %get3A_352 = arith.constant 1 : i32
      %get3A_353 = arith.constant 1 : i32
      %get3A_354 = arith.index_cast %get3A_352 : i32 to index
      %get3A_355 = arith.index_cast %get3A_353 : i32 to index
      %get3A_356 = arith.index_cast %mul3A_330 : i32 to index
      %get3A_357 = tpu.vector_load %arg5[%get3A_354, %get3A_355, %get3A_356] {strides = array<i32>} : memref<2x16x784xf32, #tpu.memory_space<vmem>>, vector<16xf32>,
      %mul3A_358 = arith.mulf %get3A_357, %get3A_333 : vector<16xf32>
      %add3A_359 = arith.constant 1 : i32
      %add3A_360 = vector.broadcast %add3A_359 : i32 to vector<16xi32>
      %add3A_361 = arith.addi %mul3A_338, %add3A_360 : vector<16xi32>
      %scatter3A_362 = arith.constant 1 : i32
      %scatter3A_363 = arith.constant 0 : i32
      %scatter3A_364 = tpu.memref_slice %arg7[%scatter3A_362, %scatter3A_363] : memref<2x12544xf32, #tpu.memory_space<vmem>> -> memref<1x12544xf32, #tpu.memory_space<vmem>>
      %scatter3A_365 = tpu.memref_squeeze %scatter3A_364 : memref<1x12544xf32, #tpu.memory_space<vmem>> -> memref<12544xf32, #tpu.memory_space<vmem>>
      tpu.vector_store_idx %scatter3A_365[%add3A_361], %mul3A_358 : memref<12544xf32, #tpu.memory_space<vmem>>[vector<16xi32>], vector<16xf32>,
      %get3A_366 = arith.constant 1 : i32
      %get3A_367 = arith.constant 2 : i32
      %get3A_368 = arith.index_cast %get3A_366 : i32 to index
      %get3A_369 = arith.index_cast %get3A_367 : i32 to index
      %get3A_370 = arith.index_cast %mul3A_330 : i32 to index
      %get3A_371 = tpu.vector_load %arg5[%get3A_368, %get3A_369, %get3A_370] {strides = array<i32>} : memref<2x16x784xf32, #tpu.memory_space<vmem>>, vector<16xf32>,
      %mul3A_372 = arith.mulf %get3A_371, %get3A_333 : vector<16xf32>
      %add3A_373 = arith.constant 2 : i32
      %add3A_374 = vector.broadcast %add3A_373 : i32 to vector<16xi32>
      %add3A_375 = arith.addi %mul3A_338, %add3A_374 : vector<16xi32>
      %scatter3A_376 = arith.constant 1 : i32
      %scatter3A_377 = arith.constant 0 : i32
      %scatter3A_378 = tpu.memref_slice %arg7[%scatter3A_376, %scatter3A_377] : memref<2x12544xf32, #tpu.memory_space<vmem>> -> memref<1x12544xf32, #tpu.memory_space<vmem>>
      %scatter3A_379 = tpu.memref_squeeze %scatter3A_378 : memref<1x12544xf32, #tpu.memory_space<vmem>> -> memref<12544xf32, #tpu.memory_space<vmem>>
      tpu.vector_store_idx %scatter3A_379[%add3A_375], %mul3A_372 : memref<12544xf32, #tpu.memory_space<vmem>>[vector<16xi32>], vector<16xf32>,
      %get3A_380 = arith.constant 1 : i32
      %get3A_381 = arith.constant 3 : i32
      %get3A_382 = arith.index_cast %get3A_380 : i32 to index
      %get3A_383 = arith.index_cast %get3A_381 : i32 to index
      %get3A_384 = arith.index_cast %mul3A_330 : i32 to index
      %get3A_385 = tpu.vector_load %arg5[%get3A_382, %get3A_383, %get3A_384] {strides = array<i32>} : memref<2x16x784xf32, #tpu.memory_space<vmem>>, vector<16xf32>,
      %mul3A_386 = arith.mulf %get3A_385, %get3A_333 : vector<16xf32>
      %add3A_387 = arith.constant 3 : i32
      %add3A_388 = vector.broadcast %add3A_387 : i32 to vector<16xi32>
      %add3A_389 = arith.addi %mul3A_338, %add3A_388 : vector<16xi32>
      %scatter3A_390 = arith.constant 1 : i32
      %scatter3A_391 = arith.constant 0 : i32
      %scatter3A_392 = tpu.memref_slice %arg7[%scatter3A_390, %scatter3A_391] : memref<2x12544xf32, #tpu.memory_space<vmem>> -> memref<1x12544xf32, #tpu.memory_space<vmem>>
      %scatter3A_393 = tpu.memref_squeeze %scatter3A_392 : memref<1x12544xf32, #tpu.memory_space<vmem>> -> memref<12544xf32, #tpu.memory_space<vmem>>
      tpu.vector_store_idx %scatter3A_393[%add3A_389], %mul3A_386 : memref<12544xf32, #tpu.memory_space<vmem>>[vector<16xi32>], vector<16xf32>,
      %get3A_394 = arith.constant 1 : i32
      %get3A_395 = arith.constant 4 : i32
      %get3A_396 = arith.index_cast %get3A_394 : i32 to index
      %get3A_397 = arith.index_cast %get3A_395 : i32 to index
      %get3A_398 = arith.index_cast %mul3A_330 : i32 to index
      %get3A_399 = tpu.vector_load %arg5[%get3A_396, %get3A_397, %get3A_398] {strides = array<i32>} : memref<2x16x784xf32, #tpu.memory_space<vmem>>, vector<16xf32>,
      %mul3A_400 = arith.mulf %get3A_399, %get3A_333 : vector<16xf32>
      %add3A_401 = arith.constant 4 : i32
      %add3A_402 = vector.broadcast %add3A_401 : i32 to vector<16xi32>
      %add3A_403 = arith.addi %mul3A_338, %add3A_402 : vector<16xi32>
      %scatter3A_404 = arith.constant 1 : i32
      %scatter3A_405 = arith.constant 0 : i32
      %scatter3A_406 = tpu.memref_slice %arg7[%scatter3A_404, %scatter3A_405] : memref<2x12544xf32, #tpu.memory_space<vmem>> -> memref<1x12544xf32, #tpu.memory_space<vmem>>
      %scatter3A_407 = tpu.memref_squeeze %scatter3A_406 : memref<1x12544xf32, #tpu.memory_space<vmem>> -> memref<12544xf32, #tpu.memory_space<vmem>>
      tpu.vector_store_idx %scatter3A_407[%add3A_403], %mul3A_400 : memref<12544xf32, #tpu.memory_space<vmem>>[vector<16xi32>], vector<16xf32>,
      %get3A_408 = arith.constant 1 : i32
      %get3A_409 = arith.constant 5 : i32
      %get3A_410 = arith.index_cast %get3A_408 : i32 to index
      %get3A_411 = arith.index_cast %get3A_409 : i32 to index
      %get3A_412 = arith.index_cast %mul3A_330 : i32 to index
      %get3A_413 = tpu.vector_load %arg5[%get3A_410, %get3A_411, %get3A_412] {strides = array<i32>} : memref<2x16x784xf32, #tpu.memory_space<vmem>>, vector<16xf32>,
      %mul3A_414 = arith.mulf %get3A_413, %get3A_333 : vector<16xf32>
      %add3A_415 = arith.constant 5 : i32
      %add3A_416 = vector.broadcast %add3A_415 : i32 to vector<16xi32>
      %add3A_417 = arith.addi %mul3A_338, %add3A_416 : vector<16xi32>
      %scatter3A_418 = arith.constant 1 : i32
      %scatter3A_419 = arith.constant 0 : i32
      %scatter3A_420 = tpu.memref_slice %arg7[%scatter3A_418, %scatter3A_419] : memref<2x12544xf32, #tpu.memory_space<vmem>> -> memref<1x12544xf32, #tpu.memory_space<vmem>>
      %scatter3A_421 = tpu.memref_squeeze %scatter3A_420 : memref<1x12544xf32, #tpu.memory_space<vmem>> -> memref<12544xf32, #tpu.memory_space<vmem>>
      tpu.vector_store_idx %scatter3A_421[%add3A_417], %mul3A_414 : memref<12544xf32, #tpu.memory_space<vmem>>[vector<16xi32>], vector<16xf32>,
      %get3A_422 = arith.constant 1 : i32
      %get3A_423 = arith.constant 6 : i32
      %get3A_424 = arith.index_cast %get3A_422 : i32 to index
      %get3A_425 = arith.index_cast %get3A_423 : i32 to index
      %get3A_426 = arith.index_cast %mul3A_330 : i32 to index
      %get3A_427 = tpu.vector_load %arg5[%get3A_424, %get3A_425, %get3A_426] {strides = array<i32>} : memref<2x16x784xf32, #tpu.memory_space<vmem>>, vector<16xf32>,
      %mul3A_428 = arith.mulf %get3A_427, %get3A_333 : vector<16xf32>
      %add3A_429 = arith.constant 6 : i32
      %add3A_430 = vector.broadcast %add3A_429 : i32 to vector<16xi32>
      %add3A_431 = arith.addi %mul3A_338, %add3A_430 : vector<16xi32>
      %scatter3A_432 = arith.constant 1 : i32
      %scatter3A_433 = arith.constant 0 : i32
      %scatter3A_434 = tpu.memref_slice %arg7[%scatter3A_432, %scatter3A_433] : memref<2x12544xf32, #tpu.memory_space<vmem>> -> memref<1x12544xf32, #tpu.memory_space<vmem>>
      %scatter3A_435 = tpu.memref_squeeze %scatter3A_434 : memref<1x12544xf32, #tpu.memory_space<vmem>> -> memref<12544xf32, #tpu.memory_space<vmem>>
      tpu.vector_store_idx %scatter3A_435[%add3A_431], %mul3A_428 : memref<12544xf32, #tpu.memory_space<vmem>>[vector<16xi32>], vector<16xf32>,
      %get3A_436 = arith.constant 1 : i32
      %get3A_437 = arith.constant 7 : i32
      %get3A_438 = arith.index_cast %get3A_436 : i32 to index
      %get3A_439 = arith.index_cast %get3A_437 : i32 to index
      %get3A_440 = arith.index_cast %mul3A_330 : i32 to index
      %get3A_441 = tpu.vector_load %arg5[%get3A_438, %get3A_439, %get3A_440] {strides = array<i32>} : memref<2x16x784xf32, #tpu.memory_space<vmem>>, vector<16xf32>,
      %mul3A_442 = arith.mulf %get3A_441, %get3A_333 : vector<16xf32>
      %add3A_443 = arith.constant 7 : i32
      %add3A_444 = vector.broadcast %add3A_443 : i32 to vector<16xi32>
      %add3A_445 = arith.addi %mul3A_338, %add3A_444 : vector<16xi32>
      %scatter3A_446 = arith.constant 1 : i32
      %scatter3A_447 = arith.constant 0 : i32
      %scatter3A_448 = tpu.memref_slice %arg7[%scatter3A_446, %scatter3A_447] : memref<2x12544xf32, #tpu.memory_space<vmem>> -> memref<1x12544xf32, #tpu.memory_space<vmem>>
      %scatter3A_449 = tpu.memref_squeeze %scatter3A_448 : memref<1x12544xf32, #tpu.memory_space<vmem>> -> memref<12544xf32, #tpu.memory_space<vmem>>
      tpu.vector_store_idx %scatter3A_449[%add3A_445], %mul3A_442 : memref<12544xf32, #tpu.memory_space<vmem>>[vector<16xi32>], vector<16xf32>,
      %get3A_450 = arith.constant 1 : i32
      %get3A_451 = arith.constant 8 : i32
      %get3A_452 = arith.index_cast %get3A_450 : i32 to index
      %get3A_453 = arith.index_cast %get3A_451 : i32 to index
      %get3A_454 = arith.index_cast %mul3A_330 : i32 to index
      %get3A_455 = tpu.vector_load %arg5[%get3A_452, %get3A_453, %get3A_454] {strides = array<i32>} : memref<2x16x784xf32, #tpu.memory_space<vmem>>, vector<16xf32>,
      %mul3A_456 = arith.mulf %get3A_455, %get3A_333 : vector<16xf32>
      %add3A_457 = arith.constant 8 : i32
      %add3A_458 = vector.broadcast %add3A_457 : i32 to vector<16xi32>
      %add3A_459 = arith.addi %mul3A_338, %add3A_458 : vector<16xi32>
      %scatter3A_460 = arith.constant 1 : i32
      %scatter3A_461 = arith.constant 0 : i32
      %scatter3A_462 = tpu.memref_slice %arg7[%scatter3A_460, %scatter3A_461] : memref<2x12544xf32, #tpu.memory_space<vmem>> -> memref<1x12544xf32, #tpu.memory_space<vmem>>
      %scatter3A_463 = tpu.memref_squeeze %scatter3A_462 : memref<1x12544xf32, #tpu.memory_space<vmem>> -> memref<12544xf32, #tpu.memory_space<vmem>>
      tpu.vector_store_idx %scatter3A_463[%add3A_459], %mul3A_456 : memref<12544xf32, #tpu.memory_space<vmem>>[vector<16xi32>], vector<16xf32>,
      %get3A_464 = arith.constant 1 : i32
      %get3A_465 = arith.constant 9 : i32
      %get3A_466 = arith.index_cast %get3A_464 : i32 to index
      %get3A_467 = arith.index_cast %get3A_465 : i32 to index
      %get3A_468 = arith.index_cast %mul3A_330 : i32 to index
      %get3A_469 = tpu.vector_load %arg5[%get3A_466, %get3A_467, %get3A_468] {strides = array<i32>} : memref<2x16x784xf32, #tpu.memory_space<vmem>>, vector<16xf32>,
      %mul3A_470 = arith.mulf %get3A_469, %get3A_333 : vector<16xf32>
      %add3A_471 = arith.constant 9 : i32
      %add3A_472 = vector.broadcast %add3A_471 : i32 to vector<16xi32>
      %add3A_473 = arith.addi %mul3A_338, %add3A_472 : vector<16xi32>
      %scatter3A_474 = arith.constant 1 : i32
      %scatter3A_475 = arith.constant 0 : i32
      %scatter3A_476 = tpu.memref_slice %arg7[%scatter3A_474, %scatter3A_475] : memref<2x12544xf32, #tpu.memory_space<vmem>> -> memref<1x12544xf32, #tpu.memory_space<vmem>>
      %scatter3A_477 = tpu.memref_squeeze %scatter3A_476 : memref<1x12544xf32, #tpu.memory_space<vmem>> -> memref<12544xf32, #tpu.memory_space<vmem>>
      tpu.vector_store_idx %scatter3A_477[%add3A_473], %mul3A_470 : memref<12544xf32, #tpu.memory_space<vmem>>[vector<16xi32>], vector<16xf32>,
      %get3A_478 = arith.constant 1 : i32
      %get3A_479 = arith.constant 10 : i32
      %get3A_480 = arith.index_cast %get3A_478 : i32 to index
      %get3A_481 = arith.index_cast %get3A_479 : i32 to index
      %get3A_482 = arith.index_cast %mul3A_330 : i32 to index
      %get3A_483 = tpu.vector_load %arg5[%get3A_480, %get3A_481, %get3A_482] {strides = array<i32>} : memref<2x16x784xf32, #tpu.memory_space<vmem>>, vector<16xf32>,
      %mul3A_484 = arith.mulf %get3A_483, %get3A_333 : vector<16xf32>
      %add3A_485 = arith.constant 10 : i32
      %add3A_486 = vector.broadcast %add3A_485 : i32 to vector<16xi32>
      %add3A_487 = arith.addi %mul3A_338, %add3A_486 : vector<16xi32>
      %scatter3A_488 = arith.constant 1 : i32
      %scatter3A_489 = arith.constant 0 : i32
      %scatter3A_490 = tpu.memref_slice %arg7[%scatter3A_488, %scatter3A_489] : memref<2x12544xf32, #tpu.memory_space<vmem>> -> memref<1x12544xf32, #tpu.memory_space<vmem>>
      %scatter3A_491 = tpu.memref_squeeze %scatter3A_490 : memref<1x12544xf32, #tpu.memory_space<vmem>> -> memref<12544xf32, #tpu.memory_space<vmem>>
      tpu.vector_store_idx %scatter3A_491[%add3A_487], %mul3A_484 : memref<12544xf32, #tpu.memory_space<vmem>>[vector<16xi32>], vector<16xf32>,
      %get3A_492 = arith.constant 1 : i32
      %get3A_493 = arith.constant 11 : i32
      %get3A_494 = arith.index_cast %get3A_492 : i32 to index
      %get3A_495 = arith.index_cast %get3A_493 : i32 to index
      %get3A_496 = arith.index_cast %mul3A_330 : i32 to index
      %get3A_497 = tpu.vector_load %arg5[%get3A_494, %get3A_495, %get3A_496] {strides = array<i32>} : memref<2x16x784xf32, #tpu.memory_space<vmem>>, vector<16xf32>,
      %mul3A_498 = arith.mulf %get3A_497, %get3A_333 : vector<16xf32>
      %add3A_499 = arith.constant 11 : i32
      %add3A_500 = vector.broadcast %add3A_499 : i32 to vector<16xi32>
      %add3A_501 = arith.addi %mul3A_338, %add3A_500 : vector<16xi32>
      %scatter3A_502 = arith.constant 1 : i32
      %scatter3A_503 = arith.constant 0 : i32
      %scatter3A_504 = tpu.memref_slice %arg7[%scatter3A_502, %scatter3A_503] : memref<2x12544xf32, #tpu.memory_space<vmem>> -> memref<1x12544xf32, #tpu.memory_space<vmem>>
      %scatter3A_505 = tpu.memref_squeeze %scatter3A_504 : memref<1x12544xf32, #tpu.memory_space<vmem>> -> memref<12544xf32, #tpu.memory_space<vmem>>
      tpu.vector_store_idx %scatter3A_505[%add3A_501], %mul3A_498 : memref<12544xf32, #tpu.memory_space<vmem>>[vector<16xi32>], vector<16xf32>,
      %get3A_506 = arith.constant 1 : i32
      %get3A_507 = arith.constant 12 : i32
      %get3A_508 = arith.index_cast %get3A_506 : i32 to index
      %get3A_509 = arith.index_cast %get3A_507 : i32 to index
      %get3A_510 = arith.index_cast %mul3A_330 : i32 to index
      %get3A_511 = tpu.vector_load %arg5[%get3A_508, %get3A_509, %get3A_510] {strides = array<i32>} : memref<2x16x784xf32, #tpu.memory_space<vmem>>, vector<16xf32>,
      %mul3A_512 = arith.mulf %get3A_511, %get3A_333 : vector<16xf32>
      %add3A_513 = arith.constant 12 : i32
      %add3A_514 = vector.broadcast %add3A_513 : i32 to vector<16xi32>
      %add3A_515 = arith.addi %mul3A_338, %add3A_514 : vector<16xi32>
      %scatter3A_516 = arith.constant 1 : i32
      %scatter3A_517 = arith.constant 0 : i32
      %scatter3A_518 = tpu.memref_slice %arg7[%scatter3A_516, %scatter3A_517] : memref<2x12544xf32, #tpu.memory_space<vmem>> -> memref<1x12544xf32, #tpu.memory_space<vmem>>
      %scatter3A_519 = tpu.memref_squeeze %scatter3A_518 : memref<1x12544xf32, #tpu.memory_space<vmem>> -> memref<12544xf32, #tpu.memory_space<vmem>>
      tpu.vector_store_idx %scatter3A_519[%add3A_515], %mul3A_512 : memref<12544xf32, #tpu.memory_space<vmem>>[vector<16xi32>], vector<16xf32>,
      %get3A_520 = arith.constant 1 : i32
      %get3A_521 = arith.constant 13 : i32
      %get3A_522 = arith.index_cast %get3A_520 : i32 to index
      %get3A_523 = arith.index_cast %get3A_521 : i32 to index
      %get3A_524 = arith.index_cast %mul3A_330 : i32 to index
      %get3A_525 = tpu.vector_load %arg5[%get3A_522, %get3A_523, %get3A_524] {strides = array<i32>} : memref<2x16x784xf32, #tpu.memory_space<vmem>>, vector<16xf32>,
      %mul3A_526 = arith.mulf %get3A_525, %get3A_333 : vector<16xf32>
      %add3A_527 = arith.constant 13 : i32
      %add3A_528 = vector.broadcast %add3A_527 : i32 to vector<16xi32>
      %add3A_529 = arith.addi %mul3A_338, %add3A_528 : vector<16xi32>
      %scatter3A_530 = arith.constant 1 : i32
      %scatter3A_531 = arith.constant 0 : i32
      %scatter3A_532 = tpu.memref_slice %arg7[%scatter3A_530, %scatter3A_531] : memref<2x12544xf32, #tpu.memory_space<vmem>> -> memref<1x12544xf32, #tpu.memory_space<vmem>>
      %scatter3A_533 = tpu.memref_squeeze %scatter3A_532 : memref<1x12544xf32, #tpu.memory_space<vmem>> -> memref<12544xf32, #tpu.memory_space<vmem>>
      tpu.vector_store_idx %scatter3A_533[%add3A_529], %mul3A_526 : memref<12544xf32, #tpu.memory_space<vmem>>[vector<16xi32>], vector<16xf32>,
      %get3A_534 = arith.constant 1 : i32
      %get3A_535 = arith.constant 14 : i32
      %get3A_536 = arith.index_cast %get3A_534 : i32 to index
      %get3A_537 = arith.index_cast %get3A_535 : i32 to index
      %get3A_538 = arith.index_cast %mul3A_330 : i32 to index
      %get3A_539 = tpu.vector_load %arg5[%get3A_536, %get3A_537, %get3A_538] {strides = array<i32>} : memref<2x16x784xf32, #tpu.memory_space<vmem>>, vector<16xf32>,
      %mul3A_540 = arith.mulf %get3A_539, %get3A_333 : vector<16xf32>
      %add3A_541 = arith.constant 14 : i32
      %add3A_542 = vector.broadcast %add3A_541 : i32 to vector<16xi32>
      %add3A_543 = arith.addi %mul3A_338, %add3A_542 : vector<16xi32>
      %scatter3A_544 = arith.constant 1 : i32
      %scatter3A_545 = arith.constant 0 : i32
      %scatter3A_546 = tpu.memref_slice %arg7[%scatter3A_544, %scatter3A_545] : memref<2x12544xf32, #tpu.memory_space<vmem>> -> memref<1x12544xf32, #tpu.memory_space<vmem>>
      %scatter3A_547 = tpu.memref_squeeze %scatter3A_546 : memref<1x12544xf32, #tpu.memory_space<vmem>> -> memref<12544xf32, #tpu.memory_space<vmem>>
      tpu.vector_store_idx %scatter3A_547[%add3A_543], %mul3A_540 : memref<12544xf32, #tpu.memory_space<vmem>>[vector<16xi32>], vector<16xf32>,
      %get3A_548 = arith.constant 1 : i32
      %get3A_549 = arith.constant 15 : i32
      %get3A_550 = arith.index_cast %get3A_548 : i32 to index
      %get3A_551 = arith.index_cast %get3A_549 : i32 to index
      %get3A_552 = arith.index_cast %mul3A_330 : i32 to index
      %get3A_553 = tpu.vector_load %arg5[%get3A_550, %get3A_551, %get3A_552] {strides = array<i32>} : memref<2x16x784xf32, #tpu.memory_space<vmem>>, vector<16xf32>,
      %mul3A_554 = arith.mulf %get3A_553, %get3A_333 : vector<16xf32>
      %add3A_555 = arith.constant 15 : i32
      %add3A_556 = vector.broadcast %add3A_555 : i32 to vector<16xi32>
      %add3A_557 = arith.addi %mul3A_338, %add3A_556 : vector<16xi32>
      %scatter3A_558 = arith.constant 1 : i32
      %scatter3A_559 = arith.constant 0 : i32
      %scatter3A_560 = tpu.memref_slice %arg7[%scatter3A_558, %scatter3A_559] : memref<2x12544xf32, #tpu.memory_space<vmem>> -> memref<1x12544xf32, #tpu.memory_space<vmem>>
      %scatter3A_561 = tpu.memref_squeeze %scatter3A_560 : memref<1x12544xf32, #tpu.memory_space<vmem>> -> memref<12544xf32, #tpu.memory_space<vmem>>
      tpu.vector_store_idx %scatter3A_561[%add3A_557], %mul3A_554 : memref<12544xf32, #tpu.memory_space<vmem>>[vector<16xi32>], vector<16xf32>,
    }
    %scan3A_296 = arith.constant 49 : i32
    %add3A_297 = arith.constant 2352 : i32
    %add3A_298 = arith.addi %mul3A_2, %add3A_297 : i32
    %mul3A_299 = arith.constant 16 : i32
    %mul3A_300 = arith.muli %add3A_298, %mul3A_299 : i32
    %dma_start3A_301 = arith.constant 1 : i32
    %dma_start3A_302 = arith.constant 0 : i32
    %dma_start3A_303 = tpu.memref_slice %arg7[%dma_start3A_301, %dma_start3A_302] : memref<2x12544xf32, #tpu.memory_space<vmem>> -> memref<1x12544xf32, #tpu.memory_space<vmem>>
    %dma_start3A_304 = tpu.memref_squeeze %dma_start3A_303 : memref<1x12544xf32, #tpu.memory_space<vmem>> -> memref<12544xf32, #tpu.memory_space<vmem>>
    %dma_start3A_305 = tpu.memref_slice %arg4[%mul3A_300] : memref<1605632xf32, #tpu.memory_space<hbm>> -> memref<12544xf32, #tpu.memory_space<hbm>>
    %dma_start3A_306 = tpu.memref_slice %arg4[%mul3A_300] : memref<1605632xf32, #tpu.memory_space<hbm>> -> memref<12544xf32, #tpu.memory_space<hbm>>
    %dma_start3A_307 = arith.constant 0 : i32
    %dma_start3A_308 = tpu.memref_slice %arg7[%dma_start3A_301, %dma_start3A_307] : memref<2x12544xf32, #tpu.memory_space<vmem>> -> memref<1x12544xf32, #tpu.memory_space<vmem>>
    %dma_start3A_309 = tpu.memref_squeeze %dma_start3A_308 : memref<1x12544xf32, #tpu.memory_space<vmem>> -> memref<12544xf32, #tpu.memory_space<vmem>>
    tpu.enqueue_dma source(%dma_start3A_309 : memref<12544xf32, #tpu.memory_space<vmem>>) target(%dma_start3A_306 : memref<12544xf32, #tpu.memory_space<hbm>>) target_semaphore(%arg9 : memref<!tpu.dma_semaphore, #tpu.memory_space<semaphore_mem>>)
    %dma_wait3A_310 = arith.constant 0 : i32
    %dma_wait3A_311 = arith.constant 0 : i32
    %dma_wait3A_312 = tpu.memref_slice %arg7[%dma_wait3A_310, %dma_wait3A_311] : memref<2x12544xf32, #tpu.memory_space<vmem>> -> memref<1x12544xf32, #tpu.memory_space<vmem>>
    %dma_wait3A_313 = tpu.memref_squeeze %dma_wait3A_312 : memref<1x12544xf32, #tpu.memory_space<vmem>> -> memref<12544xf32, #tpu.memory_space<vmem>>
    %dma_wait3A_314 = tpu.memref_slice %arg4[%mul3A_247] : memref<1605632xf32, #tpu.memory_space<hbm>> -> memref<12544xf32, #tpu.memory_space<hbm>>
    %dma_wait3A_315 = tpu.memref_slice %arg4[%mul3A_247] : memref<1605632xf32, #tpu.memory_space<hbm>> -> memref<12544xf32, #tpu.memory_space<hbm>>
    %dma_wait3A_316 = arith.constant 0 : i32
    %dma_wait3A_317 = tpu.memref_slice %arg7[%dma_wait3A_310, %dma_wait3A_316] : memref<2x12544xf32, #tpu.memory_space<vmem>> -> memref<1x12544xf32, #tpu.memory_space<vmem>>
    %dma_wait3A_318 = tpu.memref_squeeze %dma_wait3A_317 : memref<1x12544xf32, #tpu.memory_space<vmem>> -> memref<12544xf32, #tpu.memory_space<vmem>>
    tpu.wait_dma2 semaphore(%arg9 : memref<!tpu.dma_semaphore, #tpu.memory_space<semaphore_mem>>) src(%dma_wait3A_318 : memref<12544xf32, #tpu.memory_space<vmem>>) dst(%dma_wait3A_315 : memref<12544xf32, #tpu.memory_space<hbm>>)
    %dma_wait3A_319 = arith.constant 1 : i32
    %dma_wait3A_320 = arith.constant 0 : i32
    %dma_wait3A_321 = tpu.memref_slice %arg7[%dma_wait3A_319, %dma_wait3A_320] : memref<2x12544xf32, #tpu.memory_space<vmem>> -> memref<1x12544xf32, #tpu.memory_space<vmem>>
    %dma_wait3A_322 = tpu.memref_squeeze %dma_wait3A_321 : memref<1x12544xf32, #tpu.memory_space<vmem>> -> memref<12544xf32, #tpu.memory_space<vmem>>
    %dma_wait3A_323 = tpu.memref_slice %arg4[%mul3A_300] : memref<1605632xf32, #tpu.memory_space<hbm>> -> memref<12544xf32, #tpu.memory_space<hbm>>
    %dma_wait3A_324 = tpu.memref_slice %arg4[%mul3A_300] : memref<1605632xf32, #tpu.memory_space<hbm>> -> memref<12544xf32, #tpu.memory_space<hbm>>
    %dma_wait3A_325 = arith.constant 0 : i32
    %dma_wait3A_326 = tpu.memref_slice %arg7[%dma_wait3A_319, %dma_wait3A_325] : memref<2x12544xf32, #tpu.memory_space<vmem>> -> memref<1x12544xf32, #tpu.memory_space<vmem>>
    %dma_wait3A_327 = tpu.memref_squeeze %dma_wait3A_326 : memref<1x12544xf32, #tpu.memory_space<vmem>> -> memref<12544xf32, #tpu.memory_space<vmem>>
    tpu.wait_dma2 semaphore(%arg9 : memref<!tpu.dma_semaphore, #tpu.memory_space<semaphore_mem>>) src(%dma_wait3A_327 : memref<12544xf32, #tpu.memory_space<vmem>>) dst(%dma_wait3A_324 : memref<12544xf32, #tpu.memory_space<hbm>>)
    return
  }
}

module attributes {stable_mosaic.version = 14 : i64} {
  func.func @_fbar_body(%arg0: memref<8x100000xf32, #tpu.memory_space<vmem>>, %arg1: memref<1x100352xf32, #tpu.memory_space<vmem>>) attributes {dimension_semantics = [], scalar_prefetch = 0 : i64, scratch_operands = 0 : i64, tpu.core_type = #tpu.core_type<tc>} {
    %broadcast_in_dim3A = arith.constant 0.000000e+00 : f32
    %broadcast_in_dim3A_0 = vector.broadcast %broadcast_in_dim3A : f32 to vector<1x100352xf32>
    %swap3A = arith.constant 0 : index
    %swap3A_1 = arith.constant 0 : index
    %swap3A_2 = vector.load %arg1[%swap3A, %swap3A_1] : memref<1x100352xf32, #tpu.memory_space<vmem>>, vector<1x100352xf32>
    tpu.vector_store %arg1[%swap3A, %swap3A_1], %broadcast_in_dim3A_0 {strides = array<i32>} : memref<1x100352xf32, #tpu.memory_space<vmem>>, vector<1x100352xf32>,
    %get3A = arith.constant 0 : index
    %get3A_3 = arith.constant 0 : index
    %get3A_4 = vector.load %arg0[%get3A, %get3A_3] : memref<8x100000xf32, #tpu.memory_space<vmem>>, vector<8x100000xf32>
    %reduce_sum3A = arith.constant dense<0.000000e+00> : vector<100000xf32>
    %reduce_sum3A_5 = vector.multi_reduction <add>, %get3A_4, %reduce_sum3A [0] : vector<8x100000xf32> to vector<100000xf32>
    %broadcast_in_dim3A_6 = vector.shape_cast %reduce_sum3A_5 : vector<100000xf32> to vector<1x100000xf32>
    %mul3A = arith.constant 1.250000e-01 : f32
    %mul3A_7 = vector.broadcast %mul3A : f32 to vector<1x100000xf32>
    %mul3A_8 = arith.mulf %broadcast_in_dim3A_6, %mul3A_7 : vector<1x100000xf32>
    %swap3A_9 = arith.constant 0 : index
    %swap3A_10 = arith.constant 0 : index
    %swap3A_11 = vector.load %arg1[%swap3A_9, %swap3A_10] : memref<1x100352xf32, #tpu.memory_space<vmem>>, vector<1x100000xf32>
    tpu.vector_store %arg1[%swap3A_9, %swap3A_10], %mul3A_8 {strides = array<i32>} : memref<1x100352xf32, #tpu.memory_space<vmem>>, vector<1x100000xf32>,
    return
  }
}

module attributes {stable_mosaic.version = 14 : i64} {
  func.func @_mlp_body(%arg0: memref<2x1136x128xf32, #tpu.memory_space<vmem>>, %arg1: memref<64x8x1136xf32, #tpu.memory_space<vmem>>, %arg2: memref<64x94xf32, #tpu.memory_space<vmem>>, %arg3: memref<8x16xf32, #tpu.memory_space<vmem>>) attributes {dimension_semantics = [], scalar_prefetch = 0 : i64, scratch_operands = 0 : i64, tpu.core_type = #tpu.core_type<tc>} {
    %get3A = arith.constant 0 : index
    %get3A_0 = arith.constant 0 : index
    %get3A_1 = vector.load %arg2[%get3A, %get3A_0] : memref<64x94xf32, #tpu.memory_space<vmem>>, vector<64x94xf32>
    %get3A_2 = arith.constant 0 : index
    %get3A_3 = arith.constant 0 : index
    %get3A_4 = arith.constant 0 : index
    %get3A_5 = vector.load %arg0[%get3A_2, %get3A_3, %get3A_4] : memref<2x1136x128xf32, #tpu.memory_space<vmem>>, vector<1x1136x128xf32>
    %get3A_6 = vector.shape_cast %get3A_5 : vector<1x1136x128xf32> to vector<1136x128xf32>
    %get3A_7 = arith.constant 1 : index
    %get3A_8 = arith.constant 0 : index
    %get3A_9 = arith.constant 0 : index
    %get3A_10 = vector.load %arg0[%get3A_7, %get3A_8, %get3A_9] : memref<2x1136x128xf32, #tpu.memory_space<vmem>>, vector<1x1136x128xf32>
    %get3A_11 = vector.shape_cast %get3A_10 : vector<1x1136x128xf32> to vector<1136x128xf32>
    %add3A = arith.addf %get3A_6, %get3A_11 : vector<1136x128xf32>
    %get3A_12 = arith.constant 0 : index
    %get3A_13 = arith.constant 0 : index
    %get3A_14 = arith.constant 0 : index
    %get3A_15 = vector.load %arg1[%get3A_12, %get3A_13, %get3A_14] : memref<64x8x1136xf32, #tpu.memory_space<vmem>>, vector<64x1x1136xf32>
    %get3A_16 = vector.shape_cast %get3A_15 : vector<64x1x1136xf32> to vector<64x1136xf32>
    %dot_general3A = arith.constant dense<0.000000e+00> : vector<64x128xf32>
    %dot_general3A_17 = tpu.matmul %get3A_16, %add3A, %dot_general3A {dimension_numbers = #tpu.dot_dimension_numbers<[1], [0], [0], [1], [0, 0, 1, 1], [], []>, transpose_lhs_hint = false} : vector<64x1136xf32>, vector<1136x128xf32>, vector<64x128xf32> -> vector<64x128xf32>
    %slice3A = vector.extract_strided_slice %dot_general3A_17 {offsets = [0, 0], sizes = [64, 16], strides = [1, 1]} : vector<64x128xf32> to vector<64x16xf32>
    %get3A_18 = arith.constant 0 : index
    %get3A_19 = arith.constant 1 : index
    %get3A_20 = arith.constant 0 : index
    %get3A_21 = vector.load %arg1[%get3A_18, %get3A_19, %get3A_20] : memref<64x8x1136xf32, #tpu.memory_space<vmem>>, vector<64x1x1136xf32>
    %get3A_22 = vector.shape_cast %get3A_21 : vector<64x1x1136xf32> to vector<64x1136xf32>
    %dot_general3A_23 = arith.constant dense<0.000000e+00> : vector<64x128xf32>
    %dot_general3A_24 = tpu.matmul %get3A_22, %add3A, %dot_general3A_23 {dimension_numbers = #tpu.dot_dimension_numbers<[1], [0], [0], [1], [0, 0, 1, 1], [], []>, transpose_lhs_hint = false} : vector<64x1136xf32>, vector<1136x128xf32>, vector<64x128xf32> -> vector<64x128xf32>
    %slice3A_25 = vector.extract_strided_slice %dot_general3A_24 {offsets = [0, 16], sizes = [64, 16], strides = [1, 1]} : vector<64x128xf32> to vector<64x16xf32>
    %add3A_26 = arith.addf %slice3A, %slice3A_25 : vector<64x16xf32>
    %get3A_27 = arith.constant 0 : index
    %get3A_28 = arith.constant 2 : index
    %get3A_29 = arith.constant 0 : index
    %get3A_30 = vector.load %arg1[%get3A_27, %get3A_28, %get3A_29] : memref<64x8x1136xf32, #tpu.memory_space<vmem>>, vector<64x1x1136xf32>
    %get3A_31 = vector.shape_cast %get3A_30 : vector<64x1x1136xf32> to vector<64x1136xf32>
    %dot_general3A_32 = arith.constant dense<0.000000e+00> : vector<64x128xf32>
    %dot_general3A_33 = tpu.matmul %get3A_31, %add3A, %dot_general3A_32 {dimension_numbers = #tpu.dot_dimension_numbers<[1], [0], [0], [1], [0, 0, 1, 1], [], []>, transpose_lhs_hint = false} : vector<64x1136xf32>, vector<1136x128xf32>, vector<64x128xf32> -> vector<64x128xf32>
    %slice3A_34 = vector.extract_strided_slice %dot_general3A_33 {offsets = [0, 32], sizes = [64, 16], strides = [1, 1]} : vector<64x128xf32> to vector<64x16xf32>
    %add3A_35 = arith.addf %add3A_26, %slice3A_34 : vector<64x16xf32>
    %get3A_36 = arith.constant 0 : index
    %get3A_37 = arith.constant 3 : index
    %get3A_38 = arith.constant 0 : index
    %get3A_39 = vector.load %arg1[%get3A_36, %get3A_37, %get3A_38] : memref<64x8x1136xf32, #tpu.memory_space<vmem>>, vector<64x1x1136xf32>
    %get3A_40 = vector.shape_cast %get3A_39 : vector<64x1x1136xf32> to vector<64x1136xf32>
    %dot_general3A_41 = arith.constant dense<0.000000e+00> : vector<64x128xf32>
    %dot_general3A_42 = tpu.matmul %get3A_40, %add3A, %dot_general3A_41 {dimension_numbers = #tpu.dot_dimension_numbers<[1], [0], [0], [1], [0, 0, 1, 1], [], []>, transpose_lhs_hint = false} : vector<64x1136xf32>, vector<1136x128xf32>, vector<64x128xf32> -> vector<64x128xf32>
    %slice3A_43 = vector.extract_strided_slice %dot_general3A_42 {offsets = [0, 48], sizes = [64, 16], strides = [1, 1]} : vector<64x128xf32> to vector<64x16xf32>
    %add3A_44 = arith.addf %add3A_35, %slice3A_43 : vector<64x16xf32>
    %get3A_45 = arith.constant 0 : index
    %get3A_46 = arith.constant 4 : index
    %get3A_47 = arith.constant 0 : index
    %get3A_48 = vector.load %arg1[%get3A_45, %get3A_46, %get3A_47] : memref<64x8x1136xf32, #tpu.memory_space<vmem>>, vector<64x1x1136xf32>
    %get3A_49 = vector.shape_cast %get3A_48 : vector<64x1x1136xf32> to vector<64x1136xf32>
    %dot_general3A_50 = arith.constant dense<0.000000e+00> : vector<64x128xf32>
    %dot_general3A_51 = tpu.matmul %get3A_49, %add3A, %dot_general3A_50 {dimension_numbers = #tpu.dot_dimension_numbers<[1], [0], [0], [1], [0, 0, 1, 1], [], []>, transpose_lhs_hint = false} : vector<64x1136xf32>, vector<1136x128xf32>, vector<64x128xf32> -> vector<64x128xf32>
    %slice3A_52 = vector.extract_strided_slice %dot_general3A_51 {offsets = [0, 64], sizes = [64, 16], strides = [1, 1]} : vector<64x128xf32> to vector<64x16xf32>
    %add3A_53 = arith.addf %add3A_44, %slice3A_52 : vector<64x16xf32>
    %get3A_54 = arith.constant 0 : index
    %get3A_55 = arith.constant 5 : index
    %get3A_56 = arith.constant 0 : index
    %get3A_57 = vector.load %arg1[%get3A_54, %get3A_55, %get3A_56] : memref<64x8x1136xf32, #tpu.memory_space<vmem>>, vector<64x1x1136xf32>
    %get3A_58 = vector.shape_cast %get3A_57 : vector<64x1x1136xf32> to vector<64x1136xf32>
    %dot_general3A_59 = arith.constant dense<0.000000e+00> : vector<64x128xf32>
    %dot_general3A_60 = tpu.matmul %get3A_58, %add3A, %dot_general3A_59 {dimension_numbers = #tpu.dot_dimension_numbers<[1], [0], [0], [1], [0, 0, 1, 1], [], []>, transpose_lhs_hint = false} : vector<64x1136xf32>, vector<1136x128xf32>, vector<64x128xf32> -> vector<64x128xf32>
    %slice3A_61 = vector.extract_strided_slice %dot_general3A_60 {offsets = [0, 80], sizes = [64, 16], strides = [1, 1]} : vector<64x128xf32> to vector<64x16xf32>
    %add3A_62 = arith.addf %add3A_53, %slice3A_61 : vector<64x16xf32>
    %get3A_63 = arith.constant 0 : index
    %get3A_64 = arith.constant 6 : index
    %get3A_65 = arith.constant 0 : index
    %get3A_66 = vector.load %arg1[%get3A_63, %get3A_64, %get3A_65] : memref<64x8x1136xf32, #tpu.memory_space<vmem>>, vector<64x1x1136xf32>
    %get3A_67 = vector.shape_cast %get3A_66 : vector<64x1x1136xf32> to vector<64x1136xf32>
    %dot_general3A_68 = arith.constant dense<0.000000e+00> : vector<64x128xf32>
    %dot_general3A_69 = tpu.matmul %get3A_67, %add3A, %dot_general3A_68 {dimension_numbers = #tpu.dot_dimension_numbers<[1], [0], [0], [1], [0, 0, 1, 1], [], []>, transpose_lhs_hint = false} : vector<64x1136xf32>, vector<1136x128xf32>, vector<64x128xf32> -> vector<64x128xf32>
    %slice3A_70 = vector.extract_strided_slice %dot_general3A_69 {offsets = [0, 96], sizes = [64, 16], strides = [1, 1]} : vector<64x128xf32> to vector<64x16xf32>
    %add3A_71 = arith.addf %add3A_62, %slice3A_70 : vector<64x16xf32>
    %get3A_72 = arith.constant 0 : index
    %get3A_73 = arith.constant 7 : index
    %get3A_74 = arith.constant 0 : index
    %get3A_75 = vector.load %arg1[%get3A_72, %get3A_73, %get3A_74] : memref<64x8x1136xf32, #tpu.memory_space<vmem>>, vector<64x1x1136xf32>
    %get3A_76 = vector.shape_cast %get3A_75 : vector<64x1x1136xf32> to vector<64x1136xf32>
    %dot_general3A_77 = arith.constant dense<0.000000e+00> : vector<64x128xf32>
    %dot_general3A_78 = tpu.matmul %get3A_76, %add3A, %dot_general3A_77 {dimension_numbers = #tpu.dot_dimension_numbers<[1], [0], [0], [1], [0, 0, 1, 1], [], []>, transpose_lhs_hint = false} : vector<64x1136xf32>, vector<1136x128xf32>, vector<64x128xf32> -> vector<64x128xf32>
    %slice3A_79 = vector.extract_strided_slice %dot_general3A_78 {offsets = [0, 112], sizes = [64, 16], strides = [1, 1]} : vector<64x128xf32> to vector<64x16xf32>
    %add3A_80 = arith.addf %add3A_71, %slice3A_79 : vector<64x16xf32>
    %slice3A_81 = vector.extract_strided_slice %get3A_1 {offsets = [0, 0], sizes = [64, 1], strides = [1, 1]} : vector<64x94xf32> to vector<64x1xf32>
    %add3A_82 = vector.broadcast %slice3A_81 : vector<64x1xf32> to vector<64x16xf32>
    %add3A_83 = arith.addf %add3A_80, %add3A_82 : vector<64x16xf32>
    %slice3A_84 = vector.extract_strided_slice %get3A_1 {offsets = [0, 1], sizes = [64, 1], strides = [1, 1]} : vector<64x94xf32> to vector<64x1xf32>
    %mul3A = arith.constant 0.999994993 : f32
    %mul3A_85 = vector.broadcast %mul3A : f32 to vector<64x1xf32>
    %mul3A_86 = arith.mulf %slice3A_84, %mul3A_85 : vector<64x1xf32>
    %mul3A_87 = vector.broadcast %mul3A_86 : vector<64x1xf32> to vector<64x16xf32>
    %mul3A_88 = arith.mulf %add3A_83, %mul3A_87 : vector<64x16xf32>
    %slice3A_89 = vector.extract_strided_slice %get3A_1 {offsets = [0, 2], sizes = [64, 1], strides = [1, 1]} : vector<64x94xf32> to vector<64x1xf32>
    %add3A_90 = vector.broadcast %slice3A_89 : vector<64x1xf32> to vector<64x16xf32>
    %add3A_91 = arith.addf %mul3A_88, %add3A_90 : vector<64x16xf32>
    %max3A = arith.constant 0.000000e+00 : f32
    %max3A_92 = vector.broadcast %max3A : f32 to vector<64x16xf32>
    %max3A_93 = arith.maximumf %add3A_91, %max3A_92 : vector<64x16xf32>
    %slice3A_94 = vector.extract_strided_slice %get3A_1 {offsets = [0, 3], sizes = [16, 64], strides = [1, 1]} : vector<64x94xf32> to vector<16x64xf32>
    %dot_general3A_95 = arith.constant dense<0.000000e+00> : vector<16x16xf32>
    %dot_general3A_96 = tpu.matmul %slice3A_94, %max3A_93, %dot_general3A_95 {dimension_numbers = #tpu.dot_dimension_numbers<[1], [0], [0], [1], [0, 0, 1, 1], [], []>, transpose_lhs_hint = false} : vector<16x64xf32>, vector<64x16xf32>, vector<16x16xf32> -> vector<16x16xf32>
    %slice3A_97 = vector.extract_strided_slice %get3A_1 {offsets = [0, 67], sizes = [16, 1], strides = [1, 1]} : vector<64x94xf32> to vector<16x1xf32>
    %add3A_98 = vector.broadcast %slice3A_97 : vector<16x1xf32> to vector<16x16xf32>
    %add3A_99 = arith.addf %dot_general3A_96, %add3A_98 : vector<16x16xf32>
    %slice3A_100 = vector.extract_strided_slice %get3A_1 {offsets = [0, 68], sizes = [16, 1], strides = [1, 1]} : vector<64x94xf32> to vector<16x1xf32>
    %mul3A_101 = arith.constant 0.999994993 : f32
    %mul3A_102 = vector.broadcast %mul3A_101 : f32 to vector<16x1xf32>
    %mul3A_103 = arith.mulf %slice3A_100, %mul3A_102 : vector<16x1xf32>
    %mul3A_104 = vector.broadcast %mul3A_103 : vector<16x1xf32> to vector<16x16xf32>
    %mul3A_105 = arith.mulf %add3A_99, %mul3A_104 : vector<16x16xf32>
    %slice3A_106 = vector.extract_strided_slice %get3A_1 {offsets = [0, 69], sizes = [16, 1], strides = [1, 1]} : vector<64x94xf32> to vector<16x1xf32>
    %add3A_107 = vector.broadcast %slice3A_106 : vector<16x1xf32> to vector<16x16xf32>
    %add3A_108 = arith.addf %mul3A_105, %add3A_107 : vector<16x16xf32>
    %max3A_109 = arith.constant 0.000000e+00 : f32
    %max3A_110 = vector.broadcast %max3A_109 : f32 to vector<16x16xf32>
    %max3A_111 = arith.maximumf %add3A_108, %max3A_110 : vector<16x16xf32>
    %slice3A_112 = vector.extract_strided_slice %get3A_1 {offsets = [0, 70], sizes = [8, 16], strides = [1, 1]} : vector<64x94xf32> to vector<8x16xf32>
    %dot_general3A_113 = arith.constant dense<0.000000e+00> : vector<8x16xf32>
    %dot_general3A_114 = tpu.matmul %slice3A_112, %max3A_111, %dot_general3A_113 {dimension_numbers = #tpu.dot_dimension_numbers<[1], [0], [0], [1], [0, 0, 1, 1], [], []>, transpose_lhs_hint = false} : vector<8x16xf32>, vector<16x16xf32>, vector<8x16xf32> -> vector<8x16xf32>
    %slice3A_115 = vector.extract_strided_slice %get3A_1 {offsets = [0, 86], sizes = [8, 1], strides = [1, 1]} : vector<64x94xf32> to vector<8x1xf32>
    %add3A_116 = vector.broadcast %slice3A_115 : vector<8x1xf32> to vector<8x16xf32>
    %add3A_117 = arith.addf %dot_general3A_114, %add3A_116 : vector<8x16xf32>
    %slice3A_118 = vector.extract_strided_slice %get3A_1 {offsets = [0, 87], sizes = [8, 1], strides = [1, 1]} : vector<64x94xf32> to vector<8x1xf32>
    %mul3A_119 = arith.constant 0.999994993 : f32
    %mul3A_120 = vector.broadcast %mul3A_119 : f32 to vector<8x1xf32>
    %mul3A_121 = arith.mulf %slice3A_118, %mul3A_120 : vector<8x1xf32>
    %mul3A_122 = vector.broadcast %mul3A_121 : vector<8x1xf32> to vector<8x16xf32>
    %mul3A_123 = arith.mulf %add3A_117, %mul3A_122 : vector<8x16xf32>
    %slice3A_124 = vector.extract_strided_slice %get3A_1 {offsets = [0, 88], sizes = [8, 1], strides = [1, 1]} : vector<64x94xf32> to vector<8x1xf32>
    %add3A_125 = vector.broadcast %slice3A_124 : vector<8x1xf32> to vector<8x16xf32>
    %add3A_126 = arith.addf %mul3A_123, %add3A_125 : vector<8x16xf32>
    %max3A_127 = arith.constant 0.000000e+00 : f32
    %max3A_128 = vector.broadcast %max3A_127 : f32 to vector<8x16xf32>
    %max3A_129 = arith.maximumf %add3A_126, %max3A_128 : vector<8x16xf32>
    %slice3A_130 = vector.extract_strided_slice %get3A_1 {offsets = [0, 89], sizes = [8, 4], strides = [1, 1]} : vector<64x94xf32> to vector<8x4xf32>
    %slice3A_131 = vector.extract_strided_slice %max3A_129 {offsets = [0, 0], sizes = [4, 16], strides = [1, 1]} : vector<8x16xf32> to vector<4x16xf32>
    %dot_general3A_132 = arith.constant dense<0.000000e+00> : vector<8x16xf32>
    %dot_general3A_133 = tpu.matmul %slice3A_130, %slice3A_131, %dot_general3A_132 {dimension_numbers = #tpu.dot_dimension_numbers<[1], [0], [0], [1], [0, 0, 1, 1], [], []>, transpose_lhs_hint = false} : vector<8x4xf32>, vector<4x16xf32>, vector<8x16xf32> -> vector<8x16xf32>
    %slice3A_134 = vector.extract_strided_slice %get3A_1 {offsets = [0, 93], sizes = [8, 1], strides = [1, 1]} : vector<64x94xf32> to vector<8x1xf32>
    %add3A_135 = vector.broadcast %slice3A_134 : vector<8x1xf32> to vector<8x16xf32>
    %add3A_136 = arith.addf %dot_general3A_133, %add3A_135 : vector<8x16xf32>
    %swap3A = arith.constant 0 : index
    %swap3A_137 = arith.constant 0 : index
    %swap3A_138 = vector.load %arg3[%swap3A, %swap3A_137] : memref<8x16xf32, #tpu.memory_space<vmem>>, vector<8x16xf32>
    tpu.vector_store %arg3[%swap3A, %swap3A_137], %add3A_136 {strides = array<i32>} : memref<8x16xf32, #tpu.memory_space<vmem>>, vector<8x16xf32>,
    return
  }
}

</mosaic_0001>

<sc_bundles>
// kernel: kernel.6.cloned.1.call-start
scs
__scs_entry_jumppad:
0x0: {  	(pc) =	sbr.rel $0x88, $3  }
0x1: {  	(tag) =	ssettag $0x0;
	lr =	simm.s32 $0x1  }
0x2: {  	[smem:$0x3F8F] =	sst lr;
	_ =	strace $0xD0000000  }
0x3: {  	_ = 	snop  }
0x4: {  	_ = 	snop  }
0x5: {  	_ = 	snop  }
0x6: {  	_ = 	snop  }
0x7: {  	_ = 	snop  }
__scs_overlays_trampoline_lowered:
0x8: {  	[smem:$0x3F9E] =	sst s0  }
0x9: {  	[smem:$0x3F9F] =	sst s1  }
0xa: {  	[smem:$0x3FA0] =	sst s2  }
0xb: {  	[smem:$0x3FA1] =	sst s3  }
0xc: {  	[smem:$0x3FA2] =	sst s4  }
0xd: {  	[smem:$0x3FA3] =	sst s5  }
0xe: {  	[smem:$0x3FA4] =	sst s6  }
0xf: {  	[smem:$0x3FA5] =	sst s7  }
0x10: {  	[smem:$0x3FA6] =	sst s8  }
0x11: {  	[smem:$0x3FA7] =	sst s9;
	s0 =	simm.s32 @!p0 $0x0  }
0x12: {  	s1 =	sld [smem:$0x3F8D];
	s0 =	simm.s32 @p0 $0x1  }
0x13: {  	[smem:$0x3FA8] =	sst s0;
	s0 =	simm.s32 @!p1 $0x0  }
0x14: {  	s2 =	sld [smem:$0x3F8C];
	s0 =	simm.s32 @p1 $0x1  }
0x15: {  	[smem:$0x3FA9] =	sst s0;
	s0 =	simm.s32 @!p2 $0x0  }
0x16: {  	s3 =	sld [smem:$0x3FDB];
	s0 =	simm.s32 @p2 $0x1  }
0x17: {  	s4 =	simm.s32 $0x1BF5;
	[smem:$0x3FAB] =	sst s0  }
0x18: {  	s0 =	sld [smem:$0x3F8E];
	_ =	swait.ge [sflag:s4], $0x0  }
0x19: {  	s7 =	sld [smem:$0x3F8F]  }
0x1a: {  	s8 =	sadd.s32 $0xFFFFE003, lr  }
0x1b: {  	s9 =	sadd.s32 $0xFFFFFEF7, lr;
	s5 =	simm.s32 $0xFFFFFFFF;
	p2 =	slt.u32 s8, $0xFFFFF086  }
0x1c: {  	p1 =	slt.u32 s9, $0xF7A;
	s5 =	simm.s32 @!p2 $0x0  }
0x1d: {  	s5 =	simm.s32 @p1 $0x1;
	p0 =	seq.s32 s7, s2  }
0x1e: {  	s7 =	smul.u32 @!p0 $0xF7A, s2;
	p2 =	seq.s32 @!p0 s5, $0x0  }
0x1f: {  	s9 =	smul.u32 $0xF7A, s1;
	s8 =	simm.s32 @!p0 $0x1BF5;
	p2 =	por !p2, p0  }
0x20: {  	[sflag:s8] =	ssyncset.s32 @!p0 $0xFFFFF086;
	s6 =	sadd.s32 @!p0 s3, s7;
	s7 =	simm.s32 @!p0 $0x108  }
0x21: {  	s3 =	sadd.s32 s3, s9;
	s6 =	sadd.s32 @!p0 $0x88, s6;
	s7 =	simm.s32 @p2 $0x1082  }
0x22: {  	[simem:s7], [sflag:s8] =	dma.local @!p0 [hbm:s6], $0xF7A  }
0x23: {  	s9 =	sor.u32 $0xD0000000, s2;
	s6 =	simm.s32 $0x108;
	_ =	swait.ge @!p0 [sflag:s8], $0x0  }
0x24: {  	s3 =	sadd.s32 $0x88, s3;
	s6 =	simm.s32 @!p1 $0x1082;
	[sflag:s4] =	ssyncset.s32 $0xFFFFF086  }
0x25: {  	[simem:s6], [sflag:s4] =	dma.local [hbm:s3], $0xF7A  }
0x26: {  	[smem:$0x3F8F] =	sst s1;
	(tag) =	ssettag s2;
	_ =	strace s9  }
0x27: {  	s1 =	sld [smem:$0x3F9F]  }
0x28: {  	s2 =	sld [smem:$0x3FA0]  }
0x29: {  	s4 =	sld [smem:$0x3FA2]  }
0x2a: {  	p0 =	seq.s32 s5, $0x0;
	s5 =	sld [smem:$0x3FA3]  }
0x2b: {  	s6 =	sld [smem:$0x3FA4]  }
0x2c: {  	s7 =	sld [smem:$0x3FA5]  }
0x2d: {  	s3 =	simm.s32 $0x108;
	s8 =	sld [smem:$0x3FA6]  }
0x2e: {  	s3 =	simm.s32 @!p0 $0x1082;
	s9 =	sld [smem:$0x3FA7]  }
0x2f: {  	lr =	sadd.s32 s0, s3;
	s0 =	sld [smem:$0x3F9E]  }
0x30: {  	s3 =	sld [smem:$0x3FA1]  }
0x31: {  	[smem:$0x3FAA] =	sst s10  }
0x32: {  	s10 =	sld [smem:$0x3FA8];
	_ =	sdelay $0x3  }
0x33: {  	p0 =	seq.s32 s10, $0x1;
	s10 =	sld [smem:$0x3FAA];
	_ =	sdelay $0x3  }
0x34: {  	[smem:$0x3FAA] =	sst s10  }
0x35: {  	s10 =	sld [smem:$0x3FA9];
	_ =	sdelay $0x3  }
0x36: {  	p1 =	seq.s32 s10, $0x1;
	s10 =	sld [smem:$0x3FAA];
	_ =	sdelay $0x3  }
0x37: {  	[smem:$0x3FAA] =	sst s10  }
0x38: {  	s10 =	sld [smem:$0x3FAB]  }
0x39: {  	_ = 	snop;
	(pc) =	sbr.ind lr, $3  }
0x3a: {  	_ = 	snop  }
0x3b: {  	_ = 	snop  }
0x3c: {  	p2 =	seq.s32 s10, $0x1;
	s10 =	sld [smem:$0x3FAA]  }
0x3d: {  	_ =	shalt  }
0x3e: {  	_ =	shalt  }
0x3f: {  	_ =	shalt  }
0x40: {  	_ =	shalt  }
0x41: {  	_ =	shalt  }
0x42: {  	_ =	shalt  }
0x43: {  	_ =	shalt  }
0x44: {  	_ =	shalt  }
0x45: {  	_ =	shalt  }
0x46: {  	_ =	shalt  }
0x47: {  	_ =	shalt  }
0x48: {  	_ =	shalt  }
0x49: {  	_ =	shalt  }
0x4a: {  	_ =	shalt  }
0x4b: {  	_ =	shalt  }
0x4c: {  	_ =	shalt  }
0x4d: {  	_ =	shalt  }
0x4e: {  	_ =	shalt  }
0x4f: {  	_ =	shalt  }
0x50: {  	_ =	shalt  }
0x51: {  	_ =	shalt  }
0x52: {  	_ =	shalt  }
0x53: {  	_ =	shalt  }
0x54: {  	_ =	shalt  }
0x55: {  	_ =	shalt  }
0x56: {  	_ =	shalt  }
0x57: {  	_ =	shalt  }
0x58: {  	_ =	shalt  }
0x59: {  	_ =	shalt  }
0x5a: {  	_ =	shalt  }
0x5b: {  	_ =	shalt  }
0x5c: {  	_ =	shalt  }
0x5d: {  	_ =	shalt  }
0x5e: {  	_ =	shalt  }
0x5f: {  	_ =	shalt  }
0x60: {  	_ =	shalt  }
0x61: {  	_ =	shalt  }
0x62: {  	_ =	shalt  }
0x63: {  	_ =	shalt  }
0x64: {  	_ =	shalt  }
0x65: {  	_ =	shalt  }
0x66: {  	_ =	shalt  }
0x67: {  	_ =	shalt  }
0x68: {  	_ =	shalt  }
0x69: {  	_ =	shalt  }
0x6a: {  	_ =	shalt  }
0x6b: {  	_ =	shalt  }
0x6c: {  	_ =	shalt  }
0x6d: {  	_ =	shalt  }
0x6e: {  	_ =	shalt  }
0x6f: {  	_ =	shalt  }
0x70: {  	_ =	shalt  }
0x71: {  	_ =	shalt  }
0x72: {  	_ =	shalt  }
0x73: {  	_ =	shalt  }
0x74: {  	_ =	shalt  }
0x75: {  	_ =	shalt  }
0x76: {  	_ =	shalt  }
0x77: {  	_ =	shalt  }
0x78: {  	_ =	shalt  }
0x79: {  	_ =	shalt  }
0x7a: {  	_ =	shalt  }
0x7b: {  	_ =	shalt  }
0x7c: {  	_ =	shalt  }
0x7d: {  	_ =	shalt  }
0x7e: {  	_ =	shalt  }
0x7f: {  	_ =	shalt  }
0x80: {  	_ =	shalt  }
0x81: {  	_ =	shalt  }
0x82: {  	_ =	shalt  }
0x83: {  	_ =	shalt  }
0x84: {  	_ =	shalt  }
0x85: {  	_ =	shalt  }
0x86: {  	_ =	shalt  }
0x87: {  	_ =	shalt  }
.Lfunc_end0:
.L_simem_size_0:
called_computation_lowered:
.L_overlay_start_0:
0x88: {  	s2 =	sld [smem:$0x3FD9]  }
0x89: {  	s3 =	sld [smem:$0x3FFE];
	_ =	sdelay $0x1  }
0x8a: {  	s1 =	srdreg.scid  }
0x8b: {  	s0 =	sand.u32 $0x1, s1  }
0x8c: {  	s16 =	sshll.u32 s0, $0xA;
	s2 =	sadd.s32 s3, s2  }
0x8d: {  	s2 =	sadd.s32 s2, s16  }
0x8e: {  	[smem:$0x3FB6] =	sst s2  }
0x8f: {  	_ = 	snop  }
0x90: {  	(tm) =	ssettm $0x1  }
0x91: {  	s17 =	sld [smem:$0x3FFB];
	_ =	sdelay $0x3  }
0x92: {  	_ =	strace s17  }
0x93: {  	s2 =	sld [smem:$0x3FFC];
	_ =	sdelay $0x3  }
0x94: {  	_ =	strace s2  }
0x95: {  	s2 =	sld [smem:$0x3FFD];
	_ =	sdelay $0x3  }
0x96: {  	_ =	strace s2  }
0x97: {  	_ =	strace $0x8FFFFFFF  }
0x98: {  	s18 =	sld [smem:$0x3FDB];
	_ =	sdelay $0x1  }
0x99: {  	s19 =	simm.s32 $_scs_section_size  }
0x9a: {  	s4 =	simm.s32 $_size__tile_overlayer_lowered;
	s5 =	simm.s32 $_tile_overlayer_lowered  }
0x9b: {  	s22 =	simm.s32 $0x1BFF;
	s21 =	sshll.u32 s5, $0x1;
	s2 =	sadd.s32 s19, s18  }
0x9c: {  	s6 =	simm.s32 $0x0;
	s20 =	sshll.u32 s4, $0x1;
	s4 =	sadd.s32 s21, s2  }
0x9d: {  	[timem:s6], [sflag:s22] =	dma.local [hbm:s4], s20  }
0x9e: {  	_ =	swait.ge [sflag:s22], s20  }
0x9f: {  	s3 =	ssub.s32 $0x0, s20;
	[sflag:s22] =	ssyncset.done $0x0  }
0xa0: {  	[sflag:s22] =	ssyncadd.s32 s3;
	_ =	sdelay $0x1  }
0xa1: {  	s23 =	simm.s32 $0x1B8B  }
0xa2: {  	_ =	swait.ge [sflag:s23], $0x1  }
0xa3: {  	[sflag:s23] =	ssyncset.done $0x0  }
0xa4: {  	s25 =	simm.s32 $0x1B8E;
	s24 =	sld [smem:$0x3FFE];
	[sflag:s23] =	ssyncadd.s32 $0xFFFFFFFF  }
0xa5: {  	s26 =	simm.s32 $execute0_lowered;
	[smem:$0x3FD2] =	sst s25  }
0xa6: {  	s4 =	sshll.u32 s26, $0x1;
	_ =	strace $0x80000046;
	[dreg:$0x1] =	wrdreg $0xFFFFFFFF  }
0xa7: {  	s28 =	simm.s32 $_size_execute0_lowered;
	s2 =	sadd.s32 s2, s4;
	[dreg:$0x0] =	wrdreg $0x0  }
0xa8: {  	s4 =	sshll.u32 s28, $0x1;
	[dreg:$0x2] =	wrdreg s2  }
0xa9: {  	[dreg:$0x3] =	wrdreg s4  }
0xaa: {  	[dreg:$0x4] =	wrdreg $0xC0  }
0xab: {  	_ =	task [dreg:s6], $0x5FFFF  }
0xac: {  	[dreg:$0x1] =	wrdreg $0xFFFFFFFF  }
0xad: {  	[dreg:$0x0] =	wrdreg $0x60  }
0xae: {  	[dreg:$0x2] =	wrdreg s24  }
0xaf: {  	[dreg:$0x3] =	wrdreg $0x9  }
0xb0: {  	_ =	task.clear_ibuf [dreg:s6], $0x4FFFF;
	_ =	strace $0x90000046  }
0xb1: {  	s29 =	simm.s32 $0x9;
	_ =	strace $0x80000048  }
0xb2: {  	_ =	swait.ge [sflag:s29], $0x1  }
0xb3: {  	[sflag:s29] =	ssyncadd.s32 $0xFFFFFFFF  }
0xb4: {  	_ =	strace $0x90000048  }
0xb5: {  	_ =	sfence  }
0xb6: {  	s30 =	sld [smem:$0x0];
	_ =	sdelay $0x2  }
0xb7: {  	s31 =	sshll.u32 s1, $0xD;
	s1 =	sshrl.u32 s1, $0x2  }
0xb8: {  	s3 =	sand.u32 $0x4000, s31;
	s1 =	sadd.s32 s1, s30  }
0xb9: {  	s0 =	sor.u32 s3, s0;
	s1 =	sshll.u32 s1, $0x11  }
0xba: {  	s0 =	sor.u32 s1, s0  }
0xbb: {  	s0 =	sadd.s32 $0x8F2B, s0  }
0xbc: {  	[sflag:s0] =	ssyncadd.remote.s32 $0x1  }
0xbd: {  	_ =	sfence.sel $0xFFFF  }
0xbe: {  	[dreg:$0x0] =	wrdreg $0xFFFFFFFF;
	(pc) =	sbr.abs _section_cstart, $3  }
0xbf: {  	[dreg:$0x1] =	wrdreg $0xFFFFFFFF  }
0xc0: {  	_ =	task.clear_ibuf [dreg:s6], $0x2FFFF;
	_ =	strace $0x9FFFFFFF  }
0xc1: {  	(tm) =	ssettm $0x7FFFFFFF  }
tec
execute0_lowered:
.L_overlay_start_1:
0x0: {  	(tag) =	ssettag $0x1  }
0x1: {  	s3 =	rddreg [dreg:$0x0]  }
0x2: {  	s1 =	srdreg.scid;
	s0 =	rddreg [dreg:$0x1]  }
0x3: {  	s2 =	simm.s32 $0x0;
	s18 =	simm.s32 $0x1;
	s19 =	simm.s32 $0x3100  }
0x4: {  	s20 =	simm.s32 $0x6510;
	s21 =	simm.s32 $0x6820;
	s22 =	simm.s32 $0x6200  }
0x5: {  	s23 =	simm.s32 $0x9920;
	s24 =	simm.s32 $0x2;
	s25 =	simm.s32 $0x0  }
0x6: {  	s4 =	sand.u32 $0x1, s1;
	s1 =	stileid.u32;
	[smem:$0x7FF] =	sst s2  }
0x7: {  	s11 =	sadd.s32 $0x2C00, s3;
	s5 =	sshll.u32 s4, $0x4;
	s4 =	ssub.s32 $0x2, s4  }
0x8: {  	s12 =	sadd.s32 $0x33C00, s3;
	s5 =	sor.u32 s1, s5;
	s6 =	sshrl.u32 s4, $0x1  }
0x9: {  	s14 =	sadd.s32 $0x36E00, s3;
	s9 =	smul.u32 $0xC40, s5;
	s15 =	ssub.s32 s4, s6  }
0xa: {  	_ =	strace $0x80000047;
	s7 =	smul.u32 $0x1880, s5;
	s15 =	smax.u32 s15, $0x1  }
0xb: {  	s28 =	sshrl.u32 s9, $0x3;
	s10 =	sadd.s32 $0x310, s9;
	s13 =	sadd.s32 $0x620, s9  }
0xc: {  	s7 =	sadd.s32 s14, s7;
	s17 =	sadd.s32 $0x930, s9;
	s3 =	sadd.s32 s11, s28  }
0xd: {  	s4 =	sadd.s32 s12, s28;
	s29 =	sshrl.u32 s10, $0x3;
	s16 =	sshrl.u32 s13, $0x3  }
0xe: {  	s10 =	sshll.u32 s10, $0x1;
	s30 =	sshrl.u32 s17, $0x3;
	s13 =	sshll.u32 s13, $0x1  }
0xf: {  	s31 =	sshll.u32 s17, $0x1;
	s17 =	simm.s32 $0x18800;
	s5 =	sadd.s32 s11, s29  }
0x10: {  	s6 =	sadd.s32 s12, s29;
	s8 =	sadd.s32 s11, s16;
	s9 =	sadd.s32 s12, s16  }
0x11: {  	v0 =	vlaneseq.u32;
	s10 =	sadd.s32 s14, s10;
	s11 =	sadd.s32 s11, s30;
	s12 =	sadd.s32 s12, s30  }
0x12: {  	v0 =	vmul.u32 $0x10, v0;
	s13 =	sadd.s32 s14, s13;
	s14 =	sadd.s32 s14, s31;
	s16 =	simm.s32 $0x310  }
.LBB2_1:
0x13: {  	[tilespmem:s2], [sflag:$0x1] =	stream.strided.gather [hbm4b:s3+s16], $0x3100, s17, s16, $0x38;
	[tilespmem:$0xCA20] =	vst v63  }
0x14: {  	_ = 	snop  }
0x15: {  	[tilespmem:s22], [sflag:$0x1] =	stream.linear.gather [hbm4b:s4+s2], $0x310, $0x38;
	[tilespmem:$0xCA20] =	vst v63  }
0x16: {  	_ =	swait.ge [sflag:s18], $0x3100  }
0x17: {  	[sflag:s18] =	ssyncset.done $0x0  }
0x18: {  	[sflag:s18] =	ssyncadd.s32 $0xFFFFCF00  }
0x19: {  	_ =	swait.ge [sflag:s18], $0x310  }
0x1a: {  	[sflag:s18] =	ssyncset.done $0x0  }
0x1b: {  	[sflag:s18] =	ssyncadd.s32 $0xFFFFFCF0  }
0x1c: {  	[tilespmem:s19], [sflag:$0x1] =	stream.strided.gather [hbm4b:s5+s16], $0x3100, s17, s16, $0x38;
	[tilespmem:$0xCA20] =	vst v63  }
0x1d: {  	_ = 	snop  }
0x1e: {  	[tilespmem:s20], [sflag:$0x1] =	stream.linear.gather [hbm4b:s6+s2], $0x310, $0x38;
	[tilespmem:$0xCA20] =	vst v63  }
0x1f: {  	s26 =	simm.s32 $0x1880;
	v1 =	vld [tilespmem:s22+$0x0]  }
0x20: {  	v2 =	vmov s2;
	v3 =	vld [tilespmem:s26+$0xFFFFE780]  }
0x21: {  	v2 =	vshll.u32 v2, $0x4  }
0x22: {  	v2 =	vor.u32 v0, v2;
	_ =	sdelay $0x2  }
0x23: {  	v3 =	vmul.f32 v3, v1;
	_ =	sdelay $0x1  }
0x24: {  	[tilespmem:v2+s21+$0x0] =	vst.idx.msk $0xffff, v3  }
0x25: {  	v3 =	vld [tilespmem:s26+$0xFFFFEA90];
	_ =	sdelay $0x1  }
0x26: {  	v4 =	vor.u32 $0x1, v2;
	_ =	sdelay $0x2  }
0x27: {  	v3 =	vmul.f32 v3, v1;
	_ =	sdelay $0x1  }
0x28: {  	[tilespmem:v4+s21+$0x0] =	vst.idx.msk $0xffff, v3  }
0x29: {  	v3 =	vld [tilespmem:s26+$0xFFFFEDA0];
	_ =	sdelay $0x1  }
0x2a: {  	v51 =	vor.u32 $0x2, v2;
	_ =	sdelay $0x2  }
0x2b: {  	v3 =	vmul.f32 v3, v1;
	_ =	sdelay $0x1  }
0x2c: {  	[tilespmem:v51+s21+$0x0] =	vst.idx.msk $0xffff, v3  }
0x2d: {  	v3 =	vld [tilespmem:s26+$0xFFFFF0B0];
	_ =	sdelay $0x1  }
0x2e: {  	v52 =	vor.u32 $0x3, v2;
	_ =	sdelay $0x2  }
0x2f: {  	v3 =	vmul.f32 v3, v1;
	_ =	sdelay $0x1  }
0x30: {  	[tilespmem:v52+s21+$0x0] =	vst.idx.msk $0xffff, v3  }
0x31: {  	v3 =	vld [tilespmem:s26+$0xFFFFF3C0];
	_ =	sdelay $0x1  }
0x32: {  	v53 =	vor.u32 $0x4, v2;
	_ =	sdelay $0x2  }
0x33: {  	v3 =	vmul.f32 v3, v1;
	_ =	sdelay $0x1  }
0x34: {  	[tilespmem:v53+s21+$0x0] =	vst.idx.msk $0xffff, v3  }
0x35: {  	v3 =	vld [tilespmem:s26+$0xFFFFF6D0];
	_ =	sdelay $0x1  }
0x36: {  	v54 =	vor.u32 $0x5, v2;
	_ =	sdelay $0x2  }
0x37: {  	v3 =	vmul.f32 v3, v1;
	_ =	sdelay $0x1  }
0x38: {  	[tilespmem:v54+s21+$0x0] =	vst.idx.msk $0xffff, v3  }
0x39: {  	v3 =	vld [tilespmem:s26+$0xFFFFF9E0];
	_ =	sdelay $0x1  }
0x3a: {  	v55 =	vor.u32 $0x6, v2;
	_ =	sdelay $0x2  }
0x3b: {  	v3 =	vmul.f32 v3, v1;
	_ =	sdelay $0x1  }
0x3c: {  	[tilespmem:v55+s21+$0x0] =	vst.idx.msk $0xffff, v3  }
0x3d: {  	v3 =	vld [tilespmem:s26+$0xFFFFFCF0];
	_ =	sdelay $0x1  }
0x3e: {  	v56 =	vor.u32 $0x7, v2;
	_ =	sdelay $0x2  }
0x3f: {  	v3 =	vmul.f32 v3, v1;
	_ =	sdelay $0x1  }
0x40: {  	[tilespmem:v56+s21+$0x0] =	vst.idx.msk $0xffff, v3  }
0x41: {  	v3 =	vld [tilespmem:s26+$0x0];
	_ =	sdelay $0x1  }
0x42: {  	v57 =	vor.u32 $0x8, v2;
	_ =	sdelay $0x2  }
0x43: {  	v3 =	vmul.f32 v3, v1;
	_ =	sdelay $0x1  }
0x44: {  	[tilespmem:v57+s21+$0x0] =	vst.idx.msk $0xffff, v3  }
0x45: {  	v3 =	vld [tilespmem:s26+$0x310];
	_ =	sdelay $0x1  }
0x46: {  	v58 =	vor.u32 $0x9, v2;
	_ =	sdelay $0x2  }
0x47: {  	v3 =	vmul.f32 v3, v1;
	_ =	sdelay $0x1  }
0x48: {  	[tilespmem:v58+s21+$0x0] =	vst.idx.msk $0xffff, v3  }
0x49: {  	v3 =	vld [tilespmem:s26+$0x620];
	_ =	sdelay $0x1  }
0x4a: {  	v59 =	vor.u32 $0xA, v2;
	_ =	sdelay $0x2  }
0x4b: {  	v3 =	vmul.f32 v3, v1;
	_ =	sdelay $0x1  }
0x4c: {  	[tilespmem:v59+s21+$0x0] =	vst.idx.msk $0xffff, v3  }
0x4d: {  	v3 =	vld [tilespmem:s26+$0x930];
	_ =	sdelay $0x1  }
0x4e: {  	v60 =	vor.u32 $0xB, v2;
	_ =	sdelay $0x2  }
0x4f: {  	v3 =	vmul.f32 v3, v1;
	_ =	sdelay $0x1  }
0x50: {  	[tilespmem:v60+s21+$0x0] =	vst.idx.msk $0xffff, v3  }
0x51: {  	v3 =	vld [tilespmem:s26+$0xC40];
	_ =	sdelay $0x1  }
0x52: {  	v61 =	vor.u32 $0xC, v2;
	_ =	sdelay $0x2  }
0x53: {  	v3 =	vmul.f32 v3, v1;
	_ =	sdelay $0x1  }
0x54: {  	[tilespmem:v61+s21+$0x0] =	vst.idx.msk $0xffff, v3  }
0x55: {  	v3 =	vld [tilespmem:s26+$0xF50];
	_ =	sdelay $0x1  }
0x56: {  	v62 =	vor.u32 $0xD, v2;
	_ =	sdelay $0x2  }
0x57: {  	v3 =	vmul.f32 v3, v1;
	_ =	sdelay $0x1  }
0x58: {  	[tilespmem:v62+s21+$0x0] =	vst.idx.msk $0xffff, v3  }
0x59: {  	v3 =	vld [tilespmem:s26+$0x1260];
	_ =	sdelay $0x1  }
0x5a: {  	v63 =	vor.u32 $0xE, v2;
	_ =	sdelay $0x2  }
0x5b: {  	v3 =	vmul.f32 v3, v1;
	_ =	sdelay $0x1  }
0x5c: {  	[tilespmem:v63+s21+$0x0] =	vst.idx.msk $0xffff, v3  }
0x5d: {  	v3 =	vld [tilespmem:s26+$0x1570];
	_ =	sdelay $0x1  }
0x5e: {  	v2 =	vor.u32 $0xF, v2;
	_ =	sdelay $0x2  }
0x5f: {  	s28 =	simm.s32 $0x10;
	s29 =	simm.s32 $0x6200;
	v1 =	vmul.f32 v3, v1  }
.LBB2_2:
0x60: {  	_ = 	snop  }
0x61: {  	p0 =	sne.s32 s28, $0x300;
	s29 =	sadd.s32 $0x10, s29;
	s26 =	sadd.s32 $0x10, s26;
	[tilespmem:v2+s21+$0x0] =	vst.idx.msk $0xffff, v1  }
0x62: {  	s30 =	smov.u32 s28;
	s28 =	sadd.s32 $0x10, s28;
	v1 =	vld [tilespmem:s29+$0x0]  }
0x63: {  	v2 =	vmov s30;
	v3 =	vld [tilespmem:s26+$0xFFFFE780]  }
0x64: {  	v2 =	vshll.u32 v2, $0x4  }
0x65: {  	v2 =	vor.u32 v0, v2;
	_ =	sdelay $0x2  }
0x66: {  	v3 =	vmul.f32 v3, v1;
	_ =	sdelay $0x1  }
0x67: {  	[tilespmem:v2+s21+$0x0] =	vst.idx.msk $0xffff, v3  }
0x68: {  	v3 =	vld [tilespmem:s26+$0xFFFFEA90];
	_ =	sdelay $0x1  }
0x69: {  	v4 =	vor.u32 $0x1, v2;
	_ =	sdelay $0x2  }
0x6a: {  	v3 =	vmul.f32 v3, v1;
	_ =	sdelay $0x1  }
0x6b: {  	[tilespmem:v4+s21+$0x0] =	vst.idx.msk $0xffff, v3  }
0x6c: {  	v3 =	vld [tilespmem:s26+$0xFFFFEDA0];
	_ =	sdelay $0x1  }
0x6d: {  	v4 =	vor.u32 $0x2, v2;
	_ =	sdelay $0x2  }
0x6e: {  	v3 =	vmul.f32 v3, v1;
	_ =	sdelay $0x1  }
0x6f: {  	[tilespmem:v4+s21+$0x0] =	vst.idx.msk $0xffff, v3  }
0x70: {  	v3 =	vld [tilespmem:s26+$0xFFFFF0B0];
	_ =	sdelay $0x1  }
0x71: {  	v4 =	vor.u32 $0x3, v2;
	_ =	sdelay $0x2  }
0x72: {  	v3 =	vmul.f32 v3, v1;
	_ =	sdelay $0x1  }
0x73: {  	[tilespmem:v4+s21+$0x0] =	vst.idx.msk $0xffff, v3  }
0x74: {  	v3 =	vld [tilespmem:s26+$0xFFFFF3C0];
	_ =	sdelay $0x1  }
0x75: {  	v4 =	vor.u32 $0x4, v2;
	_ =	sdelay $0x2  }
0x76: {  	v3 =	vmul.f32 v3, v1;
	_ =	sdelay $0x1  }
0x77: {  	[tilespmem:v4+s21+$0x0] =	vst.idx.msk $0xffff, v3  }
0x78: {  	v3 =	vld [tilespmem:s26+$0xFFFFF6D0];
	_ =	sdelay $0x1  }
0x79: {  	v4 =	vor.u32 $0x5, v2;
	_ =	sdelay $0x2  }
0x7a: {  	v3 =	vmul.f32 v3, v1;
	_ =	sdelay $0x1  }
0x7b: {  	[tilespmem:v4+s21+$0x0] =	vst.idx.msk $0xffff, v3  }
0x7c: {  	v3 =	vld [tilespmem:s26+$0xFFFFF9E0];
	_ =	sdelay $0x1  }
0x7d: {  	v4 =	vor.u32 $0x6, v2;
	_ =	sdelay $0x2  }
0x7e: {  	v3 =	vmul.f32 v3, v1;
	_ =	sdelay $0x1  }
0x7f: {  	[tilespmem:v4+s21+$0x0] =	vst.idx.msk $0xffff, v3  }
0x80: {  	v3 =	vld [tilespmem:s26+$0xFFFFFCF0];
	_ =	sdelay $0x1  }
0x81: {  	v4 =	vor.u32 $0x7, v2;
	_ =	sdelay $0x2  }
0x82: {  	v3 =	vmul.f32 v3, v1;
	_ =	sdelay $0x1  }
0x83: {  	[tilespmem:v4+s21+$0x0] =	vst.idx.msk $0xffff, v3  }
0x84: {  	v3 =	vld [tilespmem:s26+$0x0];
	_ =	sdelay $0x1  }
0x85: {  	v4 =	vor.u32 $0x8, v2;
	_ =	sdelay $0x2  }
0x86: {  	v3 =	vmul.f32 v3, v1;
	_ =	sdelay $0x1  }
0x87: {  	[tilespmem:v4+s21+$0x0] =	vst.idx.msk $0xffff, v3  }
0x88: {  	v3 =	vld [tilespmem:s26+$0x310];
	_ =	sdelay $0x1  }
0x89: {  	v4 =	vor.u32 $0x9, v2;
	_ =	sdelay $0x2  }
0x8a: {  	v3 =	vmul.f32 v3, v1;
	_ =	sdelay $0x1  }
0x8b: {  	[tilespmem:v4+s21+$0x0] =	vst.idx.msk $0xffff, v3  }
0x8c: {  	v3 =	vld [tilespmem:s26+$0x620];
	_ =	sdelay $0x1  }
0x8d: {  	v4 =	vor.u32 $0xA, v2;
	_ =	sdelay $0x2  }
0x8e: {  	v3 =	vmul.f32 v3, v1;
	_ =	sdelay $0x1  }
0x8f: {  	[tilespmem:v4+s21+$0x0] =	vst.idx.msk $0xffff, v3  }
0x90: {  	v3 =	vld [tilespmem:s26+$0x930];
	_ =	sdelay $0x1  }
0x91: {  	v4 =	vor.u32 $0xB, v2;
	_ =	sdelay $0x2  }
0x92: {  	v3 =	vmul.f32 v3, v1;
	_ =	sdelay $0x1  }
0x93: {  	[tilespmem:v4+s21+$0x0] =	vst.idx.msk $0xffff, v3  }
0x94: {  	v3 =	vld [tilespmem:s26+$0xC40];
	_ =	sdelay $0x1  }
0x95: {  	v4 =	vor.u32 $0xC, v2;
	_ =	sdelay $0x2  }
0x96: {  	v3 =	vmul.f32 v3, v1;
	_ =	sdelay $0x1  }
0x97: {  	[tilespmem:v4+s21+$0x0] =	vst.idx.msk $0xffff, v3  }
0x98: {  	v3 =	vld [tilespmem:s26+$0xF50];
	_ =	sdelay $0x1  }
0x99: {  	v4 =	vor.u32 $0xD, v2;
	_ =	sdelay $0x2  }
0x9a: {  	v3 =	vmul.f32 v3, v1;
	_ =	sdelay $0x1  }
0x9b: {  	[tilespmem:v4+s21+$0x0] =	vst.idx.msk $0xffff, v3  }
0x9c: {  	v3 =	vld [tilespmem:s26+$0x1260];
	_ =	sdelay $0x1  }
0x9d: {  	v4 =	vor.u32 $0xE, v2;
	_ =	sdelay $0x2  }
0x9e: {  	v3 =	vmul.f32 v3, v1;
	_ =	sdelay $0x1  }
0x9f: {  	[tilespmem:v4+s21+$0x0] =	vst.idx.msk $0xffff, v3  }
0xa0: {  	v3 =	vld [tilespmem:s26+$0x1570]  }
.Ltmp0:
0xa1: {  	(pc) =	sbr.rel @p0 .LBB2_2-.Ltmp0, $2  }
0xa2: {  	v2 =	vor.u32 $0xF, v2;
	_ =	sdelay $0x2  }
0xa3: {  	v1 =	vmul.f32 v3, v1  }
0xa4: {  	_ =	sdelay $0x3  }
0xa5: {  	s26 =	simm.s32 $0x0;
	[tilespmem:v2+s21+$0x0] =	vst.idx.msk $0xffff, v1  }
0xa6: {  	[hbm4b:s7+s26] =	stream.linear.scatter [tilespmem:s21], [sflag:$0x2], $0x3100, $0x38;
	[tilespmem:$0xCA20] =	vst v63  }
0xa7: {  	_ =	swait.ge [sflag:s18], $0x3100  }
0xa8: {  	[sflag:s18] =	ssyncset.done $0x0  }
0xa9: {  	[sflag:s18] =	ssyncadd.s32 $0xFFFFCF00  }
0xaa: {  	_ =	swait.ge [sflag:s18], $0x310  }
0xab: {  	[sflag:s18] =	ssyncset.done $0x0  }
0xac: {  	[sflag:s18] =	ssyncadd.s32 $0xFFFFFCF0  }
0xad: {  	[tilespmem:s26], [sflag:$0x1] =	stream.strided.gather [hbm4b:s8+s16], $0x3100, s17, s16, $0x38;
	[tilespmem:$0xCA20] =	vst v63  }
0xae: {  	s28 =	simm.s32 $0x0  }
0xaf: {  	[tilespmem:s22], [sflag:$0x1] =	stream.linear.gather [hbm4b:s9+s26], $0x310, $0x38;
	[tilespmem:$0xCA20] =	vst v63  }
0xb0: {  	v1 =	vld [tilespmem:s28+$0x6510]  }
0xb1: {  	v2 =	vmov s26;
	v3 =	vld [tilespmem:s28+$0x3100]  }
0xb2: {  	v2 =	vshll.u32 v2, $0x4  }
0xb3: {  	v2 =	vor.u32 v0, v2;
	_ =	sdelay $0x2  }
0xb4: {  	v3 =	vmul.f32 v3, v1;
	_ =	sdelay $0x1  }
0xb5: {  	[tilespmem:v2+s23+$0x0] =	vst.idx.msk $0xffff, v3  }
0xb6: {  	v3 =	vld [tilespmem:s28+$0x3410];
	_ =	sdelay $0x1  }
0xb7: {  	v4 =	vor.u32 $0x1, v2;
	_ =	sdelay $0x2  }
0xb8: {  	v3 =	vmul.f32 v3, v1;
	_ =	sdelay $0x1  }
0xb9: {  	[tilespmem:v4+s23+$0x0] =	vst.idx.msk $0xffff, v3  }
0xba: {  	v3 =	vld [tilespmem:s28+$0x3720];
	_ =	sdelay $0x1  }
0xbb: {  	v51 =	vor.u32 $0x2, v2;
	_ =	sdelay $0x2  }
0xbc: {  	v3 =	vmul.f32 v3, v1;
	_ =	sdelay $0x1  }
0xbd: {  	[tilespmem:v51+s23+$0x0] =	vst.idx.msk $0xffff, v3  }
0xbe: {  	v3 =	vld [tilespmem:s28+$0x3A30];
	_ =	sdelay $0x1  }
0xbf: {  	v52 =	vor.u32 $0x3, v2;
	_ =	sdelay $0x2  }
0xc0: {  	v3 =	vmul.f32 v3, v1;
	_ =	sdelay $0x1  }
0xc1: {  	[tilespmem:v52+s23+$0x0] =	vst.idx.msk $0xffff, v3  }
0xc2: {  	v3 =	vld [tilespmem:s28+$0x3D40];
	_ =	sdelay $0x1  }
0xc3: {  	v53 =	vor.u32 $0x4, v2;
	_ =	sdelay $0x2  }
0xc4: {  	v3 =	vmul.f32 v3, v1;
	_ =	sdelay $0x1  }
0xc5: {  	[tilespmem:v53+s23+$0x0] =	vst.idx.msk $0xffff, v3  }
0xc6: {  	v3 =	vld [tilespmem:s28+$0x4050];
	_ =	sdelay $0x1  }
0xc7: {  	v54 =	vor.u32 $0x5, v2;
	_ =	sdelay $0x2  }
0xc8: {  	v3 =	vmul.f32 v3, v1;
	_ =	sdelay $0x1  }
0xc9: {  	[tilespmem:v54+s23+$0x0] =	vst.idx.msk $0xffff, v3  }
0xca: {  	v3 =	vld [tilespmem:s28+$0x4360];
	_ =	sdelay $0x1  }
0xcb: {  	v55 =	vor.u32 $0x6, v2;
	_ =	sdelay $0x2  }
0xcc: {  	v3 =	vmul.f32 v3, v1;
	_ =	sdelay $0x1  }
0xcd: {  	[tilespmem:v55+s23+$0x0] =	vst.idx.msk $0xffff, v3  }
0xce: {  	v3 =	vld [tilespmem:s28+$0x4670];
	_ =	sdelay $0x1  }
0xcf: {  	v56 =	vor.u32 $0x7, v2;
	_ =	sdelay $0x2  }
0xd0: {  	v3 =	vmul.f32 v3, v1;
	_ =	sdelay $0x1  }
0xd1: {  	[tilespmem:v56+s23+$0x0] =	vst.idx.msk $0xffff, v3  }
0xd2: {  	v3 =	vld [tilespmem:s28+$0x4980];
	_ =	sdelay $0x1  }
0xd3: {  	v57 =	vor.u32 $0x8, v2;
	_ =	sdelay $0x2  }
0xd4: {  	v3 =	vmul.f32 v3, v1;
	_ =	sdelay $0x1  }
0xd5: {  	[tilespmem:v57+s23+$0x0] =	vst.idx.msk $0xffff, v3  }
0xd6: {  	v3 =	vld [tilespmem:s28+$0x4C90];
	_ =	sdelay $0x1  }
0xd7: {  	v58 =	vor.u32 $0x9, v2;
	_ =	sdelay $0x2  }
0xd8: {  	v3 =	vmul.f32 v3, v1;
	_ =	sdelay $0x1  }
0xd9: {  	[tilespmem:v58+s23+$0x0] =	vst.idx.msk $0xffff, v3  }
0xda: {  	v3 =	vld [tilespmem:s28+$0x4FA0];
	_ =	sdelay $0x1  }
0xdb: {  	v59 =	vor.u32 $0xA, v2;
	_ =	sdelay $0x2  }
0xdc: {  	v3 =	vmul.f32 v3, v1;
	_ =	sdelay $0x1  }
0xdd: {  	[tilespmem:v59+s23+$0x0] =	vst.idx.msk $0xffff, v3  }
0xde: {  	v3 =	vld [tilespmem:s28+$0x52B0];
	_ =	sdelay $0x1  }
0xdf: {  	v60 =	vor.u32 $0xB, v2;
	_ =	sdelay $0x2  }
0xe0: {  	v3 =	vmul.f32 v3, v1;
	_ =	sdelay $0x1  }
0xe1: {  	[tilespmem:v60+s23+$0x0] =	vst.idx.msk $0xffff, v3  }
0xe2: {  	v3 =	vld [tilespmem:s28+$0x55C0];
	_ =	sdelay $0x1  }
0xe3: {  	v61 =	vor.u32 $0xC, v2;
	_ =	sdelay $0x2  }
0xe4: {  	v3 =	vmul.f32 v3, v1;
	_ =	sdelay $0x1  }
0xe5: {  	[tilespmem:v61+s23+$0x0] =	vst.idx.msk $0xffff, v3  }
0xe6: {  	v3 =	vld [tilespmem:s28+$0x58D0];
	_ =	sdelay $0x1  }
0xe7: {  	v62 =	vor.u32 $0xD, v2;
	_ =	sdelay $0x2  }
0xe8: {  	v3 =	vmul.f32 v3, v1;
	_ =	sdelay $0x1  }
0xe9: {  	[tilespmem:v62+s23+$0x0] =	vst.idx.msk $0xffff, v3  }
0xea: {  	v3 =	vld [tilespmem:s28+$0x5BE0];
	_ =	sdelay $0x1  }
0xeb: {  	v63 =	vor.u32 $0xE, v2;
	_ =	sdelay $0x2  }
0xec: {  	v3 =	vmul.f32 v3, v1;
	_ =	sdelay $0x1  }
0xed: {  	[tilespmem:v63+s23+$0x0] =	vst.idx.msk $0xffff, v3  }
0xee: {  	v3 =	vld [tilespmem:s28+$0x5EF0];
	_ =	sdelay $0x2  }
0xef: {  	v2 =	vor.u32 $0xF, v2;
	_ =	sdelay $0x1  }
0xf0: {  	s28 =	simm.s32 $0x40;
	v1 =	vmul.f32 v3, v1  }
.LBB2_4:
0xf1: {  	p0 =	sne.s32 s28, $0xC00  }
0xf2: {  	s26 =	sadd.s32 $0x10, s26;
	s29 =	smov.u32 s28;
	s28 =	sadd.s32 $0x40, s28  }
0xf3: {  	s29 =	sshra.s32 s29, $0x2;
	[tilespmem:v2+s23+$0x0] =	vst.idx.msk $0xffff, v1  }
0xf4: {  	v2 =	vmov s26;
	v1 =	vld [tilespmem:s29+$0x6510]  }
0xf5: {  	v2 =	vshll.u32 v2, $0x4;
	v3 =	vld [tilespmem:s29+$0x3100]  }
0xf6: {  	v2 =	vor.u32 v0, v2;
	_ =	sdelay $0x3  }
0xf7: {  	v3 =	vmul.f32 v3, v1;
	_ =	sdelay $0x1  }
0xf8: {  	[tilespmem:v2+s23+$0x0] =	vst.idx.msk $0xffff, v3  }
0xf9: {  	v3 =	vld [tilespmem:s29+$0x3410]  }
0xfa: {  	v4 =	vor.u32 $0x1, v2;
	_ =	sdelay $0x3  }
0xfb: {  	v3 =	vmul.f32 v3, v1;
	_ =	sdelay $0x1  }
0xfc: {  	[tilespmem:v4+s23+$0x0] =	vst.idx.msk $0xffff, v3  }
0xfd: {  	v3 =	vld [tilespmem:s29+$0x3720]  }
0xfe: {  	v4 =	vor.u32 $0x2, v2;
	_ =	sdelay $0x3  }
0xff: {  	v3 =	vmul.f32 v3, v1;
	_ =	sdelay $0x1  }
0x100: {  	[tilespmem:v4+s23+$0x0] =	vst.idx.msk $0xffff, v3  }
0x101: {  	v3 =	vld [tilespmem:s29+$0x3A30]  }
0x102: {  	v4 =	vor.u32 $0x3, v2;
	_ =	sdelay $0x3  }
0x103: {  	v3 =	vmul.f32 v3, v1;
	_ =	sdelay $0x1  }
0x104: {  	[tilespmem:v4+s23+$0x0] =	vst.idx.msk $0xffff, v3  }
0x105: {  	v3 =	vld [tilespmem:s29+$0x3D40]  }
0x106: {  	v4 =	vor.u32 $0x4, v2;
	_ =	sdelay $0x3  }
0x107: {  	v3 =	vmul.f32 v3, v1;
	_ =	sdelay $0x1  }
0x108: {  	[tilespmem:v4+s23+$0x0] =	vst.idx.msk $0xffff, v3  }
0x109: {  	v3 =	vld [tilespmem:s29+$0x4050]  }
0x10a: {  	v4 =	vor.u32 $0x5, v2;
	_ =	sdelay $0x3  }
0x10b: {  	v3 =	vmul.f32 v3, v1;
	_ =	sdelay $0x1  }
0x10c: {  	[tilespmem:v4+s23+$0x0] =	vst.idx.msk $0xffff, v3  }
0x10d: {  	v3 =	vld [tilespmem:s29+$0x4360]  }
0x10e: {  	v4 =	vor.u32 $0x6, v2;
	_ =	sdelay $0x3  }
0x10f: {  	v3 =	vmul.f32 v3, v1;
	_ =	sdelay $0x1  }
0x110: {  	[tilespmem:v4+s23+$0x0] =	vst.idx.msk $0xffff, v3  }
0x111: {  	v3 =	vld [tilespmem:s29+$0x4670]  }
0x112: {  	v4 =	vor.u32 $0x7, v2;
	_ =	sdelay $0x3  }
0x113: {  	v3 =	vmul.f32 v3, v1;
	_ =	sdelay $0x1  }
0x114: {  	[tilespmem:v4+s23+$0x0] =	vst.idx.msk $0xffff, v3  }
0x115: {  	v3 =	vld [tilespmem:s29+$0x4980]  }
0x116: {  	v4 =	vor.u32 $0x8, v2;
	_ =	sdelay $0x3  }
0x117: {  	v3 =	vmul.f32 v3, v1;
	_ =	sdelay $0x1  }
0x118: {  	[tilespmem:v4+s23+$0x0] =	vst.idx.msk $0xffff, v3  }
0x119: {  	v3 =	vld [tilespmem:s29+$0x4C90]  }
0x11a: {  	v4 =	vor.u32 $0x9, v2;
	_ =	sdelay $0x3  }
0x11b: {  	v3 =	vmul.f32 v3, v1;
	_ =	sdelay $0x1  }
0x11c: {  	[tilespmem:v4+s23+$0x0] =	vst.idx.msk $0xffff, v3  }
0x11d: {  	v3 =	vld [tilespmem:s29+$0x4FA0]  }
0x11e: {  	v4 =	vor.u32 $0xA, v2;
	_ =	sdelay $0x3  }
0x11f: {  	v3 =	vmul.f32 v3, v1;
	_ =	sdelay $0x1  }
0x120: {  	[tilespmem:v4+s23+$0x0] =	vst.idx.msk $0xffff, v3  }
0x121: {  	v3 =	vld [tilespmem:s29+$0x52B0]  }
0x122: {  	v4 =	vor.u32 $0xB, v2;
	_ =	sdelay $0x3  }
0x123: {  	v3 =	vmul.f32 v3, v1;
	_ =	sdelay $0x1  }
0x124: {  	[tilespmem:v4+s23+$0x0] =	vst.idx.msk $0xffff, v3  }
0x125: {  	v3 =	vld [tilespmem:s29+$0x55C0]  }
0x126: {  	v4 =	vor.u32 $0xC, v2;
	_ =	sdelay $0x3  }
0x127: {  	v3 =	vmul.f32 v3, v1;
	_ =	sdelay $0x1  }
0x128: {  	[tilespmem:v4+s23+$0x0] =	vst.idx.msk $0xffff, v3  }
0x129: {  	v3 =	vld [tilespmem:s29+$0x58D0]  }
0x12a: {  	v4 =	vor.u32 $0xD, v2;
	_ =	sdelay $0x3  }
0x12b: {  	v3 =	vmul.f32 v3, v1;
	_ =	sdelay $0x1  }
0x12c: {  	[tilespmem:v4+s23+$0x0] =	vst.idx.msk $0xffff, v3  }
0x12d: {  	v3 =	vld [tilespmem:s29+$0x5BE0]  }
0x12e: {  	v4 =	vor.u32 $0xE, v2;
	_ =	sdelay $0x3  }
0x12f: {  	v3 =	vmul.f32 v3, v1;
	_ =	sdelay $0x1  }
0x130: {  	[tilespmem:v4+s23+$0x0] =	vst.idx.msk $0xffff, v3  }
0x131: {  	v3 =	vld [tilespmem:s29+$0x5EF0]  }
.Ltmp1:
0x132: {  	v2 =	vor.u32 $0xF, v2;
	(pc) =	sbr.rel @p0 .LBB2_4-.Ltmp1, $2  }
0x133: {  	_ =	sdelay $0x2  }
0x134: {  	v1 =	vmul.f32 v3, v1  }
0x135: {  	_ =	sdelay $0x3  }
0x136: {  	s29 =	simm.s32 $0x0;
	[tilespmem:v2+s23+$0x0] =	vst.idx.msk $0xffff, v1  }
0x137: {  	[hbm4b:s10+s29] =	stream.linear.scatter [tilespmem:s23], [sflag:$0x2], $0x3100, $0x38;
	[tilespmem:$0xCA20] =	vst v63  }
0x138: {  	_ =	swait.ge [sflag:s18], $0x3100  }
0x139: {  	[sflag:s18] =	ssyncset.done $0x0  }
0x13a: {  	[sflag:s18] =	ssyncadd.s32 $0xFFFFCF00  }
0x13b: {  	_ =	swait.ge [sflag:s18], $0x310  }
0x13c: {  	[sflag:s18] =	ssyncset.done $0x0  }
0x13d: {  	[sflag:s18] =	ssyncadd.s32 $0xFFFFFCF0  }
0x13e: {  	[tilespmem:s19], [sflag:$0x1] =	stream.strided.gather [hbm4b:s11+s16], $0x3100, s17, s16, $0x38;
	[tilespmem:$0xCA20] =	vst v63  }
0x13f: {  	_ = 	snop  }
0x140: {  	[tilespmem:s20], [sflag:$0x1] =	stream.linear.gather [hbm4b:s12+s29], $0x310, $0x38;
	[tilespmem:$0xCA20] =	vst v63  }
0x141: {  	_ =	swait.ge [sflag:s24], $0x3100  }
0x142: {  	[sflag:s24] =	ssyncset.done $0x0  }
0x143: {  	s26 =	simm.s32 $0x6200;
	[sflag:s24] =	ssyncadd.s32 $0xFFFFCF00  }
0x144: {  	s28 =	simm.s32 $0x1880;
	v1 =	vld [tilespmem:s26+$0x0]  }
0x145: {  	v2 =	vmov s29;
	v3 =	vld [tilespmem:s28+$0xFFFFE780]  }
0x146: {  	v2 =	vshll.u32 v2, $0x4  }
0x147: {  	v2 =	vor.u32 v0, v2;
	_ =	sdelay $0x2  }
0x148: {  	v3 =	vmul.f32 v3, v1;
	_ =	sdelay $0x1  }
0x149: {  	[tilespmem:v2+s21+$0x0] =	vst.idx.msk $0xffff, v3  }
0x14a: {  	v3 =	vld [tilespmem:s28+$0xFFFFEA90];
	_ =	sdelay $0x1  }
0x14b: {  	v4 =	vor.u32 $0x1, v2;
	_ =	sdelay $0x2  }
0x14c: {  	v3 =	vmul.f32 v3, v1;
	_ =	sdelay $0x1  }
0x14d: {  	[tilespmem:v4+s21+$0x0] =	vst.idx.msk $0xffff, v3  }
0x14e: {  	v3 =	vld [tilespmem:s28+$0xFFFFEDA0];
	_ =	sdelay $0x1  }
0x14f: {  	v51 =	vor.u32 $0x2, v2;
	_ =	sdelay $0x2  }
0x150: {  	v3 =	vmul.f32 v3, v1;
	_ =	sdelay $0x1  }
0x151: {  	[tilespmem:v51+s21+$0x0] =	vst.idx.msk $0xffff, v3  }
0x152: {  	v3 =	vld [tilespmem:s28+$0xFFFFF0B0];
	_ =	sdelay $0x1  }
0x153: {  	v52 =	vor.u32 $0x3, v2;
	_ =	sdelay $0x2  }
0x154: {  	v3 =	vmul.f32 v3, v1;
	_ =	sdelay $0x1  }
0x155: {  	[tilespmem:v52+s21+$0x0] =	vst.idx.msk $0xffff, v3  }
0x156: {  	v3 =	vld [tilespmem:s28+$0xFFFFF3C0];
	_ =	sdelay $0x1  }
0x157: {  	v53 =	vor.u32 $0x4, v2;
	_ =	sdelay $0x2  }
0x158: {  	v3 =	vmul.f32 v3, v1;
	_ =	sdelay $0x1  }
0x159: {  	[tilespmem:v53+s21+$0x0] =	vst.idx.msk $0xffff, v3  }
0x15a: {  	v3 =	vld [tilespmem:s28+$0xFFFFF6D0];
	_ =	sdelay $0x1  }
0x15b: {  	v54 =	vor.u32 $0x5, v2;
	_ =	sdelay $0x2  }
0x15c: {  	v3 =	vmul.f32 v3, v1;
	_ =	sdelay $0x1  }
0x15d: {  	[tilespmem:v54+s21+$0x0] =	vst.idx.msk $0xffff, v3  }
0x15e: {  	v3 =	vld [tilespmem:s28+$0xFFFFF9E0];
	_ =	sdelay $0x1  }
0x15f: {  	v55 =	vor.u32 $0x6, v2;
	_ =	sdelay $0x2  }
0x160: {  	v3 =	vmul.f32 v3, v1;
	_ =	sdelay $0x1  }
0x161: {  	[tilespmem:v55+s21+$0x0] =	vst.idx.msk $0xffff, v3  }
0x162: {  	v3 =	vld [tilespmem:s28+$0xFFFFFCF0];
	_ =	sdelay $0x1  }
0x163: {  	v56 =	vor.u32 $0x7, v2;
	_ =	sdelay $0x2  }
0x164: {  	v3 =	vmul.f32 v3, v1;
	_ =	sdelay $0x1  }
0x165: {  	[tilespmem:v56+s21+$0x0] =	vst.idx.msk $0xffff, v3  }
0x166: {  	v3 =	vld [tilespmem:s28+$0x0];
	_ =	sdelay $0x1  }
0x167: {  	v57 =	vor.u32 $0x8, v2;
	_ =	sdelay $0x2  }
0x168: {  	v3 =	vmul.f32 v3, v1;
	_ =	sdelay $0x1  }
0x169: {  	[tilespmem:v57+s21+$0x0] =	vst.idx.msk $0xffff, v3  }
0x16a: {  	v3 =	vld [tilespmem:s28+$0x310];
	_ =	sdelay $0x1  }
0x16b: {  	v58 =	vor.u32 $0x9, v2;
	_ =	sdelay $0x2  }
0x16c: {  	v3 =	vmul.f32 v3, v1;
	_ =	sdelay $0x1  }
0x16d: {  	[tilespmem:v58+s21+$0x0] =	vst.idx.msk $0xffff, v3  }
0x16e: {  	v3 =	vld [tilespmem:s28+$0x620];
	_ =	sdelay $0x1  }
0x16f: {  	v59 =	vor.u32 $0xA, v2;
	_ =	sdelay $0x2  }
0x170: {  	v3 =	vmul.f32 v3, v1;
	_ =	sdelay $0x1  }
0x171: {  	[tilespmem:v59+s21+$0x0] =	vst.idx.msk $0xffff, v3  }
0x172: {  	v3 =	vld [tilespmem:s28+$0x930];
	_ =	sdelay $0x1  }
0x173: {  	v60 =	vor.u32 $0xB, v2;
	_ =	sdelay $0x2  }
0x174: {  	v3 =	vmul.f32 v3, v1;
	_ =	sdelay $0x1  }
0x175: {  	[tilespmem:v60+s21+$0x0] =	vst.idx.msk $0xffff, v3  }
0x176: {  	v3 =	vld [tilespmem:s28+$0xC40];
	_ =	sdelay $0x1  }
0x177: {  	v61 =	vor.u32 $0xC, v2;
	_ =	sdelay $0x2  }
0x178: {  	v3 =	vmul.f32 v3, v1;
	_ =	sdelay $0x1  }
0x179: {  	[tilespmem:v61+s21+$0x0] =	vst.idx.msk $0xffff, v3  }
0x17a: {  	v3 =	vld [tilespmem:s28+$0xF50];
	_ =	sdelay $0x1  }
0x17b: {  	v62 =	vor.u32 $0xD, v2;
	_ =	sdelay $0x2  }
0x17c: {  	v3 =	vmul.f32 v3, v1;
	_ =	sdelay $0x1  }
0x17d: {  	[tilespmem:v62+s21+$0x0] =	vst.idx.msk $0xffff, v3  }
0x17e: {  	v3 =	vld [tilespmem:s28+$0x1260];
	_ =	sdelay $0x1  }
0x17f: {  	v63 =	vor.u32 $0xE, v2;
	_ =	sdelay $0x2  }
0x180: {  	v3 =	vmul.f32 v3, v1;
	_ =	sdelay $0x1  }
0x181: {  	[tilespmem:v63+s21+$0x0] =	vst.idx.msk $0xffff, v3  }
0x182: {  	v3 =	vld [tilespmem:s28+$0x1570];
	_ =	sdelay $0x1  }
0x183: {  	v2 =	vor.u32 $0xF, v2;
	_ =	sdelay $0x2  }
0x184: {  	s29 =	simm.s32 $0x10;
	v1 =	vmul.f32 v3, v1  }
.LBB2_6:
0x185: {  	_ = 	snop  }
0x186: {  	p0 =	sne.s32 s29, $0x300;
	s26 =	sadd.s32 $0x10, s26;
	s28 =	sadd.s32 $0x10, s28;
	[tilespmem:v2+s21+$0x0] =	vst.idx.msk $0xffff, v1  }
0x187: {  	s30 =	smov.u32 s29;
	s29 =	sadd.s32 $0x10, s29;
	v1 =	vld [tilespmem:s26+$0x0]  }
0x188: {  	v2 =	vmov s30;
	v3 =	vld [tilespmem:s28+$0xFFFFE780]  }
0x189: {  	v2 =	vshll.u32 v2, $0x4  }
0x18a: {  	v2 =	vor.u32 v0, v2;
	_ =	sdelay $0x2  }
0x18b: {  	v3 =	vmul.f32 v3, v1;
	_ =	sdelay $0x1  }
0x18c: {  	[tilespmem:v2+s21+$0x0] =	vst.idx.msk $0xffff, v3  }
0x18d: {  	v3 =	vld [tilespmem:s28+$0xFFFFEA90];
	_ =	sdelay $0x1  }
0x18e: {  	v4 =	vor.u32 $0x1, v2;
	_ =	sdelay $0x2  }
0x18f: {  	v3 =	vmul.f32 v3, v1;
	_ =	sdelay $0x1  }
0x190: {  	[tilespmem:v4+s21+$0x0] =	vst.idx.msk $0xffff, v3  }
0x191: {  	v3 =	vld [tilespmem:s28+$0xFFFFEDA0];
	_ =	sdelay $0x1  }
0x192: {  	v4 =	vor.u32 $0x2, v2;
	_ =	sdelay $0x2  }
0x193: {  	v3 =	vmul.f32 v3, v1;
	_ =	sdelay $0x1  }
0x194: {  	[tilespmem:v4+s21+$0x0] =	vst.idx.msk $0xffff, v3  }
0x195: {  	v3 =	vld [tilespmem:s28+$0xFFFFF0B0];
	_ =	sdelay $0x1  }
0x196: {  	v4 =	vor.u32 $0x3, v2;
	_ =	sdelay $0x2  }
0x197: {  	v3 =	vmul.f32 v3, v1;
	_ =	sdelay $0x1  }
0x198: {  	[tilespmem:v4+s21+$0x0] =	vst.idx.msk $0xffff, v3  }
0x199: {  	v3 =	vld [tilespmem:s28+$0xFFFFF3C0];
	_ =	sdelay $0x1  }
0x19a: {  	v4 =	vor.u32 $0x4, v2;
	_ =	sdelay $0x2  }
0x19b: {  	v3 =	vmul.f32 v3, v1;
	_ =	sdelay $0x1  }
0x19c: {  	[tilespmem:v4+s21+$0x0] =	vst.idx.msk $0xffff, v3  }
0x19d: {  	v3 =	vld [tilespmem:s28+$0xFFFFF6D0];
	_ =	sdelay $0x1  }
0x19e: {  	v4 =	vor.u32 $0x5, v2;
	_ =	sdelay $0x2  }
0x19f: {  	v3 =	vmul.f32 v3, v1;
	_ =	sdelay $0x1  }
0x1a0: {  	[tilespmem:v4+s21+$0x0] =	vst.idx.msk $0xffff, v3  }
0x1a1: {  	v3 =	vld [tilespmem:s28+$0xFFFFF9E0];
	_ =	sdelay $0x1  }
0x1a2: {  	v4 =	vor.u32 $0x6, v2;
	_ =	sdelay $0x2  }
0x1a3: {  	v3 =	vmul.f32 v3, v1;
	_ =	sdelay $0x1  }
0x1a4: {  	[tilespmem:v4+s21+$0x0] =	vst.idx.msk $0xffff, v3  }
0x1a5: {  	v3 =	vld [tilespmem:s28+$0xFFFFFCF0];
	_ =	sdelay $0x1  }
0x1a6: {  	v4 =	vor.u32 $0x7, v2;
	_ =	sdelay $0x2  }
0x1a7: {  	v3 =	vmul.f32 v3, v1;
	_ =	sdelay $0x1  }
0x1a8: {  	[tilespmem:v4+s21+$0x0] =	vst.idx.msk $0xffff, v3  }
0x1a9: {  	v3 =	vld [tilespmem:s28+$0x0];
	_ =	sdelay $0x1  }
0x1aa: {  	v4 =	vor.u32 $0x8, v2;
	_ =	sdelay $0x2  }
0x1ab: {  	v3 =	vmul.f32 v3, v1;
	_ =	sdelay $0x1  }
0x1ac: {  	[tilespmem:v4+s21+$0x0] =	vst.idx.msk $0xffff, v3  }
0x1ad: {  	v3 =	vld [tilespmem:s28+$0x310];
	_ =	sdelay $0x1  }
0x1ae: {  	v4 =	vor.u32 $0x9, v2;
	_ =	sdelay $0x2  }
0x1af: {  	v3 =	vmul.f32 v3, v1;
	_ =	sdelay $0x1  }
0x1b0: {  	[tilespmem:v4+s21+$0x0] =	vst.idx.msk $0xffff, v3  }
0x1b1: {  	v3 =	vld [tilespmem:s28+$0x620];
	_ =	sdelay $0x1  }
0x1b2: {  	v4 =	vor.u32 $0xA, v2;
	_ =	sdelay $0x2  }
0x1b3: {  	v3 =	vmul.f32 v3, v1;
	_ =	sdelay $0x1  }
0x1b4: {  	[tilespmem:v4+s21+$0x0] =	vst.idx.msk $0xffff, v3  }
0x1b5: {  	v3 =	vld [tilespmem:s28+$0x930];
	_ =	sdelay $0x1  }
0x1b6: {  	v4 =	vor.u32 $0xB, v2;
	_ =	sdelay $0x2  }
0x1b7: {  	v3 =	vmul.f32 v3, v1;
	_ =	sdelay $0x1  }
0x1b8: {  	[tilespmem:v4+s21+$0x0] =	vst.idx.msk $0xffff, v3  }
0x1b9: {  	v3 =	vld [tilespmem:s28+$0xC40];
	_ =	sdelay $0x1  }
0x1ba: {  	v4 =	vor.u32 $0xC, v2;
	_ =	sdelay $0x2  }
0x1bb: {  	v3 =	vmul.f32 v3, v1;
	_ =	sdelay $0x1  }
0x1bc: {  	[tilespmem:v4+s21+$0x0] =	vst.idx.msk $0xffff, v3  }
0x1bd: {  	v3 =	vld [tilespmem:s28+$0xF50];
	_ =	sdelay $0x1  }
0x1be: {  	v4 =	vor.u32 $0xD, v2;
	_ =	sdelay $0x2  }
0x1bf: {  	v3 =	vmul.f32 v3, v1;
	_ =	sdelay $0x1  }
0x1c0: {  	[tilespmem:v4+s21+$0x0] =	vst.idx.msk $0xffff, v3  }
0x1c1: {  	v3 =	vld [tilespmem:s28+$0x1260];
	_ =	sdelay $0x1  }
0x1c2: {  	v4 =	vor.u32 $0xE, v2;
	_ =	sdelay $0x2  }
0x1c3: {  	v3 =	vmul.f32 v3, v1;
	_ =	sdelay $0x1  }
0x1c4: {  	[tilespmem:v4+s21+$0x0] =	vst.idx.msk $0xffff, v3  }
0x1c5: {  	v3 =	vld [tilespmem:s28+$0x1570]  }
.Ltmp2:
0x1c6: {  	(pc) =	sbr.rel @p0 .LBB2_6-.Ltmp2, $2  }
0x1c7: {  	v2 =	vor.u32 $0xF, v2;
	_ =	sdelay $0x2  }
0x1c8: {  	v1 =	vmul.f32 v3, v1  }
0x1c9: {  	_ =	sdelay $0x3  }
0x1ca: {  	s26 =	simm.s32 $0x0;
	[tilespmem:v2+s21+$0x0] =	vst.idx.msk $0xffff, v1  }
0x1cb: {  	[hbm4b:s13+s26] =	stream.linear.scatter [tilespmem:s21], [sflag:$0x2], $0x3100, $0x38;
	[tilespmem:$0xCA20] =	vst v63  }
0x1cc: {  	_ =	swait.ge [sflag:s18], $0x3100  }
0x1cd: {  	[sflag:s18] =	ssyncset.done $0x0  }
0x1ce: {  	[sflag:s18] =	ssyncadd.s32 $0xFFFFCF00  }
0x1cf: {  	_ =	swait.ge [sflag:s18], $0x310  }
0x1d0: {  	[sflag:s18] =	ssyncset.done $0x0  }
0x1d1: {  	[sflag:s18] =	ssyncadd.s32 $0xFFFFFCF0  }
0x1d2: {  	_ =	swait.ge [sflag:s24], $0x3100  }
0x1d3: {  	[sflag:s24] =	ssyncset.done $0x0  }
0x1d4: {  	s28 =	simm.s32 $0x0;
	[sflag:s24] =	ssyncadd.s32 $0xFFFFCF00  }
0x1d5: {  	v1 =	vld [tilespmem:s28+$0x6510]  }
0x1d6: {  	v2 =	vmov s26;
	v3 =	vld [tilespmem:s28+$0x3100]  }
0x1d7: {  	v2 =	vshll.u32 v2, $0x4  }
0x1d8: {  	v2 =	vor.u32 v0, v2;
	_ =	sdelay $0x2  }
0x1d9: {  	v3 =	vmul.f32 v3, v1;
	_ =	sdelay $0x1  }
0x1da: {  	[tilespmem:v2+s23+$0x0] =	vst.idx.msk $0xffff, v3  }
0x1db: {  	v3 =	vld [tilespmem:s28+$0x3410];
	_ =	sdelay $0x1  }
0x1dc: {  	v4 =	vor.u32 $0x1, v2;
	_ =	sdelay $0x2  }
0x1dd: {  	v3 =	vmul.f32 v3, v1;
	_ =	sdelay $0x1  }
0x1de: {  	[tilespmem:v4+s23+$0x0] =	vst.idx.msk $0xffff, v3  }
0x1df: {  	v3 =	vld [tilespmem:s28+$0x3720];
	_ =	sdelay $0x1  }
0x1e0: {  	v51 =	vor.u32 $0x2, v2;
	_ =	sdelay $0x2  }
0x1e1: {  	v3 =	vmul.f32 v3, v1;
	_ =	sdelay $0x1  }
0x1e2: {  	[tilespmem:v51+s23+$0x0] =	vst.idx.msk $0xffff, v3  }
0x1e3: {  	v3 =	vld [tilespmem:s28+$0x3A30];
	_ =	sdelay $0x1  }
0x1e4: {  	v52 =	vor.u32 $0x3, v2;
	_ =	sdelay $0x2  }
0x1e5: {  	v3 =	vmul.f32 v3, v1;
	_ =	sdelay $0x1  }
0x1e6: {  	[tilespmem:v52+s23+$0x0] =	vst.idx.msk $0xffff, v3  }
0x1e7: {  	v3 =	vld [tilespmem:s28+$0x3D40];
	_ =	sdelay $0x1  }
0x1e8: {  	v53 =	vor.u32 $0x4, v2;
	_ =	sdelay $0x2  }
0x1e9: {  	v3 =	vmul.f32 v3, v1;
	_ =	sdelay $0x1  }
0x1ea: {  	[tilespmem:v53+s23+$0x0] =	vst.idx.msk $0xffff, v3  }
0x1eb: {  	v3 =	vld [tilespmem:s28+$0x4050];
	_ =	sdelay $0x1  }
0x1ec: {  	v54 =	vor.u32 $0x5, v2;
	_ =	sdelay $0x2  }
0x1ed: {  	v3 =	vmul.f32 v3, v1;
	_ =	sdelay $0x1  }
0x1ee: {  	[tilespmem:v54+s23+$0x0] =	vst.idx.msk $0xffff, v3  }
0x1ef: {  	v3 =	vld [tilespmem:s28+$0x4360];
	_ =	sdelay $0x1  }
0x1f0: {  	v55 =	vor.u32 $0x6, v2;
	_ =	sdelay $0x2  }
0x1f1: {  	v3 =	vmul.f32 v3, v1;
	_ =	sdelay $0x1  }
0x1f2: {  	[tilespmem:v55+s23+$0x0] =	vst.idx.msk $0xffff, v3  }
0x1f3: {  	v3 =	vld [tilespmem:s28+$0x4670];
	_ =	sdelay $0x1  }
0x1f4: {  	v56 =	vor.u32 $0x7, v2;
	_ =	sdelay $0x2  }
0x1f5: {  	v3 =	vmul.f32 v3, v1;
	_ =	sdelay $0x1  }
0x1f6: {  	[tilespmem:v56+s23+$0x0] =	vst.idx.msk $0xffff, v3  }
0x1f7: {  	v3 =	vld [tilespmem:s28+$0x4980];
	_ =	sdelay $0x1  }
0x1f8: {  	v57 =	vor.u32 $0x8, v2;
	_ =	sdelay $0x2  }
0x1f9: {  	v3 =	vmul.f32 v3, v1;
	_ =	sdelay $0x1  }
0x1fa: {  	[tilespmem:v57+s23+$0x0] =	vst.idx.msk $0xffff, v3  }
0x1fb: {  	v3 =	vld [tilespmem:s28+$0x4C90];
	_ =	sdelay $0x1  }
0x1fc: {  	v58 =	vor.u32 $0x9, v2;
	_ =	sdelay $0x2  }
0x1fd: {  	v3 =	vmul.f32 v3, v1;
	_ =	sdelay $0x1  }
0x1fe: {  	[tilespmem:v58+s23+$0x0] =	vst.idx.msk $0xffff, v3  }
0x1ff: {  	v3 =	vld [tilespmem:s28+$0x4FA0];
	_ =	sdelay $0x1  }
0x200: {  	v59 =	vor.u32 $0xA, v2;
	_ =	sdelay $0x2  }
0x201: {  	v3 =	vmul.f32 v3, v1;
	_ =	sdelay $0x1  }
0x202: {  	[tilespmem:v59+s23+$0x0] =	vst.idx.msk $0xffff, v3  }
0x203: {  	v3 =	vld [tilespmem:s28+$0x52B0];
	_ =	sdelay $0x1  }
0x204: {  	v60 =	vor.u32 $0xB, v2;
	_ =	sdelay $0x2  }
0x205: {  	v3 =	vmul.f32 v3, v1;
	_ =	sdelay $0x1  }
0x206: {  	[tilespmem:v60+s23+$0x0] =	vst.idx.msk $0xffff, v3  }
0x207: {  	v3 =	vld [tilespmem:s28+$0x55C0];
	_ =	sdelay $0x1  }
0x208: {  	v61 =	vor.u32 $0xC, v2;
	_ =	sdelay $0x2  }
0x209: {  	v3 =	vmul.f32 v3, v1;
	_ =	sdelay $0x1  }
0x20a: {  	[tilespmem:v61+s23+$0x0] =	vst.idx.msk $0xffff, v3  }
0x20b: {  	v3 =	vld [tilespmem:s28+$0x58D0];
	_ =	sdelay $0x1  }
0x20c: {  	v62 =	vor.u32 $0xD, v2;
	_ =	sdelay $0x2  }
0x20d: {  	v3 =	vmul.f32 v3, v1;
	_ =	sdelay $0x1  }
0x20e: {  	[tilespmem:v62+s23+$0x0] =	vst.idx.msk $0xffff, v3  }
0x20f: {  	v3 =	vld [tilespmem:s28+$0x5BE0];
	_ =	sdelay $0x1  }
0x210: {  	v63 =	vor.u32 $0xE, v2;
	_ =	sdelay $0x2  }
0x211: {  	v3 =	vmul.f32 v3, v1;
	_ =	sdelay $0x1  }
0x212: {  	[tilespmem:v63+s23+$0x0] =	vst.idx.msk $0xffff, v3  }
0x213: {  	v3 =	vld [tilespmem:s28+$0x5EF0];
	_ =	sdelay $0x2  }
0x214: {  	v2 =	vor.u32 $0xF, v2;
	_ =	sdelay $0x1  }
0x215: {  	s28 =	simm.s32 $0x40;
	v1 =	vmul.f32 v3, v1  }
.LBB2_8:
0x216: {  	p0 =	sne.s32 s28, $0xC00  }
0x217: {  	s26 =	sadd.s32 $0x10, s26;
	s29 =	smov.u32 s28;
	s28 =	sadd.s32 $0x40, s28  }
0x218: {  	s29 =	sshra.s32 s29, $0x2;
	[tilespmem:v2+s23+$0x0] =	vst.idx.msk $0xffff, v1  }
0x219: {  	v2 =	vmov s26;
	v1 =	vld [tilespmem:s29+$0x6510]  }
0x21a: {  	v2 =	vshll.u32 v2, $0x4;
	v3 =	vld [tilespmem:s29+$0x3100]  }
0x21b: {  	v2 =	vor.u32 v0, v2;
	_ =	sdelay $0x3  }
0x21c: {  	v3 =	vmul.f32 v3, v1;
	_ =	sdelay $0x1  }
0x21d: {  	[tilespmem:v2+s23+$0x0] =	vst.idx.msk $0xffff, v3  }
0x21e: {  	v3 =	vld [tilespmem:s29+$0x3410]  }
0x21f: {  	v4 =	vor.u32 $0x1, v2;
	_ =	sdelay $0x3  }
0x220: {  	v3 =	vmul.f32 v3, v1;
	_ =	sdelay $0x1  }
0x221: {  	[tilespmem:v4+s23+$0x0] =	vst.idx.msk $0xffff, v3  }
0x222: {  	v3 =	vld [tilespmem:s29+$0x3720]  }
0x223: {  	v4 =	vor.u32 $0x2, v2;
	_ =	sdelay $0x3  }
0x224: {  	v3 =	vmul.f32 v3, v1;
	_ =	sdelay $0x1  }
0x225: {  	[tilespmem:v4+s23+$0x0] =	vst.idx.msk $0xffff, v3  }
0x226: {  	v3 =	vld [tilespmem:s29+$0x3A30]  }
0x227: {  	v4 =	vor.u32 $0x3, v2;
	_ =	sdelay $0x3  }
0x228: {  	v3 =	vmul.f32 v3, v1;
	_ =	sdelay $0x1  }
0x229: {  	[tilespmem:v4+s23+$0x0] =	vst.idx.msk $0xffff, v3  }
0x22a: {  	v3 =	vld [tilespmem:s29+$0x3D40]  }
0x22b: {  	v4 =	vor.u32 $0x4, v2;
	_ =	sdelay $0x3  }
0x22c: {  	v3 =	vmul.f32 v3, v1;
	_ =	sdelay $0x1  }
0x22d: {  	[tilespmem:v4+s23+$0x0] =	vst.idx.msk $0xffff, v3  }
0x22e: {  	v3 =	vld [tilespmem:s29+$0x4050]  }
0x22f: {  	v4 =	vor.u32 $0x5, v2;
	_ =	sdelay $0x3  }
0x230: {  	v3 =	vmul.f32 v3, v1;
	_ =	sdelay $0x1  }
0x231: {  	[tilespmem:v4+s23+$0x0] =	vst.idx.msk $0xffff, v3  }
0x232: {  	v3 =	vld [tilespmem:s29+$0x4360]  }
0x233: {  	v4 =	vor.u32 $0x6, v2;
	_ =	sdelay $0x3  }
0x234: {  	v3 =	vmul.f32 v3, v1;
	_ =	sdelay $0x1  }
0x235: {  	[tilespmem:v4+s23+$0x0] =	vst.idx.msk $0xffff, v3  }
0x236: {  	v3 =	vld [tilespmem:s29+$0x4670]  }
0x237: {  	v4 =	vor.u32 $0x7, v2;
	_ =	sdelay $0x3  }
0x238: {  	v3 =	vmul.f32 v3, v1;
	_ =	sdelay $0x1  }
0x239: {  	[tilespmem:v4+s23+$0x0] =	vst.idx.msk $0xffff, v3  }
0x23a: {  	v3 =	vld [tilespmem:s29+$0x4980]  }
0x23b: {  	v4 =	vor.u32 $0x8, v2;
	_ =	sdelay $0x3  }
0x23c: {  	v3 =	vmul.f32 v3, v1;
	_ =	sdelay $0x1  }
0x23d: {  	[tilespmem:v4+s23+$0x0] =	vst.idx.msk $0xffff, v3  }
0x23e: {  	v3 =	vld [tilespmem:s29+$0x4C90]  }
0x23f: {  	v4 =	vor.u32 $0x9, v2;
	_ =	sdelay $0x3  }
0x240: {  	v3 =	vmul.f32 v3, v1;
	_ =	sdelay $0x1  }
0x241: {  	[tilespmem:v4+s23+$0x0] =	vst.idx.msk $0xffff, v3  }
0x242: {  	v3 =	vld [tilespmem:s29+$0x4FA0]  }
0x243: {  	v4 =	vor.u32 $0xA, v2;
	_ =	sdelay $0x3  }
0x244: {  	v3 =	vmul.f32 v3, v1;
	_ =	sdelay $0x1  }
0x245: {  	[tilespmem:v4+s23+$0x0] =	vst.idx.msk $0xffff, v3  }
0x246: {  	v3 =	vld [tilespmem:s29+$0x52B0]  }
0x247: {  	v4 =	vor.u32 $0xB, v2;
	_ =	sdelay $0x3  }
0x248: {  	v3 =	vmul.f32 v3, v1;
	_ =	sdelay $0x1  }
0x249: {  	[tilespmem:v4+s23+$0x0] =	vst.idx.msk $0xffff, v3  }
0x24a: {  	v3 =	vld [tilespmem:s29+$0x55C0]  }
0x24b: {  	v4 =	vor.u32 $0xC, v2;
	_ =	sdelay $0x3  }
0x24c: {  	v3 =	vmul.f32 v3, v1;
	_ =	sdelay $0x1  }
0x24d: {  	[tilespmem:v4+s23+$0x0] =	vst.idx.msk $0xffff, v3  }
0x24e: {  	v3 =	vld [tilespmem:s29+$0x58D0]  }
0x24f: {  	v4 =	vor.u32 $0xD, v2;
	_ =	sdelay $0x3  }
0x250: {  	v3 =	vmul.f32 v3, v1;
	_ =	sdelay $0x1  }
0x251: {  	[tilespmem:v4+s23+$0x0] =	vst.idx.msk $0xffff, v3  }
0x252: {  	v3 =	vld [tilespmem:s29+$0x5BE0]  }
0x253: {  	v4 =	vor.u32 $0xE, v2;
	_ =	sdelay $0x3  }
0x254: {  	v3 =	vmul.f32 v3, v1;
	_ =	sdelay $0x1  }
0x255: {  	[tilespmem:v4+s23+$0x0] =	vst.idx.msk $0xffff, v3  }
0x256: {  	v3 =	vld [tilespmem:s29+$0x5EF0]  }
.Ltmp3:
0x257: {  	v2 =	vor.u32 $0xF, v2;
	(pc) =	sbr.rel @p0 .LBB2_8-.Ltmp3, $2  }
0x258: {  	_ =	sdelay $0x2  }
0x259: {  	v1 =	vmul.f32 v3, v1  }
0x25a: {  	_ =	sdelay $0x3  }
0x25b: {  	s25 =	sadd.s32 $0x1, s25;
	[tilespmem:v2+s23+$0x0] =	vst.idx.msk $0xffff, v1  }
0x25c: {  	[hbm4b:s14+s2] =	stream.linear.scatter [tilespmem:s23], [sflag:$0x2], $0x3100, $0x38;
	[tilespmem:$0xCA20] =	vst v63  }
0x25d: {  	p0 =	sne.s32 s25, s15;
	_ =	swait.ge [sflag:s24], $0x3100  }
.Ltmp4:
0x25e: {  	[sflag:s24] =	ssyncset.done $0x0;
	(pc) =	sbr.rel @p0 .LBB2_1-.Ltmp4, $4  }
0x25f: {  	[sflag:s24] =	ssyncadd.s32 $0xFFFFCF00  }
0x260: {  	_ =	swait.ge [sflag:s24], $0x3100  }
0x261: {  	[sflag:s24] =	ssyncset.done $0x0  }
0x262: {  	[sflag:s24] =	ssyncadd.s32 $0xFFFFCF00  }
0x263: {  	_ =	sfence.sel $0x180000  }
0x264: {  	[bflag:$0x0] =	sbarrier.arrive $0xFFFF  }
0x265: {  	p0 =	sne.s32 s1, $0x0;
	_ =	strace $0x90000047  }
0x266: {  	s0 =	sadd.s32 @!p0 $0x100000, s0;
	[bflag:$0x2] =	sbarrier.arrive $0xFFFF  }
0x267: {  	[sflag:s0] =	ssyncadd.tile.s32 @!p0 $0x1;
	_ =	shalt  }
.Lfunc_end2:
_tile_overlayer_lowered:
.L_overlay_start_2:
0x268: {  	(tag) =	ssettag $0x2  }
0x269: {  	s0 =	rddreg [dreg:$0x0];
	s2 =	stileid.u32  }
0x26a: {  	s1 =	rddreg [dreg:$0x1];
	p0 =	sne.s32 s2, $0x0  }
0x26b: {  	s3 =	rddreg [dreg:$0x2];
	[bflag:$0x3] =	sbarrier.arrive $0xFFFF;
	s2 =	simm.s32 @!p0 $0x1C03  }
0x26c: {  	[timem:s3], [sflag:s2] =	dma.local @!p0 [hbm:s0], s1  }
0x26d: {  	s0 =	simm.s32 @!p0 $0x3  }
0x26e: {  	_ =	swait.ge @!p0 [sflag:s0], s1  }
0x26f: {  	s1 =	ssub.s32 @!p0 $0x0, s1;
	[sflag:s0] =	ssyncset.done @!p0 $0x0  }
0x270: {  	[sflag:s0] =	ssyncadd.s32 @!p0 s1  }
0x271: {  	[bflag:$0x3] =	sbarrier.arrive $0xFFFF  }
0x272: {  	_ =	shalt  }

// kernel: kernel.9.cloned.1.call-start
scs
__scs_entry_jumppad:
0x0: {  	(pc) =	sbr.rel $0x88, $3  }
0x1: {  	(tag) =	ssettag $0x0;
	lr =	simm.s32 $0x1  }
0x2: {  	[smem:$0x3F8F] =	sst lr;
	_ =	strace $0xD0000000  }
0x3: {  	_ = 	snop  }
0x4: {  	_ = 	snop  }
0x5: {  	_ = 	snop  }
0x6: {  	_ = 	snop  }
0x7: {  	_ = 	snop  }
__scs_overlays_trampoline_lowered:
0x8: {  	[smem:$0x3F9E] =	sst s0  }
0x9: {  	[smem:$0x3F9F] =	sst s1  }
0xa: {  	[smem:$0x3FA0] =	sst s2  }
0xb: {  	[smem:$0x3FA1] =	sst s3  }
0xc: {  	[smem:$0x3FA2] =	sst s4  }
0xd: {  	[smem:$0x3FA3] =	sst s5  }
0xe: {  	[smem:$0x3FA4] =	sst s6  }
0xf: {  	[smem:$0x3FA5] =	sst s7  }
0x10: {  	[smem:$0x3FA6] =	sst s8  }
0x11: {  	[smem:$0x3FA7] =	sst s9;
	s0 =	simm.s32 @!p0 $0x0  }
0x12: {  	s1 =	sld [smem:$0x3F8D];
	s0 =	simm.s32 @p0 $0x1  }
0x13: {  	[smem:$0x3FA8] =	sst s0;
	s0 =	simm.s32 @!p1 $0x0  }
0x14: {  	s2 =	sld [smem:$0x3F8C];
	s0 =	simm.s32 @p1 $0x1  }
0x15: {  	[smem:$0x3FA9] =	sst s0;
	s0 =	simm.s32 @!p2 $0x0  }
0x16: {  	s3 =	sld [smem:$0x3FDB];
	s0 =	simm.s32 @p2 $0x1  }
0x17: {  	s4 =	simm.s32 $0x1BF5;
	[smem:$0x3FAB] =	sst s0  }
0x18: {  	s0 =	sld [smem:$0x3F8E];
	_ =	swait.ge [sflag:s4], $0x0  }
0x19: {  	s7 =	sld [smem:$0x3F8F]  }
0x1a: {  	s8 =	sadd.s32 $0xFFFFE003, lr  }
0x1b: {  	s9 =	sadd.s32 $0xFFFFFEF7, lr;
	s5 =	simm.s32 $0xFFFFFFFF;
	p2 =	slt.u32 s8, $0xFFFFF086  }
0x1c: {  	p1 =	slt.u32 s9, $0xF7A;
	s5 =	simm.s32 @!p2 $0x0  }
0x1d: {  	s5 =	simm.s32 @p1 $0x1;
	p0 =	seq.s32 s7, s2  }
0x1e: {  	s7 =	smul.u32 @!p0 $0xF7A, s2;
	p2 =	seq.s32 @!p0 s5, $0x0  }
0x1f: {  	s9 =	smul.u32 $0xF7A, s1;
	s8 =	simm.s32 @!p0 $0x1BF5;
	p2 =	por !p2, p0  }
0x20: {  	[sflag:s8] =	ssyncset.s32 @!p0 $0xFFFFF086;
	s6 =	sadd.s32 @!p0 s3, s7;
	s7 =	simm.s32 @!p0 $0x108  }
0x21: {  	s3 =	sadd.s32 s3, s9;
	s6 =	sadd.s32 @!p0 $0x88, s6;
	s7 =	simm.s32 @p2 $0x1082  }
0x22: {  	[simem:s7], [sflag:s8] =	dma.local @!p0 [hbm:s6], $0xF7A  }
0x23: {  	s9 =	sor.u32 $0xD0000000, s2;
	s6 =	simm.s32 $0x108;
	_ =	swait.ge @!p0 [sflag:s8], $0x0  }
0x24: {  	s3 =	sadd.s32 $0x88, s3;
	s6 =	simm.s32 @!p1 $0x1082;
	[sflag:s4] =	ssyncset.s32 $0xFFFFF086  }
0x25: {  	[simem:s6], [sflag:s4] =	dma.local [hbm:s3], $0xF7A  }
0x26: {  	[smem:$0x3F8F] =	sst s1;
	(tag) =	ssettag s2;
	_ =	strace s9  }
0x27: {  	s1 =	sld [smem:$0x3F9F]  }
0x28: {  	s2 =	sld [smem:$0x3FA0]  }
0x29: {  	s4 =	sld [smem:$0x3FA2]  }
0x2a: {  	p0 =	seq.s32 s5, $0x0;
	s5 =	sld [smem:$0x3FA3]  }
0x2b: {  	s6 =	sld [smem:$0x3FA4]  }
0x2c: {  	s7 =	sld [smem:$0x3FA5]  }
0x2d: {  	s3 =	simm.s32 $0x108;
	s8 =	sld [smem:$0x3FA6]  }
0x2e: {  	s3 =	simm.s32 @!p0 $0x1082;
	s9 =	sld [smem:$0x3FA7]  }
0x2f: {  	lr =	sadd.s32 s0, s3;
	s0 =	sld [smem:$0x3F9E]  }
0x30: {  	s3 =	sld [smem:$0x3FA1]  }
0x31: {  	[smem:$0x3FAA] =	sst s10  }
0x32: {  	s10 =	sld [smem:$0x3FA8];
	_ =	sdelay $0x3  }
0x33: {  	p0 =	seq.s32 s10, $0x1;
	s10 =	sld [smem:$0x3FAA];
	_ =	sdelay $0x3  }
0x34: {  	[smem:$0x3FAA] =	sst s10  }
0x35: {  	s10 =	sld [smem:$0x3FA9];
	_ =	sdelay $0x3  }
0x36: {  	p1 =	seq.s32 s10, $0x1;
	s10 =	sld [smem:$0x3FAA];
	_ =	sdelay $0x3  }
0x37: {  	[smem:$0x3FAA] =	sst s10  }
0x38: {  	s10 =	sld [smem:$0x3FAB]  }
0x39: {  	_ = 	snop;
	(pc) =	sbr.ind lr, $3  }
0x3a: {  	_ = 	snop  }
0x3b: {  	_ = 	snop  }
0x3c: {  	p2 =	seq.s32 s10, $0x1;
	s10 =	sld [smem:$0x3FAA]  }
0x3d: {  	_ =	shalt  }
0x3e: {  	_ =	shalt  }
0x3f: {  	_ =	shalt  }
0x40: {  	_ =	shalt  }
0x41: {  	_ =	shalt  }
0x42: {  	_ =	shalt  }
0x43: {  	_ =	shalt  }
0x44: {  	_ =	shalt  }
0x45: {  	_ =	shalt  }
0x46: {  	_ =	shalt  }
0x47: {  	_ =	shalt  }
0x48: {  	_ =	shalt  }
0x49: {  	_ =	shalt  }
0x4a: {  	_ =	shalt  }
0x4b: {  	_ =	shalt  }
0x4c: {  	_ =	shalt  }
0x4d: {  	_ =	shalt  }
0x4e: {  	_ =	shalt  }
0x4f: {  	_ =	shalt  }
0x50: {  	_ =	shalt  }
0x51: {  	_ =	shalt  }
0x52: {  	_ =	shalt  }
0x53: {  	_ =	shalt  }
0x54: {  	_ =	shalt  }
0x55: {  	_ =	shalt  }
0x56: {  	_ =	shalt  }
0x57: {  	_ =	shalt  }
0x58: {  	_ =	shalt  }
0x59: {  	_ =	shalt  }
0x5a: {  	_ =	shalt  }
0x5b: {  	_ =	shalt  }
0x5c: {  	_ =	shalt  }
0x5d: {  	_ =	shalt  }
0x5e: {  	_ =	shalt  }
0x5f: {  	_ =	shalt  }
0x60: {  	_ =	shalt  }
0x61: {  	_ =	shalt  }
0x62: {  	_ =	shalt  }
0x63: {  	_ =	shalt  }
0x64: {  	_ =	shalt  }
0x65: {  	_ =	shalt  }
0x66: {  	_ =	shalt  }
0x67: {  	_ =	shalt  }
0x68: {  	_ =	shalt  }
0x69: {  	_ =	shalt  }
0x6a: {  	_ =	shalt  }
0x6b: {  	_ =	shalt  }
0x6c: {  	_ =	shalt  }
0x6d: {  	_ =	shalt  }
0x6e: {  	_ =	shalt  }
0x6f: {  	_ =	shalt  }
0x70: {  	_ =	shalt  }
0x71: {  	_ =	shalt  }
0x72: {  	_ =	shalt  }
0x73: {  	_ =	shalt  }
0x74: {  	_ =	shalt  }
0x75: {  	_ =	shalt  }
0x76: {  	_ =	shalt  }
0x77: {  	_ =	shalt  }
0x78: {  	_ =	shalt  }
0x79: {  	_ =	shalt  }
0x7a: {  	_ =	shalt  }
0x7b: {  	_ =	shalt  }
0x7c: {  	_ =	shalt  }
0x7d: {  	_ =	shalt  }
0x7e: {  	_ =	shalt  }
0x7f: {  	_ =	shalt  }
0x80: {  	_ =	shalt  }
0x81: {  	_ =	shalt  }
0x82: {  	_ =	shalt  }
0x83: {  	_ =	shalt  }
0x84: {  	_ =	shalt  }
0x85: {  	_ =	shalt  }
0x86: {  	_ =	shalt  }
0x87: {  	_ =	shalt  }
.Lfunc_end0:
.L_simem_size_0:
called_computation.1_lowered:
.L_overlay_start_0:
0x88: {  	s2 =	sld [smem:$0x3FD9]  }
0x89: {  	s3 =	sld [smem:$0x3FFE];
	_ =	sdelay $0x1  }
0x8a: {  	s1 =	srdreg.scid  }
0x8b: {  	s0 =	sand.u32 $0x1, s1  }
0x8c: {  	s16 =	sshll.u32 s0, $0xA;
	s2 =	sadd.s32 s3, s2  }
0x8d: {  	s2 =	sadd.s32 s2, s16  }
0x8e: {  	[smem:$0x3FB6] =	sst s2  }
0x8f: {  	_ = 	snop  }
0x90: {  	(tm) =	ssettm $0x1  }
0x91: {  	s17 =	sld [smem:$0x3FFB];
	_ =	sdelay $0x3  }
0x92: {  	_ =	strace s17  }
0x93: {  	s2 =	sld [smem:$0x3FFC];
	_ =	sdelay $0x3  }
0x94: {  	_ =	strace s2  }
0x95: {  	s2 =	sld [smem:$0x3FFD];
	_ =	sdelay $0x3  }
0x96: {  	_ =	strace s2  }
0x97: {  	_ =	strace $0x8FFFFFFF  }
0x98: {  	s18 =	sld [smem:$0x3FDB];
	_ =	sdelay $0x1  }
0x99: {  	s19 =	simm.s32 $_scs_section_size  }
0x9a: {  	s4 =	simm.s32 $_size__tile_overlayer_lowered;
	s5 =	simm.s32 $_tile_overlayer_lowered  }
0x9b: {  	s22 =	simm.s32 $0x1BFF;
	s21 =	sshll.u32 s5, $0x1;
	s2 =	sadd.s32 s19, s18  }
0x9c: {  	s6 =	simm.s32 $0x0;
	s20 =	sshll.u32 s4, $0x1;
	s4 =	sadd.s32 s21, s2  }
0x9d: {  	[timem:s6], [sflag:s22] =	dma.local [hbm:s4], s20  }
0x9e: {  	_ =	swait.ge [sflag:s22], s20  }
0x9f: {  	s3 =	ssub.s32 $0x0, s20;
	[sflag:s22] =	ssyncset.done $0x0  }
0xa0: {  	[sflag:s22] =	ssyncadd.s32 s3;
	_ =	sdelay $0x1  }
0xa1: {  	s23 =	simm.s32 $0x1B8B  }
0xa2: {  	_ =	swait.ge [sflag:s23], $0x1  }
0xa3: {  	[sflag:s23] =	ssyncset.done $0x0  }
0xa4: {  	s25 =	simm.s32 $0x1B8E;
	s24 =	sld [smem:$0x3FFE];
	[sflag:s23] =	ssyncadd.s32 $0xFFFFFFFF  }
0xa5: {  	s26 =	simm.s32 $execute0_lowered;
	[smem:$0x3FD2] =	sst s25  }
0xa6: {  	s4 =	sshll.u32 s26, $0x1;
	_ =	strace $0x80000049;
	[dreg:$0x1] =	wrdreg $0xFFFFFFFF  }
0xa7: {  	s28 =	simm.s32 $_size_execute0_lowered;
	s2 =	sadd.s32 s2, s4;
	[dreg:$0x0] =	wrdreg $0x0  }
0xa8: {  	s4 =	sshll.u32 s28, $0x1;
	[dreg:$0x2] =	wrdreg s2  }
0xa9: {  	[dreg:$0x3] =	wrdreg s4  }
0xaa: {  	[dreg:$0x4] =	wrdreg $0xC0  }
0xab: {  	_ =	task [dreg:s6], $0x5FFFF  }
0xac: {  	[dreg:$0x1] =	wrdreg $0xFFFFFFFF  }
0xad: {  	[dreg:$0x0] =	wrdreg $0x60  }
0xae: {  	[dreg:$0x2] =	wrdreg s24  }
0xaf: {  	[dreg:$0x3] =	wrdreg $0xE9800  }
0xb0: {  	[dreg:$0x4] =	wrdreg $0x9  }
0xb1: {  	_ =	task.clear_ibuf [dreg:s6], $0x5FFFF;
	_ =	strace $0x90000049  }
0xb2: {  	s29 =	simm.s32 $0x9;
	_ =	strace $0x8000004B  }
0xb3: {  	_ =	swait.ge [sflag:s29], $0x1  }
0xb4: {  	[sflag:s29] =	ssyncadd.s32 $0xFFFFFFFF  }
0xb5: {  	_ =	strace $0x9000004B  }
0xb6: {  	_ =	sfence  }
0xb7: {  	s30 =	sld [smem:$0x0];
	_ =	sdelay $0x2  }
0xb8: {  	s31 =	sshll.u32 s1, $0xD;
	s1 =	sshrl.u32 s1, $0x2  }
0xb9: {  	s3 =	sand.u32 $0x4000, s31;
	s1 =	sadd.s32 s1, s30  }
0xba: {  	s0 =	sor.u32 s3, s0;
	s1 =	sshll.u32 s1, $0x11  }
0xbb: {  	s0 =	sor.u32 s1, s0  }
0xbc: {  	s0 =	sadd.s32 $0x8F2B, s0  }
0xbd: {  	[sflag:s0] =	ssyncadd.remote.s32 $0x1  }
0xbe: {  	_ =	sfence.sel $0xFFFF  }
0xbf: {  	[dreg:$0x0] =	wrdreg $0xFFFFFFFF;
	(pc) =	sbr.abs _section_cstart, $3  }
0xc0: {  	[dreg:$0x1] =	wrdreg $0xFFFFFFFF  }
0xc1: {  	_ =	task.clear_ibuf [dreg:s6], $0x2FFFF;
	_ =	strace $0x9FFFFFFF  }
0xc2: {  	(tm) =	ssettm $0x7FFFFFFF  }
0xc3: {  	_ =	shalt  }
tec
execute0_lowered:
.L_overlay_start_1:
0x0: {  	(tag) =	ssettag $0x1  }
0x1: {  	s0 =	rddreg [dreg:$0x0]  }
0x2: {  	s2 =	rddreg [dreg:$0x1]  }
0x3: {  	s1 =	srdreg.scid;
	s7 =	stileid.u32  }
0x4: {  	s3 =	simm.s32 $0x0;
	s10 =	simm.s32 $0x3;
	s11 =	simm.s32 $0x80  }
0x5: {  	s17 =	simm.s32 $0x1600;
	s15 =	simm.s32 $0x1E00;
	s19 =	simm.s32 $0x2600  }
0x6: {  	s21 =	simm.s32 $0x2E00;
	s28 =	simm.s32 $0x4600;
	s30 =	simm.s32 $0x4E00  }
0x7: {  	s14 =	simm.s32 $0x5E00;
	s18 =	simm.s32 $0x6600;
	s22 =	simm.s32 $0x6E00  }
0x8: {  	s31 =	simm.s32 $0x7E00;
	s16 =	simm.s32 $0x8600;
	s29 =	simm.s32 $0x9E00  }
0x9: {  	s20 =	simm.s32 $0xA600;
	s12 =	simm.s32 $0x1;
	s13 =	simm.s32 $0x0  }
0xa: {  	s1 =	sand.u32 $0x1, s1;
	s5 =	smul.u32 $0x2380, s7;
	[smem:$0x7FF] =	sst s3  }
0xb: {  	s3 =	simm.s32 $0xBE00;
	s4 =	sshll.u32 s1, $0x4;
	s6 =	smul.u32 $0x23800, s1  }
0xc: {  	_ =	strace $0x8000004A;
	s1 =	ssub.s32 $0x2, s1;
	s4 =	sor.u32 s7, s4  }
0xd: {  	s8 =	sshrl.u32 s1, $0x1;
	s25 =	sadd.s32 s5, s2;
	s7 =	smul.u32 $0x160, s4  }
0xe: {  	s6 =	sadd.s32 s5, s6;
	s4 =	sadd.s32 $0x36E00, s0;
	s1 =	ssub.s32 s1, s8  }
0xf: {  	[dreg:$0x7] =	wrdreg s25;
	s25 =	simm.s32 $0x3E00;
	s5 =	simm.s32 $0xAE00  }
0x10: {  	s8 =	simm.s32 $0x2;
	s26 =	smax.u32 s1, $0x1;
	s7 =	sadd.s32 s7, s0  }
0x11: {  	s6 =	sshrl.u32 s6, $0x3;
	[dreg:$0x6] =	wrdreg s26;
	s23 =	sadd.s32 $0x6AA00, s7  }
0x12: {  	s0 =	sadd.s32 s6, s0;
	s24 =	sadd.s32 $0x67E00, s7;
	[dreg:$0x3] =	wrdreg s23  }
0x13: {  	s1 =	simm.s32 $0x9600;
	s0 =	sadd.s32 $0x2C00, s0;
	[dreg:$0x4] =	wrdreg s24  }
0x14: {  	s26 =	simm.s32 $0x7600;
	s6 =	simm.s32 $0xB600;
	[dreg:$0x5] =	wrdreg s0  }
0x15: {  	v0 =	vimm.f32 $0.0e+00;
	s23 =	simm.s32 $0x3600;
	s0 =	simm.s32 $0x5600;
	s24 =	simm.s32 $0x8E00  }
.LBB2_1:
0x16: {  	s9 =	rddreg [dreg:$0x3];
	s7 =	simm.s32 $0x0  }
0x17: {  	[tilespmem:s7], [sflag:$0x3] =	stream.linear.gather [hbm4b:s9+s7], $0xB00, $0x38;
	[tilespmem:$0x10D00] =	vst v63  }
0x18: {  	_ =	swait.ge [sflag:s10], $0xB00  }
0x19: {  	[sflag:s10] =	ssyncset.done $0x0  }
0x1a: {  	[sflag:s10] =	ssyncadd.s32 $0xFFFFF500  }
0x1b: {  	[tilespmem:s17], [sflag:$0x1] =	stream.indirect.gather [hbm4b:s4+s11], $0x10, s7, s11, $0xb8;
	[tilespmem:$0x10D00] =	vst v63  }
0x1c: {  	_ = 	snop  }
0x1d: {  	[tilespmem:s15], [sflag:$0x1] =	stream.indirect.gather [hbm4b:s4+s11], $0x10, s11, s11, $0xb8;
	[tilespmem:$0x10D00] =	vst v63  }
0x1e: {  	s15 =	simm.s32 $0x100  }
0x1f: {  	[tilespmem:s19], [sflag:$0x1] =	stream.indirect.gather [hbm4b:s4+s11], $0x10, s15, s11, $0xb8;
	[tilespmem:$0x10D00] =	vst v63  }
0x20: {  	s19 =	simm.s32 $0x180  }
0x21: {  	[tilespmem:s21], [sflag:$0x1] =	stream.indirect.gather [hbm4b:s4+s11], $0x10, s19, s11, $0xb8;
	[tilespmem:$0x10D00] =	vst v63  }
0x22: {  	s21 =	simm.s32 $0x200  }
0x23: {  	[tilespmem:s23], [sflag:$0x1] =	stream.indirect.gather [hbm4b:s4+s11], $0x10, s21, s11, $0xb8;
	[tilespmem:$0x10D00] =	vst v63  }
0x24: {  	s23 =	simm.s32 $0x280  }
0x25: {  	[tilespmem:s25], [sflag:$0x1] =	stream.indirect.gather [hbm4b:s4+s11], $0x10, s23, s11, $0xb8;
	[tilespmem:$0x10D00] =	vst v63  }
0x26: {  	s25 =	simm.s32 $0x300  }
0x27: {  	[tilespmem:s28], [sflag:$0x1] =	stream.indirect.gather [hbm4b:s4+s11], $0x10, s25, s11, $0xb8;
	[tilespmem:$0x10D00] =	vst v63  }
0x28: {  	s28 =	simm.s32 $0x380  }
0x29: {  	[tilespmem:s30], [sflag:$0x1] =	stream.indirect.gather [hbm4b:s4+s11], $0x10, s28, s11, $0xb8;
	[tilespmem:$0x10D00] =	vst v63  }
0x2a: {  	s30 =	simm.s32 $0x400  }
0x2b: {  	[tilespmem:s0], [sflag:$0x1] =	stream.indirect.gather [hbm4b:s4+s11], $0x10, s30, s11, $0xb8;
	[tilespmem:$0x10D00] =	vst v63  }
0x2c: {  	s9 =	simm.s32 $0x480  }
0x2d: {  	[tilespmem:s14], [sflag:$0x1] =	stream.indirect.gather [hbm4b:s4+s11], $0x10, s9, s11, $0xb8;
	[tilespmem:$0x10D00] =	vst v63  }
0x2e: {  	s14 =	simm.s32 $0x500  }
0x2f: {  	[tilespmem:s18], [sflag:$0x1] =	stream.indirect.gather [hbm4b:s4+s11], $0x10, s14, s11, $0xb8;
	[tilespmem:$0x10D00] =	vst v63  }
0x30: {  	s15 =	simm.s32 $0x580  }
0x31: {  	[tilespmem:s22], [sflag:$0x1] =	stream.indirect.gather [hbm4b:s4+s11], $0x10, s15, s11, $0xb8;
	[tilespmem:$0x10D00] =	vst v63  }
0x32: {  	s18 =	simm.s32 $0x600  }
0x33: {  	[tilespmem:s26], [sflag:$0x1] =	stream.indirect.gather [hbm4b:s4+s11], $0x10, s18, s11, $0xb8;
	[tilespmem:$0x10D00] =	vst v63  }
0x34: {  	s19 =	simm.s32 $0x680  }
0x35: {  	[tilespmem:s31], [sflag:$0x1] =	stream.indirect.gather [hbm4b:s4+s11], $0x10, s19, s11, $0xb8;
	[tilespmem:$0x10D00] =	vst v63  }
0x36: {  	s21 =	simm.s32 $0x700  }
0x37: {  	[tilespmem:s16], [sflag:$0x1] =	stream.indirect.gather [hbm4b:s4+s11], $0x10, s21, s11, $0xb8;
	[tilespmem:$0x10D00] =	vst v63  }
0x38: {  	s22 =	simm.s32 $0x780  }
0x39: {  	[tilespmem:s24], [sflag:$0x1] =	stream.indirect.gather [hbm4b:s4+s11], $0x10, s22, s11, $0xb8;
	[tilespmem:$0x10D00] =	vst v63  }
0x3a: {  	s23 =	simm.s32 $0x800  }
0x3b: {  	[tilespmem:s1], [sflag:$0x1] =	stream.indirect.gather [hbm4b:s4+s11], $0x10, s23, s11, $0xb8;
	[tilespmem:$0x10D00] =	vst v63  }
0x3c: {  	s24 =	simm.s32 $0x880  }
0x3d: {  	[tilespmem:s29], [sflag:$0x1] =	stream.indirect.gather [hbm4b:s4+s11], $0x10, s24, s11, $0xb8;
	[tilespmem:$0x10D00] =	vst v63  }
0x3e: {  	s25 =	simm.s32 $0x900  }
0x3f: {  	[tilespmem:s20], [sflag:$0x1] =	stream.indirect.gather [hbm4b:s4+s11], $0x10, s25, s11, $0xb8;
	[tilespmem:$0x10D00] =	vst v63  }
0x40: {  	s26 =	simm.s32 $0x980  }
0x41: {  	[tilespmem:s5], [sflag:$0x1] =	stream.indirect.gather [hbm4b:s4+s11], $0x10, s26, s11, $0xb8;
	[tilespmem:$0x10D00] =	vst v63  }
0x42: {  	s28 =	simm.s32 $0xA00  }
0x43: {  	[tilespmem:s6], [sflag:$0x1] =	stream.indirect.gather [hbm4b:s4+s11], $0x10, s28, s11, $0xb8;
	[tilespmem:$0x10D00] =	vst v63  }
0x44: {  	s29 =	simm.s32 $0xA80  }
0x45: {  	[tilespmem:s3], [sflag:$0x1] =	stream.indirect.gather [hbm4b:s4+s11], $0x10, s29, s11, $0xb8;
	[tilespmem:$0x10D00] =	vst v63  }
0x46: {  	s30 =	rddreg [dreg:$0x4];
	s31 =	simm.s32 $0xB00  }
0x47: {  	[tilespmem:s31], [sflag:$0x3] =	stream.linear.gather [hbm4b:s30+s7], $0xB00, $0x38;
	[tilespmem:$0x10D00] =	vst v63  }
0x48: {  	_ =	swait.ge [sflag:s10], $0xB00  }
0x49: {  	s0 =	simm.s32 $0xB00;
	s9 =	simm.s32 $0x40;
	[sflag:s10] =	ssyncset.done $0x0  }
0x4a: {  	s15 =	simm.s32 $0x0;
	s1 =	simm.s32 $0x3;
	[sflag:s10] =	ssyncadd.s32 $0xFFFFF500  }
.LBB2_2:
0x4b: {  	p0 =	sne.s32 s9, $0x8DC0;
	[tilespmem:s15+$0xC600] =	vst v0;
	s15 =	smov.u32 s9;
	s9 =	sadd.s32 $0x40, s9  }
.Ltmp0:
0x4c: {  	(pc) =	sbr.rel @p0 .LBB2_2-.Ltmp0, $2  }
0x4d: {  	_ =	sdelay $0x2  }
0x4e: {  	s15 =	sshra.s32 s15, $0x2  }
0x4f: {  	[tilespmem:s15+$0xC600] =	vst v0;
	s7 =	rddreg [dreg:$0x7];
	s3 =	simm.s32 $0xC600  }
0x50: {  	[spmem:s7] =	stream.linear.scatter [tilespmem:s3], [sflag:$0x3], $0x2380, $0x38;
	[tilespmem:$0x10D00] =	vst v63  }
0x51: {  	_ =	swait.ge [sflag:s1], $0x2380  }
0x52: {  	[sflag:s1] =	ssyncset.done $0x0  }
0x53: {  	[sflag:s1] =	ssyncadd.s32 $0xFFFFDC80  }
0x54: {  	[bflag:$0x0] =	sbarrier.arrive $0xFFFF  }
0x55: {  	_ =	swait.ge [sflag:s12], $0x800  }
0x56: {  	[sflag:s12] =	ssyncset.done $0x0  }
0x57: {  	[sflag:s12] =	ssyncadd.s32 $0xFFFFF800  }
0x58: {  	[spmem:s2] =	stream.indirect.scatter.add.f32 [tilespmem:s17], [sflag:$0x2], $0x10, s0, s11, $0xb8;
	[tilespmem:$0x10D00] =	vst v63  }
0x59: {  	_ =	swait.ge [sflag:s12], $0x800  }
0x5a: {  	[sflag:s12] =	ssyncset.done $0x0  }
0x5b: {  	s9 =	simm.s32 $0x1E00;
	s15 =	simm.s32 $0xB80;
	[sflag:s12] =	ssyncadd.s32 $0xFFFFF800  }
0x5c: {  	[spmem:s2] =	stream.indirect.scatter.add.f32 [tilespmem:s9], [sflag:$0x2], $0x10, s15, s11, $0xb8;
	[tilespmem:$0x10D00] =	vst v63  }
0x5d: {  	_ =	swait.ge [sflag:s12], $0x800  }
0x5e: {  	[sflag:s12] =	ssyncset.done $0x0  }
0x5f: {  	s19 =	simm.s32 $0x2600;
	s16 =	simm.s32 $0xC00;
	[sflag:s12] =	ssyncadd.s32 $0xFFFFF800  }
0x60: {  	[spmem:s2] =	stream.indirect.scatter.add.f32 [tilespmem:s19], [sflag:$0x2], $0x10, s16, s11, $0xb8;
	[tilespmem:$0x10D00] =	vst v63  }
0x61: {  	_ =	swait.ge [sflag:s12], $0x800  }
0x62: {  	[sflag:s12] =	ssyncset.done $0x0  }
0x63: {  	s21 =	simm.s32 $0x2E00;
	s17 =	simm.s32 $0xC80;
	[sflag:s12] =	ssyncadd.s32 $0xFFFFF800  }
0x64: {  	[spmem:s2] =	stream.indirect.scatter.add.f32 [tilespmem:s21], [sflag:$0x2], $0x10, s17, s11, $0xb8;
	[tilespmem:$0x10D00] =	vst v63  }
0x65: {  	_ =	swait.ge [sflag:s12], $0x800  }
0x66: {  	[sflag:s12] =	ssyncset.done $0x0  }
0x67: {  	s23 =	simm.s32 $0x3600;
	s18 =	simm.s32 $0xD00;
	[sflag:s12] =	ssyncadd.s32 $0xFFFFF800  }
0x68: {  	[spmem:s2] =	stream.indirect.scatter.add.f32 [tilespmem:s23], [sflag:$0x2], $0x10, s18, s11, $0xb8;
	[tilespmem:$0x10D00] =	vst v63  }
0x69: {  	_ =	swait.ge [sflag:s12], $0x800  }
0x6a: {  	[sflag:s12] =	ssyncset.done $0x0  }
0x6b: {  	s25 =	simm.s32 $0x3E00;
	s20 =	simm.s32 $0xD80;
	[sflag:s12] =	ssyncadd.s32 $0xFFFFF800  }
0x6c: {  	[spmem:s2] =	stream.indirect.scatter.add.f32 [tilespmem:s25], [sflag:$0x2], $0x10, s20, s11, $0xb8;
	[tilespmem:$0x10D00] =	vst v63  }
0x6d: {  	_ =	swait.ge [sflag:s12], $0x800  }
0x6e: {  	[sflag:s12] =	ssyncset.done $0x0  }
0x6f: {  	s28 =	simm.s32 $0x4600;
	s22 =	simm.s32 $0xE00;
	[sflag:s12] =	ssyncadd.s32 $0xFFFFF800  }
0x70: {  	[spmem:s2] =	stream.indirect.scatter.add.f32 [tilespmem:s28], [sflag:$0x2], $0x10, s22, s11, $0xb8;
	[tilespmem:$0x10D00] =	vst v63  }
0x71: {  	_ =	swait.ge [sflag:s12], $0x800  }
0x72: {  	[sflag:s12] =	ssyncset.done $0x0  }
0x73: {  	s30 =	simm.s32 $0x4E00;
	s24 =	simm.s32 $0xE80;
	[sflag:s12] =	ssyncadd.s32 $0xFFFFF800  }
0x74: {  	[spmem:s2] =	stream.indirect.scatter.add.f32 [tilespmem:s30], [sflag:$0x2], $0x10, s24, s11, $0xb8;
	[tilespmem:$0x10D00] =	vst v63  }
0x75: {  	_ =	swait.ge [sflag:s12], $0x800  }
0x76: {  	[sflag:s12] =	ssyncset.done $0x0  }
0x77: {  	s26 =	simm.s32 $0xF00;
	s0 =	simm.s32 $0x5600;
	[sflag:s12] =	ssyncadd.s32 $0xFFFFF800  }
0x78: {  	[spmem:s2] =	stream.indirect.scatter.add.f32 [tilespmem:s0], [sflag:$0x2], $0x10, s26, s11, $0xb8;
	[tilespmem:$0x10D00] =	vst v63  }
0x79: {  	_ =	swait.ge [sflag:s12], $0x800  }
0x7a: {  	[sflag:s12] =	ssyncset.done $0x0  }
0x7b: {  	s14 =	simm.s32 $0x5E00;
	s3 =	simm.s32 $0xF80;
	[sflag:s12] =	ssyncadd.s32 $0xFFFFF800  }
0x7c: {  	[spmem:s2] =	stream.indirect.scatter.add.f32 [tilespmem:s14], [sflag:$0x2], $0x10, s3, s11, $0xb8;
	[tilespmem:$0x10D00] =	vst v63  }
0x7d: {  	_ =	swait.ge [sflag:s12], $0x800  }
0x7e: {  	[sflag:s12] =	ssyncset.done $0x0  }
0x7f: {  	s5 =	simm.s32 $0x1000;
	s18 =	simm.s32 $0x6600;
	[sflag:s12] =	ssyncadd.s32 $0xFFFFF800  }
0x80: {  	[spmem:s2] =	stream.indirect.scatter.add.f32 [tilespmem:s18], [sflag:$0x2], $0x10, s5, s11, $0xb8;
	[tilespmem:$0x10D00] =	vst v63  }
0x81: {  	_ =	swait.ge [sflag:s12], $0x800  }
0x82: {  	[sflag:s12] =	ssyncset.done $0x0  }
0x83: {  	s6 =	simm.s32 $0x1080;
	s22 =	simm.s32 $0x6E00;
	[sflag:s12] =	ssyncadd.s32 $0xFFFFF800  }
0x84: {  	[spmem:s2] =	stream.indirect.scatter.add.f32 [tilespmem:s22], [sflag:$0x2], $0x10, s6, s11, $0xb8;
	[tilespmem:$0x10D00] =	vst v63  }
0x85: {  	_ =	swait.ge [sflag:s12], $0x800  }
0x86: {  	[sflag:s12] =	ssyncset.done $0x0  }
0x87: {  	s9 =	simm.s32 $0x1100;
	s26 =	simm.s32 $0x7600;
	[sflag:s12] =	ssyncadd.s32 $0xFFFFF800  }
0x88: {  	[spmem:s2] =	stream.indirect.scatter.add.f32 [tilespmem:s26], [sflag:$0x2], $0x10, s9, s11, $0xb8;
	[tilespmem:$0x10D00] =	vst v63  }
0x89: {  	_ =	swait.ge [sflag:s12], $0x800  }
0x8a: {  	[sflag:s12] =	ssyncset.done $0x0  }
0x8b: {  	s31 =	simm.s32 $0x7E00;
	s10 =	simm.s32 $0x1180;
	[sflag:s12] =	ssyncadd.s32 $0xFFFFF800  }
0x8c: {  	[spmem:s2] =	stream.indirect.scatter.add.f32 [tilespmem:s31], [sflag:$0x2], $0x10, s10, s11, $0xb8;
	[tilespmem:$0x10D00] =	vst v63  }
0x8d: {  	_ =	swait.ge [sflag:s12], $0x800  }
0x8e: {  	[sflag:s12] =	ssyncset.done $0x0  }
0x8f: {  	s15 =	simm.s32 $0x1200;
	s16 =	simm.s32 $0x8600;
	[sflag:s12] =	ssyncadd.s32 $0xFFFFF800  }
0x90: {  	[spmem:s2] =	stream.indirect.scatter.add.f32 [tilespmem:s16], [sflag:$0x2], $0x10, s15, s11, $0xb8;
	[tilespmem:$0x10D00] =	vst v63  }
0x91: {  	_ =	swait.ge [sflag:s12], $0x800  }
0x92: {  	[sflag:s12] =	ssyncset.done $0x0  }
0x93: {  	s17 =	simm.s32 $0x1280;
	s24 =	simm.s32 $0x8E00;
	[sflag:s12] =	ssyncadd.s32 $0xFFFFF800  }
0x94: {  	[spmem:s2] =	stream.indirect.scatter.add.f32 [tilespmem:s24], [sflag:$0x2], $0x10, s17, s11, $0xb8;
	[tilespmem:$0x10D00] =	vst v63  }
0x95: {  	_ =	swait.ge [sflag:s12], $0x800  }
0x96: {  	[sflag:s12] =	ssyncset.done $0x0  }
0x97: {  	s1 =	simm.s32 $0x9600;
	s20 =	simm.s32 $0x1300;
	[sflag:s12] =	ssyncadd.s32 $0xFFFFF800  }
0x98: {  	[spmem:s2] =	stream.indirect.scatter.add.f32 [tilespmem:s1], [sflag:$0x2], $0x10, s20, s11, $0xb8;
	[tilespmem:$0x10D00] =	vst v63  }
0x99: {  	_ =	swait.ge [sflag:s12], $0x800  }
0x9a: {  	[sflag:s12] =	ssyncset.done $0x0  }
0x9b: {  	s29 =	simm.s32 $0x9E00;
	s5 =	simm.s32 $0x1380;
	[sflag:s12] =	ssyncadd.s32 $0xFFFFF800  }
0x9c: {  	[spmem:s2] =	stream.indirect.scatter.add.f32 [tilespmem:s29], [sflag:$0x2], $0x10, s5, s11, $0xb8;
	[tilespmem:$0x10D00] =	vst v63  }
0x9d: {  	_ =	swait.ge [sflag:s12], $0x800  }
0x9e: {  	[sflag:s12] =	ssyncset.done $0x0  }
0x9f: {  	s6 =	simm.s32 $0x1400;
	s20 =	simm.s32 $0xA600;
	[sflag:s12] =	ssyncadd.s32 $0xFFFFF800  }
0xa0: {  	[spmem:s2] =	stream.indirect.scatter.add.f32 [tilespmem:s20], [sflag:$0x2], $0x10, s6, s11, $0xb8;
	[tilespmem:$0x10D00] =	vst v63  }
0xa1: {  	_ =	swait.ge [sflag:s12], $0x800  }
0xa2: {  	[sflag:s12] =	ssyncset.done $0x0  }
0xa3: {  	s9 =	simm.s32 $0x1480;
	s5 =	simm.s32 $0xAE00;
	[sflag:s12] =	ssyncadd.s32 $0xFFFFF800  }
0xa4: {  	[spmem:s2] =	stream.indirect.scatter.add.f32 [tilespmem:s5], [sflag:$0x2], $0x10, s9, s11, $0xb8;
	[tilespmem:$0x10D00] =	vst v63  }
0xa5: {  	_ =	swait.ge [sflag:s12], $0x800  }
0xa6: {  	[sflag:s12] =	ssyncset.done $0x0  }
0xa7: {  	s15 =	simm.s32 $0x1500;
	s6 =	simm.s32 $0xB600;
	[sflag:s12] =	ssyncadd.s32 $0xFFFFF800  }
0xa8: {  	[spmem:s2] =	stream.indirect.scatter.add.f32 [tilespmem:s6], [sflag:$0x2], $0x10, s15, s11, $0xb8;
	[tilespmem:$0x10D00] =	vst v63  }
0xa9: {  	_ =	swait.ge [sflag:s12], $0x800  }
0xaa: {  	[sflag:s12] =	ssyncset.done $0x0  }
0xab: {  	s3 =	simm.s32 $0xBE00;
	s17 =	simm.s32 $0x1580;
	[sflag:s12] =	ssyncadd.s32 $0xFFFFF800  }
0xac: {  	[spmem:s2] =	stream.indirect.scatter.add.f32 [tilespmem:s3], [sflag:$0x2], $0x10, s17, s11, $0xb8;
	[tilespmem:$0x10D00] =	vst v63  }
0xad: {  	_ =	swait.ge [sflag:s8], $0x800  }
0xae: {  	[sflag:s8] =	ssyncset.done $0x0  }
0xaf: {  	[sflag:s8] =	ssyncadd.s32 $0xFFFFF800  }
0xb0: {  	_ =	swait.ge [sflag:s8], $0x800  }
0xb1: {  	[sflag:s8] =	ssyncset.done $0x0  }
0xb2: {  	[sflag:s8] =	ssyncadd.s32 $0xFFFFF800  }
0xb3: {  	_ =	swait.ge [sflag:s8], $0x800  }
0xb4: {  	[sflag:s8] =	ssyncset.done $0x0  }
0xb5: {  	[sflag:s8] =	ssyncadd.s32 $0xFFFFF800  }
0xb6: {  	_ =	swait.ge [sflag:s8], $0x800  }
0xb7: {  	[sflag:s8] =	ssyncset.done $0x0  }
0xb8: {  	[sflag:s8] =	ssyncadd.s32 $0xFFFFF800  }
0xb9: {  	_ =	swait.ge [sflag:s8], $0x800  }
0xba: {  	[sflag:s8] =	ssyncset.done $0x0  }
0xbb: {  	[sflag:s8] =	ssyncadd.s32 $0xFFFFF800  }
0xbc: {  	_ =	swait.ge [sflag:s8], $0x800  }
0xbd: {  	[sflag:s8] =	ssyncset.done $0x0  }
0xbe: {  	[sflag:s8] =	ssyncadd.s32 $0xFFFFF800  }
0xbf: {  	_ =	swait.ge [sflag:s8], $0x800  }
0xc0: {  	[sflag:s8] =	ssyncset.done $0x0  }
0xc1: {  	[sflag:s8] =	ssyncadd.s32 $0xFFFFF800  }
0xc2: {  	_ =	swait.ge [sflag:s8], $0x800  }
0xc3: {  	[sflag:s8] =	ssyncset.done $0x0  }
0xc4: {  	[sflag:s8] =	ssyncadd.s32 $0xFFFFF800  }
0xc5: {  	_ =	swait.ge [sflag:s8], $0x800  }
0xc6: {  	[sflag:s8] =	ssyncset.done $0x0  }
0xc7: {  	[sflag:s8] =	ssyncadd.s32 $0xFFFFF800  }
0xc8: {  	_ =	swait.ge [sflag:s8], $0x800  }
0xc9: {  	[sflag:s8] =	ssyncset.done $0x0  }
0xca: {  	[sflag:s8] =	ssyncadd.s32 $0xFFFFF800  }
0xcb: {  	_ =	swait.ge [sflag:s8], $0x800  }
0xcc: {  	[sflag:s8] =	ssyncset.done $0x0  }
0xcd: {  	[sflag:s8] =	ssyncadd.s32 $0xFFFFF800  }
0xce: {  	_ =	swait.ge [sflag:s8], $0x800  }
0xcf: {  	[sflag:s8] =	ssyncset.done $0x0  }
0xd0: {  	[sflag:s8] =	ssyncadd.s32 $0xFFFFF800  }
0xd1: {  	_ =	swait.ge [sflag:s8], $0x800  }
0xd2: {  	[sflag:s8] =	ssyncset.done $0x0  }
0xd3: {  	[sflag:s8] =	ssyncadd.s32 $0xFFFFF800  }
0xd4: {  	_ =	swait.ge [sflag:s8], $0x800  }
0xd5: {  	[sflag:s8] =	ssyncset.done $0x0  }
0xd6: {  	[sflag:s8] =	ssyncadd.s32 $0xFFFFF800  }
0xd7: {  	_ =	swait.ge [sflag:s8], $0x800  }
0xd8: {  	[sflag:s8] =	ssyncset.done $0x0  }
0xd9: {  	[sflag:s8] =	ssyncadd.s32 $0xFFFFF800  }
0xda: {  	_ =	swait.ge [sflag:s8], $0x800  }
0xdb: {  	[sflag:s8] =	ssyncset.done $0x0  }
0xdc: {  	[sflag:s8] =	ssyncadd.s32 $0xFFFFF800  }
0xdd: {  	_ =	swait.ge [sflag:s8], $0x800  }
0xde: {  	[sflag:s8] =	ssyncset.done $0x0  }
0xdf: {  	[sflag:s8] =	ssyncadd.s32 $0xFFFFF800  }
0xe0: {  	_ =	swait.ge [sflag:s8], $0x800  }
0xe1: {  	[sflag:s8] =	ssyncset.done $0x0  }
0xe2: {  	[sflag:s8] =	ssyncadd.s32 $0xFFFFF800  }
0xe3: {  	_ =	swait.ge [sflag:s8], $0x800  }
0xe4: {  	[sflag:s8] =	ssyncset.done $0x0  }
0xe5: {  	[sflag:s8] =	ssyncadd.s32 $0xFFFFF800  }
0xe6: {  	_ =	swait.ge [sflag:s8], $0x800  }
0xe7: {  	[sflag:s8] =	ssyncset.done $0x0  }
0xe8: {  	[sflag:s8] =	ssyncadd.s32 $0xFFFFF800  }
0xe9: {  	_ =	swait.ge [sflag:s8], $0x800  }
0xea: {  	[sflag:s8] =	ssyncset.done $0x0  }
0xeb: {  	[sflag:s8] =	ssyncadd.s32 $0xFFFFF800  }
0xec: {  	_ =	swait.ge [sflag:s8], $0x800  }
0xed: {  	[sflag:s8] =	ssyncset.done $0x0  }
0xee: {  	s15 =	stileid.u32;
	[sflag:s8] =	ssyncadd.s32 $0xFFFFF800  }
0xef: {  	s10 =	simm.s32 $0x3;
	s9 =	sshll.u32 s15, $0x6;
	[bflag:$0x0] =	sbarrier.arrive $0xFFFF  }
0xf0: {  	s9 =	sor.u32 $0x1C03, s9;
	s17 =	sshrl.u32 s7, $0x3;
	s7 =	rddreg [dreg:$0x5]  }
0xf1: {  	[hbm:s7], [sflag:s9] =	dma.local [spmem:s17], $0x470  }
0xf2: {  	_ =	swait.ge [sflag:s10], $0x470  }
0xf3: {  	s13 =	sadd.s32 $0x1, s13;
	s7 =	rddreg [dreg:$0x6]  }
0xf4: {  	p0 =	sne.s32 s13, s7  }
.Ltmp1:
0xf5: {  	_ = 	snop;
	(pc) =	sbr.rel @p0 .LBB2_1-.Ltmp1, $3  }
0xf6: {  	_ =	sdelay $0x1  }
0xf7: {  	[sflag:s10] =	ssyncset.done $0x0  }
0xf8: {  	s15 =	simm.s32 $0x1E00;
	s17 =	simm.s32 $0x1600;
	[sflag:s10] =	ssyncadd.s32 $0xFFFFFB90  }
0xf9: {  	_ =	sfence.sel $0x180000  }
0xfa: {  	[bflag:$0x0] =	sbarrier.arrive $0xFFFF  }
0xfb: {  	_ =	strace $0x9000004A  }
0xfc: {  	s0 =	stileid.u32;
	[bflag:$0x2] =	sbarrier.arrive $0xFFFF  }
0xfd: {  	p0 =	sne.s32 s0, $0x0;
	s0 =	rddreg [dreg:$0x2]  }
0xfe: {  	s0 =	sadd.s32 @!p0 $0x100000, s0  }
0xff: {  	[sflag:s0] =	ssyncadd.tile.s32 @!p0 $0x1;
	_ =	shalt  }
.Lfunc_end2:
_tile_overlayer_lowered:
.L_overlay_start_2:
0x100: {  	(tag) =	ssettag $0x2  }
0x101: {  	s0 =	rddreg [dreg:$0x0];
	s2 =	stileid.u32  }
0x102: {  	s1 =	rddreg [dreg:$0x1];
	p0 =	sne.s32 s2, $0x0  }
0x103: {  	s3 =	rddreg [dreg:$0x2];
	[bflag:$0x3] =	sbarrier.arrive $0xFFFF;
	s2 =	simm.s32 @!p0 $0x1C03  }
0x104: {  	[timem:s3], [sflag:s2] =	dma.local @!p0 [hbm:s0], s1  }
0x105: {  	s0 =	simm.s32 @!p0 $0x3  }
0x106: {  	_ =	swait.ge @!p0 [sflag:s0], s1  }
0x107: {  	s1 =	ssub.s32 @!p0 $0x0, s1;
	[sflag:s0] =	ssyncset.done @!p0 $0x0  }
0x108: {  	[sflag:s0] =	ssyncadd.s32 @!p0 s1  }
0x109: {  	[bflag:$0x3] =	sbarrier.arrive $0xFFFF  }
0x10a: {  	_ =	shalt  }

</sc_bundles>
